<compile_context>
chip_gen: v7x
topology: tpu7x:2x2x1
jax: 0.10.2.dev20260603
libtpu: 0.0.44.dev20260713+nightly
codegen_flags: <defaults>
</compile_context>

<pallas_src>
import jax
import jax.numpy as jnp
from jax import lax
from jax.experimental import pallas as pl
from jax.experimental.pallas import tpu as pltpu
from jax.experimental.pallas import tpu_sc as plsc

NC, NS, L = 2, 16, 16
NW = NC * NS
NQ = 16384
NH = NQ // 2
NX = 4096
QPW = NH // NW
NG = QPW // L
CHUNK = 128
NCHUNK = QPW // CHUNK
D = 128
INF = float("inf")

_PERM_DN = lax.GatherDimensionNumbers(
    offset_dims=(), collapsed_slice_dims=(0,), start_index_map=(0,))


def _perm(v, idx):
    return lax.gather(v, idx[:, None], _PERM_DN, (1,),
                      mode=lax.GatherScatterMode.PROMISE_IN_BOUNDS)


def _ext(v, i):
    return lax.squeeze(lax.slice(v, (i,), (i + 1,)), (0,))


def _make_sc_body(half):
    def _sc_knn_body(posx_h, posy_h, posz_h, qx_h, qy_h, qz_h, qb_h,
                     ss_h, se_h, glo_h, ghi_h, x_h, out_h,
                     posx, posy, posz, qx, qy, qz, qb, ss_r, se_r, glo, ghi,
                     wn1, wn2, wn3, i1, i2, i3,
                     rows1, rows2, rows3, obuf, sem):
        wid = lax.axis_index("s") * NC + lax.axis_index("c")
        base = half * NH + wid * QPW
        gbase = half * (NH // L) + wid * NG

        pltpu.sync_copy(posx_h, posx)
        pltpu.sync_copy(posy_h, posy)
        pltpu.sync_copy(posz_h, posz)
        pltpu.sync_copy(qx_h.at[pl.ds(base, QPW)], qx)
        pltpu.sync_copy(qy_h.at[pl.ds(base, QPW)], qy)
        pltpu.sync_copy(qz_h.at[pl.ds(base, QPW)], qz)
        pltpu.sync_copy(qb_h.at[pl.ds(base, QPW)], qb)
        pltpu.sync_copy(ss_h, ss_r)
        pltpu.sync_copy(se_h, se_r)
        pltpu.sync_copy(glo_h.at[pl.ds(gbase, NG)], glo.at[pl.ds(0, NG)])
        pltpu.sync_copy(ghi_h.at[pl.ds(gbase, NG)], ghi.at[pl.ds(0, NG)])

        ssv = ss_r[pl.ds(0, L)]
        sev = se_r[pl.ds(0, L)]

        finf = jnp.full((L,), INF, jnp.float32)
        zi = jnp.zeros((L,), jnp.int32)

        @pl.loop(0, NG)
        def _group(g):
            gb = g * L
            qxg = qx[pl.ds(gb, L)]
            qyg = qy[pl.ds(gb, L)]
            qzg = qz[pl.ds(gb, L)]
            bg = qb[pl.ds(gb, L)]
            los = _perm(ssv, bg)
            his = _perm(sev, bg)
            lo = _ext(glo[pl.ds(g, L)], 0)
            hi = _ext(ghi[pl.ds(g, L)], 0)

            @pl.loop(lo // L, (hi + L - 1) // L,
                     init_carry=(finf, finf, finf, zi, zi, zi))
            def _blk(jb, carry):
                d1, d2, d3, j1, j2, j3 = carry
                jb16 = jb * L
                px16 = posx[pl.ds(jb16, L)]
                py16 = posy[pl.ds(jb16, L)]
                pz16 = posz[pl.ds(jb16, L)]
                jvb = jnp.full((L,), jb16, jnp.int32)
                for t in range(L):
                    tv = jnp.full((L,), t, jnp.int32)
                    px = _perm(px16, tv)
                    py = _perm(py16, tv)
                    pz = _perm(pz16, tv)
                    jv = jvb + t
                    dx = qxg - px
                    dy = qyg - py
                    dz = qzg - pz
                    d = dx * dx + dy * dy + dz * dz
                    dm = jnp.where((jv >= los) & (jv < his), d, INF)
                    c1 = dm < d1
                    c2 = dm < d2
                    c3 = dm < d3
                    d3n = jnp.where(c3, jnp.where(c2, d2, dm), d3)
                    j3 = jnp.where(c3, jnp.where(c2, j2, jv), j3)
                    d2n = jnp.where(c2, jnp.where(c1, d1, dm), d2)
                    j2 = jnp.where(c2, jnp.where(c1, j1, jv), j2)
                    d1 = jnp.where(c1, dm, d1)
                    j1 = jnp.where(c1, jv, j1)
                    d2, d3 = d2n, d3n
                return d1, d2, d3, j1, j2, j3

            d1, d2, d3, j1, j2, j3 = _blk
            w1 = 1.0 / jnp.maximum(d1, 1e-16)
            w2 = 1.0 / jnp.maximum(d2, 1e-16)
            w3 = 1.0 / jnp.maximum(d3, 1e-16)
            r = 1.0 / (w1 + w2 + w3)
            wn1[pl.ds(gb, L)] = w1 * r
            wn2[pl.ds(gb, L)] = w2 * r
            wn3[pl.ds(gb, L)] = w3 * r
            i1[pl.ds(gb, L)] = j1
            i2[pl.ds(gb, L)] = j2
            i3[pl.ds(gb, L)] = j3

        zsplat = jnp.zeros((L,), jnp.int32)
        for c in range(NCHUNK):
            cb = c * CHUNK
            cp1 = pltpu.async_copy(x_h.at[i1.at[pl.ds(cb, CHUNK)]],
                                   rows1, sem)
            cp2 = pltpu.async_copy(x_h.at[i2.at[pl.ds(cb, CHUNK)]],
                                   rows2, sem)
            cp3 = pltpu.async_copy(x_h.at[i3.at[pl.ds(cb, CHUNK)]],
                                   rows3, sem)
            cp1.wait()
            cp2.wait()
            cp3.wait()

            @pl.loop(0, CHUNK)
            def _combine(q):
                a1 = _perm(wn1[pl.ds(cb + q, L)], zsplat)
                a2 = _perm(wn2[pl.ds(cb + q, L)], zsplat)
                a3 = _perm(wn3[pl.ds(cb + q, L)], zsplat)
                for k in range(D // L):
                    kk = pl.ds(k * L, L)
                    obuf[q, kk] = (a1 * rows1[q, kk] + a2 * rows2[q, kk]
                                   + a3 * rows3[q, kk])

            pltpu.sync_copy(obuf, out_h.at[pl.ds(wid * QPW + cb, CHUNK)])

    return _sc_knn_body


def _sc_knn(posx, posy, posz, qx, qy, qz, qb, ss, se, glo, ghi, x, half):
    mesh = plsc.VectorSubcoreMesh(core_axis_name="c", subcore_axis_name="s",
                                  num_cores=NC, num_subcores=NS)
    f = pl.kernel(
        _make_sc_body(half),
        out_type=jax.ShapeDtypeStruct((NH, D), jnp.float32),
        mesh=mesh,
        scratch_types=[
            pltpu.VMEM((NX,), jnp.float32),
            pltpu.VMEM((NX,), jnp.float32),
            pltpu.VMEM((NX,), jnp.float32),
            pltpu.VMEM((QPW,), jnp.float32),
            pltpu.VMEM((QPW,), jnp.float32),
            pltpu.VMEM((QPW,), jnp.float32),
            pltpu.VMEM((QPW,), jnp.int32),
            pltpu.VMEM((L,), jnp.int32),
            pltpu.VMEM((L,), jnp.int32),
            pltpu.VMEM((NG + L,), jnp.int32),
            pltpu.VMEM((NG + L,), jnp.int32),
            pltpu.VMEM((QPW + L,), jnp.float32),
            pltpu.VMEM((QPW + L,), jnp.float32),
            pltpu.VMEM((QPW + L,), jnp.float32),
            pltpu.VMEM((QPW,), jnp.int32),
            pltpu.VMEM((QPW,), jnp.int32),
            pltpu.VMEM((QPW,), jnp.int32),
            pltpu.VMEM((CHUNK, D), jnp.float32),
            pltpu.VMEM((CHUNK, D), jnp.float32),
            pltpu.VMEM((CHUNK, D), jnp.float32),
            pltpu.VMEM((CHUNK, D), jnp.float32),
            pltpu.SemaphoreType.DMA,
        ],
    )
    return f(posx, posy, posz, qx, qy, qz, qb, ss, se, glo, ghi, x)


def _make_tc_body(half):
    def _tc_mlp_body(xi_ref, xs_ref, pe_ref, w1a_ref, w1b_ref, b1_ref,
                     w2_ref, b2_ref, wp_ref, bp_ref, out_ref):
        i = pl.program_id(0) + half * 4
        pe_row = pe_ref[pl.ds(i, 1), :]
        pr = jnp.dot(pe_row, wp_ref[...],
                     preferred_element_type=jnp.float32) + bp_ref[...]
        pr = jnp.maximum(pr, 0.0)
        h = jnp.dot(xi_ref[...], w1a_ref[...],
                    preferred_element_type=jnp.float32)
        h = h + jnp.dot(xs_ref[...], w1b_ref[...],
                        preferred_element_type=jnp.float32)
        h = jnp.maximum(h + b1_ref[...], 0.0)
        h = jnp.dot(h, w2_ref[...], preferred_element_type=jnp.float32)
        out_ref[...] = (h + b2_ref[...]) * pr

    return _tc_mlp_body


def _tc_mlp(xi, xs, pe, w1a, w1b, b1, w2, b2, wp, bp, half):
    nb = 4
    rb = NH // nb
    return pl.pallas_call(
        _make_tc_body(half),
        grid=(nb,),
        in_specs=[
            pl.BlockSpec((rb, 128), lambda i: (i, 0)),
            pl.BlockSpec((rb, 64), lambda i: (i, 0)),
            pl.BlockSpec((8, 512), lambda i: (0, 0)),
            pl.BlockSpec((128, 128), lambda i: (0, 0)),
            pl.BlockSpec((64, 128), lambda i: (0, 0)),
            pl.BlockSpec((1, 128), lambda i: (0, 0)),
            pl.BlockSpec((128, 128), lambda i: (0, 0)),
            pl.BlockSpec((1, 128), lambda i: (0, 0)),
            pl.BlockSpec((512, 128), lambda i: (0, 0)),
            pl.BlockSpec((1, 128), lambda i: (0, 0)),
        ],
        out_specs=pl.BlockSpec((rb, 128), lambda i: (i, 0)),
        out_shape=jax.ShapeDtypeStruct((NH, 128), jnp.float32),
    )(xi, xs, pe, w1a, w1b, b1, w2, b2, wp, bp)


def kernel(par_embedding, x, pos, batch, x_skip, pos_skip, batch_skip,
           W1, b1, W2, b2, Wp, bp):
    batch = batch.astype(jnp.int32)
    qb = batch_skip.astype(jnp.int32)
    posx = pos[:, 0] + 0.0
    posy = pos[:, 1] + 0.0
    posz = pos[:, 2] + 0.0
    qx = pos_skip[:, 0] + 0.0
    qy = pos_skip[:, 1] + 0.0
    qz = pos_skip[:, 2] + 0.0
    ar = jnp.arange(8, dtype=jnp.int32)
    ss = jnp.searchsorted(batch, ar, side="left").astype(jnp.int32)
    se = jnp.searchsorted(batch, ar, side="right").astype(jnp.int32)
    ss16 = jnp.pad(ss, (0, L - 8))
    se16 = jnp.pad(se, (0, L - 8))
    bs = qb.reshape(NQ // L, L)
    glo = jnp.pad(ss[bs[:, 0]], (0, L))
    ghi = jnp.pad(se[bs[:, L - 1]], (0, L))

    pe = par_embedding.reshape(8, 512)
    w1a = W1[:128]
    w1b = W1[128:]
    b1r = b1.reshape(1, 128)
    b2r = b2.reshape(1, 128)
    bpr = bp.reshape(1, 128)

    xi0 = _sc_knn(posx, posy, posz, qx, qy, qz, qb, ss16, se16,
                  glo, ghi, x, 0)
    xi1 = _sc_knn(posx, posy, posz, qx, qy, qz, qb, ss16, se16,
                  glo, ghi, x, 1)
    out0 = _tc_mlp(xi0, x_skip[:NH], pe, w1a, w1b, b1r, W2, b2r, Wp, bpr, 0)
    out1 = _tc_mlp(xi1, x_skip[NH:], pe, w1a, w1b, b1r, W2, b2r, Wp, bpr, 1)
    out = jnp.concatenate([out0, out1], axis=0)
    return out, pos_skip, batch_skip

# --- scband reference (transcript-rebuilt; emitter-appended) ---
"""Pipeline reference for scband-feature-propagation-neural-operator-2989297238648 (READ-ONLY COPY).

The authoritative reference and input builder live on the scoring server;
editing this copy changes nothing except your own understanding.
"""

import jax, jax.numpy as jnp
import numpy as np

K = 3

def knn_interpolate(x, pos_x, pos_y, batch_x, batch_y, k):
    # squared pairwise distances [Ny, Nx], masked across batches
    d = jnp.sum((pos_y[:, None, :] - pos_x[None, :, :]) ** 2, axis=-1)
    d = jnp.where(batch_y[:, None] == batch_x[None, :], d, jnp.inf)
    neg_d, idx = jax.lax.top_k(-d, k)
    sq = -neg_d  # [Ny, k] squared distances of k nearest
    w = 1.0 / jnp.clip(sq, 1e-16, None)
    feats = jnp.take(x, idx, axis=0)  # [Ny, k, C] gather
    y = jnp.sum(feats * w[..., None], axis=1) / jnp.sum(w, axis=1, keepdims=True)
    return y


def setup_inputs(seed: int = 0) -> dict:
    key = jax.random.key(seed)
    ks = jax.random.split(key, 12)
    par_embedding = jax.random.normal(ks[0], (8, 1, 512), dtype=jnp.float32)
    x = jax.random.normal(ks[1], (4096, 128), dtype=jnp.float32)
    pos = jax.random.uniform(ks[2], (4096, 3), dtype=jnp.float32)
    batch = jnp.sort(jax.random.randint(ks[3], (4096,), 0, 8)).astype(jnp.int64)
    x_skip = jax.random.normal(ks[4], (16384, 64), dtype=jnp.float32)
    pos_skip = jax.random.uniform(ks[5], (16384, 3), dtype=jnp.float32)
    batch_skip = jnp.sort(jax.random.randint(ks[6], (16384,), 0, 8)).astype(jnp.int64)
    W1 = jax.random.normal(ks[7], (192, 128), dtype=jnp.float32) * 0.05
    b1 = jnp.zeros((128,), dtype=jnp.float32)
    W2 = jax.random.normal(ks[8], (128, 128), dtype=jnp.float32) * 0.05
    b2 = jnp.zeros((128,), dtype=jnp.float32)
    Wp = jax.random.normal(ks[9], (512, 128), dtype=jnp.float32) * 0.05
    bp = jnp.zeros((128,), dtype=jnp.float32)
    return {"par_embedding": par_embedding, "x": x, "pos": pos, "batch": batch,
            "x_skip": x_skip, "pos_skip": pos_skip, "batch_skip": batch_skip,
            "W1": W1, "b1": b1, "W2": W2, "b2": b2, "Wp": Wp, "bp": bp}


def reference(par_embedding, x, pos, batch, x_skip, pos_skip, batch_skip,
              W1, b1, W2, b2, Wp, bp):
    batch_size = par_embedding.shape[0]
    # knn_interpolate from coarse (pos) to fine (pos_skip)
    xi = knn_interpolate(x, pos, pos_skip, batch, batch_skip, K)
    # concat with skip features
    xc = jnp.concatenate([xi, x_skip], axis=1)  # [Ny, 192]
    # MLP [192, 128, 128]: Linear + ReLU, then plain last Linear
    h = jax.nn.relu(xc @ W1 + b1)
    h = h @ W2 + b2  # [Ny, 128]
    n_repeats = h.shape[0] // batch_size
    layer_par = jnp.tile(par_embedding, (1, n_repeats, 1))  # (B, n_repeats, P)
    layer_par = layer_par.reshape(-1, par_embedding.shape[-1])  # [Ny, P]
    pr = jax.nn.relu(layer_par @ Wp + bp)  # par_reduce_mlp: Linear + act
    out = h * pr
    return (out, pos_skip, batch_skip)

if __name__ == "__main__":
    import jax
    _d = setup_inputs()
    print(jax.jit(kernel)(*tuple(_d.values())))

</pallas_src>

<mosaic_0001>
#map = affine_map<(d0, d1) -> (0)>
#map1 = affine_map<(d0, d1) -> (0, 0)>
module attributes {stable_mosaic.version = 14 : i64} {
  func.func @_sc_knn_body(%arg0: i32, %arg1: i32, %arg2: memref<4096xf32, #tpu.memory_space<hbm>>, %arg3: memref<4096xf32, #tpu.memory_space<hbm>>, %arg4: memref<4096xf32, #tpu.memory_space<hbm>>, %arg5: memref<16384xf32, #tpu.memory_space<hbm>>, %arg6: memref<16384xf32, #tpu.memory_space<hbm>>, %arg7: memref<16384xf32, #tpu.memory_space<hbm>>, %arg8: memref<16384xi32, #tpu.memory_space<hbm>>, %arg9: memref<16xi32, #tpu.memory_space<hbm>>, %arg10: memref<16xi32, #tpu.memory_space<hbm>>, %arg11: memref<1040xi32, #tpu.memory_space<hbm>>, %arg12: memref<1040xi32, #tpu.memory_space<hbm>>, %arg13: memref<4096x128xf32, #tpu.memory_space<hbm>>, %arg14: memref<8192x128xf32, #tpu.memory_space<hbm>>, %arg15: memref<4096xf32, #tpu.memory_space<vmem>>, %arg16: memref<4096xf32, #tpu.memory_space<vmem>>, %arg17: memref<4096xf32, #tpu.memory_space<vmem>>, %arg18: memref<256xf32, #tpu.memory_space<vmem>>, %arg19: memref<256xf32, #tpu.memory_space<vmem>>, %arg20: memref<256xf32, #tpu.memory_space<vmem>>, %arg21: memref<256xi32, #tpu.memory_space<vmem>>, %arg22: memref<16xi32, #tpu.memory_space<vmem>>, %arg23: memref<16xi32, #tpu.memory_space<vmem>>, %arg24: memref<32xi32, #tpu.memory_space<vmem>>, %arg25: memref<32xi32, #tpu.memory_space<vmem>>, %arg26: memref<272xf32, #tpu.memory_space<vmem>>, %arg27: memref<272xf32, #tpu.memory_space<vmem>>, %arg28: memref<272xf32, #tpu.memory_space<vmem>>, %arg29: memref<256xi32, #tpu.memory_space<vmem>>, %arg30: memref<256xi32, #tpu.memory_space<vmem>>, %arg31: memref<256xi32, #tpu.memory_space<vmem>>, %arg32: memref<128x128xf32, #tpu.memory_space<vmem>>, %arg33: memref<128x128xf32, #tpu.memory_space<vmem>>, %arg34: memref<128x128xf32, #tpu.memory_space<vmem>>, %arg35: memref<128x128xf32, #tpu.memory_space<vmem>>, %arg36: memref<!tpu.dma_semaphore, #tpu.memory_space<semaphore_mem>>) attributes {dimension_semantics = [#tpu.dimension_semantics<core_parallel>, #tpu.dimension_semantics<subcore_parallel>], iteration_bounds = array<i64: 2, 16>, scalar_prefetch = 0 : i64, scratch_operands = 22 : i64, tpu.core_type = #tpu.core_type<sc_vector_subcore>, window_params = [{transform_indices = #map}, {transform_indices = #map}, {transform_indices = #map}, {transform_indices = #map}, {transform_indices = #map}, {transform_indices = #map}, {transform_indices = #map}, {transform_indices = #map}, {transform_indices = #map}, {transform_indices = #map}, {transform_indices = #map}, {transform_indices = #map1}, {transform_indices = #map1}]} {
    %mul3A = arith.constant 2 : i32
    %mul3A_0 = arith.muli %arg1, %mul3A : i32
    %add3A = arith.addi %mul3A_0, %arg0 : i32
    %mul3A_1 = arith.constant 256 : i32
    %mul3A_2 = arith.muli %add3A, %mul3A_1 : i32
    %add3A_3 = arith.constant 0 : i32
    %add3A_4 = arith.addi %add3A_3, %mul3A_2 : i32
    %mul3A_5 = arith.constant 16 : i32
    %mul3A_6 = arith.muli %add3A, %mul3A_5 : i32
    %add3A_7 = arith.constant 0 : i32
    %add3A_8 = arith.addi %add3A_7, %mul3A_6 : i32
    "tpu.region"() ({
      %run_scoped3A = tpu.sem_alloc : memref<!tpu.dma_semaphore, #tpu.memory_space<semaphore_mem>>
      tpu.enqueue_dma source(%arg2 : memref<4096xf32, #tpu.memory_space<hbm>>) target(%arg15 : memref<4096xf32, #tpu.memory_space<vmem>>) target_semaphore(%run_scoped3A : memref<!tpu.dma_semaphore, #tpu.memory_space<semaphore_mem>>)
      tpu.wait_dma2 semaphore(%run_scoped3A : memref<!tpu.dma_semaphore, #tpu.memory_space<semaphore_mem>>) src(%arg2 : memref<4096xf32, #tpu.memory_space<hbm>>) dst(%arg15 : memref<4096xf32, #tpu.memory_space<vmem>>)
      tpu.yield
    }) : () -> ()
    "tpu.region"() ({
      %run_scoped3A = tpu.sem_alloc : memref<!tpu.dma_semaphore, #tpu.memory_space<semaphore_mem>>
      tpu.enqueue_dma source(%arg3 : memref<4096xf32, #tpu.memory_space<hbm>>) target(%arg16 : memref<4096xf32, #tpu.memory_space<vmem>>) target_semaphore(%run_scoped3A : memref<!tpu.dma_semaphore, #tpu.memory_space<semaphore_mem>>)
      tpu.wait_dma2 semaphore(%run_scoped3A : memref<!tpu.dma_semaphore, #tpu.memory_space<semaphore_mem>>) src(%arg3 : memref<4096xf32, #tpu.memory_space<hbm>>) dst(%arg16 : memref<4096xf32, #tpu.memory_space<vmem>>)
      tpu.yield
    }) : () -> ()
    "tpu.region"() ({
      %run_scoped3A = tpu.sem_alloc : memref<!tpu.dma_semaphore, #tpu.memory_space<semaphore_mem>>
      tpu.enqueue_dma source(%arg4 : memref<4096xf32, #tpu.memory_space<hbm>>) target(%arg17 : memref<4096xf32, #tpu.memory_space<vmem>>) target_semaphore(%run_scoped3A : memref<!tpu.dma_semaphore, #tpu.memory_space<semaphore_mem>>)
      tpu.wait_dma2 semaphore(%run_scoped3A : memref<!tpu.dma_semaphore, #tpu.memory_space<semaphore_mem>>) src(%arg4 : memref<4096xf32, #tpu.memory_space<hbm>>) dst(%arg17 : memref<4096xf32, #tpu.memory_space<vmem>>)
      tpu.yield
    }) : () -> ()
    "tpu.region"() ({
      %run_scoped3A = tpu.sem_alloc : memref<!tpu.dma_semaphore, #tpu.memory_space<semaphore_mem>>
      %dma_start3A_99 = tpu.memref_slice %arg5[%add3A_4] : memref<16384xf32, #tpu.memory_space<hbm>> -> memref<256xf32, #tpu.memory_space<hbm>>
      %dma_start3A_100 = tpu.memref_slice %arg5[%add3A_4] : memref<16384xf32, #tpu.memory_space<hbm>> -> memref<256xf32, #tpu.memory_space<hbm>>
      tpu.enqueue_dma source(%dma_start3A_100 : memref<256xf32, #tpu.memory_space<hbm>>) target(%arg18 : memref<256xf32, #tpu.memory_space<vmem>>) target_semaphore(%run_scoped3A : memref<!tpu.dma_semaphore, #tpu.memory_space<semaphore_mem>>)
      %dma_wait3A_101 = tpu.memref_slice %arg5[%add3A_4] : memref<16384xf32, #tpu.memory_space<hbm>> -> memref<256xf32, #tpu.memory_space<hbm>>
      %dma_wait3A_102 = tpu.memref_slice %arg5[%add3A_4] : memref<16384xf32, #tpu.memory_space<hbm>> -> memref<256xf32, #tpu.memory_space<hbm>>
      tpu.wait_dma2 semaphore(%run_scoped3A : memref<!tpu.dma_semaphore, #tpu.memory_space<semaphore_mem>>) src(%dma_wait3A_102 : memref<256xf32, #tpu.memory_space<hbm>>) dst(%arg18 : memref<256xf32, #tpu.memory_space<vmem>>)
      tpu.yield
    }) : () -> ()
    "tpu.region"() ({
      %run_scoped3A = tpu.sem_alloc : memref<!tpu.dma_semaphore, #tpu.memory_space<semaphore_mem>>
      %dma_start3A_99 = tpu.memref_slice %arg6[%add3A_4] : memref<16384xf32, #tpu.memory_space<hbm>> -> memref<256xf32, #tpu.memory_space<hbm>>
      %dma_start3A_100 = tpu.memref_slice %arg6[%add3A_4] : memref<16384xf32, #tpu.memory_space<hbm>> -> memref<256xf32, #tpu.memory_space<hbm>>
      tpu.enqueue_dma source(%dma_start3A_100 : memref<256xf32, #tpu.memory_space<hbm>>) target(%arg19 : memref<256xf32, #tpu.memory_space<vmem>>) target_semaphore(%run_scoped3A : memref<!tpu.dma_semaphore, #tpu.memory_space<semaphore_mem>>)
      %dma_wait3A_101 = tpu.memref_slice %arg6[%add3A_4] : memref<16384xf32, #tpu.memory_space<hbm>> -> memref<256xf32, #tpu.memory_space<hbm>>
      %dma_wait3A_102 = tpu.memref_slice %arg6[%add3A_4] : memref<16384xf32, #tpu.memory_space<hbm>> -> memref<256xf32, #tpu.memory_space<hbm>>
      tpu.wait_dma2 semaphore(%run_scoped3A : memref<!tpu.dma_semaphore, #tpu.memory_space<semaphore_mem>>) src(%dma_wait3A_102 : memref<256xf32, #tpu.memory_space<hbm>>) dst(%arg19 : memref<256xf32, #tpu.memory_space<vmem>>)
      tpu.yield
    }) : () -> ()
    "tpu.region"() ({
      %run_scoped3A = tpu.sem_alloc : memref<!tpu.dma_semaphore, #tpu.memory_space<semaphore_mem>>
      %dma_start3A_99 = tpu.memref_slice %arg7[%add3A_4] : memref<16384xf32, #tpu.memory_space<hbm>> -> memref<256xf32, #tpu.memory_space<hbm>>
      %dma_start3A_100 = tpu.memref_slice %arg7[%add3A_4] : memref<16384xf32, #tpu.memory_space<hbm>> -> memref<256xf32, #tpu.memory_space<hbm>>
      tpu.enqueue_dma source(%dma_start3A_100 : memref<256xf32, #tpu.memory_space<hbm>>) target(%arg20 : memref<256xf32, #tpu.memory_space<vmem>>) target_semaphore(%run_scoped3A : memref<!tpu.dma_semaphore, #tpu.memory_space<semaphore_mem>>)
      %dma_wait3A_101 = tpu.memref_slice %arg7[%add3A_4] : memref<16384xf32, #tpu.memory_space<hbm>> -> memref<256xf32, #tpu.memory_space<hbm>>
      %dma_wait3A_102 = tpu.memref_slice %arg7[%add3A_4] : memref<16384xf32, #tpu.memory_space<hbm>> -> memref<256xf32, #tpu.memory_space<hbm>>
      tpu.wait_dma2 semaphore(%run_scoped3A : memref<!tpu.dma_semaphore, #tpu.memory_space<semaphore_mem>>) src(%dma_wait3A_102 : memref<256xf32, #tpu.memory_space<hbm>>) dst(%arg20 : memref<256xf32, #tpu.memory_space<vmem>>)
      tpu.yield
    }) : () -> ()
    "tpu.region"() ({
      %run_scoped3A = tpu.sem_alloc : memref<!tpu.dma_semaphore, #tpu.memory_space<semaphore_mem>>
      %dma_start3A_99 = tpu.memref_slice %arg8[%add3A_4] : memref<16384xi32, #tpu.memory_space<hbm>> -> memref<256xi32, #tpu.memory_space<hbm>>
      %dma_start3A_100 = tpu.memref_slice %arg8[%add3A_4] : memref<16384xi32, #tpu.memory_space<hbm>> -> memref<256xi32, #tpu.memory_space<hbm>>
      tpu.enqueue_dma source(%dma_start3A_100 : memref<256xi32, #tpu.memory_space<hbm>>) target(%arg21 : memref<256xi32, #tpu.memory_space<vmem>>) target_semaphore(%run_scoped3A : memref<!tpu.dma_semaphore, #tpu.memory_space<semaphore_mem>>)
      %dma_wait3A_101 = tpu.memref_slice %arg8[%add3A_4] : memref<16384xi32, #tpu.memory_space<hbm>> -> memref<256xi32, #tpu.memory_space<hbm>>
      %dma_wait3A_102 = tpu.memref_slice %arg8[%add3A_4] : memref<16384xi32, #tpu.memory_space<hbm>> -> memref<256xi32, #tpu.memory_space<hbm>>
      tpu.wait_dma2 semaphore(%run_scoped3A : memref<!tpu.dma_semaphore, #tpu.memory_space<semaphore_mem>>) src(%dma_wait3A_102 : memref<256xi32, #tpu.memory_space<hbm>>) dst(%arg21 : memref<256xi32, #tpu.memory_space<vmem>>)
      tpu.yield
    }) : () -> ()
    "tpu.region"() ({
      %run_scoped3A = tpu.sem_alloc : memref<!tpu.dma_semaphore, #tpu.memory_space<semaphore_mem>>
      tpu.enqueue_dma source(%arg9 : memref<16xi32, #tpu.memory_space<hbm>>) target(%arg22 : memref<16xi32, #tpu.memory_space<vmem>>) target_semaphore(%run_scoped3A : memref<!tpu.dma_semaphore, #tpu.memory_space<semaphore_mem>>)
      tpu.wait_dma2 semaphore(%run_scoped3A : memref<!tpu.dma_semaphore, #tpu.memory_space<semaphore_mem>>) src(%arg9 : memref<16xi32, #tpu.memory_space<hbm>>) dst(%arg22 : memref<16xi32, #tpu.memory_space<vmem>>)
      tpu.yield
    }) : () -> ()
    "tpu.region"() ({
      %run_scoped3A = tpu.sem_alloc : memref<!tpu.dma_semaphore, #tpu.memory_space<semaphore_mem>>
      tpu.enqueue_dma source(%arg10 : memref<16xi32, #tpu.memory_space<hbm>>) target(%arg23 : memref<16xi32, #tpu.memory_space<vmem>>) target_semaphore(%run_scoped3A : memref<!tpu.dma_semaphore, #tpu.memory_space<semaphore_mem>>)
      tpu.wait_dma2 semaphore(%run_scoped3A : memref<!tpu.dma_semaphore, #tpu.memory_space<semaphore_mem>>) src(%arg10 : memref<16xi32, #tpu.memory_space<hbm>>) dst(%arg23 : memref<16xi32, #tpu.memory_space<vmem>>)
      tpu.yield
    }) : () -> ()
    "tpu.region"() ({
      %run_scoped3A = tpu.sem_alloc : memref<!tpu.dma_semaphore, #tpu.memory_space<semaphore_mem>>
      %dma_start3A_99 = arith.constant 0 : i32
      %dma_start3A_100 = tpu.memref_slice %arg24[%dma_start3A_99] : memref<32xi32, #tpu.memory_space<vmem>> -> memref<16xi32, #tpu.memory_space<vmem>>
      %dma_start3A_101 = tpu.memref_slice %arg11[%add3A_8] : memref<1040xi32, #tpu.memory_space<hbm>> -> memref<16xi32, #tpu.memory_space<hbm>>
      %dma_start3A_102 = arith.constant 0 : i32
      %dma_start3A_103 = tpu.memref_slice %arg24[%dma_start3A_102] : memref<32xi32, #tpu.memory_space<vmem>> -> memref<16xi32, #tpu.memory_space<vmem>>
      %dma_start3A_104 = tpu.memref_slice %arg11[%add3A_8] : memref<1040xi32, #tpu.memory_space<hbm>> -> memref<16xi32, #tpu.memory_space<hbm>>
      tpu.enqueue_dma source(%dma_start3A_104 : memref<16xi32, #tpu.memory_space<hbm>>) target(%dma_start3A_103 : memref<16xi32, #tpu.memory_space<vmem>>) target_semaphore(%run_scoped3A : memref<!tpu.dma_semaphore, #tpu.memory_space<semaphore_mem>>)
      %dma_wait3A_105 = arith.constant 0 : i32
      %dma_wait3A_106 = tpu.memref_slice %arg24[%dma_wait3A_105] : memref<32xi32, #tpu.memory_space<vmem>> -> memref<16xi32, #tpu.memory_space<vmem>>
      %dma_wait3A_107 = tpu.memref_slice %arg11[%add3A_8] : memref<1040xi32, #tpu.memory_space<hbm>> -> memref<16xi32, #tpu.memory_space<hbm>>
      %dma_wait3A_108 = arith.constant 0 : i32
      %dma_wait3A_109 = tpu.memref_slice %arg24[%dma_wait3A_108] : memref<32xi32, #tpu.memory_space<vmem>> -> memref<16xi32, #tpu.memory_space<vmem>>
      %dma_wait3A_110 = tpu.memref_slice %arg11[%add3A_8] : memref<1040xi32, #tpu.memory_space<hbm>> -> memref<16xi32, #tpu.memory_space<hbm>>
      tpu.wait_dma2 semaphore(%run_scoped3A : memref<!tpu.dma_semaphore, #tpu.memory_space<semaphore_mem>>) src(%dma_wait3A_110 : memref<16xi32, #tpu.memory_space<hbm>>) dst(%dma_wait3A_109 : memref<16xi32, #tpu.memory_space<vmem>>)
      tpu.yield
    }) : () -> ()
    "tpu.region"() ({
      %run_scoped3A = tpu.sem_alloc : memref<!tpu.dma_semaphore, #tpu.memory_space<semaphore_mem>>
      %dma_start3A_99 = arith.constant 0 : i32
      %dma_start3A_100 = tpu.memref_slice %arg25[%dma_start3A_99] : memref<32xi32, #tpu.memory_space<vmem>> -> memref<16xi32, #tpu.memory_space<vmem>>
      %dma_start3A_101 = tpu.memref_slice %arg12[%add3A_8] : memref<1040xi32, #tpu.memory_space<hbm>> -> memref<16xi32, #tpu.memory_space<hbm>>
      %dma_start3A_102 = arith.constant 0 : i32
      %dma_start3A_103 = tpu.memref_slice %arg25[%dma_start3A_102] : memref<32xi32, #tpu.memory_space<vmem>> -> memref<16xi32, #tpu.memory_space<vmem>>
      %dma_start3A_104 = tpu.memref_slice %arg12[%add3A_8] : memref<1040xi32, #tpu.memory_space<hbm>> -> memref<16xi32, #tpu.memory_space<hbm>>
      tpu.enqueue_dma source(%dma_start3A_104 : memref<16xi32, #tpu.memory_space<hbm>>) target(%dma_start3A_103 : memref<16xi32, #tpu.memory_space<vmem>>) target_semaphore(%run_scoped3A : memref<!tpu.dma_semaphore, #tpu.memory_space<semaphore_mem>>)
      %dma_wait3A_105 = arith.constant 0 : i32
      %dma_wait3A_106 = tpu.memref_slice %arg25[%dma_wait3A_105] : memref<32xi32, #tpu.memory_space<vmem>> -> memref<16xi32, #tpu.memory_space<vmem>>
      %dma_wait3A_107 = tpu.memref_slice %arg12[%add3A_8] : memref<1040xi32, #tpu.memory_space<hbm>> -> memref<16xi32, #tpu.memory_space<hbm>>
      %dma_wait3A_108 = arith.constant 0 : i32
      %dma_wait3A_109 = tpu.memref_slice %arg25[%dma_wait3A_108] : memref<32xi32, #tpu.memory_space<vmem>> -> memref<16xi32, #tpu.memory_space<vmem>>
      %dma_wait3A_110 = tpu.memref_slice %arg12[%add3A_8] : memref<1040xi32, #tpu.memory_space<hbm>> -> memref<16xi32, #tpu.memory_space<hbm>>
      tpu.wait_dma2 semaphore(%run_scoped3A : memref<!tpu.dma_semaphore, #tpu.memory_space<semaphore_mem>>) src(%dma_wait3A_110 : memref<16xi32, #tpu.memory_space<hbm>>) dst(%dma_wait3A_109 : memref<16xi32, #tpu.memory_space<vmem>>)
      tpu.yield
    }) : () -> ()
    %get3A = arith.constant 0 : index
    %get3A_9 = tpu.vector_load %arg22[%get3A] {strides = array<i32>} : memref<16xi32, #tpu.memory_space<vmem>>, vector<16xi32>,
    %get3A_10 = vector.shape_cast %get3A_9 : vector<16xi32> to vector<16xi32>
    %get3A_11 = arith.constant 0 : index
    %get3A_12 = tpu.vector_load %arg23[%get3A_11] {strides = array<i32>} : memref<16xi32, #tpu.memory_space<vmem>>, vector<16xi32>,
    %get3A_13 = vector.shape_cast %get3A_12 : vector<16xi32> to vector<16xi32>
    %broadcast_in_dim3A = arith.constant 0x7F800000 : f32
    %broadcast_in_dim3A_14 = vector.broadcast %broadcast_in_dim3A : f32 to vector<16xf32>
    %broadcast_in_dim3A_15 = arith.constant 0 : i32
    %broadcast_in_dim3A_16 = vector.broadcast %broadcast_in_dim3A_15 : i32 to vector<16xi32>
    %scan3A = arith.constant 0 : i32
    %scan3A_17 = arith.constant 16 : i32
    %scan3A_18 = arith.addi %scan3A, %scan3A_17 : i32
    %scan3A_19 = arith.constant 1 : i32
    scf.for %scan3A_99 = %scan3A to %scan3A_18 step %scan3A_19  : i32 {
      %mul3A_100 = arith.constant 1 : i32
      %mul3A_101 = arith.muli %scan3A_99, %mul3A_100 : i32
      %add3A_102 = arith.constant 0 : i32
      %add3A_103 = arith.addi %add3A_102, %mul3A_101 : i32
      %mul3A_104 = arith.constant 16 : i32
      %mul3A_105 = arith.muli %add3A_103, %mul3A_104 : i32
      %get3A_106 = arith.index_cast %mul3A_105 : i32 to index
      %get3A_107 = tpu.vector_load %arg18[%get3A_106] {strides = array<i32>} : memref<256xf32, #tpu.memory_space<vmem>>, vector<16xf32>,
      %get3A_108 = vector.shape_cast %get3A_107 : vector<16xf32> to vector<16xf32>
      %get3A_109 = arith.index_cast %mul3A_105 : i32 to index
      %get3A_110 = tpu.vector_load %arg19[%get3A_109] {strides = array<i32>} : memref<256xf32, #tpu.memory_space<vmem>>, vector<16xf32>,
      %get3A_111 = vector.shape_cast %get3A_110 : vector<16xf32> to vector<16xf32>
      %get3A_112 = arith.index_cast %mul3A_105 : i32 to index
      %get3A_113 = tpu.vector_load %arg20[%get3A_112] {strides = array<i32>} : memref<256xf32, #tpu.memory_space<vmem>>, vector<16xf32>,
      %get3A_114 = vector.shape_cast %get3A_113 : vector<16xf32> to vector<16xf32>
      %get3A_115 = arith.index_cast %mul3A_105 : i32 to index
      %get3A_116 = tpu.vector_load %arg21[%get3A_115] {strides = array<i32>} : memref<256xi32, #tpu.memory_space<vmem>>, vector<16xi32>,
      %get3A_117 = vector.shape_cast %get3A_116 : vector<16xi32> to vector<16xi32>
      %broadcast_in_dim3A_118 = vector.shape_cast %get3A_117 : vector<16xi32> to vector<16x1xi32>
      %gather3A = vector.shape_cast %broadcast_in_dim3A_118 : vector<16x1xi32> to vector<16xi32>
      %gather3A_119 = tpu.dynamic_gather %get3A_10[%gather3A] in [0] : vector<16xi32>, vector<16xi32> -> vector<16xi32>
      %broadcast_in_dim3A_120 = vector.shape_cast %get3A_117 : vector<16xi32> to vector<16x1xi32>
      %gather3A_121 = vector.shape_cast %broadcast_in_dim3A_120 : vector<16x1xi32> to vector<16xi32>
      %gather3A_122 = tpu.dynamic_gather %get3A_13[%gather3A_121] in [0] : vector<16xi32>, vector<16xi32> -> vector<16xi32>
      %get3A_123 = arith.index_cast %add3A_103 : i32 to index
      %get3A_124 = tpu.vector_load %arg24[%get3A_123] {strides = array<i32>} : memref<32xi32, #tpu.memory_space<vmem>>, vector<16xi32>,
      %get3A_125 = vector.shape_cast %get3A_124 : vector<16xi32> to vector<16xi32>
      %slice3A = vector.extract_strided_slice %get3A_125 {offsets = [0], sizes = [1], strides = [1]} : vector<16xi32> to vector<1xi32>
      %squeeze3A = vector.extract %slice3A[0] : i32 from vector<1xi32>
      %get3A_126 = arith.index_cast %add3A_103 : i32 to index
      %get3A_127 = tpu.vector_load %arg25[%get3A_126] {strides = array<i32>} : memref<32xi32, #tpu.memory_space<vmem>>, vector<16xi32>,
      %get3A_128 = vector.shape_cast %get3A_127 : vector<16xi32> to vector<16xi32>
      %slice3A_129 = vector.extract_strided_slice %get3A_128 {offsets = [0], sizes = [1], strides = [1]} : vector<16xi32> to vector<1xi32>
      %squeeze3A_130 = vector.extract %slice3A_129[0] : i32 from vector<1xi32>
      %jit3A = arith.constant 16 : i32
      %div3A = arith.divsi %squeeze3A, %jit3A : i32
      %sign3A = arith.constant 0 : i32
      %sign3A_131 = arith.cmpi sgt, %squeeze3A, %sign3A : i32
      %sign3A_132 = arith.extui %sign3A_131 : i1 to i32
      %sign3A_133 = arith.constant 0 : i32
      %sign3A_134 = arith.cmpi slt, %squeeze3A, %sign3A_133 : i32
      %sign3A_135 = arith.extui %sign3A_134 : i1 to i32
      %sign3A_136 = arith.subi %sign3A_132, %sign3A_135 : i32
      %sign3A_137 = arith.constant 0 : i32
      %sign3A_138 = arith.cmpi sgt, %jit3A, %sign3A_137 : i32
      %sign3A_139 = arith.extui %sign3A_138 : i1 to i32
      %sign3A_140 = arith.constant 0 : i32
      %sign3A_141 = arith.cmpi slt, %jit3A, %sign3A_140 : i32
      %sign3A_142 = arith.extui %sign3A_141 : i1 to i32
      %sign3A_143 = arith.subi %sign3A_139, %sign3A_142 : i32
      %ne3A = arith.cmpi ne, %sign3A_136, %sign3A_143 : i32
      %rem3A = arith.remsi %squeeze3A, %jit3A : i32
      %ne3A_144 = arith.constant 0 : i32
      %ne3A_145 = arith.cmpi ne, %rem3A, %ne3A_144 : i32
      %and3A = arith.andi %ne3A, %ne3A_145 : i1
      %sub3A = arith.constant 1 : i32
      %sub3A_146 = arith.subi %div3A, %sub3A : i32
      %select_n3A = arith.select %and3A, %sub3A_146, %div3A : i32
      %add3A_147 = arith.constant 16 : i32
      %add3A_148 = arith.addi %squeeze3A_130, %add3A_147 : i32
      %sub3A_149 = arith.constant 1 : i32
      %sub3A_150 = arith.subi %add3A_148, %sub3A_149 : i32
      %jit3A_151 = arith.constant 16 : i32
      %div3A_152 = arith.divsi %sub3A_150, %jit3A_151 : i32
      %sign3A_153 = arith.constant 0 : i32
      %sign3A_154 = arith.cmpi sgt, %sub3A_150, %sign3A_153 : i32
      %sign3A_155 = arith.extui %sign3A_154 : i1 to i32
      %sign3A_156 = arith.constant 0 : i32
      %sign3A_157 = arith.cmpi slt, %sub3A_150, %sign3A_156 : i32
      %sign3A_158 = arith.extui %sign3A_157 : i1 to i32
      %sign3A_159 = arith.subi %sign3A_155, %sign3A_158 : i32
      %sign3A_160 = arith.constant 0 : i32
      %sign3A_161 = arith.cmpi sgt, %jit3A_151, %sign3A_160 : i32
      %sign3A_162 = arith.extui %sign3A_161 : i1 to i32
      %sign3A_163 = arith.constant 0 : i32
      %sign3A_164 = arith.cmpi slt, %jit3A_151, %sign3A_163 : i32
      %sign3A_165 = arith.extui %sign3A_164 : i1 to i32
      %sign3A_166 = arith.subi %sign3A_162, %sign3A_165 : i32
      %ne3A_167 = arith.cmpi ne, %sign3A_159, %sign3A_166 : i32
      %rem3A_168 = arith.remsi %sub3A_150, %jit3A_151 : i32
      %ne3A_169 = arith.constant 0 : i32
      %ne3A_170 = arith.cmpi ne, %rem3A_168, %ne3A_169 : i32
      %and3A_171 = arith.andi %ne3A_167, %ne3A_170 : i1
      %sub3A_172 = arith.constant 1 : i32
      %sub3A_173 = arith.subi %div3A_152, %sub3A_172 : i32
      %select_n3A_174 = arith.select %and3A_171, %sub3A_173, %div3A_152 : i32
      %sub3A_175 = arith.subi %select_n3A_174, %select_n3A : i32
      %sub3A_176 = arith.constant 1 : i32
      %sub3A_177 = arith.constant 1 : i32
      %sub3A_178 = arith.subi %sub3A_176, %sub3A_177 : i32
      %add3A_179 = arith.addi %sub3A_175, %sub3A_178 : i32
      %div3A_180 = arith.constant 1 : i32
      %div3A_181 = arith.divsi %add3A_179, %div3A_180 : i32
      %while3A = arith.constant 1 : i32
      %while3A_182 = arith.constant 0 : i32
      %while3A_183 = arith.subi %div3A_181, %while3A_182 : i32
      %while3A_184 = arith.addi %while3A_182, %while3A_183 : i32
      %while3A_185 = arith.constant 1 : i32
      %while3A_186 = arith.divsi %while3A_183, %while3A_185 : i32
      %while3A_187 = arith.muli %while3A_186, %while3A_185 : i32
      %while3A_188 = arith.addi %while3A_182, %while3A_187 : i32
      %while3A_189 = arith.constant 1 : i32
      %while3A_190:6 = scf.for %while3A_241 = %while3A_182 to %while3A_188 step %while3A_189 iter_args(%while3A_242 = %broadcast_in_dim3A_14, %while3A_243 = %broadcast_in_dim3A_14, %while3A_244 = %broadcast_in_dim3A_14, %while3A_245 = %broadcast_in_dim3A_16, %while3A_246 = %broadcast_in_dim3A_16, %while3A_247 = %broadcast_in_dim3A_16) -> (vector<16xf32>, vector<16xf32>, vector<16xf32>, vector<16xi32>, vector<16xi32>, vector<16xi32>)  : i32 {
        %mul3A_248 = arith.muli %while3A_241, %while3A : i32
        %add3A_249 = arith.addi %select_n3A, %mul3A_248 : i32
        %mul3A_250 = arith.constant 16 : i32
        %mul3A_251 = arith.muli %add3A_249, %mul3A_250 : i32
        %get3A_252 = arith.index_cast %mul3A_251 : i32 to index
        %get3A_253 = tpu.vector_load %arg15[%get3A_252] {strides = array<i32>} : memref<4096xf32, #tpu.memory_space<vmem>>, vector<16xf32>,
        %get3A_254 = vector.shape_cast %get3A_253 : vector<16xf32> to vector<16xf32>
        %get3A_255 = arith.index_cast %mul3A_251 : i32 to index
        %get3A_256 = tpu.vector_load %arg16[%get3A_255] {strides = array<i32>} : memref<4096xf32, #tpu.memory_space<vmem>>, vector<16xf32>,
        %get3A_257 = vector.shape_cast %get3A_256 : vector<16xf32> to vector<16xf32>
        %get3A_258 = arith.index_cast %mul3A_251 : i32 to index
        %get3A_259 = tpu.vector_load %arg17[%get3A_258] {strides = array<i32>} : memref<4096xf32, #tpu.memory_space<vmem>>, vector<16xf32>,
        %get3A_260 = vector.shape_cast %get3A_259 : vector<16xf32> to vector<16xf32>
        %broadcast_in_dim3A_261 = vector.broadcast %mul3A_251 : i32 to vector<16xi32>
        %broadcast_in_dim3A_262 = arith.constant 0 : i32
        %broadcast_in_dim3A_263 = vector.broadcast %broadcast_in_dim3A_262 : i32 to vector<16xi32>
        %broadcast_in_dim3A_264 = vector.shape_cast %broadcast_in_dim3A_263 : vector<16xi32> to vector<16x1xi32>
        %gather3A_265 = vector.shape_cast %broadcast_in_dim3A_264 : vector<16x1xi32> to vector<16xi32>
        %gather3A_266 = tpu.dynamic_gather %get3A_254[%gather3A_265] in [0] : vector<16xf32>, vector<16xi32> -> vector<16xf32>
        %broadcast_in_dim3A_267 = vector.shape_cast %broadcast_in_dim3A_263 : vector<16xi32> to vector<16x1xi32>
        %gather3A_268 = vector.shape_cast %broadcast_in_dim3A_267 : vector<16x1xi32> to vector<16xi32>
        %gather3A_269 = tpu.dynamic_gather %get3A_257[%gather3A_268] in [0] : vector<16xf32>, vector<16xi32> -> vector<16xf32>
        %broadcast_in_dim3A_270 = vector.shape_cast %broadcast_in_dim3A_263 : vector<16xi32> to vector<16x1xi32>
        %gather3A_271 = vector.shape_cast %broadcast_in_dim3A_270 : vector<16x1xi32> to vector<16xi32>
        %gather3A_272 = tpu.dynamic_gather %get3A_260[%gather3A_271] in [0] : vector<16xf32>, vector<16xi32> -> vector<16xf32>
        %add3A_273 = arith.constant 0 : i32
        %add3A_274 = vector.broadcast %add3A_273 : i32 to vector<16xi32>
        %add3A_275 = arith.addi %broadcast_in_dim3A_261, %add3A_274 : vector<16xi32>
        %sub3A_276 = arith.subf %get3A_108, %gather3A_266 : vector<16xf32>
        %sub3A_277 = arith.subf %get3A_111, %gather3A_269 : vector<16xf32>
        %sub3A_278 = arith.subf %get3A_114, %gather3A_272 : vector<16xf32>
        %mul3A_279 = arith.mulf %sub3A_276, %sub3A_276 : vector<16xf32>
        %mul3A_280 = arith.mulf %sub3A_277, %sub3A_277 : vector<16xf32>
        %add3A_281 = arith.addf %mul3A_279, %mul3A_280 : vector<16xf32>
        %mul3A_282 = arith.mulf %sub3A_278, %sub3A_278 : vector<16xf32>
        %add3A_283 = arith.addf %add3A_281, %mul3A_282 : vector<16xf32>
        %ge3A = arith.cmpi sge, %add3A_275, %gather3A_119 : vector<16xi32>
        %lt3A = arith.cmpi slt, %add3A_275, %gather3A_122 : vector<16xi32>
        %and3A_284 = arith.andi %ge3A, %lt3A : vector<16xi1>
        %jit3A_285 = arith.constant 0x7F800000 : f32
        %broadcast_in_dim3A_286 = vector.broadcast %jit3A_285 : f32 to vector<16xf32>
        %select_n3A_287 = arith.select %and3A_284, %add3A_283, %broadcast_in_dim3A_286 : vector<16xi1>, vector<16xf32>
        %lt3A_288 = arith.cmpf olt, %select_n3A_287, %while3A_242 : vector<16xf32>
        %lt3A_289 = arith.cmpf olt, %select_n3A_287, %while3A_243 : vector<16xf32>
        %lt3A_290 = arith.cmpf olt, %select_n3A_287, %while3A_244 : vector<16xf32>
        %select_n3A_291 = arith.select %lt3A_289, %while3A_243, %select_n3A_287 : vector<16xi1>, vector<16xf32>
        %select_n3A_292 = arith.select %lt3A_290, %select_n3A_291, %while3A_244 : vector<16xi1>, vector<16xf32>
        %select_n3A_293 = arith.select %lt3A_289, %while3A_246, %add3A_275 : vector<16xi1>, vector<16xi32>
        %select_n3A_294 = arith.select %lt3A_290, %select_n3A_293, %while3A_247 : vector<16xi1>, vector<16xi32>
        %select_n3A_295 = arith.select %lt3A_288, %while3A_242, %select_n3A_287 : vector<16xi1>, vector<16xf32>
        %select_n3A_296 = arith.select %lt3A_289, %select_n3A_295, %while3A_243 : vector<16xi1>, vector<16xf32>
        %select_n3A_297 = arith.select %lt3A_288, %while3A_245, %add3A_275 : vector<16xi1>, vector<16xi32>
        %select_n3A_298 = arith.select %lt3A_289, %select_n3A_297, %while3A_246 : vector<16xi1>, vector<16xi32>
        %select_n3A_299 = arith.select %lt3A_288, %select_n3A_287, %while3A_242 : vector<16xi1>, vector<16xf32>
        %select_n3A_300 = arith.select %lt3A_288, %add3A_275, %while3A_245 : vector<16xi1>, vector<16xi32>
        %broadcast_in_dim3A_301 = arith.constant 1 : i32
        %broadcast_in_dim3A_302 = vector.broadcast %broadcast_in_dim3A_301 : i32 to vector<16xi32>
        %broadcast_in_dim3A_303 = vector.shape_cast %broadcast_in_dim3A_302 : vector<16xi32> to vector<16x1xi32>
        %gather3A_304 = vector.shape_cast %broadcast_in_dim3A_303 : vector<16x1xi32> to vector<16xi32>
        %gather3A_305 = tpu.dynamic_gather %get3A_254[%gather3A_304] in [0] : vector<16xf32>, vector<16xi32> -> vector<16xf32>
        %broadcast_in_dim3A_306 = vector.shape_cast %broadcast_in_dim3A_302 : vector<16xi32> to vector<16x1xi32>
        %gather3A_307 = vector.shape_cast %broadcast_in_dim3A_306 : vector<16x1xi32> to vector<16xi32>
        %gather3A_308 = tpu.dynamic_gather %get3A_257[%gather3A_307] in [0] : vector<16xf32>, vector<16xi32> -> vector<16xf32>
        %broadcast_in_dim3A_309 = vector.shape_cast %broadcast_in_dim3A_302 : vector<16xi32> to vector<16x1xi32>
        %gather3A_310 = vector.shape_cast %broadcast_in_dim3A_309 : vector<16x1xi32> to vector<16xi32>
        %gather3A_311 = tpu.dynamic_gather %get3A_260[%gather3A_310] in [0] : vector<16xf32>, vector<16xi32> -> vector<16xf32>
        %add3A_312 = arith.constant 1 : i32
        %add3A_313 = vector.broadcast %add3A_312 : i32 to vector<16xi32>
        %add3A_314 = arith.addi %broadcast_in_dim3A_261, %add3A_313 : vector<16xi32>
        %sub3A_315 = arith.subf %get3A_108, %gather3A_305 : vector<16xf32>
        %sub3A_316 = arith.subf %get3A_111, %gather3A_308 : vector<16xf32>
        %sub3A_317 = arith.subf %get3A_114, %gather3A_311 : vector<16xf32>
        %mul3A_318 = arith.mulf %sub3A_315, %sub3A_315 : vector<16xf32>
        %mul3A_319 = arith.mulf %sub3A_316, %sub3A_316 : vector<16xf32>
        %add3A_320 = arith.addf %mul3A_318, %mul3A_319 : vector<16xf32>
        %mul3A_321 = arith.mulf %sub3A_317, %sub3A_317 : vector<16xf32>
        %add3A_322 = arith.addf %add3A_320, %mul3A_321 : vector<16xf32>
        %ge3A_323 = arith.cmpi sge, %add3A_314, %gather3A_119 : vector<16xi32>
        %lt3A_324 = arith.cmpi slt, %add3A_314, %gather3A_122 : vector<16xi32>
        %and3A_325 = arith.andi %ge3A_323, %lt3A_324 : vector<16xi1>
        %jit3A_326 = arith.constant 0x7F800000 : f32
        %broadcast_in_dim3A_327 = vector.broadcast %jit3A_326 : f32 to vector<16xf32>
        %select_n3A_328 = arith.select %and3A_325, %add3A_322, %broadcast_in_dim3A_327 : vector<16xi1>, vector<16xf32>
        %lt3A_329 = arith.cmpf olt, %select_n3A_328, %select_n3A_299 : vector<16xf32>
        %lt3A_330 = arith.cmpf olt, %select_n3A_328, %select_n3A_296 : vector<16xf32>
        %lt3A_331 = arith.cmpf olt, %select_n3A_328, %select_n3A_292 : vector<16xf32>
        %select_n3A_332 = arith.select %lt3A_330, %select_n3A_296, %select_n3A_328 : vector<16xi1>, vector<16xf32>
        %select_n3A_333 = arith.select %lt3A_331, %select_n3A_332, %select_n3A_292 : vector<16xi1>, vector<16xf32>
        %select_n3A_334 = arith.select %lt3A_330, %select_n3A_298, %add3A_314 : vector<16xi1>, vector<16xi32>
        %select_n3A_335 = arith.select %lt3A_331, %select_n3A_334, %select_n3A_294 : vector<16xi1>, vector<16xi32>
        %select_n3A_336 = arith.select %lt3A_329, %select_n3A_299, %select_n3A_328 : vector<16xi1>, vector<16xf32>
        %select_n3A_337 = arith.select %lt3A_330, %select_n3A_336, %select_n3A_296 : vector<16xi1>, vector<16xf32>
        %select_n3A_338 = arith.select %lt3A_329, %select_n3A_300, %add3A_314 : vector<16xi1>, vector<16xi32>
        %select_n3A_339 = arith.select %lt3A_330, %select_n3A_338, %select_n3A_298 : vector<16xi1>, vector<16xi32>
        %select_n3A_340 = arith.select %lt3A_329, %select_n3A_328, %select_n3A_299 : vector<16xi1>, vector<16xf32>
        %select_n3A_341 = arith.select %lt3A_329, %add3A_314, %select_n3A_300 : vector<16xi1>, vector<16xi32>
        %broadcast_in_dim3A_342 = arith.constant 2 : i32
        %broadcast_in_dim3A_343 = vector.broadcast %broadcast_in_dim3A_342 : i32 to vector<16xi32>
        %broadcast_in_dim3A_344 = vector.shape_cast %broadcast_in_dim3A_343 : vector<16xi32> to vector<16x1xi32>
        %gather3A_345 = vector.shape_cast %broadcast_in_dim3A_344 : vector<16x1xi32> to vector<16xi32>
        %gather3A_346 = tpu.dynamic_gather %get3A_254[%gather3A_345] in [0] : vector<16xf32>, vector<16xi32> -> vector<16xf32>
        %broadcast_in_dim3A_347 = vector.shape_cast %broadcast_in_dim3A_343 : vector<16xi32> to vector<16x1xi32>
        %gather3A_348 = vector.shape_cast %broadcast_in_dim3A_347 : vector<16x1xi32> to vector<16xi32>
        %gather3A_349 = tpu.dynamic_gather %get3A_257[%gather3A_348] in [0] : vector<16xf32>, vector<16xi32> -> vector<16xf32>
        %broadcast_in_dim3A_350 = vector.shape_cast %broadcast_in_dim3A_343 : vector<16xi32> to vector<16x1xi32>
        %gather3A_351 = vector.shape_cast %broadcast_in_dim3A_350 : vector<16x1xi32> to vector<16xi32>
        %gather3A_352 = tpu.dynamic_gather %get3A_260[%gather3A_351] in [0] : vector<16xf32>, vector<16xi32> -> vector<16xf32>
        %add3A_353 = arith.constant 2 : i32
        %add3A_354 = vector.broadcast %add3A_353 : i32 to vector<16xi32>
        %add3A_355 = arith.addi %broadcast_in_dim3A_261, %add3A_354 : vector<16xi32>
        %sub3A_356 = arith.subf %get3A_108, %gather3A_346 : vector<16xf32>
        %sub3A_357 = arith.subf %get3A_111, %gather3A_349 : vector<16xf32>
        %sub3A_358 = arith.subf %get3A_114, %gather3A_352 : vector<16xf32>
        %mul3A_359 = arith.mulf %sub3A_356, %sub3A_356 : vector<16xf32>
        %mul3A_360 = arith.mulf %sub3A_357, %sub3A_357 : vector<16xf32>
        %add3A_361 = arith.addf %mul3A_359, %mul3A_360 : vector<16xf32>
        %mul3A_362 = arith.mulf %sub3A_358, %sub3A_358 : vector<16xf32>
        %add3A_363 = arith.addf %add3A_361, %mul3A_362 : vector<16xf32>
        %ge3A_364 = arith.cmpi sge, %add3A_355, %gather3A_119 : vector<16xi32>
        %lt3A_365 = arith.cmpi slt, %add3A_355, %gather3A_122 : vector<16xi32>
        %and3A_366 = arith.andi %ge3A_364, %lt3A_365 : vector<16xi1>
        %jit3A_367 = arith.constant 0x7F800000 : f32
        %broadcast_in_dim3A_368 = vector.broadcast %jit3A_367 : f32 to vector<16xf32>
        %select_n3A_369 = arith.select %and3A_366, %add3A_363, %broadcast_in_dim3A_368 : vector<16xi1>, vector<16xf32>
        %lt3A_370 = arith.cmpf olt, %select_n3A_369, %select_n3A_340 : vector<16xf32>
        %lt3A_371 = arith.cmpf olt, %select_n3A_369, %select_n3A_337 : vector<16xf32>
        %lt3A_372 = arith.cmpf olt, %select_n3A_369, %select_n3A_333 : vector<16xf32>
        %select_n3A_373 = arith.select %lt3A_371, %select_n3A_337, %select_n3A_369 : vector<16xi1>, vector<16xf32>
        %select_n3A_374 = arith.select %lt3A_372, %select_n3A_373, %select_n3A_333 : vector<16xi1>, vector<16xf32>
        %select_n3A_375 = arith.select %lt3A_371, %select_n3A_339, %add3A_355 : vector<16xi1>, vector<16xi32>
        %select_n3A_376 = arith.select %lt3A_372, %select_n3A_375, %select_n3A_335 : vector<16xi1>, vector<16xi32>
        %select_n3A_377 = arith.select %lt3A_370, %select_n3A_340, %select_n3A_369 : vector<16xi1>, vector<16xf32>
        %select_n3A_378 = arith.select %lt3A_371, %select_n3A_377, %select_n3A_337 : vector<16xi1>, vector<16xf32>
        %select_n3A_379 = arith.select %lt3A_370, %select_n3A_341, %add3A_355 : vector<16xi1>, vector<16xi32>
        %select_n3A_380 = arith.select %lt3A_371, %select_n3A_379, %select_n3A_339 : vector<16xi1>, vector<16xi32>
        %select_n3A_381 = arith.select %lt3A_370, %select_n3A_369, %select_n3A_340 : vector<16xi1>, vector<16xf32>
        %select_n3A_382 = arith.select %lt3A_370, %add3A_355, %select_n3A_341 : vector<16xi1>, vector<16xi32>
        %broadcast_in_dim3A_383 = arith.constant 3 : i32
        %broadcast_in_dim3A_384 = vector.broadcast %broadcast_in_dim3A_383 : i32 to vector<16xi32>
        %broadcast_in_dim3A_385 = vector.shape_cast %broadcast_in_dim3A_384 : vector<16xi32> to vector<16x1xi32>
        %gather3A_386 = vector.shape_cast %broadcast_in_dim3A_385 : vector<16x1xi32> to vector<16xi32>
        %gather3A_387 = tpu.dynamic_gather %get3A_254[%gather3A_386] in [0] : vector<16xf32>, vector<16xi32> -> vector<16xf32>
        %broadcast_in_dim3A_388 = vector.shape_cast %broadcast_in_dim3A_384 : vector<16xi32> to vector<16x1xi32>
        %gather3A_389 = vector.shape_cast %broadcast_in_dim3A_388 : vector<16x1xi32> to vector<16xi32>
        %gather3A_390 = tpu.dynamic_gather %get3A_257[%gather3A_389] in [0] : vector<16xf32>, vector<16xi32> -> vector<16xf32>
        %broadcast_in_dim3A_391 = vector.shape_cast %broadcast_in_dim3A_384 : vector<16xi32> to vector<16x1xi32>
        %gather3A_392 = vector.shape_cast %broadcast_in_dim3A_391 : vector<16x1xi32> to vector<16xi32>
        %gather3A_393 = tpu.dynamic_gather %get3A_260[%gather3A_392] in [0] : vector<16xf32>, vector<16xi32> -> vector<16xf32>
        %add3A_394 = arith.constant 3 : i32
        %add3A_395 = vector.broadcast %add3A_394 : i32 to vector<16xi32>
        %add3A_396 = arith.addi %broadcast_in_dim3A_261, %add3A_395 : vector<16xi32>
        %sub3A_397 = arith.subf %get3A_108, %gather3A_387 : vector<16xf32>
        %sub3A_398 = arith.subf %get3A_111, %gather3A_390 : vector<16xf32>
        %sub3A_399 = arith.subf %get3A_114, %gather3A_393 : vector<16xf32>
        %mul3A_400 = arith.mulf %sub3A_397, %sub3A_397 : vector<16xf32>
        %mul3A_401 = arith.mulf %sub3A_398, %sub3A_398 : vector<16xf32>
        %add3A_402 = arith.addf %mul3A_400, %mul3A_401 : vector<16xf32>
        %mul3A_403 = arith.mulf %sub3A_399, %sub3A_399 : vector<16xf32>
        %add3A_404 = arith.addf %add3A_402, %mul3A_403 : vector<16xf32>
        %ge3A_405 = arith.cmpi sge, %add3A_396, %gather3A_119 : vector<16xi32>
        %lt3A_406 = arith.cmpi slt, %add3A_396, %gather3A_122 : vector<16xi32>
        %and3A_407 = arith.andi %ge3A_405, %lt3A_406 : vector<16xi1>
        %jit3A_408 = arith.constant 0x7F800000 : f32
        %broadcast_in_dim3A_409 = vector.broadcast %jit3A_408 : f32 to vector<16xf32>
        %select_n3A_410 = arith.select %and3A_407, %add3A_404, %broadcast_in_dim3A_409 : vector<16xi1>, vector<16xf32>
        %lt3A_411 = arith.cmpf olt, %select_n3A_410, %select_n3A_381 : vector<16xf32>
        %lt3A_412 = arith.cmpf olt, %select_n3A_410, %select_n3A_378 : vector<16xf32>
        %lt3A_413 = arith.cmpf olt, %select_n3A_410, %select_n3A_374 : vector<16xf32>
        %select_n3A_414 = arith.select %lt3A_412, %select_n3A_378, %select_n3A_410 : vector<16xi1>, vector<16xf32>
        %select_n3A_415 = arith.select %lt3A_413, %select_n3A_414, %select_n3A_374 : vector<16xi1>, vector<16xf32>
        %select_n3A_416 = arith.select %lt3A_412, %select_n3A_380, %add3A_396 : vector<16xi1>, vector<16xi32>
        %select_n3A_417 = arith.select %lt3A_413, %select_n3A_416, %select_n3A_376 : vector<16xi1>, vector<16xi32>
        %select_n3A_418 = arith.select %lt3A_411, %select_n3A_381, %select_n3A_410 : vector<16xi1>, vector<16xf32>
        %select_n3A_419 = arith.select %lt3A_412, %select_n3A_418, %select_n3A_378 : vector<16xi1>, vector<16xf32>
        %select_n3A_420 = arith.select %lt3A_411, %select_n3A_382, %add3A_396 : vector<16xi1>, vector<16xi32>
        %select_n3A_421 = arith.select %lt3A_412, %select_n3A_420, %select_n3A_380 : vector<16xi1>, vector<16xi32>
        %select_n3A_422 = arith.select %lt3A_411, %select_n3A_410, %select_n3A_381 : vector<16xi1>, vector<16xf32>
        %select_n3A_423 = arith.select %lt3A_411, %add3A_396, %select_n3A_382 : vector<16xi1>, vector<16xi32>
        %broadcast_in_dim3A_424 = arith.constant 4 : i32
        %broadcast_in_dim3A_425 = vector.broadcast %broadcast_in_dim3A_424 : i32 to vector<16xi32>
        %broadcast_in_dim3A_426 = vector.shape_cast %broadcast_in_dim3A_425 : vector<16xi32> to vector<16x1xi32>
        %gather3A_427 = vector.shape_cast %broadcast_in_dim3A_426 : vector<16x1xi32> to vector<16xi32>
        %gather3A_428 = tpu.dynamic_gather %get3A_254[%gather3A_427] in [0] : vector<16xf32>, vector<16xi32> -> vector<16xf32>
        %broadcast_in_dim3A_429 = vector.shape_cast %broadcast_in_dim3A_425 : vector<16xi32> to vector<16x1xi32>
        %gather3A_430 = vector.shape_cast %broadcast_in_dim3A_429 : vector<16x1xi32> to vector<16xi32>
        %gather3A_431 = tpu.dynamic_gather %get3A_257[%gather3A_430] in [0] : vector<16xf32>, vector<16xi32> -> vector<16xf32>
        %broadcast_in_dim3A_432 = vector.shape_cast %broadcast_in_dim3A_425 : vector<16xi32> to vector<16x1xi32>
        %gather3A_433 = vector.shape_cast %broadcast_in_dim3A_432 : vector<16x1xi32> to vector<16xi32>
        %gather3A_434 = tpu.dynamic_gather %get3A_260[%gather3A_433] in [0] : vector<16xf32>, vector<16xi32> -> vector<16xf32>
        %add3A_435 = arith.constant 4 : i32
        %add3A_436 = vector.broadcast %add3A_435 : i32 to vector<16xi32>
        %add3A_437 = arith.addi %broadcast_in_dim3A_261, %add3A_436 : vector<16xi32>
        %sub3A_438 = arith.subf %get3A_108, %gather3A_428 : vector<16xf32>
        %sub3A_439 = arith.subf %get3A_111, %gather3A_431 : vector<16xf32>
        %sub3A_440 = arith.subf %get3A_114, %gather3A_434 : vector<16xf32>
        %mul3A_441 = arith.mulf %sub3A_438, %sub3A_438 : vector<16xf32>
        %mul3A_442 = arith.mulf %sub3A_439, %sub3A_439 : vector<16xf32>
        %add3A_443 = arith.addf %mul3A_441, %mul3A_442 : vector<16xf32>
        %mul3A_444 = arith.mulf %sub3A_440, %sub3A_440 : vector<16xf32>
        %add3A_445 = arith.addf %add3A_443, %mul3A_444 : vector<16xf32>
        %ge3A_446 = arith.cmpi sge, %add3A_437, %gather3A_119 : vector<16xi32>
        %lt3A_447 = arith.cmpi slt, %add3A_437, %gather3A_122 : vector<16xi32>
        %and3A_448 = arith.andi %ge3A_446, %lt3A_447 : vector<16xi1>
        %jit3A_449 = arith.constant 0x7F800000 : f32
        %broadcast_in_dim3A_450 = vector.broadcast %jit3A_449 : f32 to vector<16xf32>
        %select_n3A_451 = arith.select %and3A_448, %add3A_445, %broadcast_in_dim3A_450 : vector<16xi1>, vector<16xf32>
        %lt3A_452 = arith.cmpf olt, %select_n3A_451, %select_n3A_422 : vector<16xf32>
        %lt3A_453 = arith.cmpf olt, %select_n3A_451, %select_n3A_419 : vector<16xf32>
        %lt3A_454 = arith.cmpf olt, %select_n3A_451, %select_n3A_415 : vector<16xf32>
        %select_n3A_455 = arith.select %lt3A_453, %select_n3A_419, %select_n3A_451 : vector<16xi1>, vector<16xf32>
        %select_n3A_456 = arith.select %lt3A_454, %select_n3A_455, %select_n3A_415 : vector<16xi1>, vector<16xf32>
        %select_n3A_457 = arith.select %lt3A_453, %select_n3A_421, %add3A_437 : vector<16xi1>, vector<16xi32>
        %select_n3A_458 = arith.select %lt3A_454, %select_n3A_457, %select_n3A_417 : vector<16xi1>, vector<16xi32>
        %select_n3A_459 = arith.select %lt3A_452, %select_n3A_422, %select_n3A_451 : vector<16xi1>, vector<16xf32>
        %select_n3A_460 = arith.select %lt3A_453, %select_n3A_459, %select_n3A_419 : vector<16xi1>, vector<16xf32>
        %select_n3A_461 = arith.select %lt3A_452, %select_n3A_423, %add3A_437 : vector<16xi1>, vector<16xi32>
        %select_n3A_462 = arith.select %lt3A_453, %select_n3A_461, %select_n3A_421 : vector<16xi1>, vector<16xi32>
        %select_n3A_463 = arith.select %lt3A_452, %select_n3A_451, %select_n3A_422 : vector<16xi1>, vector<16xf32>
        %select_n3A_464 = arith.select %lt3A_452, %add3A_437, %select_n3A_423 : vector<16xi1>, vector<16xi32>
        %broadcast_in_dim3A_465 = arith.constant 5 : i32
        %broadcast_in_dim3A_466 = vector.broadcast %broadcast_in_dim3A_465 : i32 to vector<16xi32>
        %broadcast_in_dim3A_467 = vector.shape_cast %broadcast_in_dim3A_466 : vector<16xi32> to vector<16x1xi32>
        %gather3A_468 = vector.shape_cast %broadcast_in_dim3A_467 : vector<16x1xi32> to vector<16xi32>
        %gather3A_469 = tpu.dynamic_gather %get3A_254[%gather3A_468] in [0] : vector<16xf32>, vector<16xi32> -> vector<16xf32>
        %broadcast_in_dim3A_470 = vector.shape_cast %broadcast_in_dim3A_466 : vector<16xi32> to vector<16x1xi32>
        %gather3A_471 = vector.shape_cast %broadcast_in_dim3A_470 : vector<16x1xi32> to vector<16xi32>
        %gather3A_472 = tpu.dynamic_gather %get3A_257[%gather3A_471] in [0] : vector<16xf32>, vector<16xi32> -> vector<16xf32>
        %broadcast_in_dim3A_473 = vector.shape_cast %broadcast_in_dim3A_466 : vector<16xi32> to vector<16x1xi32>
        %gather3A_474 = vector.shape_cast %broadcast_in_dim3A_473 : vector<16x1xi32> to vector<16xi32>
        %gather3A_475 = tpu.dynamic_gather %get3A_260[%gather3A_474] in [0] : vector<16xf32>, vector<16xi32> -> vector<16xf32>
        %add3A_476 = arith.constant 5 : i32
        %add3A_477 = vector.broadcast %add3A_476 : i32 to vector<16xi32>
        %add3A_478 = arith.addi %broadcast_in_dim3A_261, %add3A_477 : vector<16xi32>
        %sub3A_479 = arith.subf %get3A_108, %gather3A_469 : vector<16xf32>
        %sub3A_480 = arith.subf %get3A_111, %gather3A_472 : vector<16xf32>
        %sub3A_481 = arith.subf %get3A_114, %gather3A_475 : vector<16xf32>
        %mul3A_482 = arith.mulf %sub3A_479, %sub3A_479 : vector<16xf32>
        %mul3A_483 = arith.mulf %sub3A_480, %sub3A_480 : vector<16xf32>
        %add3A_484 = arith.addf %mul3A_482, %mul3A_483 : vector<16xf32>
        %mul3A_485 = arith.mulf %sub3A_481, %sub3A_481 : vector<16xf32>
        %add3A_486 = arith.addf %add3A_484, %mul3A_485 : vector<16xf32>
        %ge3A_487 = arith.cmpi sge, %add3A_478, %gather3A_119 : vector<16xi32>
        %lt3A_488 = arith.cmpi slt, %add3A_478, %gather3A_122 : vector<16xi32>
        %and3A_489 = arith.andi %ge3A_487, %lt3A_488 : vector<16xi1>
        %jit3A_490 = arith.constant 0x7F800000 : f32
        %broadcast_in_dim3A_491 = vector.broadcast %jit3A_490 : f32 to vector<16xf32>
        %select_n3A_492 = arith.select %and3A_489, %add3A_486, %broadcast_in_dim3A_491 : vector<16xi1>, vector<16xf32>
        %lt3A_493 = arith.cmpf olt, %select_n3A_492, %select_n3A_463 : vector<16xf32>
        %lt3A_494 = arith.cmpf olt, %select_n3A_492, %select_n3A_460 : vector<16xf32>
        %lt3A_495 = arith.cmpf olt, %select_n3A_492, %select_n3A_456 : vector<16xf32>
        %select_n3A_496 = arith.select %lt3A_494, %select_n3A_460, %select_n3A_492 : vector<16xi1>, vector<16xf32>
        %select_n3A_497 = arith.select %lt3A_495, %select_n3A_496, %select_n3A_456 : vector<16xi1>, vector<16xf32>
        %select_n3A_498 = arith.select %lt3A_494, %select_n3A_462, %add3A_478 : vector<16xi1>, vector<16xi32>
        %select_n3A_499 = arith.select %lt3A_495, %select_n3A_498, %select_n3A_458 : vector<16xi1>, vector<16xi32>
        %select_n3A_500 = arith.select %lt3A_493, %select_n3A_463, %select_n3A_492 : vector<16xi1>, vector<16xf32>
        %select_n3A_501 = arith.select %lt3A_494, %select_n3A_500, %select_n3A_460 : vector<16xi1>, vector<16xf32>
        %select_n3A_502 = arith.select %lt3A_493, %select_n3A_464, %add3A_478 : vector<16xi1>, vector<16xi32>
        %select_n3A_503 = arith.select %lt3A_494, %select_n3A_502, %select_n3A_462 : vector<16xi1>, vector<16xi32>
        %select_n3A_504 = arith.select %lt3A_493, %select_n3A_492, %select_n3A_463 : vector<16xi1>, vector<16xf32>
        %select_n3A_505 = arith.select %lt3A_493, %add3A_478, %select_n3A_464 : vector<16xi1>, vector<16xi32>
        %broadcast_in_dim3A_506 = arith.constant 6 : i32
        %broadcast_in_dim3A_507 = vector.broadcast %broadcast_in_dim3A_506 : i32 to vector<16xi32>
        %broadcast_in_dim3A_508 = vector.shape_cast %broadcast_in_dim3A_507 : vector<16xi32> to vector<16x1xi32>
        %gather3A_509 = vector.shape_cast %broadcast_in_dim3A_508 : vector<16x1xi32> to vector<16xi32>
        %gather3A_510 = tpu.dynamic_gather %get3A_254[%gather3A_509] in [0] : vector<16xf32>, vector<16xi32> -> vector<16xf32>
        %broadcast_in_dim3A_511 = vector.shape_cast %broadcast_in_dim3A_507 : vector<16xi32> to vector<16x1xi32>
        %gather3A_512 = vector.shape_cast %broadcast_in_dim3A_511 : vector<16x1xi32> to vector<16xi32>
        %gather3A_513 = tpu.dynamic_gather %get3A_257[%gather3A_512] in [0] : vector<16xf32>, vector<16xi32> -> vector<16xf32>
        %broadcast_in_dim3A_514 = vector.shape_cast %broadcast_in_dim3A_507 : vector<16xi32> to vector<16x1xi32>
        %gather3A_515 = vector.shape_cast %broadcast_in_dim3A_514 : vector<16x1xi32> to vector<16xi32>
        %gather3A_516 = tpu.dynamic_gather %get3A_260[%gather3A_515] in [0] : vector<16xf32>, vector<16xi32> -> vector<16xf32>
        %add3A_517 = arith.constant 6 : i32
        %add3A_518 = vector.broadcast %add3A_517 : i32 to vector<16xi32>
        %add3A_519 = arith.addi %broadcast_in_dim3A_261, %add3A_518 : vector<16xi32>
        %sub3A_520 = arith.subf %get3A_108, %gather3A_510 : vector<16xf32>
        %sub3A_521 = arith.subf %get3A_111, %gather3A_513 : vector<16xf32>
        %sub3A_522 = arith.subf %get3A_114, %gather3A_516 : vector<16xf32>
        %mul3A_523 = arith.mulf %sub3A_520, %sub3A_520 : vector<16xf32>
        %mul3A_524 = arith.mulf %sub3A_521, %sub3A_521 : vector<16xf32>
        %add3A_525 = arith.addf %mul3A_523, %mul3A_524 : vector<16xf32>
        %mul3A_526 = arith.mulf %sub3A_522, %sub3A_522 : vector<16xf32>
        %add3A_527 = arith.addf %add3A_525, %mul3A_526 : vector<16xf32>
        %ge3A_528 = arith.cmpi sge, %add3A_519, %gather3A_119 : vector<16xi32>
        %lt3A_529 = arith.cmpi slt, %add3A_519, %gather3A_122 : vector<16xi32>
        %and3A_530 = arith.andi %ge3A_528, %lt3A_529 : vector<16xi1>
        %jit3A_531 = arith.constant 0x7F800000 : f32
        %broadcast_in_dim3A_532 = vector.broadcast %jit3A_531 : f32 to vector<16xf32>
        %select_n3A_533 = arith.select %and3A_530, %add3A_527, %broadcast_in_dim3A_532 : vector<16xi1>, vector<16xf32>
        %lt3A_534 = arith.cmpf olt, %select_n3A_533, %select_n3A_504 : vector<16xf32>
        %lt3A_535 = arith.cmpf olt, %select_n3A_533, %select_n3A_501 : vector<16xf32>
        %lt3A_536 = arith.cmpf olt, %select_n3A_533, %select_n3A_497 : vector<16xf32>
        %select_n3A_537 = arith.select %lt3A_535, %select_n3A_501, %select_n3A_533 : vector<16xi1>, vector<16xf32>
        %select_n3A_538 = arith.select %lt3A_536, %select_n3A_537, %select_n3A_497 : vector<16xi1>, vector<16xf32>
        %select_n3A_539 = arith.select %lt3A_535, %select_n3A_503, %add3A_519 : vector<16xi1>, vector<16xi32>
        %select_n3A_540 = arith.select %lt3A_536, %select_n3A_539, %select_n3A_499 : vector<16xi1>, vector<16xi32>
        %select_n3A_541 = arith.select %lt3A_534, %select_n3A_504, %select_n3A_533 : vector<16xi1>, vector<16xf32>
        %select_n3A_542 = arith.select %lt3A_535, %select_n3A_541, %select_n3A_501 : vector<16xi1>, vector<16xf32>
        %select_n3A_543 = arith.select %lt3A_534, %select_n3A_505, %add3A_519 : vector<16xi1>, vector<16xi32>
        %select_n3A_544 = arith.select %lt3A_535, %select_n3A_543, %select_n3A_503 : vector<16xi1>, vector<16xi32>
        %select_n3A_545 = arith.select %lt3A_534, %select_n3A_533, %select_n3A_504 : vector<16xi1>, vector<16xf32>
        %select_n3A_546 = arith.select %lt3A_534, %add3A_519, %select_n3A_505 : vector<16xi1>, vector<16xi32>
        %broadcast_in_dim3A_547 = arith.constant 7 : i32
        %broadcast_in_dim3A_548 = vector.broadcast %broadcast_in_dim3A_547 : i32 to vector<16xi32>
        %broadcast_in_dim3A_549 = vector.shape_cast %broadcast_in_dim3A_548 : vector<16xi32> to vector<16x1xi32>
        %gather3A_550 = vector.shape_cast %broadcast_in_dim3A_549 : vector<16x1xi32> to vector<16xi32>
        %gather3A_551 = tpu.dynamic_gather %get3A_254[%gather3A_550] in [0] : vector<16xf32>, vector<16xi32> -> vector<16xf32>
        %broadcast_in_dim3A_552 = vector.shape_cast %broadcast_in_dim3A_548 : vector<16xi32> to vector<16x1xi32>
        %gather3A_553 = vector.shape_cast %broadcast_in_dim3A_552 : vector<16x1xi32> to vector<16xi32>
        %gather3A_554 = tpu.dynamic_gather %get3A_257[%gather3A_553] in [0] : vector<16xf32>, vector<16xi32> -> vector<16xf32>
        %broadcast_in_dim3A_555 = vector.shape_cast %broadcast_in_dim3A_548 : vector<16xi32> to vector<16x1xi32>
        %gather3A_556 = vector.shape_cast %broadcast_in_dim3A_555 : vector<16x1xi32> to vector<16xi32>
        %gather3A_557 = tpu.dynamic_gather %get3A_260[%gather3A_556] in [0] : vector<16xf32>, vector<16xi32> -> vector<16xf32>
        %add3A_558 = arith.constant 7 : i32
        %add3A_559 = vector.broadcast %add3A_558 : i32 to vector<16xi32>
        %add3A_560 = arith.addi %broadcast_in_dim3A_261, %add3A_559 : vector<16xi32>
        %sub3A_561 = arith.subf %get3A_108, %gather3A_551 : vector<16xf32>
        %sub3A_562 = arith.subf %get3A_111, %gather3A_554 : vector<16xf32>
        %sub3A_563 = arith.subf %get3A_114, %gather3A_557 : vector<16xf32>
        %mul3A_564 = arith.mulf %sub3A_561, %sub3A_561 : vector<16xf32>
        %mul3A_565 = arith.mulf %sub3A_562, %sub3A_562 : vector<16xf32>
        %add3A_566 = arith.addf %mul3A_564, %mul3A_565 : vector<16xf32>
        %mul3A_567 = arith.mulf %sub3A_563, %sub3A_563 : vector<16xf32>
        %add3A_568 = arith.addf %add3A_566, %mul3A_567 : vector<16xf32>
        %ge3A_569 = arith.cmpi sge, %add3A_560, %gather3A_119 : vector<16xi32>
        %lt3A_570 = arith.cmpi slt, %add3A_560, %gather3A_122 : vector<16xi32>
        %and3A_571 = arith.andi %ge3A_569, %lt3A_570 : vector<16xi1>
        %jit3A_572 = arith.constant 0x7F800000 : f32
        %broadcast_in_dim3A_573 = vector.broadcast %jit3A_572 : f32 to vector<16xf32>
        %select_n3A_574 = arith.select %and3A_571, %add3A_568, %broadcast_in_dim3A_573 : vector<16xi1>, vector<16xf32>
        %lt3A_575 = arith.cmpf olt, %select_n3A_574, %select_n3A_545 : vector<16xf32>
        %lt3A_576 = arith.cmpf olt, %select_n3A_574, %select_n3A_542 : vector<16xf32>
        %lt3A_577 = arith.cmpf olt, %select_n3A_574, %select_n3A_538 : vector<16xf32>
        %select_n3A_578 = arith.select %lt3A_576, %select_n3A_542, %select_n3A_574 : vector<16xi1>, vector<16xf32>
        %select_n3A_579 = arith.select %lt3A_577, %select_n3A_578, %select_n3A_538 : vector<16xi1>, vector<16xf32>
        %select_n3A_580 = arith.select %lt3A_576, %select_n3A_544, %add3A_560 : vector<16xi1>, vector<16xi32>
        %select_n3A_581 = arith.select %lt3A_577, %select_n3A_580, %select_n3A_540 : vector<16xi1>, vector<16xi32>
        %select_n3A_582 = arith.select %lt3A_575, %select_n3A_545, %select_n3A_574 : vector<16xi1>, vector<16xf32>
        %select_n3A_583 = arith.select %lt3A_576, %select_n3A_582, %select_n3A_542 : vector<16xi1>, vector<16xf32>
        %select_n3A_584 = arith.select %lt3A_575, %select_n3A_546, %add3A_560 : vector<16xi1>, vector<16xi32>
        %select_n3A_585 = arith.select %lt3A_576, %select_n3A_584, %select_n3A_544 : vector<16xi1>, vector<16xi32>
        %select_n3A_586 = arith.select %lt3A_575, %select_n3A_574, %select_n3A_545 : vector<16xi1>, vector<16xf32>
        %select_n3A_587 = arith.select %lt3A_575, %add3A_560, %select_n3A_546 : vector<16xi1>, vector<16xi32>
        %broadcast_in_dim3A_588 = arith.constant 8 : i32
        %broadcast_in_dim3A_589 = vector.broadcast %broadcast_in_dim3A_588 : i32 to vector<16xi32>
        %broadcast_in_dim3A_590 = vector.shape_cast %broadcast_in_dim3A_589 : vector<16xi32> to vector<16x1xi32>
        %gather3A_591 = vector.shape_cast %broadcast_in_dim3A_590 : vector<16x1xi32> to vector<16xi32>
        %gather3A_592 = tpu.dynamic_gather %get3A_254[%gather3A_591] in [0] : vector<16xf32>, vector<16xi32> -> vector<16xf32>
        %broadcast_in_dim3A_593 = vector.shape_cast %broadcast_in_dim3A_589 : vector<16xi32> to vector<16x1xi32>
        %gather3A_594 = vector.shape_cast %broadcast_in_dim3A_593 : vector<16x1xi32> to vector<16xi32>
        %gather3A_595 = tpu.dynamic_gather %get3A_257[%gather3A_594] in [0] : vector<16xf32>, vector<16xi32> -> vector<16xf32>
        %broadcast_in_dim3A_596 = vector.shape_cast %broadcast_in_dim3A_589 : vector<16xi32> to vector<16x1xi32>
        %gather3A_597 = vector.shape_cast %broadcast_in_dim3A_596 : vector<16x1xi32> to vector<16xi32>
        %gather3A_598 = tpu.dynamic_gather %get3A_260[%gather3A_597] in [0] : vector<16xf32>, vector<16xi32> -> vector<16xf32>
        %add3A_599 = arith.constant 8 : i32
        %add3A_600 = vector.broadcast %add3A_599 : i32 to vector<16xi32>
        %add3A_601 = arith.addi %broadcast_in_dim3A_261, %add3A_600 : vector<16xi32>
        %sub3A_602 = arith.subf %get3A_108, %gather3A_592 : vector<16xf32>
        %sub3A_603 = arith.subf %get3A_111, %gather3A_595 : vector<16xf32>
        %sub3A_604 = arith.subf %get3A_114, %gather3A_598 : vector<16xf32>
        %mul3A_605 = arith.mulf %sub3A_602, %sub3A_602 : vector<16xf32>
        %mul3A_606 = arith.mulf %sub3A_603, %sub3A_603 : vector<16xf32>
        %add3A_607 = arith.addf %mul3A_605, %mul3A_606 : vector<16xf32>
        %mul3A_608 = arith.mulf %sub3A_604, %sub3A_604 : vector<16xf32>
        %add3A_609 = arith.addf %add3A_607, %mul3A_608 : vector<16xf32>
        %ge3A_610 = arith.cmpi sge, %add3A_601, %gather3A_119 : vector<16xi32>
        %lt3A_611 = arith.cmpi slt, %add3A_601, %gather3A_122 : vector<16xi32>
        %and3A_612 = arith.andi %ge3A_610, %lt3A_611 : vector<16xi1>
        %jit3A_613 = arith.constant 0x7F800000 : f32
        %broadcast_in_dim3A_614 = vector.broadcast %jit3A_613 : f32 to vector<16xf32>
        %select_n3A_615 = arith.select %and3A_612, %add3A_609, %broadcast_in_dim3A_614 : vector<16xi1>, vector<16xf32>
        %lt3A_616 = arith.cmpf olt, %select_n3A_615, %select_n3A_586 : vector<16xf32>
        %lt3A_617 = arith.cmpf olt, %select_n3A_615, %select_n3A_583 : vector<16xf32>
        %lt3A_618 = arith.cmpf olt, %select_n3A_615, %select_n3A_579 : vector<16xf32>
        %select_n3A_619 = arith.select %lt3A_617, %select_n3A_583, %select_n3A_615 : vector<16xi1>, vector<16xf32>
        %select_n3A_620 = arith.select %lt3A_618, %select_n3A_619, %select_n3A_579 : vector<16xi1>, vector<16xf32>
        %select_n3A_621 = arith.select %lt3A_617, %select_n3A_585, %add3A_601 : vector<16xi1>, vector<16xi32>
        %select_n3A_622 = arith.select %lt3A_618, %select_n3A_621, %select_n3A_581 : vector<16xi1>, vector<16xi32>
        %select_n3A_623 = arith.select %lt3A_616, %select_n3A_586, %select_n3A_615 : vector<16xi1>, vector<16xf32>
        %select_n3A_624 = arith.select %lt3A_617, %select_n3A_623, %select_n3A_583 : vector<16xi1>, vector<16xf32>
        %select_n3A_625 = arith.select %lt3A_616, %select_n3A_587, %add3A_601 : vector<16xi1>, vector<16xi32>
        %select_n3A_626 = arith.select %lt3A_617, %select_n3A_625, %select_n3A_585 : vector<16xi1>, vector<16xi32>
        %select_n3A_627 = arith.select %lt3A_616, %select_n3A_615, %select_n3A_586 : vector<16xi1>, vector<16xf32>
        %select_n3A_628 = arith.select %lt3A_616, %add3A_601, %select_n3A_587 : vector<16xi1>, vector<16xi32>
        %broadcast_in_dim3A_629 = arith.constant 9 : i32
        %broadcast_in_dim3A_630 = vector.broadcast %broadcast_in_dim3A_629 : i32 to vector<16xi32>
        %broadcast_in_dim3A_631 = vector.shape_cast %broadcast_in_dim3A_630 : vector<16xi32> to vector<16x1xi32>
        %gather3A_632 = vector.shape_cast %broadcast_in_dim3A_631 : vector<16x1xi32> to vector<16xi32>
        %gather3A_633 = tpu.dynamic_gather %get3A_254[%gather3A_632] in [0] : vector<16xf32>, vector<16xi32> -> vector<16xf32>
        %broadcast_in_dim3A_634 = vector.shape_cast %broadcast_in_dim3A_630 : vector<16xi32> to vector<16x1xi32>
        %gather3A_635 = vector.shape_cast %broadcast_in_dim3A_634 : vector<16x1xi32> to vector<16xi32>
        %gather3A_636 = tpu.dynamic_gather %get3A_257[%gather3A_635] in [0] : vector<16xf32>, vector<16xi32> -> vector<16xf32>
        %broadcast_in_dim3A_637 = vector.shape_cast %broadcast_in_dim3A_630 : vector<16xi32> to vector<16x1xi32>
        %gather3A_638 = vector.shape_cast %broadcast_in_dim3A_637 : vector<16x1xi32> to vector<16xi32>
        %gather3A_639 = tpu.dynamic_gather %get3A_260[%gather3A_638] in [0] : vector<16xf32>, vector<16xi32> -> vector<16xf32>
        %add3A_640 = arith.constant 9 : i32
        %add3A_641 = vector.broadcast %add3A_640 : i32 to vector<16xi32>
        %add3A_642 = arith.addi %broadcast_in_dim3A_261, %add3A_641 : vector<16xi32>
        %sub3A_643 = arith.subf %get3A_108, %gather3A_633 : vector<16xf32>
        %sub3A_644 = arith.subf %get3A_111, %gather3A_636 : vector<16xf32>
        %sub3A_645 = arith.subf %get3A_114, %gather3A_639 : vector<16xf32>
        %mul3A_646 = arith.mulf %sub3A_643, %sub3A_643 : vector<16xf32>
        %mul3A_647 = arith.mulf %sub3A_644, %sub3A_644 : vector<16xf32>
        %add3A_648 = arith.addf %mul3A_646, %mul3A_647 : vector<16xf32>
        %mul3A_649 = arith.mulf %sub3A_645, %sub3A_645 : vector<16xf32>
        %add3A_650 = arith.addf %add3A_648, %mul3A_649 : vector<16xf32>
        %ge3A_651 = arith.cmpi sge, %add3A_642, %gather3A_119 : vector<16xi32>
        %lt3A_652 = arith.cmpi slt, %add3A_642, %gather3A_122 : vector<16xi32>
        %and3A_653 = arith.andi %ge3A_651, %lt3A_652 : vector<16xi1>
        %jit3A_654 = arith.constant 0x7F800000 : f32
        %broadcast_in_dim3A_655 = vector.broadcast %jit3A_654 : f32 to vector<16xf32>
        %select_n3A_656 = arith.select %and3A_653, %add3A_650, %broadcast_in_dim3A_655 : vector<16xi1>, vector<16xf32>
        %lt3A_657 = arith.cmpf olt, %select_n3A_656, %select_n3A_627 : vector<16xf32>
        %lt3A_658 = arith.cmpf olt, %select_n3A_656, %select_n3A_624 : vector<16xf32>
        %lt3A_659 = arith.cmpf olt, %select_n3A_656, %select_n3A_620 : vector<16xf32>
        %select_n3A_660 = arith.select %lt3A_658, %select_n3A_624, %select_n3A_656 : vector<16xi1>, vector<16xf32>
        %select_n3A_661 = arith.select %lt3A_659, %select_n3A_660, %select_n3A_620 : vector<16xi1>, vector<16xf32>
        %select_n3A_662 = arith.select %lt3A_658, %select_n3A_626, %add3A_642 : vector<16xi1>, vector<16xi32>
        %select_n3A_663 = arith.select %lt3A_659, %select_n3A_662, %select_n3A_622 : vector<16xi1>, vector<16xi32>
        %select_n3A_664 = arith.select %lt3A_657, %select_n3A_627, %select_n3A_656 : vector<16xi1>, vector<16xf32>
        %select_n3A_665 = arith.select %lt3A_658, %select_n3A_664, %select_n3A_624 : vector<16xi1>, vector<16xf32>
        %select_n3A_666 = arith.select %lt3A_657, %select_n3A_628, %add3A_642 : vector<16xi1>, vector<16xi32>
        %select_n3A_667 = arith.select %lt3A_658, %select_n3A_666, %select_n3A_626 : vector<16xi1>, vector<16xi32>
        %select_n3A_668 = arith.select %lt3A_657, %select_n3A_656, %select_n3A_627 : vector<16xi1>, vector<16xf32>
        %select_n3A_669 = arith.select %lt3A_657, %add3A_642, %select_n3A_628 : vector<16xi1>, vector<16xi32>
        %broadcast_in_dim3A_670 = arith.constant 10 : i32
        %broadcast_in_dim3A_671 = vector.broadcast %broadcast_in_dim3A_670 : i32 to vector<16xi32>
        %broadcast_in_dim3A_672 = vector.shape_cast %broadcast_in_dim3A_671 : vector<16xi32> to vector<16x1xi32>
        %gather3A_673 = vector.shape_cast %broadcast_in_dim3A_672 : vector<16x1xi32> to vector<16xi32>
        %gather3A_674 = tpu.dynamic_gather %get3A_254[%gather3A_673] in [0] : vector<16xf32>, vector<16xi32> -> vector<16xf32>
        %broadcast_in_dim3A_675 = vector.shape_cast %broadcast_in_dim3A_671 : vector<16xi32> to vector<16x1xi32>
        %gather3A_676 = vector.shape_cast %broadcast_in_dim3A_675 : vector<16x1xi32> to vector<16xi32>
        %gather3A_677 = tpu.dynamic_gather %get3A_257[%gather3A_676] in [0] : vector<16xf32>, vector<16xi32> -> vector<16xf32>
        %broadcast_in_dim3A_678 = vector.shape_cast %broadcast_in_dim3A_671 : vector<16xi32> to vector<16x1xi32>
        %gather3A_679 = vector.shape_cast %broadcast_in_dim3A_678 : vector<16x1xi32> to vector<16xi32>
        %gather3A_680 = tpu.dynamic_gather %get3A_260[%gather3A_679] in [0] : vector<16xf32>, vector<16xi32> -> vector<16xf32>
        %add3A_681 = arith.constant 10 : i32
        %add3A_682 = vector.broadcast %add3A_681 : i32 to vector<16xi32>
        %add3A_683 = arith.addi %broadcast_in_dim3A_261, %add3A_682 : vector<16xi32>
        %sub3A_684 = arith.subf %get3A_108, %gather3A_674 : vector<16xf32>
        %sub3A_685 = arith.subf %get3A_111, %gather3A_677 : vector<16xf32>
        %sub3A_686 = arith.subf %get3A_114, %gather3A_680 : vector<16xf32>
        %mul3A_687 = arith.mulf %sub3A_684, %sub3A_684 : vector<16xf32>
        %mul3A_688 = arith.mulf %sub3A_685, %sub3A_685 : vector<16xf32>
        %add3A_689 = arith.addf %mul3A_687, %mul3A_688 : vector<16xf32>
        %mul3A_690 = arith.mulf %sub3A_686, %sub3A_686 : vector<16xf32>
        %add3A_691 = arith.addf %add3A_689, %mul3A_690 : vector<16xf32>
        %ge3A_692 = arith.cmpi sge, %add3A_683, %gather3A_119 : vector<16xi32>
        %lt3A_693 = arith.cmpi slt, %add3A_683, %gather3A_122 : vector<16xi32>
        %and3A_694 = arith.andi %ge3A_692, %lt3A_693 : vector<16xi1>
        %jit3A_695 = arith.constant 0x7F800000 : f32
        %broadcast_in_dim3A_696 = vector.broadcast %jit3A_695 : f32 to vector<16xf32>
        %select_n3A_697 = arith.select %and3A_694, %add3A_691, %broadcast_in_dim3A_696 : vector<16xi1>, vector<16xf32>
        %lt3A_698 = arith.cmpf olt, %select_n3A_697, %select_n3A_668 : vector<16xf32>
        %lt3A_699 = arith.cmpf olt, %select_n3A_697, %select_n3A_665 : vector<16xf32>
        %lt3A_700 = arith.cmpf olt, %select_n3A_697, %select_n3A_661 : vector<16xf32>
        %select_n3A_701 = arith.select %lt3A_699, %select_n3A_665, %select_n3A_697 : vector<16xi1>, vector<16xf32>
        %select_n3A_702 = arith.select %lt3A_700, %select_n3A_701, %select_n3A_661 : vector<16xi1>, vector<16xf32>
        %select_n3A_703 = arith.select %lt3A_699, %select_n3A_667, %add3A_683 : vector<16xi1>, vector<16xi32>
        %select_n3A_704 = arith.select %lt3A_700, %select_n3A_703, %select_n3A_663 : vector<16xi1>, vector<16xi32>
        %select_n3A_705 = arith.select %lt3A_698, %select_n3A_668, %select_n3A_697 : vector<16xi1>, vector<16xf32>
        %select_n3A_706 = arith.select %lt3A_699, %select_n3A_705, %select_n3A_665 : vector<16xi1>, vector<16xf32>
        %select_n3A_707 = arith.select %lt3A_698, %select_n3A_669, %add3A_683 : vector<16xi1>, vector<16xi32>
        %select_n3A_708 = arith.select %lt3A_699, %select_n3A_707, %select_n3A_667 : vector<16xi1>, vector<16xi32>
        %select_n3A_709 = arith.select %lt3A_698, %select_n3A_697, %select_n3A_668 : vector<16xi1>, vector<16xf32>
        %select_n3A_710 = arith.select %lt3A_698, %add3A_683, %select_n3A_669 : vector<16xi1>, vector<16xi32>
        %broadcast_in_dim3A_711 = arith.constant 11 : i32
        %broadcast_in_dim3A_712 = vector.broadcast %broadcast_in_dim3A_711 : i32 to vector<16xi32>
        %broadcast_in_dim3A_713 = vector.shape_cast %broadcast_in_dim3A_712 : vector<16xi32> to vector<16x1xi32>
        %gather3A_714 = vector.shape_cast %broadcast_in_dim3A_713 : vector<16x1xi32> to vector<16xi32>
        %gather3A_715 = tpu.dynamic_gather %get3A_254[%gather3A_714] in [0] : vector<16xf32>, vector<16xi32> -> vector<16xf32>
        %broadcast_in_dim3A_716 = vector.shape_cast %broadcast_in_dim3A_712 : vector<16xi32> to vector<16x1xi32>
        %gather3A_717 = vector.shape_cast %broadcast_in_dim3A_716 : vector<16x1xi32> to vector<16xi32>
        %gather3A_718 = tpu.dynamic_gather %get3A_257[%gather3A_717] in [0] : vector<16xf32>, vector<16xi32> -> vector<16xf32>
        %broadcast_in_dim3A_719 = vector.shape_cast %broadcast_in_dim3A_712 : vector<16xi32> to vector<16x1xi32>
        %gather3A_720 = vector.shape_cast %broadcast_in_dim3A_719 : vector<16x1xi32> to vector<16xi32>
        %gather3A_721 = tpu.dynamic_gather %get3A_260[%gather3A_720] in [0] : vector<16xf32>, vector<16xi32> -> vector<16xf32>
        %add3A_722 = arith.constant 11 : i32
        %add3A_723 = vector.broadcast %add3A_722 : i32 to vector<16xi32>
        %add3A_724 = arith.addi %broadcast_in_dim3A_261, %add3A_723 : vector<16xi32>
        %sub3A_725 = arith.subf %get3A_108, %gather3A_715 : vector<16xf32>
        %sub3A_726 = arith.subf %get3A_111, %gather3A_718 : vector<16xf32>
        %sub3A_727 = arith.subf %get3A_114, %gather3A_721 : vector<16xf32>
        %mul3A_728 = arith.mulf %sub3A_725, %sub3A_725 : vector<16xf32>
        %mul3A_729 = arith.mulf %sub3A_726, %sub3A_726 : vector<16xf32>
        %add3A_730 = arith.addf %mul3A_728, %mul3A_729 : vector<16xf32>
        %mul3A_731 = arith.mulf %sub3A_727, %sub3A_727 : vector<16xf32>
        %add3A_732 = arith.addf %add3A_730, %mul3A_731 : vector<16xf32>
        %ge3A_733 = arith.cmpi sge, %add3A_724, %gather3A_119 : vector<16xi32>
        %lt3A_734 = arith.cmpi slt, %add3A_724, %gather3A_122 : vector<16xi32>
        %and3A_735 = arith.andi %ge3A_733, %lt3A_734 : vector<16xi1>
        %jit3A_736 = arith.constant 0x7F800000 : f32
        %broadcast_in_dim3A_737 = vector.broadcast %jit3A_736 : f32 to vector<16xf32>
        %select_n3A_738 = arith.select %and3A_735, %add3A_732, %broadcast_in_dim3A_737 : vector<16xi1>, vector<16xf32>
        %lt3A_739 = arith.cmpf olt, %select_n3A_738, %select_n3A_709 : vector<16xf32>
        %lt3A_740 = arith.cmpf olt, %select_n3A_738, %select_n3A_706 : vector<16xf32>
        %lt3A_741 = arith.cmpf olt, %select_n3A_738, %select_n3A_702 : vector<16xf32>
        %select_n3A_742 = arith.select %lt3A_740, %select_n3A_706, %select_n3A_738 : vector<16xi1>, vector<16xf32>
        %select_n3A_743 = arith.select %lt3A_741, %select_n3A_742, %select_n3A_702 : vector<16xi1>, vector<16xf32>
        %select_n3A_744 = arith.select %lt3A_740, %select_n3A_708, %add3A_724 : vector<16xi1>, vector<16xi32>
        %select_n3A_745 = arith.select %lt3A_741, %select_n3A_744, %select_n3A_704 : vector<16xi1>, vector<16xi32>
        %select_n3A_746 = arith.select %lt3A_739, %select_n3A_709, %select_n3A_738 : vector<16xi1>, vector<16xf32>
        %select_n3A_747 = arith.select %lt3A_740, %select_n3A_746, %select_n3A_706 : vector<16xi1>, vector<16xf32>
        %select_n3A_748 = arith.select %lt3A_739, %select_n3A_710, %add3A_724 : vector<16xi1>, vector<16xi32>
        %select_n3A_749 = arith.select %lt3A_740, %select_n3A_748, %select_n3A_708 : vector<16xi1>, vector<16xi32>
        %select_n3A_750 = arith.select %lt3A_739, %select_n3A_738, %select_n3A_709 : vector<16xi1>, vector<16xf32>
        %select_n3A_751 = arith.select %lt3A_739, %add3A_724, %select_n3A_710 : vector<16xi1>, vector<16xi32>
        %broadcast_in_dim3A_752 = arith.constant 12 : i32
        %broadcast_in_dim3A_753 = vector.broadcast %broadcast_in_dim3A_752 : i32 to vector<16xi32>
        %broadcast_in_dim3A_754 = vector.shape_cast %broadcast_in_dim3A_753 : vector<16xi32> to vector<16x1xi32>
        %gather3A_755 = vector.shape_cast %broadcast_in_dim3A_754 : vector<16x1xi32> to vector<16xi32>
        %gather3A_756 = tpu.dynamic_gather %get3A_254[%gather3A_755] in [0] : vector<16xf32>, vector<16xi32> -> vector<16xf32>
        %broadcast_in_dim3A_757 = vector.shape_cast %broadcast_in_dim3A_753 : vector<16xi32> to vector<16x1xi32>
        %gather3A_758 = vector.shape_cast %broadcast_in_dim3A_757 : vector<16x1xi32> to vector<16xi32>
        %gather3A_759 = tpu.dynamic_gather %get3A_257[%gather3A_758] in [0] : vector<16xf32>, vector<16xi32> -> vector<16xf32>
        %broadcast_in_dim3A_760 = vector.shape_cast %broadcast_in_dim3A_753 : vector<16xi32> to vector<16x1xi32>
        %gather3A_761 = vector.shape_cast %broadcast_in_dim3A_760 : vector<16x1xi32> to vector<16xi32>
        %gather3A_762 = tpu.dynamic_gather %get3A_260[%gather3A_761] in [0] : vector<16xf32>, vector<16xi32> -> vector<16xf32>
        %add3A_763 = arith.constant 12 : i32
        %add3A_764 = vector.broadcast %add3A_763 : i32 to vector<16xi32>
        %add3A_765 = arith.addi %broadcast_in_dim3A_261, %add3A_764 : vector<16xi32>
        %sub3A_766 = arith.subf %get3A_108, %gather3A_756 : vector<16xf32>
        %sub3A_767 = arith.subf %get3A_111, %gather3A_759 : vector<16xf32>
        %sub3A_768 = arith.subf %get3A_114, %gather3A_762 : vector<16xf32>
        %mul3A_769 = arith.mulf %sub3A_766, %sub3A_766 : vector<16xf32>
        %mul3A_770 = arith.mulf %sub3A_767, %sub3A_767 : vector<16xf32>
        %add3A_771 = arith.addf %mul3A_769, %mul3A_770 : vector<16xf32>
        %mul3A_772 = arith.mulf %sub3A_768, %sub3A_768 : vector<16xf32>
        %add3A_773 = arith.addf %add3A_771, %mul3A_772 : vector<16xf32>
        %ge3A_774 = arith.cmpi sge, %add3A_765, %gather3A_119 : vector<16xi32>
        %lt3A_775 = arith.cmpi slt, %add3A_765, %gather3A_122 : vector<16xi32>
        %and3A_776 = arith.andi %ge3A_774, %lt3A_775 : vector<16xi1>
        %jit3A_777 = arith.constant 0x7F800000 : f32
        %broadcast_in_dim3A_778 = vector.broadcast %jit3A_777 : f32 to vector<16xf32>
        %select_n3A_779 = arith.select %and3A_776, %add3A_773, %broadcast_in_dim3A_778 : vector<16xi1>, vector<16xf32>
        %lt3A_780 = arith.cmpf olt, %select_n3A_779, %select_n3A_750 : vector<16xf32>
        %lt3A_781 = arith.cmpf olt, %select_n3A_779, %select_n3A_747 : vector<16xf32>
        %lt3A_782 = arith.cmpf olt, %select_n3A_779, %select_n3A_743 : vector<16xf32>
        %select_n3A_783 = arith.select %lt3A_781, %select_n3A_747, %select_n3A_779 : vector<16xi1>, vector<16xf32>
        %select_n3A_784 = arith.select %lt3A_782, %select_n3A_783, %select_n3A_743 : vector<16xi1>, vector<16xf32>
        %select_n3A_785 = arith.select %lt3A_781, %select_n3A_749, %add3A_765 : vector<16xi1>, vector<16xi32>
        %select_n3A_786 = arith.select %lt3A_782, %select_n3A_785, %select_n3A_745 : vector<16xi1>, vector<16xi32>
        %select_n3A_787 = arith.select %lt3A_780, %select_n3A_750, %select_n3A_779 : vector<16xi1>, vector<16xf32>
        %select_n3A_788 = arith.select %lt3A_781, %select_n3A_787, %select_n3A_747 : vector<16xi1>, vector<16xf32>
        %select_n3A_789 = arith.select %lt3A_780, %select_n3A_751, %add3A_765 : vector<16xi1>, vector<16xi32>
        %select_n3A_790 = arith.select %lt3A_781, %select_n3A_789, %select_n3A_749 : vector<16xi1>, vector<16xi32>
        %select_n3A_791 = arith.select %lt3A_780, %select_n3A_779, %select_n3A_750 : vector<16xi1>, vector<16xf32>
        %select_n3A_792 = arith.select %lt3A_780, %add3A_765, %select_n3A_751 : vector<16xi1>, vector<16xi32>
        %broadcast_in_dim3A_793 = arith.constant 13 : i32
        %broadcast_in_dim3A_794 = vector.broadcast %broadcast_in_dim3A_793 : i32 to vector<16xi32>
        %broadcast_in_dim3A_795 = vector.shape_cast %broadcast_in_dim3A_794 : vector<16xi32> to vector<16x1xi32>
        %gather3A_796 = vector.shape_cast %broadcast_in_dim3A_795 : vector<16x1xi32> to vector<16xi32>
        %gather3A_797 = tpu.dynamic_gather %get3A_254[%gather3A_796] in [0] : vector<16xf32>, vector<16xi32> -> vector<16xf32>
        %broadcast_in_dim3A_798 = vector.shape_cast %broadcast_in_dim3A_794 : vector<16xi32> to vector<16x1xi32>
        %gather3A_799 = vector.shape_cast %broadcast_in_dim3A_798 : vector<16x1xi32> to vector<16xi32>
        %gather3A_800 = tpu.dynamic_gather %get3A_257[%gather3A_799] in [0] : vector<16xf32>, vector<16xi32> -> vector<16xf32>
        %broadcast_in_dim3A_801 = vector.shape_cast %broadcast_in_dim3A_794 : vector<16xi32> to vector<16x1xi32>
        %gather3A_802 = vector.shape_cast %broadcast_in_dim3A_801 : vector<16x1xi32> to vector<16xi32>
        %gather3A_803 = tpu.dynamic_gather %get3A_260[%gather3A_802] in [0] : vector<16xf32>, vector<16xi32> -> vector<16xf32>
        %add3A_804 = arith.constant 13 : i32
        %add3A_805 = vector.broadcast %add3A_804 : i32 to vector<16xi32>
        %add3A_806 = arith.addi %broadcast_in_dim3A_261, %add3A_805 : vector<16xi32>
        %sub3A_807 = arith.subf %get3A_108, %gather3A_797 : vector<16xf32>
        %sub3A_808 = arith.subf %get3A_111, %gather3A_800 : vector<16xf32>
        %sub3A_809 = arith.subf %get3A_114, %gather3A_803 : vector<16xf32>
        %mul3A_810 = arith.mulf %sub3A_807, %sub3A_807 : vector<16xf32>
        %mul3A_811 = arith.mulf %sub3A_808, %sub3A_808 : vector<16xf32>
        %add3A_812 = arith.addf %mul3A_810, %mul3A_811 : vector<16xf32>
        %mul3A_813 = arith.mulf %sub3A_809, %sub3A_809 : vector<16xf32>
        %add3A_814 = arith.addf %add3A_812, %mul3A_813 : vector<16xf32>
        %ge3A_815 = arith.cmpi sge, %add3A_806, %gather3A_119 : vector<16xi32>
        %lt3A_816 = arith.cmpi slt, %add3A_806, %gather3A_122 : vector<16xi32>
        %and3A_817 = arith.andi %ge3A_815, %lt3A_816 : vector<16xi1>
        %jit3A_818 = arith.constant 0x7F800000 : f32
        %broadcast_in_dim3A_819 = vector.broadcast %jit3A_818 : f32 to vector<16xf32>
        %select_n3A_820 = arith.select %and3A_817, %add3A_814, %broadcast_in_dim3A_819 : vector<16xi1>, vector<16xf32>
        %lt3A_821 = arith.cmpf olt, %select_n3A_820, %select_n3A_791 : vector<16xf32>
        %lt3A_822 = arith.cmpf olt, %select_n3A_820, %select_n3A_788 : vector<16xf32>
        %lt3A_823 = arith.cmpf olt, %select_n3A_820, %select_n3A_784 : vector<16xf32>
        %select_n3A_824 = arith.select %lt3A_822, %select_n3A_788, %select_n3A_820 : vector<16xi1>, vector<16xf32>
        %select_n3A_825 = arith.select %lt3A_823, %select_n3A_824, %select_n3A_784 : vector<16xi1>, vector<16xf32>
        %select_n3A_826 = arith.select %lt3A_822, %select_n3A_790, %add3A_806 : vector<16xi1>, vector<16xi32>
        %select_n3A_827 = arith.select %lt3A_823, %select_n3A_826, %select_n3A_786 : vector<16xi1>, vector<16xi32>
        %select_n3A_828 = arith.select %lt3A_821, %select_n3A_791, %select_n3A_820 : vector<16xi1>, vector<16xf32>
        %select_n3A_829 = arith.select %lt3A_822, %select_n3A_828, %select_n3A_788 : vector<16xi1>, vector<16xf32>
        %select_n3A_830 = arith.select %lt3A_821, %select_n3A_792, %add3A_806 : vector<16xi1>, vector<16xi32>
        %select_n3A_831 = arith.select %lt3A_822, %select_n3A_830, %select_n3A_790 : vector<16xi1>, vector<16xi32>
        %select_n3A_832 = arith.select %lt3A_821, %select_n3A_820, %select_n3A_791 : vector<16xi1>, vector<16xf32>
        %select_n3A_833 = arith.select %lt3A_821, %add3A_806, %select_n3A_792 : vector<16xi1>, vector<16xi32>
        %broadcast_in_dim3A_834 = arith.constant 14 : i32
        %broadcast_in_dim3A_835 = vector.broadcast %broadcast_in_dim3A_834 : i32 to vector<16xi32>
        %broadcast_in_dim3A_836 = vector.shape_cast %broadcast_in_dim3A_835 : vector<16xi32> to vector<16x1xi32>
        %gather3A_837 = vector.shape_cast %broadcast_in_dim3A_836 : vector<16x1xi32> to vector<16xi32>
        %gather3A_838 = tpu.dynamic_gather %get3A_254[%gather3A_837] in [0] : vector<16xf32>, vector<16xi32> -> vector<16xf32>
        %broadcast_in_dim3A_839 = vector.shape_cast %broadcast_in_dim3A_835 : vector<16xi32> to vector<16x1xi32>
        %gather3A_840 = vector.shape_cast %broadcast_in_dim3A_839 : vector<16x1xi32> to vector<16xi32>
        %gather3A_841 = tpu.dynamic_gather %get3A_257[%gather3A_840] in [0] : vector<16xf32>, vector<16xi32> -> vector<16xf32>
        %broadcast_in_dim3A_842 = vector.shape_cast %broadcast_in_dim3A_835 : vector<16xi32> to vector<16x1xi32>
        %gather3A_843 = vector.shape_cast %broadcast_in_dim3A_842 : vector<16x1xi32> to vector<16xi32>
        %gather3A_844 = tpu.dynamic_gather %get3A_260[%gather3A_843] in [0] : vector<16xf32>, vector<16xi32> -> vector<16xf32>
        %add3A_845 = arith.constant 14 : i32
        %add3A_846 = vector.broadcast %add3A_845 : i32 to vector<16xi32>
        %add3A_847 = arith.addi %broadcast_in_dim3A_261, %add3A_846 : vector<16xi32>
        %sub3A_848 = arith.subf %get3A_108, %gather3A_838 : vector<16xf32>
        %sub3A_849 = arith.subf %get3A_111, %gather3A_841 : vector<16xf32>
        %sub3A_850 = arith.subf %get3A_114, %gather3A_844 : vector<16xf32>
        %mul3A_851 = arith.mulf %sub3A_848, %sub3A_848 : vector<16xf32>
        %mul3A_852 = arith.mulf %sub3A_849, %sub3A_849 : vector<16xf32>
        %add3A_853 = arith.addf %mul3A_851, %mul3A_852 : vector<16xf32>
        %mul3A_854 = arith.mulf %sub3A_850, %sub3A_850 : vector<16xf32>
        %add3A_855 = arith.addf %add3A_853, %mul3A_854 : vector<16xf32>
        %ge3A_856 = arith.cmpi sge, %add3A_847, %gather3A_119 : vector<16xi32>
        %lt3A_857 = arith.cmpi slt, %add3A_847, %gather3A_122 : vector<16xi32>
        %and3A_858 = arith.andi %ge3A_856, %lt3A_857 : vector<16xi1>
        %jit3A_859 = arith.constant 0x7F800000 : f32
        %broadcast_in_dim3A_860 = vector.broadcast %jit3A_859 : f32 to vector<16xf32>
        %select_n3A_861 = arith.select %and3A_858, %add3A_855, %broadcast_in_dim3A_860 : vector<16xi1>, vector<16xf32>
        %lt3A_862 = arith.cmpf olt, %select_n3A_861, %select_n3A_832 : vector<16xf32>
        %lt3A_863 = arith.cmpf olt, %select_n3A_861, %select_n3A_829 : vector<16xf32>
        %lt3A_864 = arith.cmpf olt, %select_n3A_861, %select_n3A_825 : vector<16xf32>
        %select_n3A_865 = arith.select %lt3A_863, %select_n3A_829, %select_n3A_861 : vector<16xi1>, vector<16xf32>
        %select_n3A_866 = arith.select %lt3A_864, %select_n3A_865, %select_n3A_825 : vector<16xi1>, vector<16xf32>
        %select_n3A_867 = arith.select %lt3A_863, %select_n3A_831, %add3A_847 : vector<16xi1>, vector<16xi32>
        %select_n3A_868 = arith.select %lt3A_864, %select_n3A_867, %select_n3A_827 : vector<16xi1>, vector<16xi32>
        %select_n3A_869 = arith.select %lt3A_862, %select_n3A_832, %select_n3A_861 : vector<16xi1>, vector<16xf32>
        %select_n3A_870 = arith.select %lt3A_863, %select_n3A_869, %select_n3A_829 : vector<16xi1>, vector<16xf32>
        %select_n3A_871 = arith.select %lt3A_862, %select_n3A_833, %add3A_847 : vector<16xi1>, vector<16xi32>
        %select_n3A_872 = arith.select %lt3A_863, %select_n3A_871, %select_n3A_831 : vector<16xi1>, vector<16xi32>
        %select_n3A_873 = arith.select %lt3A_862, %select_n3A_861, %select_n3A_832 : vector<16xi1>, vector<16xf32>
        %select_n3A_874 = arith.select %lt3A_862, %add3A_847, %select_n3A_833 : vector<16xi1>, vector<16xi32>
        %broadcast_in_dim3A_875 = arith.constant 15 : i32
        %broadcast_in_dim3A_876 = vector.broadcast %broadcast_in_dim3A_875 : i32 to vector<16xi32>
        %broadcast_in_dim3A_877 = vector.shape_cast %broadcast_in_dim3A_876 : vector<16xi32> to vector<16x1xi32>
        %gather3A_878 = vector.shape_cast %broadcast_in_dim3A_877 : vector<16x1xi32> to vector<16xi32>
        %gather3A_879 = tpu.dynamic_gather %get3A_254[%gather3A_878] in [0] : vector<16xf32>, vector<16xi32> -> vector<16xf32>
        %broadcast_in_dim3A_880 = vector.shape_cast %broadcast_in_dim3A_876 : vector<16xi32> to vector<16x1xi32>
        %gather3A_881 = vector.shape_cast %broadcast_in_dim3A_880 : vector<16x1xi32> to vector<16xi32>
        %gather3A_882 = tpu.dynamic_gather %get3A_257[%gather3A_881] in [0] : vector<16xf32>, vector<16xi32> -> vector<16xf32>
        %broadcast_in_dim3A_883 = vector.shape_cast %broadcast_in_dim3A_876 : vector<16xi32> to vector<16x1xi32>
        %gather3A_884 = vector.shape_cast %broadcast_in_dim3A_883 : vector<16x1xi32> to vector<16xi32>
        %gather3A_885 = tpu.dynamic_gather %get3A_260[%gather3A_884] in [0] : vector<16xf32>, vector<16xi32> -> vector<16xf32>
        %add3A_886 = arith.constant 15 : i32
        %add3A_887 = vector.broadcast %add3A_886 : i32 to vector<16xi32>
        %add3A_888 = arith.addi %broadcast_in_dim3A_261, %add3A_887 : vector<16xi32>
        %sub3A_889 = arith.subf %get3A_108, %gather3A_879 : vector<16xf32>
        %sub3A_890 = arith.subf %get3A_111, %gather3A_882 : vector<16xf32>
        %sub3A_891 = arith.subf %get3A_114, %gather3A_885 : vector<16xf32>
        %mul3A_892 = arith.mulf %sub3A_889, %sub3A_889 : vector<16xf32>
        %mul3A_893 = arith.mulf %sub3A_890, %sub3A_890 : vector<16xf32>
        %add3A_894 = arith.addf %mul3A_892, %mul3A_893 : vector<16xf32>
        %mul3A_895 = arith.mulf %sub3A_891, %sub3A_891 : vector<16xf32>
        %add3A_896 = arith.addf %add3A_894, %mul3A_895 : vector<16xf32>
        %ge3A_897 = arith.cmpi sge, %add3A_888, %gather3A_119 : vector<16xi32>
        %lt3A_898 = arith.cmpi slt, %add3A_888, %gather3A_122 : vector<16xi32>
        %and3A_899 = arith.andi %ge3A_897, %lt3A_898 : vector<16xi1>
        %jit3A_900 = arith.constant 0x7F800000 : f32
        %broadcast_in_dim3A_901 = vector.broadcast %jit3A_900 : f32 to vector<16xf32>
        %select_n3A_902 = arith.select %and3A_899, %add3A_896, %broadcast_in_dim3A_901 : vector<16xi1>, vector<16xf32>
        %lt3A_903 = arith.cmpf olt, %select_n3A_902, %select_n3A_873 : vector<16xf32>
        %lt3A_904 = arith.cmpf olt, %select_n3A_902, %select_n3A_870 : vector<16xf32>
        %lt3A_905 = arith.cmpf olt, %select_n3A_902, %select_n3A_866 : vector<16xf32>
        %select_n3A_906 = arith.select %lt3A_904, %select_n3A_870, %select_n3A_902 : vector<16xi1>, vector<16xf32>
        %select_n3A_907 = arith.select %lt3A_905, %select_n3A_906, %select_n3A_866 : vector<16xi1>, vector<16xf32>
        %select_n3A_908 = arith.select %lt3A_904, %select_n3A_872, %add3A_888 : vector<16xi1>, vector<16xi32>
        %select_n3A_909 = arith.select %lt3A_905, %select_n3A_908, %select_n3A_868 : vector<16xi1>, vector<16xi32>
        %select_n3A_910 = arith.select %lt3A_903, %select_n3A_873, %select_n3A_902 : vector<16xi1>, vector<16xf32>
        %select_n3A_911 = arith.select %lt3A_904, %select_n3A_910, %select_n3A_870 : vector<16xi1>, vector<16xf32>
        %select_n3A_912 = arith.select %lt3A_903, %select_n3A_874, %add3A_888 : vector<16xi1>, vector<16xi32>
        %select_n3A_913 = arith.select %lt3A_904, %select_n3A_912, %select_n3A_872 : vector<16xi1>, vector<16xi32>
        %select_n3A_914 = arith.select %lt3A_903, %select_n3A_902, %select_n3A_873 : vector<16xi1>, vector<16xf32>
        %select_n3A_915 = arith.select %lt3A_903, %add3A_888, %select_n3A_874 : vector<16xi1>, vector<16xi32>
        scf.yield %select_n3A_914, %select_n3A_911, %select_n3A_907, %select_n3A_915, %select_n3A_913, %select_n3A_909 : vector<16xf32>, vector<16xf32>, vector<16xf32>, vector<16xi32>, vector<16xi32>, vector<16xi32>
      }
      %while3A_191 = arith.constant 1 : i32
      %while3A_192:6 = scf.for %while3A_241 = %while3A_188 to %while3A_184 step %while3A_191 iter_args(%while3A_242 = %while3A_190#0, %while3A_243 = %while3A_190#1, %while3A_244 = %while3A_190#2, %while3A_245 = %while3A_190#3, %while3A_246 = %while3A_190#4, %while3A_247 = %while3A_190#5) -> (vector<16xf32>, vector<16xf32>, vector<16xf32>, vector<16xi32>, vector<16xi32>, vector<16xi32>)  : i32 {
        %mul3A_248 = arith.muli %while3A_241, %while3A : i32
        %add3A_249 = arith.addi %select_n3A, %mul3A_248 : i32
        %mul3A_250 = arith.constant 16 : i32
        %mul3A_251 = arith.muli %add3A_249, %mul3A_250 : i32
        %get3A_252 = arith.index_cast %mul3A_251 : i32 to index
        %get3A_253 = tpu.vector_load %arg15[%get3A_252] {strides = array<i32>} : memref<4096xf32, #tpu.memory_space<vmem>>, vector<16xf32>,
        %get3A_254 = vector.shape_cast %get3A_253 : vector<16xf32> to vector<16xf32>
        %get3A_255 = arith.index_cast %mul3A_251 : i32 to index
        %get3A_256 = tpu.vector_load %arg16[%get3A_255] {strides = array<i32>} : memref<4096xf32, #tpu.memory_space<vmem>>, vector<16xf32>,
        %get3A_257 = vector.shape_cast %get3A_256 : vector<16xf32> to vector<16xf32>
        %get3A_258 = arith.index_cast %mul3A_251 : i32 to index
        %get3A_259 = tpu.vector_load %arg17[%get3A_258] {strides = array<i32>} : memref<4096xf32, #tpu.memory_space<vmem>>, vector<16xf32>,
        %get3A_260 = vector.shape_cast %get3A_259 : vector<16xf32> to vector<16xf32>
        %broadcast_in_dim3A_261 = vector.broadcast %mul3A_251 : i32 to vector<16xi32>
        %broadcast_in_dim3A_262 = arith.constant 0 : i32
        %broadcast_in_dim3A_263 = vector.broadcast %broadcast_in_dim3A_262 : i32 to vector<16xi32>
        %broadcast_in_dim3A_264 = vector.shape_cast %broadcast_in_dim3A_263 : vector<16xi32> to vector<16x1xi32>
        %gather3A_265 = vector.shape_cast %broadcast_in_dim3A_264 : vector<16x1xi32> to vector<16xi32>
        %gather3A_266 = tpu.dynamic_gather %get3A_254[%gather3A_265] in [0] : vector<16xf32>, vector<16xi32> -> vector<16xf32>
        %broadcast_in_dim3A_267 = vector.shape_cast %broadcast_in_dim3A_263 : vector<16xi32> to vector<16x1xi32>
        %gather3A_268 = vector.shape_cast %broadcast_in_dim3A_267 : vector<16x1xi32> to vector<16xi32>
        %gather3A_269 = tpu.dynamic_gather %get3A_257[%gather3A_268] in [0] : vector<16xf32>, vector<16xi32> -> vector<16xf32>
        %broadcast_in_dim3A_270 = vector.shape_cast %broadcast_in_dim3A_263 : vector<16xi32> to vector<16x1xi32>
        %gather3A_271 = vector.shape_cast %broadcast_in_dim3A_270 : vector<16x1xi32> to vector<16xi32>
        %gather3A_272 = tpu.dynamic_gather %get3A_260[%gather3A_271] in [0] : vector<16xf32>, vector<16xi32> -> vector<16xf32>
        %add3A_273 = arith.constant 0 : i32
        %add3A_274 = vector.broadcast %add3A_273 : i32 to vector<16xi32>
        %add3A_275 = arith.addi %broadcast_in_dim3A_261, %add3A_274 : vector<16xi32>
        %sub3A_276 = arith.subf %get3A_108, %gather3A_266 : vector<16xf32>
        %sub3A_277 = arith.subf %get3A_111, %gather3A_269 : vector<16xf32>
        %sub3A_278 = arith.subf %get3A_114, %gather3A_272 : vector<16xf32>
        %mul3A_279 = arith.mulf %sub3A_276, %sub3A_276 : vector<16xf32>
        %mul3A_280 = arith.mulf %sub3A_277, %sub3A_277 : vector<16xf32>
        %add3A_281 = arith.addf %mul3A_279, %mul3A_280 : vector<16xf32>
        %mul3A_282 = arith.mulf %sub3A_278, %sub3A_278 : vector<16xf32>
        %add3A_283 = arith.addf %add3A_281, %mul3A_282 : vector<16xf32>
        %ge3A = arith.cmpi sge, %add3A_275, %gather3A_119 : vector<16xi32>
        %lt3A = arith.cmpi slt, %add3A_275, %gather3A_122 : vector<16xi32>
        %and3A_284 = arith.andi %ge3A, %lt3A : vector<16xi1>
        %jit3A_285 = arith.constant 0x7F800000 : f32
        %broadcast_in_dim3A_286 = vector.broadcast %jit3A_285 : f32 to vector<16xf32>
        %select_n3A_287 = arith.select %and3A_284, %add3A_283, %broadcast_in_dim3A_286 : vector<16xi1>, vector<16xf32>
        %lt3A_288 = arith.cmpf olt, %select_n3A_287, %while3A_242 : vector<16xf32>
        %lt3A_289 = arith.cmpf olt, %select_n3A_287, %while3A_243 : vector<16xf32>
        %lt3A_290 = arith.cmpf olt, %select_n3A_287, %while3A_244 : vector<16xf32>
        %select_n3A_291 = arith.select %lt3A_289, %while3A_243, %select_n3A_287 : vector<16xi1>, vector<16xf32>
        %select_n3A_292 = arith.select %lt3A_290, %select_n3A_291, %while3A_244 : vector<16xi1>, vector<16xf32>
        %select_n3A_293 = arith.select %lt3A_289, %while3A_246, %add3A_275 : vector<16xi1>, vector<16xi32>
        %select_n3A_294 = arith.select %lt3A_290, %select_n3A_293, %while3A_247 : vector<16xi1>, vector<16xi32>
        %select_n3A_295 = arith.select %lt3A_288, %while3A_242, %select_n3A_287 : vector<16xi1>, vector<16xf32>
        %select_n3A_296 = arith.select %lt3A_289, %select_n3A_295, %while3A_243 : vector<16xi1>, vector<16xf32>
        %select_n3A_297 = arith.select %lt3A_288, %while3A_245, %add3A_275 : vector<16xi1>, vector<16xi32>
        %select_n3A_298 = arith.select %lt3A_289, %select_n3A_297, %while3A_246 : vector<16xi1>, vector<16xi32>
        %select_n3A_299 = arith.select %lt3A_288, %select_n3A_287, %while3A_242 : vector<16xi1>, vector<16xf32>
        %select_n3A_300 = arith.select %lt3A_288, %add3A_275, %while3A_245 : vector<16xi1>, vector<16xi32>
        %broadcast_in_dim3A_301 = arith.constant 1 : i32
        %broadcast_in_dim3A_302 = vector.broadcast %broadcast_in_dim3A_301 : i32 to vector<16xi32>
        %broadcast_in_dim3A_303 = vector.shape_cast %broadcast_in_dim3A_302 : vector<16xi32> to vector<16x1xi32>
        %gather3A_304 = vector.shape_cast %broadcast_in_dim3A_303 : vector<16x1xi32> to vector<16xi32>
        %gather3A_305 = tpu.dynamic_gather %get3A_254[%gather3A_304] in [0] : vector<16xf32>, vector<16xi32> -> vector<16xf32>
        %broadcast_in_dim3A_306 = vector.shape_cast %broadcast_in_dim3A_302 : vector<16xi32> to vector<16x1xi32>
        %gather3A_307 = vector.shape_cast %broadcast_in_dim3A_306 : vector<16x1xi32> to vector<16xi32>
        %gather3A_308 = tpu.dynamic_gather %get3A_257[%gather3A_307] in [0] : vector<16xf32>, vector<16xi32> -> vector<16xf32>
        %broadcast_in_dim3A_309 = vector.shape_cast %broadcast_in_dim3A_302 : vector<16xi32> to vector<16x1xi32>
        %gather3A_310 = vector.shape_cast %broadcast_in_dim3A_309 : vector<16x1xi32> to vector<16xi32>
        %gather3A_311 = tpu.dynamic_gather %get3A_260[%gather3A_310] in [0] : vector<16xf32>, vector<16xi32> -> vector<16xf32>
        %add3A_312 = arith.constant 1 : i32
        %add3A_313 = vector.broadcast %add3A_312 : i32 to vector<16xi32>
        %add3A_314 = arith.addi %broadcast_in_dim3A_261, %add3A_313 : vector<16xi32>
        %sub3A_315 = arith.subf %get3A_108, %gather3A_305 : vector<16xf32>
        %sub3A_316 = arith.subf %get3A_111, %gather3A_308 : vector<16xf32>
        %sub3A_317 = arith.subf %get3A_114, %gather3A_311 : vector<16xf32>
        %mul3A_318 = arith.mulf %sub3A_315, %sub3A_315 : vector<16xf32>
        %mul3A_319 = arith.mulf %sub3A_316, %sub3A_316 : vector<16xf32>
        %add3A_320 = arith.addf %mul3A_318, %mul3A_319 : vector<16xf32>
        %mul3A_321 = arith.mulf %sub3A_317, %sub3A_317 : vector<16xf32>
        %add3A_322 = arith.addf %add3A_320, %mul3A_321 : vector<16xf32>
        %ge3A_323 = arith.cmpi sge, %add3A_314, %gather3A_119 : vector<16xi32>
        %lt3A_324 = arith.cmpi slt, %add3A_314, %gather3A_122 : vector<16xi32>
        %and3A_325 = arith.andi %ge3A_323, %lt3A_324 : vector<16xi1>
        %jit3A_326 = arith.constant 0x7F800000 : f32
        %broadcast_in_dim3A_327 = vector.broadcast %jit3A_326 : f32 to vector<16xf32>
        %select_n3A_328 = arith.select %and3A_325, %add3A_322, %broadcast_in_dim3A_327 : vector<16xi1>, vector<16xf32>
        %lt3A_329 = arith.cmpf olt, %select_n3A_328, %select_n3A_299 : vector<16xf32>
        %lt3A_330 = arith.cmpf olt, %select_n3A_328, %select_n3A_296 : vector<16xf32>
        %lt3A_331 = arith.cmpf olt, %select_n3A_328, %select_n3A_292 : vector<16xf32>
        %select_n3A_332 = arith.select %lt3A_330, %select_n3A_296, %select_n3A_328 : vector<16xi1>, vector<16xf32>
        %select_n3A_333 = arith.select %lt3A_331, %select_n3A_332, %select_n3A_292 : vector<16xi1>, vector<16xf32>
        %select_n3A_334 = arith.select %lt3A_330, %select_n3A_298, %add3A_314 : vector<16xi1>, vector<16xi32>
        %select_n3A_335 = arith.select %lt3A_331, %select_n3A_334, %select_n3A_294 : vector<16xi1>, vector<16xi32>
        %select_n3A_336 = arith.select %lt3A_329, %select_n3A_299, %select_n3A_328 : vector<16xi1>, vector<16xf32>
        %select_n3A_337 = arith.select %lt3A_330, %select_n3A_336, %select_n3A_296 : vector<16xi1>, vector<16xf32>
        %select_n3A_338 = arith.select %lt3A_329, %select_n3A_300, %add3A_314 : vector<16xi1>, vector<16xi32>
        %select_n3A_339 = arith.select %lt3A_330, %select_n3A_338, %select_n3A_298 : vector<16xi1>, vector<16xi32>
        %select_n3A_340 = arith.select %lt3A_329, %select_n3A_328, %select_n3A_299 : vector<16xi1>, vector<16xf32>
        %select_n3A_341 = arith.select %lt3A_329, %add3A_314, %select_n3A_300 : vector<16xi1>, vector<16xi32>
        %broadcast_in_dim3A_342 = arith.constant 2 : i32
        %broadcast_in_dim3A_343 = vector.broadcast %broadcast_in_dim3A_342 : i32 to vector<16xi32>
        %broadcast_in_dim3A_344 = vector.shape_cast %broadcast_in_dim3A_343 : vector<16xi32> to vector<16x1xi32>
        %gather3A_345 = vector.shape_cast %broadcast_in_dim3A_344 : vector<16x1xi32> to vector<16xi32>
        %gather3A_346 = tpu.dynamic_gather %get3A_254[%gather3A_345] in [0] : vector<16xf32>, vector<16xi32> -> vector<16xf32>
        %broadcast_in_dim3A_347 = vector.shape_cast %broadcast_in_dim3A_343 : vector<16xi32> to vector<16x1xi32>
        %gather3A_348 = vector.shape_cast %broadcast_in_dim3A_347 : vector<16x1xi32> to vector<16xi32>
        %gather3A_349 = tpu.dynamic_gather %get3A_257[%gather3A_348] in [0] : vector<16xf32>, vector<16xi32> -> vector<16xf32>
        %broadcast_in_dim3A_350 = vector.shape_cast %broadcast_in_dim3A_343 : vector<16xi32> to vector<16x1xi32>
        %gather3A_351 = vector.shape_cast %broadcast_in_dim3A_350 : vector<16x1xi32> to vector<16xi32>
        %gather3A_352 = tpu.dynamic_gather %get3A_260[%gather3A_351] in [0] : vector<16xf32>, vector<16xi32> -> vector<16xf32>
        %add3A_353 = arith.constant 2 : i32
        %add3A_354 = vector.broadcast %add3A_353 : i32 to vector<16xi32>
        %add3A_355 = arith.addi %broadcast_in_dim3A_261, %add3A_354 : vector<16xi32>
        %sub3A_356 = arith.subf %get3A_108, %gather3A_346 : vector<16xf32>
        %sub3A_357 = arith.subf %get3A_111, %gather3A_349 : vector<16xf32>
        %sub3A_358 = arith.subf %get3A_114, %gather3A_352 : vector<16xf32>
        %mul3A_359 = arith.mulf %sub3A_356, %sub3A_356 : vector<16xf32>
        %mul3A_360 = arith.mulf %sub3A_357, %sub3A_357 : vector<16xf32>
        %add3A_361 = arith.addf %mul3A_359, %mul3A_360 : vector<16xf32>
        %mul3A_362 = arith.mulf %sub3A_358, %sub3A_358 : vector<16xf32>
        %add3A_363 = arith.addf %add3A_361, %mul3A_362 : vector<16xf32>
        %ge3A_364 = arith.cmpi sge, %add3A_355, %gather3A_119 : vector<16xi32>
        %lt3A_365 = arith.cmpi slt, %add3A_355, %gather3A_122 : vector<16xi32>
        %and3A_366 = arith.andi %ge3A_364, %lt3A_365 : vector<16xi1>
        %jit3A_367 = arith.constant 0x7F800000 : f32
        %broadcast_in_dim3A_368 = vector.broadcast %jit3A_367 : f32 to vector<16xf32>
        %select_n3A_369 = arith.select %and3A_366, %add3A_363, %broadcast_in_dim3A_368 : vector<16xi1>, vector<16xf32>
        %lt3A_370 = arith.cmpf olt, %select_n3A_369, %select_n3A_340 : vector<16xf32>
        %lt3A_371 = arith.cmpf olt, %select_n3A_369, %select_n3A_337 : vector<16xf32>
        %lt3A_372 = arith.cmpf olt, %select_n3A_369, %select_n3A_333 : vector<16xf32>
        %select_n3A_373 = arith.select %lt3A_371, %select_n3A_337, %select_n3A_369 : vector<16xi1>, vector<16xf32>
        %select_n3A_374 = arith.select %lt3A_372, %select_n3A_373, %select_n3A_333 : vector<16xi1>, vector<16xf32>
        %select_n3A_375 = arith.select %lt3A_371, %select_n3A_339, %add3A_355 : vector<16xi1>, vector<16xi32>
        %select_n3A_376 = arith.select %lt3A_372, %select_n3A_375, %select_n3A_335 : vector<16xi1>, vector<16xi32>
        %select_n3A_377 = arith.select %lt3A_370, %select_n3A_340, %select_n3A_369 : vector<16xi1>, vector<16xf32>
        %select_n3A_378 = arith.select %lt3A_371, %select_n3A_377, %select_n3A_337 : vector<16xi1>, vector<16xf32>
        %select_n3A_379 = arith.select %lt3A_370, %select_n3A_341, %add3A_355 : vector<16xi1>, vector<16xi32>
        %select_n3A_380 = arith.select %lt3A_371, %select_n3A_379, %select_n3A_339 : vector<16xi1>, vector<16xi32>
        %select_n3A_381 = arith.select %lt3A_370, %select_n3A_369, %select_n3A_340 : vector<16xi1>, vector<16xf32>
        %select_n3A_382 = arith.select %lt3A_370, %add3A_355, %select_n3A_341 : vector<16xi1>, vector<16xi32>
        %broadcast_in_dim3A_383 = arith.constant 3 : i32
        %broadcast_in_dim3A_384 = vector.broadcast %broadcast_in_dim3A_383 : i32 to vector<16xi32>
        %broadcast_in_dim3A_385 = vector.shape_cast %broadcast_in_dim3A_384 : vector<16xi32> to vector<16x1xi32>
        %gather3A_386 = vector.shape_cast %broadcast_in_dim3A_385 : vector<16x1xi32> to vector<16xi32>
        %gather3A_387 = tpu.dynamic_gather %get3A_254[%gather3A_386] in [0] : vector<16xf32>, vector<16xi32> -> vector<16xf32>
        %broadcast_in_dim3A_388 = vector.shape_cast %broadcast_in_dim3A_384 : vector<16xi32> to vector<16x1xi32>
        %gather3A_389 = vector.shape_cast %broadcast_in_dim3A_388 : vector<16x1xi32> to vector<16xi32>
        %gather3A_390 = tpu.dynamic_gather %get3A_257[%gather3A_389] in [0] : vector<16xf32>, vector<16xi32> -> vector<16xf32>
        %broadcast_in_dim3A_391 = vector.shape_cast %broadcast_in_dim3A_384 : vector<16xi32> to vector<16x1xi32>
        %gather3A_392 = vector.shape_cast %broadcast_in_dim3A_391 : vector<16x1xi32> to vector<16xi32>
        %gather3A_393 = tpu.dynamic_gather %get3A_260[%gather3A_392] in [0] : vector<16xf32>, vector<16xi32> -> vector<16xf32>
        %add3A_394 = arith.constant 3 : i32
        %add3A_395 = vector.broadcast %add3A_394 : i32 to vector<16xi32>
        %add3A_396 = arith.addi %broadcast_in_dim3A_261, %add3A_395 : vector<16xi32>
        %sub3A_397 = arith.subf %get3A_108, %gather3A_387 : vector<16xf32>
        %sub3A_398 = arith.subf %get3A_111, %gather3A_390 : vector<16xf32>
        %sub3A_399 = arith.subf %get3A_114, %gather3A_393 : vector<16xf32>
        %mul3A_400 = arith.mulf %sub3A_397, %sub3A_397 : vector<16xf32>
        %mul3A_401 = arith.mulf %sub3A_398, %sub3A_398 : vector<16xf32>
        %add3A_402 = arith.addf %mul3A_400, %mul3A_401 : vector<16xf32>
        %mul3A_403 = arith.mulf %sub3A_399, %sub3A_399 : vector<16xf32>
        %add3A_404 = arith.addf %add3A_402, %mul3A_403 : vector<16xf32>
        %ge3A_405 = arith.cmpi sge, %add3A_396, %gather3A_119 : vector<16xi32>
        %lt3A_406 = arith.cmpi slt, %add3A_396, %gather3A_122 : vector<16xi32>
        %and3A_407 = arith.andi %ge3A_405, %lt3A_406 : vector<16xi1>
        %jit3A_408 = arith.constant 0x7F800000 : f32
        %broadcast_in_dim3A_409 = vector.broadcast %jit3A_408 : f32 to vector<16xf32>
        %select_n3A_410 = arith.select %and3A_407, %add3A_404, %broadcast_in_dim3A_409 : vector<16xi1>, vector<16xf32>
        %lt3A_411 = arith.cmpf olt, %select_n3A_410, %select_n3A_381 : vector<16xf32>
        %lt3A_412 = arith.cmpf olt, %select_n3A_410, %select_n3A_378 : vector<16xf32>
        %lt3A_413 = arith.cmpf olt, %select_n3A_410, %select_n3A_374 : vector<16xf32>
        %select_n3A_414 = arith.select %lt3A_412, %select_n3A_378, %select_n3A_410 : vector<16xi1>, vector<16xf32>
        %select_n3A_415 = arith.select %lt3A_413, %select_n3A_414, %select_n3A_374 : vector<16xi1>, vector<16xf32>
        %select_n3A_416 = arith.select %lt3A_412, %select_n3A_380, %add3A_396 : vector<16xi1>, vector<16xi32>
        %select_n3A_417 = arith.select %lt3A_413, %select_n3A_416, %select_n3A_376 : vector<16xi1>, vector<16xi32>
        %select_n3A_418 = arith.select %lt3A_411, %select_n3A_381, %select_n3A_410 : vector<16xi1>, vector<16xf32>
        %select_n3A_419 = arith.select %lt3A_412, %select_n3A_418, %select_n3A_378 : vector<16xi1>, vector<16xf32>
        %select_n3A_420 = arith.select %lt3A_411, %select_n3A_382, %add3A_396 : vector<16xi1>, vector<16xi32>
        %select_n3A_421 = arith.select %lt3A_412, %select_n3A_420, %select_n3A_380 : vector<16xi1>, vector<16xi32>
        %select_n3A_422 = arith.select %lt3A_411, %select_n3A_410, %select_n3A_381 : vector<16xi1>, vector<16xf32>
        %select_n3A_423 = arith.select %lt3A_411, %add3A_396, %select_n3A_382 : vector<16xi1>, vector<16xi32>
        %broadcast_in_dim3A_424 = arith.constant 4 : i32
        %broadcast_in_dim3A_425 = vector.broadcast %broadcast_in_dim3A_424 : i32 to vector<16xi32>
        %broadcast_in_dim3A_426 = vector.shape_cast %broadcast_in_dim3A_425 : vector<16xi32> to vector<16x1xi32>
        %gather3A_427 = vector.shape_cast %broadcast_in_dim3A_426 : vector<16x1xi32> to vector<16xi32>
        %gather3A_428 = tpu.dynamic_gather %get3A_254[%gather3A_427] in [0] : vector<16xf32>, vector<16xi32> -> vector<16xf32>
        %broadcast_in_dim3A_429 = vector.shape_cast %broadcast_in_dim3A_425 : vector<16xi32> to vector<16x1xi32>
        %gather3A_430 = vector.shape_cast %broadcast_in_dim3A_429 : vector<16x1xi32> to vector<16xi32>
        %gather3A_431 = tpu.dynamic_gather %get3A_257[%gather3A_430] in [0] : vector<16xf32>, vector<16xi32> -> vector<16xf32>
        %broadcast_in_dim3A_432 = vector.shape_cast %broadcast_in_dim3A_425 : vector<16xi32> to vector<16x1xi32>
        %gather3A_433 = vector.shape_cast %broadcast_in_dim3A_432 : vector<16x1xi32> to vector<16xi32>
        %gather3A_434 = tpu.dynamic_gather %get3A_260[%gather3A_433] in [0] : vector<16xf32>, vector<16xi32> -> vector<16xf32>
        %add3A_435 = arith.constant 4 : i32
        %add3A_436 = vector.broadcast %add3A_435 : i32 to vector<16xi32>
        %add3A_437 = arith.addi %broadcast_in_dim3A_261, %add3A_436 : vector<16xi32>
        %sub3A_438 = arith.subf %get3A_108, %gather3A_428 : vector<16xf32>
        %sub3A_439 = arith.subf %get3A_111, %gather3A_431 : vector<16xf32>
        %sub3A_440 = arith.subf %get3A_114, %gather3A_434 : vector<16xf32>
        %mul3A_441 = arith.mulf %sub3A_438, %sub3A_438 : vector<16xf32>
        %mul3A_442 = arith.mulf %sub3A_439, %sub3A_439 : vector<16xf32>
        %add3A_443 = arith.addf %mul3A_441, %mul3A_442 : vector<16xf32>
        %mul3A_444 = arith.mulf %sub3A_440, %sub3A_440 : vector<16xf32>
        %add3A_445 = arith.addf %add3A_443, %mul3A_444 : vector<16xf32>
        %ge3A_446 = arith.cmpi sge, %add3A_437, %gather3A_119 : vector<16xi32>
        %lt3A_447 = arith.cmpi slt, %add3A_437, %gather3A_122 : vector<16xi32>
        %and3A_448 = arith.andi %ge3A_446, %lt3A_447 : vector<16xi1>
        %jit3A_449 = arith.constant 0x7F800000 : f32
        %broadcast_in_dim3A_450 = vector.broadcast %jit3A_449 : f32 to vector<16xf32>
        %select_n3A_451 = arith.select %and3A_448, %add3A_445, %broadcast_in_dim3A_450 : vector<16xi1>, vector<16xf32>
        %lt3A_452 = arith.cmpf olt, %select_n3A_451, %select_n3A_422 : vector<16xf32>
        %lt3A_453 = arith.cmpf olt, %select_n3A_451, %select_n3A_419 : vector<16xf32>
        %lt3A_454 = arith.cmpf olt, %select_n3A_451, %select_n3A_415 : vector<16xf32>
        %select_n3A_455 = arith.select %lt3A_453, %select_n3A_419, %select_n3A_451 : vector<16xi1>, vector<16xf32>
        %select_n3A_456 = arith.select %lt3A_454, %select_n3A_455, %select_n3A_415 : vector<16xi1>, vector<16xf32>
        %select_n3A_457 = arith.select %lt3A_453, %select_n3A_421, %add3A_437 : vector<16xi1>, vector<16xi32>
        %select_n3A_458 = arith.select %lt3A_454, %select_n3A_457, %select_n3A_417 : vector<16xi1>, vector<16xi32>
        %select_n3A_459 = arith.select %lt3A_452, %select_n3A_422, %select_n3A_451 : vector<16xi1>, vector<16xf32>
        %select_n3A_460 = arith.select %lt3A_453, %select_n3A_459, %select_n3A_419 : vector<16xi1>, vector<16xf32>
        %select_n3A_461 = arith.select %lt3A_452, %select_n3A_423, %add3A_437 : vector<16xi1>, vector<16xi32>
        %select_n3A_462 = arith.select %lt3A_453, %select_n3A_461, %select_n3A_421 : vector<16xi1>, vector<16xi32>
        %select_n3A_463 = arith.select %lt3A_452, %select_n3A_451, %select_n3A_422 : vector<16xi1>, vector<16xf32>
        %select_n3A_464 = arith.select %lt3A_452, %add3A_437, %select_n3A_423 : vector<16xi1>, vector<16xi32>
        %broadcast_in_dim3A_465 = arith.constant 5 : i32
        %broadcast_in_dim3A_466 = vector.broadcast %broadcast_in_dim3A_465 : i32 to vector<16xi32>
        %broadcast_in_dim3A_467 = vector.shape_cast %broadcast_in_dim3A_466 : vector<16xi32> to vector<16x1xi32>
        %gather3A_468 = vector.shape_cast %broadcast_in_dim3A_467 : vector<16x1xi32> to vector<16xi32>
        %gather3A_469 = tpu.dynamic_gather %get3A_254[%gather3A_468] in [0] : vector<16xf32>, vector<16xi32> -> vector<16xf32>
        %broadcast_in_dim3A_470 = vector.shape_cast %broadcast_in_dim3A_466 : vector<16xi32> to vector<16x1xi32>
        %gather3A_471 = vector.shape_cast %broadcast_in_dim3A_470 : vector<16x1xi32> to vector<16xi32>
        %gather3A_472 = tpu.dynamic_gather %get3A_257[%gather3A_471] in [0] : vector<16xf32>, vector<16xi32> -> vector<16xf32>
        %broadcast_in_dim3A_473 = vector.shape_cast %broadcast_in_dim3A_466 : vector<16xi32> to vector<16x1xi32>
        %gather3A_474 = vector.shape_cast %broadcast_in_dim3A_473 : vector<16x1xi32> to vector<16xi32>
        %gather3A_475 = tpu.dynamic_gather %get3A_260[%gather3A_474] in [0] : vector<16xf32>, vector<16xi32> -> vector<16xf32>
        %add3A_476 = arith.constant 5 : i32
        %add3A_477 = vector.broadcast %add3A_476 : i32 to vector<16xi32>
        %add3A_478 = arith.addi %broadcast_in_dim3A_261, %add3A_477 : vector<16xi32>
        %sub3A_479 = arith.subf %get3A_108, %gather3A_469 : vector<16xf32>
        %sub3A_480 = arith.subf %get3A_111, %gather3A_472 : vector<16xf32>
        %sub3A_481 = arith.subf %get3A_114, %gather3A_475 : vector<16xf32>
        %mul3A_482 = arith.mulf %sub3A_479, %sub3A_479 : vector<16xf32>
        %mul3A_483 = arith.mulf %sub3A_480, %sub3A_480 : vector<16xf32>
        %add3A_484 = arith.addf %mul3A_482, %mul3A_483 : vector<16xf32>
        %mul3A_485 = arith.mulf %sub3A_481, %sub3A_481 : vector<16xf32>
        %add3A_486 = arith.addf %add3A_484, %mul3A_485 : vector<16xf32>
        %ge3A_487 = arith.cmpi sge, %add3A_478, %gather3A_119 : vector<16xi32>
        %lt3A_488 = arith.cmpi slt, %add3A_478, %gather3A_122 : vector<16xi32>
        %and3A_489 = arith.andi %ge3A_487, %lt3A_488 : vector<16xi1>
        %jit3A_490 = arith.constant 0x7F800000 : f32
        %broadcast_in_dim3A_491 = vector.broadcast %jit3A_490 : f32 to vector<16xf32>
        %select_n3A_492 = arith.select %and3A_489, %add3A_486, %broadcast_in_dim3A_491 : vector<16xi1>, vector<16xf32>
        %lt3A_493 = arith.cmpf olt, %select_n3A_492, %select_n3A_463 : vector<16xf32>
        %lt3A_494 = arith.cmpf olt, %select_n3A_492, %select_n3A_460 : vector<16xf32>
        %lt3A_495 = arith.cmpf olt, %select_n3A_492, %select_n3A_456 : vector<16xf32>
        %select_n3A_496 = arith.select %lt3A_494, %select_n3A_460, %select_n3A_492 : vector<16xi1>, vector<16xf32>
        %select_n3A_497 = arith.select %lt3A_495, %select_n3A_496, %select_n3A_456 : vector<16xi1>, vector<16xf32>
        %select_n3A_498 = arith.select %lt3A_494, %select_n3A_462, %add3A_478 : vector<16xi1>, vector<16xi32>
        %select_n3A_499 = arith.select %lt3A_495, %select_n3A_498, %select_n3A_458 : vector<16xi1>, vector<16xi32>
        %select_n3A_500 = arith.select %lt3A_493, %select_n3A_463, %select_n3A_492 : vector<16xi1>, vector<16xf32>
        %select_n3A_501 = arith.select %lt3A_494, %select_n3A_500, %select_n3A_460 : vector<16xi1>, vector<16xf32>
        %select_n3A_502 = arith.select %lt3A_493, %select_n3A_464, %add3A_478 : vector<16xi1>, vector<16xi32>
        %select_n3A_503 = arith.select %lt3A_494, %select_n3A_502, %select_n3A_462 : vector<16xi1>, vector<16xi32>
        %select_n3A_504 = arith.select %lt3A_493, %select_n3A_492, %select_n3A_463 : vector<16xi1>, vector<16xf32>
        %select_n3A_505 = arith.select %lt3A_493, %add3A_478, %select_n3A_464 : vector<16xi1>, vector<16xi32>
        %broadcast_in_dim3A_506 = arith.constant 6 : i32
        %broadcast_in_dim3A_507 = vector.broadcast %broadcast_in_dim3A_506 : i32 to vector<16xi32>
        %broadcast_in_dim3A_508 = vector.shape_cast %broadcast_in_dim3A_507 : vector<16xi32> to vector<16x1xi32>
        %gather3A_509 = vector.shape_cast %broadcast_in_dim3A_508 : vector<16x1xi32> to vector<16xi32>
        %gather3A_510 = tpu.dynamic_gather %get3A_254[%gather3A_509] in [0] : vector<16xf32>, vector<16xi32> -> vector<16xf32>
        %broadcast_in_dim3A_511 = vector.shape_cast %broadcast_in_dim3A_507 : vector<16xi32> to vector<16x1xi32>
        %gather3A_512 = vector.shape_cast %broadcast_in_dim3A_511 : vector<16x1xi32> to vector<16xi32>
        %gather3A_513 = tpu.dynamic_gather %get3A_257[%gather3A_512] in [0] : vector<16xf32>, vector<16xi32> -> vector<16xf32>
        %broadcast_in_dim3A_514 = vector.shape_cast %broadcast_in_dim3A_507 : vector<16xi32> to vector<16x1xi32>
        %gather3A_515 = vector.shape_cast %broadcast_in_dim3A_514 : vector<16x1xi32> to vector<16xi32>
        %gather3A_516 = tpu.dynamic_gather %get3A_260[%gather3A_515] in [0] : vector<16xf32>, vector<16xi32> -> vector<16xf32>
        %add3A_517 = arith.constant 6 : i32
        %add3A_518 = vector.broadcast %add3A_517 : i32 to vector<16xi32>
        %add3A_519 = arith.addi %broadcast_in_dim3A_261, %add3A_518 : vector<16xi32>
        %sub3A_520 = arith.subf %get3A_108, %gather3A_510 : vector<16xf32>
        %sub3A_521 = arith.subf %get3A_111, %gather3A_513 : vector<16xf32>
        %sub3A_522 = arith.subf %get3A_114, %gather3A_516 : vector<16xf32>
        %mul3A_523 = arith.mulf %sub3A_520, %sub3A_520 : vector<16xf32>
        %mul3A_524 = arith.mulf %sub3A_521, %sub3A_521 : vector<16xf32>
        %add3A_525 = arith.addf %mul3A_523, %mul3A_524 : vector<16xf32>
        %mul3A_526 = arith.mulf %sub3A_522, %sub3A_522 : vector<16xf32>
        %add3A_527 = arith.addf %add3A_525, %mul3A_526 : vector<16xf32>
        %ge3A_528 = arith.cmpi sge, %add3A_519, %gather3A_119 : vector<16xi32>
        %lt3A_529 = arith.cmpi slt, %add3A_519, %gather3A_122 : vector<16xi32>
        %and3A_530 = arith.andi %ge3A_528, %lt3A_529 : vector<16xi1>
        %jit3A_531 = arith.constant 0x7F800000 : f32
        %broadcast_in_dim3A_532 = vector.broadcast %jit3A_531 : f32 to vector<16xf32>
        %select_n3A_533 = arith.select %and3A_530, %add3A_527, %broadcast_in_dim3A_532 : vector<16xi1>, vector<16xf32>
        %lt3A_534 = arith.cmpf olt, %select_n3A_533, %select_n3A_504 : vector<16xf32>
        %lt3A_535 = arith.cmpf olt, %select_n3A_533, %select_n3A_501 : vector<16xf32>
        %lt3A_536 = arith.cmpf olt, %select_n3A_533, %select_n3A_497 : vector<16xf32>
        %select_n3A_537 = arith.select %lt3A_535, %select_n3A_501, %select_n3A_533 : vector<16xi1>, vector<16xf32>
        %select_n3A_538 = arith.select %lt3A_536, %select_n3A_537, %select_n3A_497 : vector<16xi1>, vector<16xf32>
        %select_n3A_539 = arith.select %lt3A_535, %select_n3A_503, %add3A_519 : vector<16xi1>, vector<16xi32>
        %select_n3A_540 = arith.select %lt3A_536, %select_n3A_539, %select_n3A_499 : vector<16xi1>, vector<16xi32>
        %select_n3A_541 = arith.select %lt3A_534, %select_n3A_504, %select_n3A_533 : vector<16xi1>, vector<16xf32>
        %select_n3A_542 = arith.select %lt3A_535, %select_n3A_541, %select_n3A_501 : vector<16xi1>, vector<16xf32>
        %select_n3A_543 = arith.select %lt3A_534, %select_n3A_505, %add3A_519 : vector<16xi1>, vector<16xi32>
        %select_n3A_544 = arith.select %lt3A_535, %select_n3A_543, %select_n3A_503 : vector<16xi1>, vector<16xi32>
        %select_n3A_545 = arith.select %lt3A_534, %select_n3A_533, %select_n3A_504 : vector<16xi1>, vector<16xf32>
        %select_n3A_546 = arith.select %lt3A_534, %add3A_519, %select_n3A_505 : vector<16xi1>, vector<16xi32>
        %broadcast_in_dim3A_547 = arith.constant 7 : i32
        %broadcast_in_dim3A_548 = vector.broadcast %broadcast_in_dim3A_547 : i32 to vector<16xi32>
        %broadcast_in_dim3A_549 = vector.shape_cast %broadcast_in_dim3A_548 : vector<16xi32> to vector<16x1xi32>
        %gather3A_550 = vector.shape_cast %broadcast_in_dim3A_549 : vector<16x1xi32> to vector<16xi32>
        %gather3A_551 = tpu.dynamic_gather %get3A_254[%gather3A_550] in [0] : vector<16xf32>, vector<16xi32> -> vector<16xf32>
        %broadcast_in_dim3A_552 = vector.shape_cast %broadcast_in_dim3A_548 : vector<16xi32> to vector<16x1xi32>
        %gather3A_553 = vector.shape_cast %broadcast_in_dim3A_552 : vector<16x1xi32> to vector<16xi32>
        %gather3A_554 = tpu.dynamic_gather %get3A_257[%gather3A_553] in [0] : vector<16xf32>, vector<16xi32> -> vector<16xf32>
        %broadcast_in_dim3A_555 = vector.shape_cast %broadcast_in_dim3A_548 : vector<16xi32> to vector<16x1xi32>
        %gather3A_556 = vector.shape_cast %broadcast_in_dim3A_555 : vector<16x1xi32> to vector<16xi32>
        %gather3A_557 = tpu.dynamic_gather %get3A_260[%gather3A_556] in [0] : vector<16xf32>, vector<16xi32> -> vector<16xf32>
        %add3A_558 = arith.constant 7 : i32
        %add3A_559 = vector.broadcast %add3A_558 : i32 to vector<16xi32>
        %add3A_560 = arith.addi %broadcast_in_dim3A_261, %add3A_559 : vector<16xi32>
        %sub3A_561 = arith.subf %get3A_108, %gather3A_551 : vector<16xf32>
        %sub3A_562 = arith.subf %get3A_111, %gather3A_554 : vector<16xf32>
        %sub3A_563 = arith.subf %get3A_114, %gather3A_557 : vector<16xf32>
        %mul3A_564 = arith.mulf %sub3A_561, %sub3A_561 : vector<16xf32>
        %mul3A_565 = arith.mulf %sub3A_562, %sub3A_562 : vector<16xf32>
        %add3A_566 = arith.addf %mul3A_564, %mul3A_565 : vector<16xf32>
        %mul3A_567 = arith.mulf %sub3A_563, %sub3A_563 : vector<16xf32>
        %add3A_568 = arith.addf %add3A_566, %mul3A_567 : vector<16xf32>
        %ge3A_569 = arith.cmpi sge, %add3A_560, %gather3A_119 : vector<16xi32>
        %lt3A_570 = arith.cmpi slt, %add3A_560, %gather3A_122 : vector<16xi32>
        %and3A_571 = arith.andi %ge3A_569, %lt3A_570 : vector<16xi1>
        %jit3A_572 = arith.constant 0x7F800000 : f32
        %broadcast_in_dim3A_573 = vector.broadcast %jit3A_572 : f32 to vector<16xf32>
        %select_n3A_574 = arith.select %and3A_571, %add3A_568, %broadcast_in_dim3A_573 : vector<16xi1>, vector<16xf32>
        %lt3A_575 = arith.cmpf olt, %select_n3A_574, %select_n3A_545 : vector<16xf32>
        %lt3A_576 = arith.cmpf olt, %select_n3A_574, %select_n3A_542 : vector<16xf32>
        %lt3A_577 = arith.cmpf olt, %select_n3A_574, %select_n3A_538 : vector<16xf32>
        %select_n3A_578 = arith.select %lt3A_576, %select_n3A_542, %select_n3A_574 : vector<16xi1>, vector<16xf32>
        %select_n3A_579 = arith.select %lt3A_577, %select_n3A_578, %select_n3A_538 : vector<16xi1>, vector<16xf32>
        %select_n3A_580 = arith.select %lt3A_576, %select_n3A_544, %add3A_560 : vector<16xi1>, vector<16xi32>
        %select_n3A_581 = arith.select %lt3A_577, %select_n3A_580, %select_n3A_540 : vector<16xi1>, vector<16xi32>
        %select_n3A_582 = arith.select %lt3A_575, %select_n3A_545, %select_n3A_574 : vector<16xi1>, vector<16xf32>
        %select_n3A_583 = arith.select %lt3A_576, %select_n3A_582, %select_n3A_542 : vector<16xi1>, vector<16xf32>
        %select_n3A_584 = arith.select %lt3A_575, %select_n3A_546, %add3A_560 : vector<16xi1>, vector<16xi32>
        %select_n3A_585 = arith.select %lt3A_576, %select_n3A_584, %select_n3A_544 : vector<16xi1>, vector<16xi32>
        %select_n3A_586 = arith.select %lt3A_575, %select_n3A_574, %select_n3A_545 : vector<16xi1>, vector<16xf32>
        %select_n3A_587 = arith.select %lt3A_575, %add3A_560, %select_n3A_546 : vector<16xi1>, vector<16xi32>
        %broadcast_in_dim3A_588 = arith.constant 8 : i32
        %broadcast_in_dim3A_589 = vector.broadcast %broadcast_in_dim3A_588 : i32 to vector<16xi32>
        %broadcast_in_dim3A_590 = vector.shape_cast %broadcast_in_dim3A_589 : vector<16xi32> to vector<16x1xi32>
        %gather3A_591 = vector.shape_cast %broadcast_in_dim3A_590 : vector<16x1xi32> to vector<16xi32>
        %gather3A_592 = tpu.dynamic_gather %get3A_254[%gather3A_591] in [0] : vector<16xf32>, vector<16xi32> -> vector<16xf32>
        %broadcast_in_dim3A_593 = vector.shape_cast %broadcast_in_dim3A_589 : vector<16xi32> to vector<16x1xi32>
        %gather3A_594 = vector.shape_cast %broadcast_in_dim3A_593 : vector<16x1xi32> to vector<16xi32>
        %gather3A_595 = tpu.dynamic_gather %get3A_257[%gather3A_594] in [0] : vector<16xf32>, vector<16xi32> -> vector<16xf32>
        %broadcast_in_dim3A_596 = vector.shape_cast %broadcast_in_dim3A_589 : vector<16xi32> to vector<16x1xi32>
        %gather3A_597 = vector.shape_cast %broadcast_in_dim3A_596 : vector<16x1xi32> to vector<16xi32>
        %gather3A_598 = tpu.dynamic_gather %get3A_260[%gather3A_597] in [0] : vector<16xf32>, vector<16xi32> -> vector<16xf32>
        %add3A_599 = arith.constant 8 : i32
        %add3A_600 = vector.broadcast %add3A_599 : i32 to vector<16xi32>
        %add3A_601 = arith.addi %broadcast_in_dim3A_261, %add3A_600 : vector<16xi32>
        %sub3A_602 = arith.subf %get3A_108, %gather3A_592 : vector<16xf32>
        %sub3A_603 = arith.subf %get3A_111, %gather3A_595 : vector<16xf32>
        %sub3A_604 = arith.subf %get3A_114, %gather3A_598 : vector<16xf32>
        %mul3A_605 = arith.mulf %sub3A_602, %sub3A_602 : vector<16xf32>
        %mul3A_606 = arith.mulf %sub3A_603, %sub3A_603 : vector<16xf32>
        %add3A_607 = arith.addf %mul3A_605, %mul3A_606 : vector<16xf32>
        %mul3A_608 = arith.mulf %sub3A_604, %sub3A_604 : vector<16xf32>
        %add3A_609 = arith.addf %add3A_607, %mul3A_608 : vector<16xf32>
        %ge3A_610 = arith.cmpi sge, %add3A_601, %gather3A_119 : vector<16xi32>
        %lt3A_611 = arith.cmpi slt, %add3A_601, %gather3A_122 : vector<16xi32>
        %and3A_612 = arith.andi %ge3A_610, %lt3A_611 : vector<16xi1>
        %jit3A_613 = arith.constant 0x7F800000 : f32
        %broadcast_in_dim3A_614 = vector.broadcast %jit3A_613 : f32 to vector<16xf32>
        %select_n3A_615 = arith.select %and3A_612, %add3A_609, %broadcast_in_dim3A_614 : vector<16xi1>, vector<16xf32>
        %lt3A_616 = arith.cmpf olt, %select_n3A_615, %select_n3A_586 : vector<16xf32>
        %lt3A_617 = arith.cmpf olt, %select_n3A_615, %select_n3A_583 : vector<16xf32>
        %lt3A_618 = arith.cmpf olt, %select_n3A_615, %select_n3A_579 : vector<16xf32>
        %select_n3A_619 = arith.select %lt3A_617, %select_n3A_583, %select_n3A_615 : vector<16xi1>, vector<16xf32>
        %select_n3A_620 = arith.select %lt3A_618, %select_n3A_619, %select_n3A_579 : vector<16xi1>, vector<16xf32>
        %select_n3A_621 = arith.select %lt3A_617, %select_n3A_585, %add3A_601 : vector<16xi1>, vector<16xi32>
        %select_n3A_622 = arith.select %lt3A_618, %select_n3A_621, %select_n3A_581 : vector<16xi1>, vector<16xi32>
        %select_n3A_623 = arith.select %lt3A_616, %select_n3A_586, %select_n3A_615 : vector<16xi1>, vector<16xf32>
        %select_n3A_624 = arith.select %lt3A_617, %select_n3A_623, %select_n3A_583 : vector<16xi1>, vector<16xf32>
        %select_n3A_625 = arith.select %lt3A_616, %select_n3A_587, %add3A_601 : vector<16xi1>, vector<16xi32>
        %select_n3A_626 = arith.select %lt3A_617, %select_n3A_625, %select_n3A_585 : vector<16xi1>, vector<16xi32>
        %select_n3A_627 = arith.select %lt3A_616, %select_n3A_615, %select_n3A_586 : vector<16xi1>, vector<16xf32>
        %select_n3A_628 = arith.select %lt3A_616, %add3A_601, %select_n3A_587 : vector<16xi1>, vector<16xi32>
        %broadcast_in_dim3A_629 = arith.constant 9 : i32
        %broadcast_in_dim3A_630 = vector.broadcast %broadcast_in_dim3A_629 : i32 to vector<16xi32>
        %broadcast_in_dim3A_631 = vector.shape_cast %broadcast_in_dim3A_630 : vector<16xi32> to vector<16x1xi32>
        %gather3A_632 = vector.shape_cast %broadcast_in_dim3A_631 : vector<16x1xi32> to vector<16xi32>
        %gather3A_633 = tpu.dynamic_gather %get3A_254[%gather3A_632] in [0] : vector<16xf32>, vector<16xi32> -> vector<16xf32>
        %broadcast_in_dim3A_634 = vector.shape_cast %broadcast_in_dim3A_630 : vector<16xi32> to vector<16x1xi32>
        %gather3A_635 = vector.shape_cast %broadcast_in_dim3A_634 : vector<16x1xi32> to vector<16xi32>
        %gather3A_636 = tpu.dynamic_gather %get3A_257[%gather3A_635] in [0] : vector<16xf32>, vector<16xi32> -> vector<16xf32>
        %broadcast_in_dim3A_637 = vector.shape_cast %broadcast_in_dim3A_630 : vector<16xi32> to vector<16x1xi32>
        %gather3A_638 = vector.shape_cast %broadcast_in_dim3A_637 : vector<16x1xi32> to vector<16xi32>
        %gather3A_639 = tpu.dynamic_gather %get3A_260[%gather3A_638] in [0] : vector<16xf32>, vector<16xi32> -> vector<16xf32>
        %add3A_640 = arith.constant 9 : i32
        %add3A_641 = vector.broadcast %add3A_640 : i32 to vector<16xi32>
        %add3A_642 = arith.addi %broadcast_in_dim3A_261, %add3A_641 : vector<16xi32>
        %sub3A_643 = arith.subf %get3A_108, %gather3A_633 : vector<16xf32>
        %sub3A_644 = arith.subf %get3A_111, %gather3A_636 : vector<16xf32>
        %sub3A_645 = arith.subf %get3A_114, %gather3A_639 : vector<16xf32>
        %mul3A_646 = arith.mulf %sub3A_643, %sub3A_643 : vector<16xf32>
        %mul3A_647 = arith.mulf %sub3A_644, %sub3A_644 : vector<16xf32>
        %add3A_648 = arith.addf %mul3A_646, %mul3A_647 : vector<16xf32>
        %mul3A_649 = arith.mulf %sub3A_645, %sub3A_645 : vector<16xf32>
        %add3A_650 = arith.addf %add3A_648, %mul3A_649 : vector<16xf32>
        %ge3A_651 = arith.cmpi sge, %add3A_642, %gather3A_119 : vector<16xi32>
        %lt3A_652 = arith.cmpi slt, %add3A_642, %gather3A_122 : vector<16xi32>
        %and3A_653 = arith.andi %ge3A_651, %lt3A_652 : vector<16xi1>
        %jit3A_654 = arith.constant 0x7F800000 : f32
        %broadcast_in_dim3A_655 = vector.broadcast %jit3A_654 : f32 to vector<16xf32>
        %select_n3A_656 = arith.select %and3A_653, %add3A_650, %broadcast_in_dim3A_655 : vector<16xi1>, vector<16xf32>
        %lt3A_657 = arith.cmpf olt, %select_n3A_656, %select_n3A_627 : vector<16xf32>
        %lt3A_658 = arith.cmpf olt, %select_n3A_656, %select_n3A_624 : vector<16xf32>
        %lt3A_659 = arith.cmpf olt, %select_n3A_656, %select_n3A_620 : vector<16xf32>
        %select_n3A_660 = arith.select %lt3A_658, %select_n3A_624, %select_n3A_656 : vector<16xi1>, vector<16xf32>
        %select_n3A_661 = arith.select %lt3A_659, %select_n3A_660, %select_n3A_620 : vector<16xi1>, vector<16xf32>
        %select_n3A_662 = arith.select %lt3A_658, %select_n3A_626, %add3A_642 : vector<16xi1>, vector<16xi32>
        %select_n3A_663 = arith.select %lt3A_659, %select_n3A_662, %select_n3A_622 : vector<16xi1>, vector<16xi32>
        %select_n3A_664 = arith.select %lt3A_657, %select_n3A_627, %select_n3A_656 : vector<16xi1>, vector<16xf32>
        %select_n3A_665 = arith.select %lt3A_658, %select_n3A_664, %select_n3A_624 : vector<16xi1>, vector<16xf32>
        %select_n3A_666 = arith.select %lt3A_657, %select_n3A_628, %add3A_642 : vector<16xi1>, vector<16xi32>
        %select_n3A_667 = arith.select %lt3A_658, %select_n3A_666, %select_n3A_626 : vector<16xi1>, vector<16xi32>
        %select_n3A_668 = arith.select %lt3A_657, %select_n3A_656, %select_n3A_627 : vector<16xi1>, vector<16xf32>
        %select_n3A_669 = arith.select %lt3A_657, %add3A_642, %select_n3A_628 : vector<16xi1>, vector<16xi32>
        %broadcast_in_dim3A_670 = arith.constant 10 : i32
        %broadcast_in_dim3A_671 = vector.broadcast %broadcast_in_dim3A_670 : i32 to vector<16xi32>
        %broadcast_in_dim3A_672 = vector.shape_cast %broadcast_in_dim3A_671 : vector<16xi32> to vector<16x1xi32>
        %gather3A_673 = vector.shape_cast %broadcast_in_dim3A_672 : vector<16x1xi32> to vector<16xi32>
        %gather3A_674 = tpu.dynamic_gather %get3A_254[%gather3A_673] in [0] : vector<16xf32>, vector<16xi32> -> vector<16xf32>
        %broadcast_in_dim3A_675 = vector.shape_cast %broadcast_in_dim3A_671 : vector<16xi32> to vector<16x1xi32>
        %gather3A_676 = vector.shape_cast %broadcast_in_dim3A_675 : vector<16x1xi32> to vector<16xi32>
        %gather3A_677 = tpu.dynamic_gather %get3A_257[%gather3A_676] in [0] : vector<16xf32>, vector<16xi32> -> vector<16xf32>
        %broadcast_in_dim3A_678 = vector.shape_cast %broadcast_in_dim3A_671 : vector<16xi32> to vector<16x1xi32>
        %gather3A_679 = vector.shape_cast %broadcast_in_dim3A_678 : vector<16x1xi32> to vector<16xi32>
        %gather3A_680 = tpu.dynamic_gather %get3A_260[%gather3A_679] in [0] : vector<16xf32>, vector<16xi32> -> vector<16xf32>
        %add3A_681 = arith.constant 10 : i32
        %add3A_682 = vector.broadcast %add3A_681 : i32 to vector<16xi32>
        %add3A_683 = arith.addi %broadcast_in_dim3A_261, %add3A_682 : vector<16xi32>
        %sub3A_684 = arith.subf %get3A_108, %gather3A_674 : vector<16xf32>
        %sub3A_685 = arith.subf %get3A_111, %gather3A_677 : vector<16xf32>
        %sub3A_686 = arith.subf %get3A_114, %gather3A_680 : vector<16xf32>
        %mul3A_687 = arith.mulf %sub3A_684, %sub3A_684 : vector<16xf32>
        %mul3A_688 = arith.mulf %sub3A_685, %sub3A_685 : vector<16xf32>
        %add3A_689 = arith.addf %mul3A_687, %mul3A_688 : vector<16xf32>
        %mul3A_690 = arith.mulf %sub3A_686, %sub3A_686 : vector<16xf32>
        %add3A_691 = arith.addf %add3A_689, %mul3A_690 : vector<16xf32>
        %ge3A_692 = arith.cmpi sge, %add3A_683, %gather3A_119 : vector<16xi32>
        %lt3A_693 = arith.cmpi slt, %add3A_683, %gather3A_122 : vector<16xi32>
        %and3A_694 = arith.andi %ge3A_692, %lt3A_693 : vector<16xi1>
        %jit3A_695 = arith.constant 0x7F800000 : f32
        %broadcast_in_dim3A_696 = vector.broadcast %jit3A_695 : f32 to vector<16xf32>
        %select_n3A_697 = arith.select %and3A_694, %add3A_691, %broadcast_in_dim3A_696 : vector<16xi1>, vector<16xf32>
        %lt3A_698 = arith.cmpf olt, %select_n3A_697, %select_n3A_668 : vector<16xf32>
        %lt3A_699 = arith.cmpf olt, %select_n3A_697, %select_n3A_665 : vector<16xf32>
        %lt3A_700 = arith.cmpf olt, %select_n3A_697, %select_n3A_661 : vector<16xf32>
        %select_n3A_701 = arith.select %lt3A_699, %select_n3A_665, %select_n3A_697 : vector<16xi1>, vector<16xf32>
        %select_n3A_702 = arith.select %lt3A_700, %select_n3A_701, %select_n3A_661 : vector<16xi1>, vector<16xf32>
        %select_n3A_703 = arith.select %lt3A_699, %select_n3A_667, %add3A_683 : vector<16xi1>, vector<16xi32>
        %select_n3A_704 = arith.select %lt3A_700, %select_n3A_703, %select_n3A_663 : vector<16xi1>, vector<16xi32>
        %select_n3A_705 = arith.select %lt3A_698, %select_n3A_668, %select_n3A_697 : vector<16xi1>, vector<16xf32>
        %select_n3A_706 = arith.select %lt3A_699, %select_n3A_705, %select_n3A_665 : vector<16xi1>, vector<16xf32>
        %select_n3A_707 = arith.select %lt3A_698, %select_n3A_669, %add3A_683 : vector<16xi1>, vector<16xi32>
        %select_n3A_708 = arith.select %lt3A_699, %select_n3A_707, %select_n3A_667 : vector<16xi1>, vector<16xi32>
        %select_n3A_709 = arith.select %lt3A_698, %select_n3A_697, %select_n3A_668 : vector<16xi1>, vector<16xf32>
        %select_n3A_710 = arith.select %lt3A_698, %add3A_683, %select_n3A_669 : vector<16xi1>, vector<16xi32>
        %broadcast_in_dim3A_711 = arith.constant 11 : i32
        %broadcast_in_dim3A_712 = vector.broadcast %broadcast_in_dim3A_711 : i32 to vector<16xi32>
        %broadcast_in_dim3A_713 = vector.shape_cast %broadcast_in_dim3A_712 : vector<16xi32> to vector<16x1xi32>
        %gather3A_714 = vector.shape_cast %broadcast_in_dim3A_713 : vector<16x1xi32> to vector<16xi32>
        %gather3A_715 = tpu.dynamic_gather %get3A_254[%gather3A_714] in [0] : vector<16xf32>, vector<16xi32> -> vector<16xf32>
        %broadcast_in_dim3A_716 = vector.shape_cast %broadcast_in_dim3A_712 : vector<16xi32> to vector<16x1xi32>
        %gather3A_717 = vector.shape_cast %broadcast_in_dim3A_716 : vector<16x1xi32> to vector<16xi32>
        %gather3A_718 = tpu.dynamic_gather %get3A_257[%gather3A_717] in [0] : vector<16xf32>, vector<16xi32> -> vector<16xf32>
        %broadcast_in_dim3A_719 = vector.shape_cast %broadcast_in_dim3A_712 : vector<16xi32> to vector<16x1xi32>
        %gather3A_720 = vector.shape_cast %broadcast_in_dim3A_719 : vector<16x1xi32> to vector<16xi32>
        %gather3A_721 = tpu.dynamic_gather %get3A_260[%gather3A_720] in [0] : vector<16xf32>, vector<16xi32> -> vector<16xf32>
        %add3A_722 = arith.constant 11 : i32
        %add3A_723 = vector.broadcast %add3A_722 : i32 to vector<16xi32>
        %add3A_724 = arith.addi %broadcast_in_dim3A_261, %add3A_723 : vector<16xi32>
        %sub3A_725 = arith.subf %get3A_108, %gather3A_715 : vector<16xf32>
        %sub3A_726 = arith.subf %get3A_111, %gather3A_718 : vector<16xf32>
        %sub3A_727 = arith.subf %get3A_114, %gather3A_721 : vector<16xf32>
        %mul3A_728 = arith.mulf %sub3A_725, %sub3A_725 : vector<16xf32>
        %mul3A_729 = arith.mulf %sub3A_726, %sub3A_726 : vector<16xf32>
        %add3A_730 = arith.addf %mul3A_728, %mul3A_729 : vector<16xf32>
        %mul3A_731 = arith.mulf %sub3A_727, %sub3A_727 : vector<16xf32>
        %add3A_732 = arith.addf %add3A_730, %mul3A_731 : vector<16xf32>
        %ge3A_733 = arith.cmpi sge, %add3A_724, %gather3A_119 : vector<16xi32>
        %lt3A_734 = arith.cmpi slt, %add3A_724, %gather3A_122 : vector<16xi32>
        %and3A_735 = arith.andi %ge3A_733, %lt3A_734 : vector<16xi1>
        %jit3A_736 = arith.constant 0x7F800000 : f32
        %broadcast_in_dim3A_737 = vector.broadcast %jit3A_736 : f32 to vector<16xf32>
        %select_n3A_738 = arith.select %and3A_735, %add3A_732, %broadcast_in_dim3A_737 : vector<16xi1>, vector<16xf32>
        %lt3A_739 = arith.cmpf olt, %select_n3A_738, %select_n3A_709 : vector<16xf32>
        %lt3A_740 = arith.cmpf olt, %select_n3A_738, %select_n3A_706 : vector<16xf32>
        %lt3A_741 = arith.cmpf olt, %select_n3A_738, %select_n3A_702 : vector<16xf32>
        %select_n3A_742 = arith.select %lt3A_740, %select_n3A_706, %select_n3A_738 : vector<16xi1>, vector<16xf32>
        %select_n3A_743 = arith.select %lt3A_741, %select_n3A_742, %select_n3A_702 : vector<16xi1>, vector<16xf32>
        %select_n3A_744 = arith.select %lt3A_740, %select_n3A_708, %add3A_724 : vector<16xi1>, vector<16xi32>
        %select_n3A_745 = arith.select %lt3A_741, %select_n3A_744, %select_n3A_704 : vector<16xi1>, vector<16xi32>
        %select_n3A_746 = arith.select %lt3A_739, %select_n3A_709, %select_n3A_738 : vector<16xi1>, vector<16xf32>
        %select_n3A_747 = arith.select %lt3A_740, %select_n3A_746, %select_n3A_706 : vector<16xi1>, vector<16xf32>
        %select_n3A_748 = arith.select %lt3A_739, %select_n3A_710, %add3A_724 : vector<16xi1>, vector<16xi32>
        %select_n3A_749 = arith.select %lt3A_740, %select_n3A_748, %select_n3A_708 : vector<16xi1>, vector<16xi32>
        %select_n3A_750 = arith.select %lt3A_739, %select_n3A_738, %select_n3A_709 : vector<16xi1>, vector<16xf32>
        %select_n3A_751 = arith.select %lt3A_739, %add3A_724, %select_n3A_710 : vector<16xi1>, vector<16xi32>
        %broadcast_in_dim3A_752 = arith.constant 12 : i32
        %broadcast_in_dim3A_753 = vector.broadcast %broadcast_in_dim3A_752 : i32 to vector<16xi32>
        %broadcast_in_dim3A_754 = vector.shape_cast %broadcast_in_dim3A_753 : vector<16xi32> to vector<16x1xi32>
        %gather3A_755 = vector.shape_cast %broadcast_in_dim3A_754 : vector<16x1xi32> to vector<16xi32>
        %gather3A_756 = tpu.dynamic_gather %get3A_254[%gather3A_755] in [0] : vector<16xf32>, vector<16xi32> -> vector<16xf32>
        %broadcast_in_dim3A_757 = vector.shape_cast %broadcast_in_dim3A_753 : vector<16xi32> to vector<16x1xi32>
        %gather3A_758 = vector.shape_cast %broadcast_in_dim3A_757 : vector<16x1xi32> to vector<16xi32>
        %gather3A_759 = tpu.dynamic_gather %get3A_257[%gather3A_758] in [0] : vector<16xf32>, vector<16xi32> -> vector<16xf32>
        %broadcast_in_dim3A_760 = vector.shape_cast %broadcast_in_dim3A_753 : vector<16xi32> to vector<16x1xi32>
        %gather3A_761 = vector.shape_cast %broadcast_in_dim3A_760 : vector<16x1xi32> to vector<16xi32>
        %gather3A_762 = tpu.dynamic_gather %get3A_260[%gather3A_761] in [0] : vector<16xf32>, vector<16xi32> -> vector<16xf32>
        %add3A_763 = arith.constant 12 : i32
        %add3A_764 = vector.broadcast %add3A_763 : i32 to vector<16xi32>
        %add3A_765 = arith.addi %broadcast_in_dim3A_261, %add3A_764 : vector<16xi32>
        %sub3A_766 = arith.subf %get3A_108, %gather3A_756 : vector<16xf32>
        %sub3A_767 = arith.subf %get3A_111, %gather3A_759 : vector<16xf32>
        %sub3A_768 = arith.subf %get3A_114, %gather3A_762 : vector<16xf32>
        %mul3A_769 = arith.mulf %sub3A_766, %sub3A_766 : vector<16xf32>
        %mul3A_770 = arith.mulf %sub3A_767, %sub3A_767 : vector<16xf32>
        %add3A_771 = arith.addf %mul3A_769, %mul3A_770 : vector<16xf32>
        %mul3A_772 = arith.mulf %sub3A_768, %sub3A_768 : vector<16xf32>
        %add3A_773 = arith.addf %add3A_771, %mul3A_772 : vector<16xf32>
        %ge3A_774 = arith.cmpi sge, %add3A_765, %gather3A_119 : vector<16xi32>
        %lt3A_775 = arith.cmpi slt, %add3A_765, %gather3A_122 : vector<16xi32>
        %and3A_776 = arith.andi %ge3A_774, %lt3A_775 : vector<16xi1>
        %jit3A_777 = arith.constant 0x7F800000 : f32
        %broadcast_in_dim3A_778 = vector.broadcast %jit3A_777 : f32 to vector<16xf32>
        %select_n3A_779 = arith.select %and3A_776, %add3A_773, %broadcast_in_dim3A_778 : vector<16xi1>, vector<16xf32>
        %lt3A_780 = arith.cmpf olt, %select_n3A_779, %select_n3A_750 : vector<16xf32>
        %lt3A_781 = arith.cmpf olt, %select_n3A_779, %select_n3A_747 : vector<16xf32>
        %lt3A_782 = arith.cmpf olt, %select_n3A_779, %select_n3A_743 : vector<16xf32>
        %select_n3A_783 = arith.select %lt3A_781, %select_n3A_747, %select_n3A_779 : vector<16xi1>, vector<16xf32>
        %select_n3A_784 = arith.select %lt3A_782, %select_n3A_783, %select_n3A_743 : vector<16xi1>, vector<16xf32>
        %select_n3A_785 = arith.select %lt3A_781, %select_n3A_749, %add3A_765 : vector<16xi1>, vector<16xi32>
        %select_n3A_786 = arith.select %lt3A_782, %select_n3A_785, %select_n3A_745 : vector<16xi1>, vector<16xi32>
        %select_n3A_787 = arith.select %lt3A_780, %select_n3A_750, %select_n3A_779 : vector<16xi1>, vector<16xf32>
        %select_n3A_788 = arith.select %lt3A_781, %select_n3A_787, %select_n3A_747 : vector<16xi1>, vector<16xf32>
        %select_n3A_789 = arith.select %lt3A_780, %select_n3A_751, %add3A_765 : vector<16xi1>, vector<16xi32>
        %select_n3A_790 = arith.select %lt3A_781, %select_n3A_789, %select_n3A_749 : vector<16xi1>, vector<16xi32>
        %select_n3A_791 = arith.select %lt3A_780, %select_n3A_779, %select_n3A_750 : vector<16xi1>, vector<16xf32>
        %select_n3A_792 = arith.select %lt3A_780, %add3A_765, %select_n3A_751 : vector<16xi1>, vector<16xi32>
        %broadcast_in_dim3A_793 = arith.constant 13 : i32
        %broadcast_in_dim3A_794 = vector.broadcast %broadcast_in_dim3A_793 : i32 to vector<16xi32>
        %broadcast_in_dim3A_795 = vector.shape_cast %broadcast_in_dim3A_794 : vector<16xi32> to vector<16x1xi32>
        %gather3A_796 = vector.shape_cast %broadcast_in_dim3A_795 : vector<16x1xi32> to vector<16xi32>
        %gather3A_797 = tpu.dynamic_gather %get3A_254[%gather3A_796] in [0] : vector<16xf32>, vector<16xi32> -> vector<16xf32>
        %broadcast_in_dim3A_798 = vector.shape_cast %broadcast_in_dim3A_794 : vector<16xi32> to vector<16x1xi32>
        %gather3A_799 = vector.shape_cast %broadcast_in_dim3A_798 : vector<16x1xi32> to vector<16xi32>
        %gather3A_800 = tpu.dynamic_gather %get3A_257[%gather3A_799] in [0] : vector<16xf32>, vector<16xi32> -> vector<16xf32>
        %broadcast_in_dim3A_801 = vector.shape_cast %broadcast_in_dim3A_794 : vector<16xi32> to vector<16x1xi32>
        %gather3A_802 = vector.shape_cast %broadcast_in_dim3A_801 : vector<16x1xi32> to vector<16xi32>
        %gather3A_803 = tpu.dynamic_gather %get3A_260[%gather3A_802] in [0] : vector<16xf32>, vector<16xi32> -> vector<16xf32>
        %add3A_804 = arith.constant 13 : i32
        %add3A_805 = vector.broadcast %add3A_804 : i32 to vector<16xi32>
        %add3A_806 = arith.addi %broadcast_in_dim3A_261, %add3A_805 : vector<16xi32>
        %sub3A_807 = arith.subf %get3A_108, %gather3A_797 : vector<16xf32>
        %sub3A_808 = arith.subf %get3A_111, %gather3A_800 : vector<16xf32>
        %sub3A_809 = arith.subf %get3A_114, %gather3A_803 : vector<16xf32>
        %mul3A_810 = arith.mulf %sub3A_807, %sub3A_807 : vector<16xf32>
        %mul3A_811 = arith.mulf %sub3A_808, %sub3A_808 : vector<16xf32>
        %add3A_812 = arith.addf %mul3A_810, %mul3A_811 : vector<16xf32>
        %mul3A_813 = arith.mulf %sub3A_809, %sub3A_809 : vector<16xf32>
        %add3A_814 = arith.addf %add3A_812, %mul3A_813 : vector<16xf32>
        %ge3A_815 = arith.cmpi sge, %add3A_806, %gather3A_119 : vector<16xi32>
        %lt3A_816 = arith.cmpi slt, %add3A_806, %gather3A_122 : vector<16xi32>
        %and3A_817 = arith.andi %ge3A_815, %lt3A_816 : vector<16xi1>
        %jit3A_818 = arith.constant 0x7F800000 : f32
        %broadcast_in_dim3A_819 = vector.broadcast %jit3A_818 : f32 to vector<16xf32>
        %select_n3A_820 = arith.select %and3A_817, %add3A_814, %broadcast_in_dim3A_819 : vector<16xi1>, vector<16xf32>
        %lt3A_821 = arith.cmpf olt, %select_n3A_820, %select_n3A_791 : vector<16xf32>
        %lt3A_822 = arith.cmpf olt, %select_n3A_820, %select_n3A_788 : vector<16xf32>
        %lt3A_823 = arith.cmpf olt, %select_n3A_820, %select_n3A_784 : vector<16xf32>
        %select_n3A_824 = arith.select %lt3A_822, %select_n3A_788, %select_n3A_820 : vector<16xi1>, vector<16xf32>
        %select_n3A_825 = arith.select %lt3A_823, %select_n3A_824, %select_n3A_784 : vector<16xi1>, vector<16xf32>
        %select_n3A_826 = arith.select %lt3A_822, %select_n3A_790, %add3A_806 : vector<16xi1>, vector<16xi32>
        %select_n3A_827 = arith.select %lt3A_823, %select_n3A_826, %select_n3A_786 : vector<16xi1>, vector<16xi32>
        %select_n3A_828 = arith.select %lt3A_821, %select_n3A_791, %select_n3A_820 : vector<16xi1>, vector<16xf32>
        %select_n3A_829 = arith.select %lt3A_822, %select_n3A_828, %select_n3A_788 : vector<16xi1>, vector<16xf32>
        %select_n3A_830 = arith.select %lt3A_821, %select_n3A_792, %add3A_806 : vector<16xi1>, vector<16xi32>
        %select_n3A_831 = arith.select %lt3A_822, %select_n3A_830, %select_n3A_790 : vector<16xi1>, vector<16xi32>
        %select_n3A_832 = arith.select %lt3A_821, %select_n3A_820, %select_n3A_791 : vector<16xi1>, vector<16xf32>
        %select_n3A_833 = arith.select %lt3A_821, %add3A_806, %select_n3A_792 : vector<16xi1>, vector<16xi32>
        %broadcast_in_dim3A_834 = arith.constant 14 : i32
        %broadcast_in_dim3A_835 = vector.broadcast %broadcast_in_dim3A_834 : i32 to vector<16xi32>
        %broadcast_in_dim3A_836 = vector.shape_cast %broadcast_in_dim3A_835 : vector<16xi32> to vector<16x1xi32>
        %gather3A_837 = vector.shape_cast %broadcast_in_dim3A_836 : vector<16x1xi32> to vector<16xi32>
        %gather3A_838 = tpu.dynamic_gather %get3A_254[%gather3A_837] in [0] : vector<16xf32>, vector<16xi32> -> vector<16xf32>
        %broadcast_in_dim3A_839 = vector.shape_cast %broadcast_in_dim3A_835 : vector<16xi32> to vector<16x1xi32>
        %gather3A_840 = vector.shape_cast %broadcast_in_dim3A_839 : vector<16x1xi32> to vector<16xi32>
        %gather3A_841 = tpu.dynamic_gather %get3A_257[%gather3A_840] in [0] : vector<16xf32>, vector<16xi32> -> vector<16xf32>
        %broadcast_in_dim3A_842 = vector.shape_cast %broadcast_in_dim3A_835 : vector<16xi32> to vector<16x1xi32>
        %gather3A_843 = vector.shape_cast %broadcast_in_dim3A_842 : vector<16x1xi32> to vector<16xi32>
        %gather3A_844 = tpu.dynamic_gather %get3A_260[%gather3A_843] in [0] : vector<16xf32>, vector<16xi32> -> vector<16xf32>
        %add3A_845 = arith.constant 14 : i32
        %add3A_846 = vector.broadcast %add3A_845 : i32 to vector<16xi32>
        %add3A_847 = arith.addi %broadcast_in_dim3A_261, %add3A_846 : vector<16xi32>
        %sub3A_848 = arith.subf %get3A_108, %gather3A_838 : vector<16xf32>
        %sub3A_849 = arith.subf %get3A_111, %gather3A_841 : vector<16xf32>
        %sub3A_850 = arith.subf %get3A_114, %gather3A_844 : vector<16xf32>
        %mul3A_851 = arith.mulf %sub3A_848, %sub3A_848 : vector<16xf32>
        %mul3A_852 = arith.mulf %sub3A_849, %sub3A_849 : vector<16xf32>
        %add3A_853 = arith.addf %mul3A_851, %mul3A_852 : vector<16xf32>
        %mul3A_854 = arith.mulf %sub3A_850, %sub3A_850 : vector<16xf32>
        %add3A_855 = arith.addf %add3A_853, %mul3A_854 : vector<16xf32>
        %ge3A_856 = arith.cmpi sge, %add3A_847, %gather3A_119 : vector<16xi32>
        %lt3A_857 = arith.cmpi slt, %add3A_847, %gather3A_122 : vector<16xi32>
        %and3A_858 = arith.andi %ge3A_856, %lt3A_857 : vector<16xi1>
        %jit3A_859 = arith.constant 0x7F800000 : f32
        %broadcast_in_dim3A_860 = vector.broadcast %jit3A_859 : f32 to vector<16xf32>
        %select_n3A_861 = arith.select %and3A_858, %add3A_855, %broadcast_in_dim3A_860 : vector<16xi1>, vector<16xf32>
        %lt3A_862 = arith.cmpf olt, %select_n3A_861, %select_n3A_832 : vector<16xf32>
        %lt3A_863 = arith.cmpf olt, %select_n3A_861, %select_n3A_829 : vector<16xf32>
        %lt3A_864 = arith.cmpf olt, %select_n3A_861, %select_n3A_825 : vector<16xf32>
        %select_n3A_865 = arith.select %lt3A_863, %select_n3A_829, %select_n3A_861 : vector<16xi1>, vector<16xf32>
        %select_n3A_866 = arith.select %lt3A_864, %select_n3A_865, %select_n3A_825 : vector<16xi1>, vector<16xf32>
        %select_n3A_867 = arith.select %lt3A_863, %select_n3A_831, %add3A_847 : vector<16xi1>, vector<16xi32>
        %select_n3A_868 = arith.select %lt3A_864, %select_n3A_867, %select_n3A_827 : vector<16xi1>, vector<16xi32>
        %select_n3A_869 = arith.select %lt3A_862, %select_n3A_832, %select_n3A_861 : vector<16xi1>, vector<16xf32>
        %select_n3A_870 = arith.select %lt3A_863, %select_n3A_869, %select_n3A_829 : vector<16xi1>, vector<16xf32>
        %select_n3A_871 = arith.select %lt3A_862, %select_n3A_833, %add3A_847 : vector<16xi1>, vector<16xi32>
        %select_n3A_872 = arith.select %lt3A_863, %select_n3A_871, %select_n3A_831 : vector<16xi1>, vector<16xi32>
        %select_n3A_873 = arith.select %lt3A_862, %select_n3A_861, %select_n3A_832 : vector<16xi1>, vector<16xf32>
        %select_n3A_874 = arith.select %lt3A_862, %add3A_847, %select_n3A_833 : vector<16xi1>, vector<16xi32>
        %broadcast_in_dim3A_875 = arith.constant 15 : i32
        %broadcast_in_dim3A_876 = vector.broadcast %broadcast_in_dim3A_875 : i32 to vector<16xi32>
        %broadcast_in_dim3A_877 = vector.shape_cast %broadcast_in_dim3A_876 : vector<16xi32> to vector<16x1xi32>
        %gather3A_878 = vector.shape_cast %broadcast_in_dim3A_877 : vector<16x1xi32> to vector<16xi32>
        %gather3A_879 = tpu.dynamic_gather %get3A_254[%gather3A_878] in [0] : vector<16xf32>, vector<16xi32> -> vector<16xf32>
        %broadcast_in_dim3A_880 = vector.shape_cast %broadcast_in_dim3A_876 : vector<16xi32> to vector<16x1xi32>
        %gather3A_881 = vector.shape_cast %broadcast_in_dim3A_880 : vector<16x1xi32> to vector<16xi32>
        %gather3A_882 = tpu.dynamic_gather %get3A_257[%gather3A_881] in [0] : vector<16xf32>, vector<16xi32> -> vector<16xf32>
        %broadcast_in_dim3A_883 = vector.shape_cast %broadcast_in_dim3A_876 : vector<16xi32> to vector<16x1xi32>
        %gather3A_884 = vector.shape_cast %broadcast_in_dim3A_883 : vector<16x1xi32> to vector<16xi32>
        %gather3A_885 = tpu.dynamic_gather %get3A_260[%gather3A_884] in [0] : vector<16xf32>, vector<16xi32> -> vector<16xf32>
        %add3A_886 = arith.constant 15 : i32
        %add3A_887 = vector.broadcast %add3A_886 : i32 to vector<16xi32>
        %add3A_888 = arith.addi %broadcast_in_dim3A_261, %add3A_887 : vector<16xi32>
        %sub3A_889 = arith.subf %get3A_108, %gather3A_879 : vector<16xf32>
        %sub3A_890 = arith.subf %get3A_111, %gather3A_882 : vector<16xf32>
        %sub3A_891 = arith.subf %get3A_114, %gather3A_885 : vector<16xf32>
        %mul3A_892 = arith.mulf %sub3A_889, %sub3A_889 : vector<16xf32>
        %mul3A_893 = arith.mulf %sub3A_890, %sub3A_890 : vector<16xf32>
        %add3A_894 = arith.addf %mul3A_892, %mul3A_893 : vector<16xf32>
        %mul3A_895 = arith.mulf %sub3A_891, %sub3A_891 : vector<16xf32>
        %add3A_896 = arith.addf %add3A_894, %mul3A_895 : vector<16xf32>
        %ge3A_897 = arith.cmpi sge, %add3A_888, %gather3A_119 : vector<16xi32>
        %lt3A_898 = arith.cmpi slt, %add3A_888, %gather3A_122 : vector<16xi32>
        %and3A_899 = arith.andi %ge3A_897, %lt3A_898 : vector<16xi1>
        %jit3A_900 = arith.constant 0x7F800000 : f32
        %broadcast_in_dim3A_901 = vector.broadcast %jit3A_900 : f32 to vector<16xf32>
        %select_n3A_902 = arith.select %and3A_899, %add3A_896, %broadcast_in_dim3A_901 : vector<16xi1>, vector<16xf32>
        %lt3A_903 = arith.cmpf olt, %select_n3A_902, %select_n3A_873 : vector<16xf32>
        %lt3A_904 = arith.cmpf olt, %select_n3A_902, %select_n3A_870 : vector<16xf32>
        %lt3A_905 = arith.cmpf olt, %select_n3A_902, %select_n3A_866 : vector<16xf32>
        %select_n3A_906 = arith.select %lt3A_904, %select_n3A_870, %select_n3A_902 : vector<16xi1>, vector<16xf32>
        %select_n3A_907 = arith.select %lt3A_905, %select_n3A_906, %select_n3A_866 : vector<16xi1>, vector<16xf32>
        %select_n3A_908 = arith.select %lt3A_904, %select_n3A_872, %add3A_888 : vector<16xi1>, vector<16xi32>
        %select_n3A_909 = arith.select %lt3A_905, %select_n3A_908, %select_n3A_868 : vector<16xi1>, vector<16xi32>
        %select_n3A_910 = arith.select %lt3A_903, %select_n3A_873, %select_n3A_902 : vector<16xi1>, vector<16xf32>
        %select_n3A_911 = arith.select %lt3A_904, %select_n3A_910, %select_n3A_870 : vector<16xi1>, vector<16xf32>
        %select_n3A_912 = arith.select %lt3A_903, %select_n3A_874, %add3A_888 : vector<16xi1>, vector<16xi32>
        %select_n3A_913 = arith.select %lt3A_904, %select_n3A_912, %select_n3A_872 : vector<16xi1>, vector<16xi32>
        %select_n3A_914 = arith.select %lt3A_903, %select_n3A_902, %select_n3A_873 : vector<16xi1>, vector<16xf32>
        %select_n3A_915 = arith.select %lt3A_903, %add3A_888, %select_n3A_874 : vector<16xi1>, vector<16xi32>
        scf.yield %select_n3A_914, %select_n3A_911, %select_n3A_907, %select_n3A_915, %select_n3A_913, %select_n3A_909 : vector<16xf32>, vector<16xf32>, vector<16xf32>, vector<16xi32>, vector<16xi32>, vector<16xi32>
      }
      %max3A = arith.constant 1.000000e-16 : f32
      %max3A_193 = vector.broadcast %max3A : f32 to vector<16xf32>
      %max3A_194 = arith.maximumf %while3A_192#0, %max3A_193 : vector<16xf32>
      %div3A_195 = arith.constant 1.000000e+00 : f32
      %div3A_196 = vector.broadcast %div3A_195 : f32 to vector<16xf32>
      %div3A_197 = arith.divf %div3A_196, %max3A_194 : vector<16xf32>
      %max3A_198 = arith.constant 1.000000e-16 : f32
      %max3A_199 = vector.broadcast %max3A_198 : f32 to vector<16xf32>
      %max3A_200 = arith.maximumf %while3A_192#1, %max3A_199 : vector<16xf32>
      %div3A_201 = arith.constant 1.000000e+00 : f32
      %div3A_202 = vector.broadcast %div3A_201 : f32 to vector<16xf32>
      %div3A_203 = arith.divf %div3A_202, %max3A_200 : vector<16xf32>
      %max3A_204 = arith.constant 1.000000e-16 : f32
      %max3A_205 = vector.broadcast %max3A_204 : f32 to vector<16xf32>
      %max3A_206 = arith.maximumf %while3A_192#2, %max3A_205 : vector<16xf32>
      %div3A_207 = arith.constant 1.000000e+00 : f32
      %div3A_208 = vector.broadcast %div3A_207 : f32 to vector<16xf32>
      %div3A_209 = arith.divf %div3A_208, %max3A_206 : vector<16xf32>
      %add3A_210 = arith.addf %div3A_197, %div3A_203 : vector<16xf32>
      %add3A_211 = arith.addf %add3A_210, %div3A_209 : vector<16xf32>
      %div3A_212 = arith.constant 1.000000e+00 : f32
      %div3A_213 = vector.broadcast %div3A_212 : f32 to vector<16xf32>
      %div3A_214 = arith.divf %div3A_213, %add3A_211 : vector<16xf32>
      %mul3A_215 = arith.mulf %div3A_197, %div3A_214 : vector<16xf32>
      %swap3A = arith.index_cast %mul3A_105 : i32 to index
      %swap3A_216 = tpu.vector_load %arg26[%swap3A] {strides = array<i32>} : memref<272xf32, #tpu.memory_space<vmem>>, vector<16xf32>,
      %swap3A_217 = vector.shape_cast %swap3A_216 : vector<16xf32> to vector<16xf32>
      %swap3A_218 = vector.shape_cast %mul3A_215 : vector<16xf32> to vector<16xf32>
      tpu.vector_store %arg26[%swap3A], %swap3A_218 {strides = array<i32>} : memref<272xf32, #tpu.memory_space<vmem>>, vector<16xf32>,
      %mul3A_219 = arith.mulf %div3A_203, %div3A_214 : vector<16xf32>
      %swap3A_220 = arith.index_cast %mul3A_105 : i32 to index
      %swap3A_221 = tpu.vector_load %arg27[%swap3A_220] {strides = array<i32>} : memref<272xf32, #tpu.memory_space<vmem>>, vector<16xf32>,
      %swap3A_222 = vector.shape_cast %swap3A_221 : vector<16xf32> to vector<16xf32>
      %swap3A_223 = vector.shape_cast %mul3A_219 : vector<16xf32> to vector<16xf32>
      tpu.vector_store %arg27[%swap3A_220], %swap3A_223 {strides = array<i32>} : memref<272xf32, #tpu.memory_space<vmem>>, vector<16xf32>,
      %mul3A_224 = arith.mulf %div3A_209, %div3A_214 : vector<16xf32>
      %swap3A_225 = arith.index_cast %mul3A_105 : i32 to index
      %swap3A_226 = tpu.vector_load %arg28[%swap3A_225] {strides = array<i32>} : memref<272xf32, #tpu.memory_space<vmem>>, vector<16xf32>,
      %swap3A_227 = vector.shape_cast %swap3A_226 : vector<16xf32> to vector<16xf32>
      %swap3A_228 = vector.shape_cast %mul3A_224 : vector<16xf32> to vector<16xf32>
      tpu.vector_store %arg28[%swap3A_225], %swap3A_228 {strides = array<i32>} : memref<272xf32, #tpu.memory_space<vmem>>, vector<16xf32>,
      %swap3A_229 = arith.index_cast %mul3A_105 : i32 to index
      %swap3A_230 = tpu.vector_load %arg29[%swap3A_229] {strides = array<i32>} : memref<256xi32, #tpu.memory_space<vmem>>, vector<16xi32>,
      %swap3A_231 = vector.shape_cast %swap3A_230 : vector<16xi32> to vector<16xi32>
      %swap3A_232 = vector.shape_cast %while3A_192#3 : vector<16xi32> to vector<16xi32>
      tpu.vector_store %arg29[%swap3A_229], %swap3A_232 {strides = array<i32>} : memref<256xi32, #tpu.memory_space<vmem>>, vector<16xi32>,
      %swap3A_233 = arith.index_cast %mul3A_105 : i32 to index
      %swap3A_234 = tpu.vector_load %arg30[%swap3A_233] {strides = array<i32>} : memref<256xi32, #tpu.memory_space<vmem>>, vector<16xi32>,
      %swap3A_235 = vector.shape_cast %swap3A_234 : vector<16xi32> to vector<16xi32>
      %swap3A_236 = vector.shape_cast %while3A_192#4 : vector<16xi32> to vector<16xi32>
      tpu.vector_store %arg30[%swap3A_233], %swap3A_236 {strides = array<i32>} : memref<256xi32, #tpu.memory_space<vmem>>, vector<16xi32>,
      %swap3A_237 = arith.index_cast %mul3A_105 : i32 to index
      %swap3A_238 = tpu.vector_load %arg31[%swap3A_237] {strides = array<i32>} : memref<256xi32, #tpu.memory_space<vmem>>, vector<16xi32>,
      %swap3A_239 = vector.shape_cast %swap3A_238 : vector<16xi32> to vector<16xi32>
      %swap3A_240 = vector.shape_cast %while3A_192#5 : vector<16xi32> to vector<16xi32>
      tpu.vector_store %arg31[%swap3A_237], %swap3A_240 {strides = array<i32>} : memref<256xi32, #tpu.memory_space<vmem>>, vector<16xi32>,
    }
    %scan3A_20 = arith.constant 16 : i32
    %broadcast_in_dim3A_21 = arith.constant 0 : i32
    %broadcast_in_dim3A_22 = vector.broadcast %broadcast_in_dim3A_21 : i32 to vector<16xi32>
    %dma_start3A = arith.constant 0 : i32
    %dma_start3A_23 = tpu.memref_slice %arg29[%dma_start3A] : memref<256xi32, #tpu.memory_space<vmem>> -> memref<128xi32, #tpu.memory_space<vmem>>
    %dma_start3A_24 = arith.constant 0 : i32
    %dma_start3A_25 = arith.constant 0 : i32
    %dma_start3A_26 = tpu.memref_slice %arg13[%dma_start3A_24, %dma_start3A_25] : memref<4096x128xf32, #tpu.memory_space<hbm>> -> memref<4096x128xf32, #tpu.memory_space<hbm>>
    tpu.enqueue_indirect_dma source(%dma_start3A_26 : memref<4096x128xf32, #tpu.memory_space<hbm>>) target(%arg32 : memref<128x128xf32, #tpu.memory_space<vmem>>) offsets(%dma_start3A_23 : memref<128xi32, #tpu.memory_space<vmem>>) semaphore(%arg36 : memref<!tpu.dma_semaphore, #tpu.memory_space<semaphore_mem>>)
    %dma_start3A_27 = arith.constant 0 : i32
    %dma_start3A_28 = tpu.memref_slice %arg30[%dma_start3A_27] : memref<256xi32, #tpu.memory_space<vmem>> -> memref<128xi32, #tpu.memory_space<vmem>>
    %dma_start3A_29 = arith.constant 0 : i32
    %dma_start3A_30 = arith.constant 0 : i32
    %dma_start3A_31 = tpu.memref_slice %arg13[%dma_start3A_29, %dma_start3A_30] : memref<4096x128xf32, #tpu.memory_space<hbm>> -> memref<4096x128xf32, #tpu.memory_space<hbm>>
    tpu.enqueue_indirect_dma source(%dma_start3A_31 : memref<4096x128xf32, #tpu.memory_space<hbm>>) target(%arg33 : memref<128x128xf32, #tpu.memory_space<vmem>>) offsets(%dma_start3A_28 : memref<128xi32, #tpu.memory_space<vmem>>) semaphore(%arg36 : memref<!tpu.dma_semaphore, #tpu.memory_space<semaphore_mem>>)
    %dma_start3A_32 = arith.constant 0 : i32
    %dma_start3A_33 = tpu.memref_slice %arg31[%dma_start3A_32] : memref<256xi32, #tpu.memory_space<vmem>> -> memref<128xi32, #tpu.memory_space<vmem>>
    %dma_start3A_34 = arith.constant 0 : i32
    %dma_start3A_35 = arith.constant 0 : i32
    %dma_start3A_36 = tpu.memref_slice %arg13[%dma_start3A_34, %dma_start3A_35] : memref<4096x128xf32, #tpu.memory_space<hbm>> -> memref<4096x128xf32, #tpu.memory_space<hbm>>
    tpu.enqueue_indirect_dma source(%dma_start3A_36 : memref<4096x128xf32, #tpu.memory_space<hbm>>) target(%arg34 : memref<128x128xf32, #tpu.memory_space<vmem>>) offsets(%dma_start3A_33 : memref<128xi32, #tpu.memory_space<vmem>>) semaphore(%arg36 : memref<!tpu.dma_semaphore, #tpu.memory_space<semaphore_mem>>)
    %dma_wait3A = arith.constant 0 : i32
    %dma_wait3A_37 = tpu.memref_slice %arg29[%dma_wait3A] : memref<256xi32, #tpu.memory_space<vmem>> -> memref<128xi32, #tpu.memory_space<vmem>>
    %dma_wait3A_38 = arith.constant 0 : i32
    %dma_wait3A_39 = arith.constant 0 : i32
    %dma_wait3A_40 = tpu.memref_slice %arg13[%dma_wait3A_38, %dma_wait3A_39] : memref<4096x128xf32, #tpu.memory_space<hbm>> -> memref<4096x128xf32, #tpu.memory_space<hbm>>
    tpu.wait_indirect_dma semaphore(%arg36 : memref<!tpu.dma_semaphore, #tpu.memory_space<semaphore_mem>>) src(%dma_wait3A_40 : memref<4096x128xf32, #tpu.memory_space<hbm>>) dst(%arg32 : memref<128x128xf32, #tpu.memory_space<vmem>>)
    %dma_wait3A_41 = arith.constant 0 : i32
    %dma_wait3A_42 = tpu.memref_slice %arg30[%dma_wait3A_41] : memref<256xi32, #tpu.memory_space<vmem>> -> memref<128xi32, #tpu.memory_space<vmem>>
    %dma_wait3A_43 = arith.constant 0 : i32
    %dma_wait3A_44 = arith.constant 0 : i32
    %dma_wait3A_45 = tpu.memref_slice %arg13[%dma_wait3A_43, %dma_wait3A_44] : memref<4096x128xf32, #tpu.memory_space<hbm>> -> memref<4096x128xf32, #tpu.memory_space<hbm>>
    tpu.wait_indirect_dma semaphore(%arg36 : memref<!tpu.dma_semaphore, #tpu.memory_space<semaphore_mem>>) src(%dma_wait3A_45 : memref<4096x128xf32, #tpu.memory_space<hbm>>) dst(%arg33 : memref<128x128xf32, #tpu.memory_space<vmem>>)
    %dma_wait3A_46 = arith.constant 0 : i32
    %dma_wait3A_47 = tpu.memref_slice %arg31[%dma_wait3A_46] : memref<256xi32, #tpu.memory_space<vmem>> -> memref<128xi32, #tpu.memory_space<vmem>>
    %dma_wait3A_48 = arith.constant 0 : i32
    %dma_wait3A_49 = arith.constant 0 : i32
    %dma_wait3A_50 = tpu.memref_slice %arg13[%dma_wait3A_48, %dma_wait3A_49] : memref<4096x128xf32, #tpu.memory_space<hbm>> -> memref<4096x128xf32, #tpu.memory_space<hbm>>
    tpu.wait_indirect_dma semaphore(%arg36 : memref<!tpu.dma_semaphore, #tpu.memory_space<semaphore_mem>>) src(%dma_wait3A_50 : memref<4096x128xf32, #tpu.memory_space<hbm>>) dst(%arg34 : memref<128x128xf32, #tpu.memory_space<vmem>>)
    %scan3A_51 = arith.constant 0 : i32
    %scan3A_52 = arith.constant 128 : i32
    %scan3A_53 = arith.addi %scan3A_51, %scan3A_52 : i32
    %scan3A_54 = arith.constant 1 : i32
    scf.for %scan3A_99 = %scan3A_51 to %scan3A_53 step %scan3A_54  : i32 {
      %mul3A_100 = arith.constant 1 : i32
      %mul3A_101 = arith.muli %scan3A_99, %mul3A_100 : i32
      %add3A_102 = arith.constant 0 : i32
      %add3A_103 = arith.addi %add3A_102, %mul3A_101 : i32
      %add3A_104 = arith.constant 0 : i32
      %add3A_105 = arith.addi %add3A_104, %add3A_103 : i32
      %get3A_106 = arith.index_cast %add3A_105 : i32 to index
      %get3A_107 = tpu.vector_load %arg26[%get3A_106] {strides = array<i32>} : memref<272xf32, #tpu.memory_space<vmem>>, vector<16xf32>,
      %get3A_108 = vector.shape_cast %get3A_107 : vector<16xf32> to vector<16xf32>
      %broadcast_in_dim3A_109 = vector.shape_cast %broadcast_in_dim3A_22 : vector<16xi32> to vector<16x1xi32>
      %gather3A = vector.shape_cast %broadcast_in_dim3A_109 : vector<16x1xi32> to vector<16xi32>
      %gather3A_110 = tpu.dynamic_gather %get3A_108[%gather3A] in [0] : vector<16xf32>, vector<16xi32> -> vector<16xf32>
      %add3A_111 = arith.constant 0 : i32
      %add3A_112 = arith.addi %add3A_111, %add3A_103 : i32
      %get3A_113 = arith.index_cast %add3A_112 : i32 to index
      %get3A_114 = tpu.vector_load %arg27[%get3A_113] {strides = array<i32>} : memref<272xf32, #tpu.memory_space<vmem>>, vector<16xf32>,
      %get3A_115 = vector.shape_cast %get3A_114 : vector<16xf32> to vector<16xf32>
      %broadcast_in_dim3A_116 = vector.shape_cast %broadcast_in_dim3A_22 : vector<16xi32> to vector<16x1xi32>
      %gather3A_117 = vector.shape_cast %broadcast_in_dim3A_116 : vector<16x1xi32> to vector<16xi32>
      %gather3A_118 = tpu.dynamic_gather %get3A_115[%gather3A_117] in [0] : vector<16xf32>, vector<16xi32> -> vector<16xf32>
      %add3A_119 = arith.constant 0 : i32
      %add3A_120 = arith.addi %add3A_119, %add3A_103 : i32
      %get3A_121 = arith.index_cast %add3A_120 : i32 to index
      %get3A_122 = tpu.vector_load %arg28[%get3A_121] {strides = array<i32>} : memref<272xf32, #tpu.memory_space<vmem>>, vector<16xf32>,
      %get3A_123 = vector.shape_cast %get3A_122 : vector<16xf32> to vector<16xf32>
      %broadcast_in_dim3A_124 = vector.shape_cast %broadcast_in_dim3A_22 : vector<16xi32> to vector<16x1xi32>
      %gather3A_125 = vector.shape_cast %broadcast_in_dim3A_124 : vector<16x1xi32> to vector<16xi32>
      %gather3A_126 = tpu.dynamic_gather %get3A_123[%gather3A_125] in [0] : vector<16xf32>, vector<16xi32> -> vector<16xf32>
      %get3A_127 = arith.index_cast %add3A_103 : i32 to index
      %get3A_128 = arith.constant 0 : index
      %get3A_129 = tpu.vector_load %arg32[%get3A_127, %get3A_128] {strides = array<i32>} : memref<128x128xf32, #tpu.memory_space<vmem>>, vector<1x16xf32>,
      %get3A_130 = vector.shape_cast %get3A_129 : vector<1x16xf32> to vector<16xf32>
      %mul3A_131 = arith.mulf %gather3A_110, %get3A_130 : vector<16xf32>
      %get3A_132 = arith.index_cast %add3A_103 : i32 to index
      %get3A_133 = arith.constant 0 : index
      %get3A_134 = tpu.vector_load %arg33[%get3A_132, %get3A_133] {strides = array<i32>} : memref<128x128xf32, #tpu.memory_space<vmem>>, vector<1x16xf32>,
      %get3A_135 = vector.shape_cast %get3A_134 : vector<1x16xf32> to vector<16xf32>
      %mul3A_136 = arith.mulf %gather3A_118, %get3A_135 : vector<16xf32>
      %add3A_137 = arith.addf %mul3A_131, %mul3A_136 : vector<16xf32>
      %get3A_138 = arith.index_cast %add3A_103 : i32 to index
      %get3A_139 = arith.constant 0 : index
      %get3A_140 = tpu.vector_load %arg34[%get3A_138, %get3A_139] {strides = array<i32>} : memref<128x128xf32, #tpu.memory_space<vmem>>, vector<1x16xf32>,
      %get3A_141 = vector.shape_cast %get3A_140 : vector<1x16xf32> to vector<16xf32>
      %mul3A_142 = arith.mulf %gather3A_126, %get3A_141 : vector<16xf32>
      %add3A_143 = arith.addf %add3A_137, %mul3A_142 : vector<16xf32>
      %swap3A = arith.index_cast %add3A_103 : i32 to index
      %swap3A_144 = arith.constant 0 : index
      %swap3A_145 = tpu.vector_load %arg35[%swap3A, %swap3A_144] {strides = array<i32>} : memref<128x128xf32, #tpu.memory_space<vmem>>, vector<1x16xf32>,
      %swap3A_146 = vector.shape_cast %swap3A_145 : vector<1x16xf32> to vector<16xf32>
      %swap3A_147 = vector.shape_cast %add3A_143 : vector<16xf32> to vector<1x16xf32>
      tpu.vector_store %arg35[%swap3A, %swap3A_144], %swap3A_147 {strides = array<i32>} : memref<128x128xf32, #tpu.memory_space<vmem>>, vector<1x16xf32>,
      %get3A_148 = arith.index_cast %add3A_103 : i32 to index
      %get3A_149 = arith.constant 16 : index
      %get3A_150 = tpu.vector_load %arg32[%get3A_148, %get3A_149] {strides = array<i32>} : memref<128x128xf32, #tpu.memory_space<vmem>>, vector<1x16xf32>,
      %get3A_151 = vector.shape_cast %get3A_150 : vector<1x16xf32> to vector<16xf32>
      %mul3A_152 = arith.mulf %gather3A_110, %get3A_151 : vector<16xf32>
      %get3A_153 = arith.index_cast %add3A_103 : i32 to index
      %get3A_154 = arith.constant 16 : index
      %get3A_155 = tpu.vector_load %arg33[%get3A_153, %get3A_154] {strides = array<i32>} : memref<128x128xf32, #tpu.memory_space<vmem>>, vector<1x16xf32>,
      %get3A_156 = vector.shape_cast %get3A_155 : vector<1x16xf32> to vector<16xf32>
      %mul3A_157 = arith.mulf %gather3A_118, %get3A_156 : vector<16xf32>
      %add3A_158 = arith.addf %mul3A_152, %mul3A_157 : vector<16xf32>
      %get3A_159 = arith.index_cast %add3A_103 : i32 to index
      %get3A_160 = arith.constant 16 : index
      %get3A_161 = tpu.vector_load %arg34[%get3A_159, %get3A_160] {strides = array<i32>} : memref<128x128xf32, #tpu.memory_space<vmem>>, vector<1x16xf32>,
      %get3A_162 = vector.shape_cast %get3A_161 : vector<1x16xf32> to vector<16xf32>
      %mul3A_163 = arith.mulf %gather3A_126, %get3A_162 : vector<16xf32>
      %add3A_164 = arith.addf %add3A_158, %mul3A_163 : vector<16xf32>
      %swap3A_165 = arith.index_cast %add3A_103 : i32 to index
      %swap3A_166 = arith.constant 16 : index
      %swap3A_167 = tpu.vector_load %arg35[%swap3A_165, %swap3A_166] {strides = array<i32>} : memref<128x128xf32, #tpu.memory_space<vmem>>, vector<1x16xf32>,
      %swap3A_168 = vector.shape_cast %swap3A_167 : vector<1x16xf32> to vector<16xf32>
      %swap3A_169 = vector.shape_cast %add3A_164 : vector<16xf32> to vector<1x16xf32>
      tpu.vector_store %arg35[%swap3A_165, %swap3A_166], %swap3A_169 {strides = array<i32>} : memref<128x128xf32, #tpu.memory_space<vmem>>, vector<1x16xf32>,
      %get3A_170 = arith.index_cast %add3A_103 : i32 to index
      %get3A_171 = arith.constant 32 : index
      %get3A_172 = tpu.vector_load %arg32[%get3A_170, %get3A_171] {strides = array<i32>} : memref<128x128xf32, #tpu.memory_space<vmem>>, vector<1x16xf32>,
      %get3A_173 = vector.shape_cast %get3A_172 : vector<1x16xf32> to vector<16xf32>
      %mul3A_174 = arith.mulf %gather3A_110, %get3A_173 : vector<16xf32>
      %get3A_175 = arith.index_cast %add3A_103 : i32 to index
      %get3A_176 = arith.constant 32 : index
      %get3A_177 = tpu.vector_load %arg33[%get3A_175, %get3A_176] {strides = array<i32>} : memref<128x128xf32, #tpu.memory_space<vmem>>, vector<1x16xf32>,
      %get3A_178 = vector.shape_cast %get3A_177 : vector<1x16xf32> to vector<16xf32>
      %mul3A_179 = arith.mulf %gather3A_118, %get3A_178 : vector<16xf32>
      %add3A_180 = arith.addf %mul3A_174, %mul3A_179 : vector<16xf32>
      %get3A_181 = arith.index_cast %add3A_103 : i32 to index
      %get3A_182 = arith.constant 32 : index
      %get3A_183 = tpu.vector_load %arg34[%get3A_181, %get3A_182] {strides = array<i32>} : memref<128x128xf32, #tpu.memory_space<vmem>>, vector<1x16xf32>,
      %get3A_184 = vector.shape_cast %get3A_183 : vector<1x16xf32> to vector<16xf32>
      %mul3A_185 = arith.mulf %gather3A_126, %get3A_184 : vector<16xf32>
      %add3A_186 = arith.addf %add3A_180, %mul3A_185 : vector<16xf32>
      %swap3A_187 = arith.index_cast %add3A_103 : i32 to index
      %swap3A_188 = arith.constant 32 : index
      %swap3A_189 = tpu.vector_load %arg35[%swap3A_187, %swap3A_188] {strides = array<i32>} : memref<128x128xf32, #tpu.memory_space<vmem>>, vector<1x16xf32>,
      %swap3A_190 = vector.shape_cast %swap3A_189 : vector<1x16xf32> to vector<16xf32>
      %swap3A_191 = vector.shape_cast %add3A_186 : vector<16xf32> to vector<1x16xf32>
      tpu.vector_store %arg35[%swap3A_187, %swap3A_188], %swap3A_191 {strides = array<i32>} : memref<128x128xf32, #tpu.memory_space<vmem>>, vector<1x16xf32>,
      %get3A_192 = arith.index_cast %add3A_103 : i32 to index
      %get3A_193 = arith.constant 48 : index
      %get3A_194 = tpu.vector_load %arg32[%get3A_192, %get3A_193] {strides = array<i32>} : memref<128x128xf32, #tpu.memory_space<vmem>>, vector<1x16xf32>,
      %get3A_195 = vector.shape_cast %get3A_194 : vector<1x16xf32> to vector<16xf32>
      %mul3A_196 = arith.mulf %gather3A_110, %get3A_195 : vector<16xf32>
      %get3A_197 = arith.index_cast %add3A_103 : i32 to index
      %get3A_198 = arith.constant 48 : index
      %get3A_199 = tpu.vector_load %arg33[%get3A_197, %get3A_198] {strides = array<i32>} : memref<128x128xf32, #tpu.memory_space<vmem>>, vector<1x16xf32>,
      %get3A_200 = vector.shape_cast %get3A_199 : vector<1x16xf32> to vector<16xf32>
      %mul3A_201 = arith.mulf %gather3A_118, %get3A_200 : vector<16xf32>
      %add3A_202 = arith.addf %mul3A_196, %mul3A_201 : vector<16xf32>
      %get3A_203 = arith.index_cast %add3A_103 : i32 to index
      %get3A_204 = arith.constant 48 : index
      %get3A_205 = tpu.vector_load %arg34[%get3A_203, %get3A_204] {strides = array<i32>} : memref<128x128xf32, #tpu.memory_space<vmem>>, vector<1x16xf32>,
      %get3A_206 = vector.shape_cast %get3A_205 : vector<1x16xf32> to vector<16xf32>
      %mul3A_207 = arith.mulf %gather3A_126, %get3A_206 : vector<16xf32>
      %add3A_208 = arith.addf %add3A_202, %mul3A_207 : vector<16xf32>
      %swap3A_209 = arith.index_cast %add3A_103 : i32 to index
      %swap3A_210 = arith.constant 48 : index
      %swap3A_211 = tpu.vector_load %arg35[%swap3A_209, %swap3A_210] {strides = array<i32>} : memref<128x128xf32, #tpu.memory_space<vmem>>, vector<1x16xf32>,
      %swap3A_212 = vector.shape_cast %swap3A_211 : vector<1x16xf32> to vector<16xf32>
      %swap3A_213 = vector.shape_cast %add3A_208 : vector<16xf32> to vector<1x16xf32>
      tpu.vector_store %arg35[%swap3A_209, %swap3A_210], %swap3A_213 {strides = array<i32>} : memref<128x128xf32, #tpu.memory_space<vmem>>, vector<1x16xf32>,
      %get3A_214 = arith.index_cast %add3A_103 : i32 to index
      %get3A_215 = arith.constant 64 : index
      %get3A_216 = tpu.vector_load %arg32[%get3A_214, %get3A_215] {strides = array<i32>} : memref<128x128xf32, #tpu.memory_space<vmem>>, vector<1x16xf32>,
      %get3A_217 = vector.shape_cast %get3A_216 : vector<1x16xf32> to vector<16xf32>
      %mul3A_218 = arith.mulf %gather3A_110, %get3A_217 : vector<16xf32>
      %get3A_219 = arith.index_cast %add3A_103 : i32 to index
      %get3A_220 = arith.constant 64 : index
      %get3A_221 = tpu.vector_load %arg33[%get3A_219, %get3A_220] {strides = array<i32>} : memref<128x128xf32, #tpu.memory_space<vmem>>, vector<1x16xf32>,
      %get3A_222 = vector.shape_cast %get3A_221 : vector<1x16xf32> to vector<16xf32>
      %mul3A_223 = arith.mulf %gather3A_118, %get3A_222 : vector<16xf32>
      %add3A_224 = arith.addf %mul3A_218, %mul3A_223 : vector<16xf32>
      %get3A_225 = arith.index_cast %add3A_103 : i32 to index
      %get3A_226 = arith.constant 64 : index
      %get3A_227 = tpu.vector_load %arg34[%get3A_225, %get3A_226] {strides = array<i32>} : memref<128x128xf32, #tpu.memory_space<vmem>>, vector<1x16xf32>,
      %get3A_228 = vector.shape_cast %get3A_227 : vector<1x16xf32> to vector<16xf32>
      %mul3A_229 = arith.mulf %gather3A_126, %get3A_228 : vector<16xf32>
      %add3A_230 = arith.addf %add3A_224, %mul3A_229 : vector<16xf32>
      %swap3A_231 = arith.index_cast %add3A_103 : i32 to index
      %swap3A_232 = arith.constant 64 : index
      %swap3A_233 = tpu.vector_load %arg35[%swap3A_231, %swap3A_232] {strides = array<i32>} : memref<128x128xf32, #tpu.memory_space<vmem>>, vector<1x16xf32>,
      %swap3A_234 = vector.shape_cast %swap3A_233 : vector<1x16xf32> to vector<16xf32>
      %swap3A_235 = vector.shape_cast %add3A_230 : vector<16xf32> to vector<1x16xf32>
      tpu.vector_store %arg35[%swap3A_231, %swap3A_232], %swap3A_235 {strides = array<i32>} : memref<128x128xf32, #tpu.memory_space<vmem>>, vector<1x16xf32>,
      %get3A_236 = arith.index_cast %add3A_103 : i32 to index
      %get3A_237 = arith.constant 80 : index
      %get3A_238 = tpu.vector_load %arg32[%get3A_236, %get3A_237] {strides = array<i32>} : memref<128x128xf32, #tpu.memory_space<vmem>>, vector<1x16xf32>,
      %get3A_239 = vector.shape_cast %get3A_238 : vector<1x16xf32> to vector<16xf32>
      %mul3A_240 = arith.mulf %gather3A_110, %get3A_239 : vector<16xf32>
      %get3A_241 = arith.index_cast %add3A_103 : i32 to index
      %get3A_242 = arith.constant 80 : index
      %get3A_243 = tpu.vector_load %arg33[%get3A_241, %get3A_242] {strides = array<i32>} : memref<128x128xf32, #tpu.memory_space<vmem>>, vector<1x16xf32>,
      %get3A_244 = vector.shape_cast %get3A_243 : vector<1x16xf32> to vector<16xf32>
      %mul3A_245 = arith.mulf %gather3A_118, %get3A_244 : vector<16xf32>
      %add3A_246 = arith.addf %mul3A_240, %mul3A_245 : vector<16xf32>
      %get3A_247 = arith.index_cast %add3A_103 : i32 to index
      %get3A_248 = arith.constant 80 : index
      %get3A_249 = tpu.vector_load %arg34[%get3A_247, %get3A_248] {strides = array<i32>} : memref<128x128xf32, #tpu.memory_space<vmem>>, vector<1x16xf32>,
      %get3A_250 = vector.shape_cast %get3A_249 : vector<1x16xf32> to vector<16xf32>
      %mul3A_251 = arith.mulf %gather3A_126, %get3A_250 : vector<16xf32>
      %add3A_252 = arith.addf %add3A_246, %mul3A_251 : vector<16xf32>
      %swap3A_253 = arith.index_cast %add3A_103 : i32 to index
      %swap3A_254 = arith.constant 80 : index
      %swap3A_255 = tpu.vector_load %arg35[%swap3A_253, %swap3A_254] {strides = array<i32>} : memref<128x128xf32, #tpu.memory_space<vmem>>, vector<1x16xf32>,
      %swap3A_256 = vector.shape_cast %swap3A_255 : vector<1x16xf32> to vector<16xf32>
      %swap3A_257 = vector.shape_cast %add3A_252 : vector<16xf32> to vector<1x16xf32>
      tpu.vector_store %arg35[%swap3A_253, %swap3A_254], %swap3A_257 {strides = array<i32>} : memref<128x128xf32, #tpu.memory_space<vmem>>, vector<1x16xf32>,
      %get3A_258 = arith.index_cast %add3A_103 : i32 to index
      %get3A_259 = arith.constant 96 : index
      %get3A_260 = tpu.vector_load %arg32[%get3A_258, %get3A_259] {strides = array<i32>} : memref<128x128xf32, #tpu.memory_space<vmem>>, vector<1x16xf32>,
      %get3A_261 = vector.shape_cast %get3A_260 : vector<1x16xf32> to vector<16xf32>
      %mul3A_262 = arith.mulf %gather3A_110, %get3A_261 : vector<16xf32>
      %get3A_263 = arith.index_cast %add3A_103 : i32 to index
      %get3A_264 = arith.constant 96 : index
      %get3A_265 = tpu.vector_load %arg33[%get3A_263, %get3A_264] {strides = array<i32>} : memref<128x128xf32, #tpu.memory_space<vmem>>, vector<1x16xf32>,
      %get3A_266 = vector.shape_cast %get3A_265 : vector<1x16xf32> to vector<16xf32>
      %mul3A_267 = arith.mulf %gather3A_118, %get3A_266 : vector<16xf32>
      %add3A_268 = arith.addf %mul3A_262, %mul3A_267 : vector<16xf32>
      %get3A_269 = arith.index_cast %add3A_103 : i32 to index
      %get3A_270 = arith.constant 96 : index
      %get3A_271 = tpu.vector_load %arg34[%get3A_269, %get3A_270] {strides = array<i32>} : memref<128x128xf32, #tpu.memory_space<vmem>>, vector<1x16xf32>,
      %get3A_272 = vector.shape_cast %get3A_271 : vector<1x16xf32> to vector<16xf32>
      %mul3A_273 = arith.mulf %gather3A_126, %get3A_272 : vector<16xf32>
      %add3A_274 = arith.addf %add3A_268, %mul3A_273 : vector<16xf32>
      %swap3A_275 = arith.index_cast %add3A_103 : i32 to index
      %swap3A_276 = arith.constant 96 : index
      %swap3A_277 = tpu.vector_load %arg35[%swap3A_275, %swap3A_276] {strides = array<i32>} : memref<128x128xf32, #tpu.memory_space<vmem>>, vector<1x16xf32>,
      %swap3A_278 = vector.shape_cast %swap3A_277 : vector<1x16xf32> to vector<16xf32>
      %swap3A_279 = vector.shape_cast %add3A_274 : vector<16xf32> to vector<1x16xf32>
      tpu.vector_store %arg35[%swap3A_275, %swap3A_276], %swap3A_279 {strides = array<i32>} : memref<128x128xf32, #tpu.memory_space<vmem>>, vector<1x16xf32>,
      %get3A_280 = arith.index_cast %add3A_103 : i32 to index
      %get3A_281 = arith.constant 112 : index
      %get3A_282 = tpu.vector_load %arg32[%get3A_280, %get3A_281] {strides = array<i32>} : memref<128x128xf32, #tpu.memory_space<vmem>>, vector<1x16xf32>,
      %get3A_283 = vector.shape_cast %get3A_282 : vector<1x16xf32> to vector<16xf32>
      %mul3A_284 = arith.mulf %gather3A_110, %get3A_283 : vector<16xf32>
      %get3A_285 = arith.index_cast %add3A_103 : i32 to index
      %get3A_286 = arith.constant 112 : index
      %get3A_287 = tpu.vector_load %arg33[%get3A_285, %get3A_286] {strides = array<i32>} : memref<128x128xf32, #tpu.memory_space<vmem>>, vector<1x16xf32>,
      %get3A_288 = vector.shape_cast %get3A_287 : vector<1x16xf32> to vector<16xf32>
      %mul3A_289 = arith.mulf %gather3A_118, %get3A_288 : vector<16xf32>
      %add3A_290 = arith.addf %mul3A_284, %mul3A_289 : vector<16xf32>
      %get3A_291 = arith.index_cast %add3A_103 : i32 to index
      %get3A_292 = arith.constant 112 : index
      %get3A_293 = tpu.vector_load %arg34[%get3A_291, %get3A_292] {strides = array<i32>} : memref<128x128xf32, #tpu.memory_space<vmem>>, vector<1x16xf32>,
      %get3A_294 = vector.shape_cast %get3A_293 : vector<1x16xf32> to vector<16xf32>
      %mul3A_295 = arith.mulf %gather3A_126, %get3A_294 : vector<16xf32>
      %add3A_296 = arith.addf %add3A_290, %mul3A_295 : vector<16xf32>
      %swap3A_297 = arith.index_cast %add3A_103 : i32 to index
      %swap3A_298 = arith.constant 112 : index
      %swap3A_299 = tpu.vector_load %arg35[%swap3A_297, %swap3A_298] {strides = array<i32>} : memref<128x128xf32, #tpu.memory_space<vmem>>, vector<1x16xf32>,
      %swap3A_300 = vector.shape_cast %swap3A_299 : vector<1x16xf32> to vector<16xf32>
      %swap3A_301 = vector.shape_cast %add3A_296 : vector<16xf32> to vector<1x16xf32>
      tpu.vector_store %arg35[%swap3A_297, %swap3A_298], %swap3A_301 {strides = array<i32>} : memref<128x128xf32, #tpu.memory_space<vmem>>, vector<1x16xf32>,
    }
    %scan3A_55 = arith.constant 128 : i32
    %mul3A_56 = arith.constant 256 : i32
    %mul3A_57 = arith.muli %add3A, %mul3A_56 : i32
    %add3A_58 = arith.constant 0 : i32
    %add3A_59 = arith.addi %mul3A_57, %add3A_58 : i32
    "tpu.region"() ({
      %run_scoped3A = tpu.sem_alloc : memref<!tpu.dma_semaphore, #tpu.memory_space<semaphore_mem>>
      %dma_start3A_99 = arith.constant 0 : i32
      %dma_start3A_100 = tpu.memref_slice %arg14[%add3A_59, %dma_start3A_99] : memref<8192x128xf32, #tpu.memory_space<hbm>> -> memref<128x128xf32, #tpu.memory_space<hbm>>
      %dma_start3A_101 = arith.constant 0 : i32
      %dma_start3A_102 = tpu.memref_slice %arg14[%add3A_59, %dma_start3A_101] : memref<8192x128xf32, #tpu.memory_space<hbm>> -> memref<128x128xf32, #tpu.memory_space<hbm>>
      tpu.enqueue_dma source(%arg35 : memref<128x128xf32, #tpu.memory_space<vmem>>) target(%dma_start3A_102 : memref<128x128xf32, #tpu.memory_space<hbm>>) target_semaphore(%run_scoped3A : memref<!tpu.dma_semaphore, #tpu.memory_space<semaphore_mem>>)
      %dma_wait3A_103 = arith.constant 0 : i32
      %dma_wait3A_104 = tpu.memref_slice %arg14[%add3A_59, %dma_wait3A_103] : memref<8192x128xf32, #tpu.memory_space<hbm>> -> memref<128x128xf32, #tpu.memory_space<hbm>>
      %dma_wait3A_105 = arith.constant 0 : i32
      %dma_wait3A_106 = tpu.memref_slice %arg14[%add3A_59, %dma_wait3A_105] : memref<8192x128xf32, #tpu.memory_space<hbm>> -> memref<128x128xf32, #tpu.memory_space<hbm>>
      tpu.wait_dma2 semaphore(%run_scoped3A : memref<!tpu.dma_semaphore, #tpu.memory_space<semaphore_mem>>) src(%arg35 : memref<128x128xf32, #tpu.memory_space<vmem>>) dst(%dma_wait3A_106 : memref<128x128xf32, #tpu.memory_space<hbm>>)
      tpu.yield
    }) : () -> ()
    %dma_start3A_60 = arith.constant 128 : i32
    %dma_start3A_61 = tpu.memref_slice %arg29[%dma_start3A_60] : memref<256xi32, #tpu.memory_space<vmem>> -> memref<128xi32, #tpu.memory_space<vmem>>
    %dma_start3A_62 = arith.constant 0 : i32
    %dma_start3A_63 = arith.constant 0 : i32
    %dma_start3A_64 = tpu.memref_slice %arg13[%dma_start3A_62, %dma_start3A_63] : memref<4096x128xf32, #tpu.memory_space<hbm>> -> memref<4096x128xf32, #tpu.memory_space<hbm>>
    tpu.enqueue_indirect_dma source(%dma_start3A_64 : memref<4096x128xf32, #tpu.memory_space<hbm>>) target(%arg32 : memref<128x128xf32, #tpu.memory_space<vmem>>) offsets(%dma_start3A_61 : memref<128xi32, #tpu.memory_space<vmem>>) semaphore(%arg36 : memref<!tpu.dma_semaphore, #tpu.memory_space<semaphore_mem>>)
    %dma_start3A_65 = arith.constant 128 : i32
    %dma_start3A_66 = tpu.memref_slice %arg30[%dma_start3A_65] : memref<256xi32, #tpu.memory_space<vmem>> -> memref<128xi32, #tpu.memory_space<vmem>>
    %dma_start3A_67 = arith.constant 0 : i32
    %dma_start3A_68 = arith.constant 0 : i32
    %dma_start3A_69 = tpu.memref_slice %arg13[%dma_start3A_67, %dma_start3A_68] : memref<4096x128xf32, #tpu.memory_space<hbm>> -> memref<4096x128xf32, #tpu.memory_space<hbm>>
    tpu.enqueue_indirect_dma source(%dma_start3A_69 : memref<4096x128xf32, #tpu.memory_space<hbm>>) target(%arg33 : memref<128x128xf32, #tpu.memory_space<vmem>>) offsets(%dma_start3A_66 : memref<128xi32, #tpu.memory_space<vmem>>) semaphore(%arg36 : memref<!tpu.dma_semaphore, #tpu.memory_space<semaphore_mem>>)
    %dma_start3A_70 = arith.constant 128 : i32
    %dma_start3A_71 = tpu.memref_slice %arg31[%dma_start3A_70] : memref<256xi32, #tpu.memory_space<vmem>> -> memref<128xi32, #tpu.memory_space<vmem>>
    %dma_start3A_72 = arith.constant 0 : i32
    %dma_start3A_73 = arith.constant 0 : i32
    %dma_start3A_74 = tpu.memref_slice %arg13[%dma_start3A_72, %dma_start3A_73] : memref<4096x128xf32, #tpu.memory_space<hbm>> -> memref<4096x128xf32, #tpu.memory_space<hbm>>
    tpu.enqueue_indirect_dma source(%dma_start3A_74 : memref<4096x128xf32, #tpu.memory_space<hbm>>) target(%arg34 : memref<128x128xf32, #tpu.memory_space<vmem>>) offsets(%dma_start3A_71 : memref<128xi32, #tpu.memory_space<vmem>>) semaphore(%arg36 : memref<!tpu.dma_semaphore, #tpu.memory_space<semaphore_mem>>)
    %dma_wait3A_75 = arith.constant 128 : i32
    %dma_wait3A_76 = tpu.memref_slice %arg29[%dma_wait3A_75] : memref<256xi32, #tpu.memory_space<vmem>> -> memref<128xi32, #tpu.memory_space<vmem>>
    %dma_wait3A_77 = arith.constant 0 : i32
    %dma_wait3A_78 = arith.constant 0 : i32
    %dma_wait3A_79 = tpu.memref_slice %arg13[%dma_wait3A_77, %dma_wait3A_78] : memref<4096x128xf32, #tpu.memory_space<hbm>> -> memref<4096x128xf32, #tpu.memory_space<hbm>>
    tpu.wait_indirect_dma semaphore(%arg36 : memref<!tpu.dma_semaphore, #tpu.memory_space<semaphore_mem>>) src(%dma_wait3A_79 : memref<4096x128xf32, #tpu.memory_space<hbm>>) dst(%arg32 : memref<128x128xf32, #tpu.memory_space<vmem>>)
    %dma_wait3A_80 = arith.constant 128 : i32
    %dma_wait3A_81 = tpu.memref_slice %arg30[%dma_wait3A_80] : memref<256xi32, #tpu.memory_space<vmem>> -> memref<128xi32, #tpu.memory_space<vmem>>
    %dma_wait3A_82 = arith.constant 0 : i32
    %dma_wait3A_83 = arith.constant 0 : i32
    %dma_wait3A_84 = tpu.memref_slice %arg13[%dma_wait3A_82, %dma_wait3A_83] : memref<4096x128xf32, #tpu.memory_space<hbm>> -> memref<4096x128xf32, #tpu.memory_space<hbm>>
    tpu.wait_indirect_dma semaphore(%arg36 : memref<!tpu.dma_semaphore, #tpu.memory_space<semaphore_mem>>) src(%dma_wait3A_84 : memref<4096x128xf32, #tpu.memory_space<hbm>>) dst(%arg33 : memref<128x128xf32, #tpu.memory_space<vmem>>)
    %dma_wait3A_85 = arith.constant 128 : i32
    %dma_wait3A_86 = tpu.memref_slice %arg31[%dma_wait3A_85] : memref<256xi32, #tpu.memory_space<vmem>> -> memref<128xi32, #tpu.memory_space<vmem>>
    %dma_wait3A_87 = arith.constant 0 : i32
    %dma_wait3A_88 = arith.constant 0 : i32
    %dma_wait3A_89 = tpu.memref_slice %arg13[%dma_wait3A_87, %dma_wait3A_88] : memref<4096x128xf32, #tpu.memory_space<hbm>> -> memref<4096x128xf32, #tpu.memory_space<hbm>>
    tpu.wait_indirect_dma semaphore(%arg36 : memref<!tpu.dma_semaphore, #tpu.memory_space<semaphore_mem>>) src(%dma_wait3A_89 : memref<4096x128xf32, #tpu.memory_space<hbm>>) dst(%arg34 : memref<128x128xf32, #tpu.memory_space<vmem>>)
    %scan3A_90 = arith.constant 0 : i32
    %scan3A_91 = arith.constant 128 : i32
    %scan3A_92 = arith.addi %scan3A_90, %scan3A_91 : i32
    %scan3A_93 = arith.constant 1 : i32
    scf.for %scan3A_99 = %scan3A_90 to %scan3A_92 step %scan3A_93  : i32 {
      %mul3A_100 = arith.constant 1 : i32
      %mul3A_101 = arith.muli %scan3A_99, %mul3A_100 : i32
      %add3A_102 = arith.constant 0 : i32
      %add3A_103 = arith.addi %add3A_102, %mul3A_101 : i32
      %add3A_104 = arith.constant 128 : i32
      %add3A_105 = arith.addi %add3A_104, %add3A_103 : i32
      %get3A_106 = arith.index_cast %add3A_105 : i32 to index
      %get3A_107 = tpu.vector_load %arg26[%get3A_106] {strides = array<i32>} : memref<272xf32, #tpu.memory_space<vmem>>, vector<16xf32>,
      %get3A_108 = vector.shape_cast %get3A_107 : vector<16xf32> to vector<16xf32>
      %broadcast_in_dim3A_109 = vector.shape_cast %broadcast_in_dim3A_22 : vector<16xi32> to vector<16x1xi32>
      %gather3A = vector.shape_cast %broadcast_in_dim3A_109 : vector<16x1xi32> to vector<16xi32>
      %gather3A_110 = tpu.dynamic_gather %get3A_108[%gather3A] in [0] : vector<16xf32>, vector<16xi32> -> vector<16xf32>
      %add3A_111 = arith.constant 128 : i32
      %add3A_112 = arith.addi %add3A_111, %add3A_103 : i32
      %get3A_113 = arith.index_cast %add3A_112 : i32 to index
      %get3A_114 = tpu.vector_load %arg27[%get3A_113] {strides = array<i32>} : memref<272xf32, #tpu.memory_space<vmem>>, vector<16xf32>,
      %get3A_115 = vector.shape_cast %get3A_114 : vector<16xf32> to vector<16xf32>
      %broadcast_in_dim3A_116 = vector.shape_cast %broadcast_in_dim3A_22 : vector<16xi32> to vector<16x1xi32>
      %gather3A_117 = vector.shape_cast %broadcast_in_dim3A_116 : vector<16x1xi32> to vector<16xi32>
      %gather3A_118 = tpu.dynamic_gather %get3A_115[%gather3A_117] in [0] : vector<16xf32>, vector<16xi32> -> vector<16xf32>
      %add3A_119 = arith.constant 128 : i32
      %add3A_120 = arith.addi %add3A_119, %add3A_103 : i32
      %get3A_121 = arith.index_cast %add3A_120 : i32 to index
      %get3A_122 = tpu.vector_load %arg28[%get3A_121] {strides = array<i32>} : memref<272xf32, #tpu.memory_space<vmem>>, vector<16xf32>,
      %get3A_123 = vector.shape_cast %get3A_122 : vector<16xf32> to vector<16xf32>
      %broadcast_in_dim3A_124 = vector.shape_cast %broadcast_in_dim3A_22 : vector<16xi32> to vector<16x1xi32>
      %gather3A_125 = vector.shape_cast %broadcast_in_dim3A_124 : vector<16x1xi32> to vector<16xi32>
      %gather3A_126 = tpu.dynamic_gather %get3A_123[%gather3A_125] in [0] : vector<16xf32>, vector<16xi32> -> vector<16xf32>
      %get3A_127 = arith.index_cast %add3A_103 : i32 to index
      %get3A_128 = arith.constant 0 : index
      %get3A_129 = tpu.vector_load %arg32[%get3A_127, %get3A_128] {strides = array<i32>} : memref<128x128xf32, #tpu.memory_space<vmem>>, vector<1x16xf32>,
      %get3A_130 = vector.shape_cast %get3A_129 : vector<1x16xf32> to vector<16xf32>
      %mul3A_131 = arith.mulf %gather3A_110, %get3A_130 : vector<16xf32>
      %get3A_132 = arith.index_cast %add3A_103 : i32 to index
      %get3A_133 = arith.constant 0 : index
      %get3A_134 = tpu.vector_load %arg33[%get3A_132, %get3A_133] {strides = array<i32>} : memref<128x128xf32, #tpu.memory_space<vmem>>, vector<1x16xf32>,
      %get3A_135 = vector.shape_cast %get3A_134 : vector<1x16xf32> to vector<16xf32>
      %mul3A_136 = arith.mulf %gather3A_118, %get3A_135 : vector<16xf32>
      %add3A_137 = arith.addf %mul3A_131, %mul3A_136 : vector<16xf32>
      %get3A_138 = arith.index_cast %add3A_103 : i32 to index
      %get3A_139 = arith.constant 0 : index
      %get3A_140 = tpu.vector_load %arg34[%get3A_138, %get3A_139] {strides = array<i32>} : memref<128x128xf32, #tpu.memory_space<vmem>>, vector<1x16xf32>,
      %get3A_141 = vector.shape_cast %get3A_140 : vector<1x16xf32> to vector<16xf32>
      %mul3A_142 = arith.mulf %gather3A_126, %get3A_141 : vector<16xf32>
      %add3A_143 = arith.addf %add3A_137, %mul3A_142 : vector<16xf32>
      %swap3A = arith.index_cast %add3A_103 : i32 to index
      %swap3A_144 = arith.constant 0 : index
      %swap3A_145 = tpu.vector_load %arg35[%swap3A, %swap3A_144] {strides = array<i32>} : memref<128x128xf32, #tpu.memory_space<vmem>>, vector<1x16xf32>,
      %swap3A_146 = vector.shape_cast %swap3A_145 : vector<1x16xf32> to vector<16xf32>
      %swap3A_147 = vector.shape_cast %add3A_143 : vector<16xf32> to vector<1x16xf32>
      tpu.vector_store %arg35[%swap3A, %swap3A_144], %swap3A_147 {strides = array<i32>} : memref<128x128xf32, #tpu.memory_space<vmem>>, vector<1x16xf32>,
      %get3A_148 = arith.index_cast %add3A_103 : i32 to index
      %get3A_149 = arith.constant 16 : index
      %get3A_150 = tpu.vector_load %arg32[%get3A_148, %get3A_149] {strides = array<i32>} : memref<128x128xf32, #tpu.memory_space<vmem>>, vector<1x16xf32>,
      %get3A_151 = vector.shape_cast %get3A_150 : vector<1x16xf32> to vector<16xf32>
      %mul3A_152 = arith.mulf %gather3A_110, %get3A_151 : vector<16xf32>
      %get3A_153 = arith.index_cast %add3A_103 : i32 to index
      %get3A_154 = arith.constant 16 : index
      %get3A_155 = tpu.vector_load %arg33[%get3A_153, %get3A_154] {strides = array<i32>} : memref<128x128xf32, #tpu.memory_space<vmem>>, vector<1x16xf32>,
      %get3A_156 = vector.shape_cast %get3A_155 : vector<1x16xf32> to vector<16xf32>
      %mul3A_157 = arith.mulf %gather3A_118, %get3A_156 : vector<16xf32>
      %add3A_158 = arith.addf %mul3A_152, %mul3A_157 : vector<16xf32>
      %get3A_159 = arith.index_cast %add3A_103 : i32 to index
      %get3A_160 = arith.constant 16 : index
      %get3A_161 = tpu.vector_load %arg34[%get3A_159, %get3A_160] {strides = array<i32>} : memref<128x128xf32, #tpu.memory_space<vmem>>, vector<1x16xf32>,
      %get3A_162 = vector.shape_cast %get3A_161 : vector<1x16xf32> to vector<16xf32>
      %mul3A_163 = arith.mulf %gather3A_126, %get3A_162 : vector<16xf32>
      %add3A_164 = arith.addf %add3A_158, %mul3A_163 : vector<16xf32>
      %swap3A_165 = arith.index_cast %add3A_103 : i32 to index
      %swap3A_166 = arith.constant 16 : index
      %swap3A_167 = tpu.vector_load %arg35[%swap3A_165, %swap3A_166] {strides = array<i32>} : memref<128x128xf32, #tpu.memory_space<vmem>>, vector<1x16xf32>,
      %swap3A_168 = vector.shape_cast %swap3A_167 : vector<1x16xf32> to vector<16xf32>
      %swap3A_169 = vector.shape_cast %add3A_164 : vector<16xf32> to vector<1x16xf32>
      tpu.vector_store %arg35[%swap3A_165, %swap3A_166], %swap3A_169 {strides = array<i32>} : memref<128x128xf32, #tpu.memory_space<vmem>>, vector<1x16xf32>,
      %get3A_170 = arith.index_cast %add3A_103 : i32 to index
      %get3A_171 = arith.constant 32 : index
      %get3A_172 = tpu.vector_load %arg32[%get3A_170, %get3A_171] {strides = array<i32>} : memref<128x128xf32, #tpu.memory_space<vmem>>, vector<1x16xf32>,
      %get3A_173 = vector.shape_cast %get3A_172 : vector<1x16xf32> to vector<16xf32>
      %mul3A_174 = arith.mulf %gather3A_110, %get3A_173 : vector<16xf32>
      %get3A_175 = arith.index_cast %add3A_103 : i32 to index
      %get3A_176 = arith.constant 32 : index
      %get3A_177 = tpu.vector_load %arg33[%get3A_175, %get3A_176] {strides = array<i32>} : memref<128x128xf32, #tpu.memory_space<vmem>>, vector<1x16xf32>,
      %get3A_178 = vector.shape_cast %get3A_177 : vector<1x16xf32> to vector<16xf32>
      %mul3A_179 = arith.mulf %gather3A_118, %get3A_178 : vector<16xf32>
      %add3A_180 = arith.addf %mul3A_174, %mul3A_179 : vector<16xf32>
      %get3A_181 = arith.index_cast %add3A_103 : i32 to index
      %get3A_182 = arith.constant 32 : index
      %get3A_183 = tpu.vector_load %arg34[%get3A_181, %get3A_182] {strides = array<i32>} : memref<128x128xf32, #tpu.memory_space<vmem>>, vector<1x16xf32>,
      %get3A_184 = vector.shape_cast %get3A_183 : vector<1x16xf32> to vector<16xf32>
      %mul3A_185 = arith.mulf %gather3A_126, %get3A_184 : vector<16xf32>
      %add3A_186 = arith.addf %add3A_180, %mul3A_185 : vector<16xf32>
      %swap3A_187 = arith.index_cast %add3A_103 : i32 to index
      %swap3A_188 = arith.constant 32 : index
      %swap3A_189 = tpu.vector_load %arg35[%swap3A_187, %swap3A_188] {strides = array<i32>} : memref<128x128xf32, #tpu.memory_space<vmem>>, vector<1x16xf32>,
      %swap3A_190 = vector.shape_cast %swap3A_189 : vector<1x16xf32> to vector<16xf32>
      %swap3A_191 = vector.shape_cast %add3A_186 : vector<16xf32> to vector<1x16xf32>
      tpu.vector_store %arg35[%swap3A_187, %swap3A_188], %swap3A_191 {strides = array<i32>} : memref<128x128xf32, #tpu.memory_space<vmem>>, vector<1x16xf32>,
      %get3A_192 = arith.index_cast %add3A_103 : i32 to index
      %get3A_193 = arith.constant 48 : index
      %get3A_194 = tpu.vector_load %arg32[%get3A_192, %get3A_193] {strides = array<i32>} : memref<128x128xf32, #tpu.memory_space<vmem>>, vector<1x16xf32>,
      %get3A_195 = vector.shape_cast %get3A_194 : vector<1x16xf32> to vector<16xf32>
      %mul3A_196 = arith.mulf %gather3A_110, %get3A_195 : vector<16xf32>
      %get3A_197 = arith.index_cast %add3A_103 : i32 to index
      %get3A_198 = arith.constant 48 : index
      %get3A_199 = tpu.vector_load %arg33[%get3A_197, %get3A_198] {strides = array<i32>} : memref<128x128xf32, #tpu.memory_space<vmem>>, vector<1x16xf32>,
      %get3A_200 = vector.shape_cast %get3A_199 : vector<1x16xf32> to vector<16xf32>
      %mul3A_201 = arith.mulf %gather3A_118, %get3A_200 : vector<16xf32>
      %add3A_202 = arith.addf %mul3A_196, %mul3A_201 : vector<16xf32>
      %get3A_203 = arith.index_cast %add3A_103 : i32 to index
      %get3A_204 = arith.constant 48 : index
      %get3A_205 = tpu.vector_load %arg34[%get3A_203, %get3A_204] {strides = array<i32>} : memref<128x128xf32, #tpu.memory_space<vmem>>, vector<1x16xf32>,
      %get3A_206 = vector.shape_cast %get3A_205 : vector<1x16xf32> to vector<16xf32>
      %mul3A_207 = arith.mulf %gather3A_126, %get3A_206 : vector<16xf32>
      %add3A_208 = arith.addf %add3A_202, %mul3A_207 : vector<16xf32>
      %swap3A_209 = arith.index_cast %add3A_103 : i32 to index
      %swap3A_210 = arith.constant 48 : index
      %swap3A_211 = tpu.vector_load %arg35[%swap3A_209, %swap3A_210] {strides = array<i32>} : memref<128x128xf32, #tpu.memory_space<vmem>>, vector<1x16xf32>,
      %swap3A_212 = vector.shape_cast %swap3A_211 : vector<1x16xf32> to vector<16xf32>
      %swap3A_213 = vector.shape_cast %add3A_208 : vector<16xf32> to vector<1x16xf32>
      tpu.vector_store %arg35[%swap3A_209, %swap3A_210], %swap3A_213 {strides = array<i32>} : memref<128x128xf32, #tpu.memory_space<vmem>>, vector<1x16xf32>,
      %get3A_214 = arith.index_cast %add3A_103 : i32 to index
      %get3A_215 = arith.constant 64 : index
      %get3A_216 = tpu.vector_load %arg32[%get3A_214, %get3A_215] {strides = array<i32>} : memref<128x128xf32, #tpu.memory_space<vmem>>, vector<1x16xf32>,
      %get3A_217 = vector.shape_cast %get3A_216 : vector<1x16xf32> to vector<16xf32>
      %mul3A_218 = arith.mulf %gather3A_110, %get3A_217 : vector<16xf32>
      %get3A_219 = arith.index_cast %add3A_103 : i32 to index
      %get3A_220 = arith.constant 64 : index
      %get3A_221 = tpu.vector_load %arg33[%get3A_219, %get3A_220] {strides = array<i32>} : memref<128x128xf32, #tpu.memory_space<vmem>>, vector<1x16xf32>,
      %get3A_222 = vector.shape_cast %get3A_221 : vector<1x16xf32> to vector<16xf32>
      %mul3A_223 = arith.mulf %gather3A_118, %get3A_222 : vector<16xf32>
      %add3A_224 = arith.addf %mul3A_218, %mul3A_223 : vector<16xf32>
      %get3A_225 = arith.index_cast %add3A_103 : i32 to index
      %get3A_226 = arith.constant 64 : index
      %get3A_227 = tpu.vector_load %arg34[%get3A_225, %get3A_226] {strides = array<i32>} : memref<128x128xf32, #tpu.memory_space<vmem>>, vector<1x16xf32>,
      %get3A_228 = vector.shape_cast %get3A_227 : vector<1x16xf32> to vector<16xf32>
      %mul3A_229 = arith.mulf %gather3A_126, %get3A_228 : vector<16xf32>
      %add3A_230 = arith.addf %add3A_224, %mul3A_229 : vector<16xf32>
      %swap3A_231 = arith.index_cast %add3A_103 : i32 to index
      %swap3A_232 = arith.constant 64 : index
      %swap3A_233 = tpu.vector_load %arg35[%swap3A_231, %swap3A_232] {strides = array<i32>} : memref<128x128xf32, #tpu.memory_space<vmem>>, vector<1x16xf32>,
      %swap3A_234 = vector.shape_cast %swap3A_233 : vector<1x16xf32> to vector<16xf32>
      %swap3A_235 = vector.shape_cast %add3A_230 : vector<16xf32> to vector<1x16xf32>
      tpu.vector_store %arg35[%swap3A_231, %swap3A_232], %swap3A_235 {strides = array<i32>} : memref<128x128xf32, #tpu.memory_space<vmem>>, vector<1x16xf32>,
      %get3A_236 = arith.index_cast %add3A_103 : i32 to index
      %get3A_237 = arith.constant 80 : index
      %get3A_238 = tpu.vector_load %arg32[%get3A_236, %get3A_237] {strides = array<i32>} : memref<128x128xf32, #tpu.memory_space<vmem>>, vector<1x16xf32>,
      %get3A_239 = vector.shape_cast %get3A_238 : vector<1x16xf32> to vector<16xf32>
      %mul3A_240 = arith.mulf %gather3A_110, %get3A_239 : vector<16xf32>
      %get3A_241 = arith.index_cast %add3A_103 : i32 to index
      %get3A_242 = arith.constant 80 : index
      %get3A_243 = tpu.vector_load %arg33[%get3A_241, %get3A_242] {strides = array<i32>} : memref<128x128xf32, #tpu.memory_space<vmem>>, vector<1x16xf32>,
      %get3A_244 = vector.shape_cast %get3A_243 : vector<1x16xf32> to vector<16xf32>
      %mul3A_245 = arith.mulf %gather3A_118, %get3A_244 : vector<16xf32>
      %add3A_246 = arith.addf %mul3A_240, %mul3A_245 : vector<16xf32>
      %get3A_247 = arith.index_cast %add3A_103 : i32 to index
      %get3A_248 = arith.constant 80 : index
      %get3A_249 = tpu.vector_load %arg34[%get3A_247, %get3A_248] {strides = array<i32>} : memref<128x128xf32, #tpu.memory_space<vmem>>, vector<1x16xf32>,
      %get3A_250 = vector.shape_cast %get3A_249 : vector<1x16xf32> to vector<16xf32>
      %mul3A_251 = arith.mulf %gather3A_126, %get3A_250 : vector<16xf32>
      %add3A_252 = arith.addf %add3A_246, %mul3A_251 : vector<16xf32>
      %swap3A_253 = arith.index_cast %add3A_103 : i32 to index
      %swap3A_254 = arith.constant 80 : index
      %swap3A_255 = tpu.vector_load %arg35[%swap3A_253, %swap3A_254] {strides = array<i32>} : memref<128x128xf32, #tpu.memory_space<vmem>>, vector<1x16xf32>,
      %swap3A_256 = vector.shape_cast %swap3A_255 : vector<1x16xf32> to vector<16xf32>
      %swap3A_257 = vector.shape_cast %add3A_252 : vector<16xf32> to vector<1x16xf32>
      tpu.vector_store %arg35[%swap3A_253, %swap3A_254], %swap3A_257 {strides = array<i32>} : memref<128x128xf32, #tpu.memory_space<vmem>>, vector<1x16xf32>,
      %get3A_258 = arith.index_cast %add3A_103 : i32 to index
      %get3A_259 = arith.constant 96 : index
      %get3A_260 = tpu.vector_load %arg32[%get3A_258, %get3A_259] {strides = array<i32>} : memref<128x128xf32, #tpu.memory_space<vmem>>, vector<1x16xf32>,
      %get3A_261 = vector.shape_cast %get3A_260 : vector<1x16xf32> to vector<16xf32>
      %mul3A_262 = arith.mulf %gather3A_110, %get3A_261 : vector<16xf32>
      %get3A_263 = arith.index_cast %add3A_103 : i32 to index
      %get3A_264 = arith.constant 96 : index
      %get3A_265 = tpu.vector_load %arg33[%get3A_263, %get3A_264] {strides = array<i32>} : memref<128x128xf32, #tpu.memory_space<vmem>>, vector<1x16xf32>,
      %get3A_266 = vector.shape_cast %get3A_265 : vector<1x16xf32> to vector<16xf32>
      %mul3A_267 = arith.mulf %gather3A_118, %get3A_266 : vector<16xf32>
      %add3A_268 = arith.addf %mul3A_262, %mul3A_267 : vector<16xf32>
      %get3A_269 = arith.index_cast %add3A_103 : i32 to index
      %get3A_270 = arith.constant 96 : index
      %get3A_271 = tpu.vector_load %arg34[%get3A_269, %get3A_270] {strides = array<i32>} : memref<128x128xf32, #tpu.memory_space<vmem>>, vector<1x16xf32>,
      %get3A_272 = vector.shape_cast %get3A_271 : vector<1x16xf32> to vector<16xf32>
      %mul3A_273 = arith.mulf %gather3A_126, %get3A_272 : vector<16xf32>
      %add3A_274 = arith.addf %add3A_268, %mul3A_273 : vector<16xf32>
      %swap3A_275 = arith.index_cast %add3A_103 : i32 to index
      %swap3A_276 = arith.constant 96 : index
      %swap3A_277 = tpu.vector_load %arg35[%swap3A_275, %swap3A_276] {strides = array<i32>} : memref<128x128xf32, #tpu.memory_space<vmem>>, vector<1x16xf32>,
      %swap3A_278 = vector.shape_cast %swap3A_277 : vector<1x16xf32> to vector<16xf32>
      %swap3A_279 = vector.shape_cast %add3A_274 : vector<16xf32> to vector<1x16xf32>
      tpu.vector_store %arg35[%swap3A_275, %swap3A_276], %swap3A_279 {strides = array<i32>} : memref<128x128xf32, #tpu.memory_space<vmem>>, vector<1x16xf32>,
      %get3A_280 = arith.index_cast %add3A_103 : i32 to index
      %get3A_281 = arith.constant 112 : index
      %get3A_282 = tpu.vector_load %arg32[%get3A_280, %get3A_281] {strides = array<i32>} : memref<128x128xf32, #tpu.memory_space<vmem>>, vector<1x16xf32>,
      %get3A_283 = vector.shape_cast %get3A_282 : vector<1x16xf32> to vector<16xf32>
      %mul3A_284 = arith.mulf %gather3A_110, %get3A_283 : vector<16xf32>
      %get3A_285 = arith.index_cast %add3A_103 : i32 to index
      %get3A_286 = arith.constant 112 : index
      %get3A_287 = tpu.vector_load %arg33[%get3A_285, %get3A_286] {strides = array<i32>} : memref<128x128xf32, #tpu.memory_space<vmem>>, vector<1x16xf32>,
      %get3A_288 = vector.shape_cast %get3A_287 : vector<1x16xf32> to vector<16xf32>
      %mul3A_289 = arith.mulf %gather3A_118, %get3A_288 : vector<16xf32>
      %add3A_290 = arith.addf %mul3A_284, %mul3A_289 : vector<16xf32>
      %get3A_291 = arith.index_cast %add3A_103 : i32 to index
      %get3A_292 = arith.constant 112 : index
      %get3A_293 = tpu.vector_load %arg34[%get3A_291, %get3A_292] {strides = array<i32>} : memref<128x128xf32, #tpu.memory_space<vmem>>, vector<1x16xf32>,
      %get3A_294 = vector.shape_cast %get3A_293 : vector<1x16xf32> to vector<16xf32>
      %mul3A_295 = arith.mulf %gather3A_126, %get3A_294 : vector<16xf32>
      %add3A_296 = arith.addf %add3A_290, %mul3A_295 : vector<16xf32>
      %swap3A_297 = arith.index_cast %add3A_103 : i32 to index
      %swap3A_298 = arith.constant 112 : index
      %swap3A_299 = tpu.vector_load %arg35[%swap3A_297, %swap3A_298] {strides = array<i32>} : memref<128x128xf32, #tpu.memory_space<vmem>>, vector<1x16xf32>,
      %swap3A_300 = vector.shape_cast %swap3A_299 : vector<1x16xf32> to vector<16xf32>
      %swap3A_301 = vector.shape_cast %add3A_296 : vector<16xf32> to vector<1x16xf32>
      tpu.vector_store %arg35[%swap3A_297, %swap3A_298], %swap3A_301 {strides = array<i32>} : memref<128x128xf32, #tpu.memory_space<vmem>>, vector<1x16xf32>,
    }
    %scan3A_94 = arith.constant 128 : i32
    %mul3A_95 = arith.constant 256 : i32
    %mul3A_96 = arith.muli %add3A, %mul3A_95 : i32
    %add3A_97 = arith.constant 128 : i32
    %add3A_98 = arith.addi %mul3A_96, %add3A_97 : i32
    "tpu.region"() ({
      %run_scoped3A = tpu.sem_alloc : memref<!tpu.dma_semaphore, #tpu.memory_space<semaphore_mem>>
      %dma_start3A_99 = arith.constant 0 : i32
      %dma_start3A_100 = tpu.memref_slice %arg14[%add3A_98, %dma_start3A_99] : memref<8192x128xf32, #tpu.memory_space<hbm>> -> memref<128x128xf32, #tpu.memory_space<hbm>>
      %dma_start3A_101 = arith.constant 0 : i32
      %dma_start3A_102 = tpu.memref_slice %arg14[%add3A_98, %dma_start3A_101] : memref<8192x128xf32, #tpu.memory_space<hbm>> -> memref<128x128xf32, #tpu.memory_space<hbm>>
      tpu.enqueue_dma source(%arg35 : memref<128x128xf32, #tpu.memory_space<vmem>>) target(%dma_start3A_102 : memref<128x128xf32, #tpu.memory_space<hbm>>) target_semaphore(%run_scoped3A : memref<!tpu.dma_semaphore, #tpu.memory_space<semaphore_mem>>)
      %dma_wait3A_103 = arith.constant 0 : i32
      %dma_wait3A_104 = tpu.memref_slice %arg14[%add3A_98, %dma_wait3A_103] : memref<8192x128xf32, #tpu.memory_space<hbm>> -> memref<128x128xf32, #tpu.memory_space<hbm>>
      %dma_wait3A_105 = arith.constant 0 : i32
      %dma_wait3A_106 = tpu.memref_slice %arg14[%add3A_98, %dma_wait3A_105] : memref<8192x128xf32, #tpu.memory_space<hbm>> -> memref<128x128xf32, #tpu.memory_space<hbm>>
      tpu.wait_dma2 semaphore(%run_scoped3A : memref<!tpu.dma_semaphore, #tpu.memory_space<semaphore_mem>>) src(%arg35 : memref<128x128xf32, #tpu.memory_space<vmem>>) dst(%dma_wait3A_106 : memref<128x128xf32, #tpu.memory_space<hbm>>)
      tpu.yield
    }) : () -> ()
    return
  }
}

#map = affine_map<(d0, d1) -> (0)>
#map1 = affine_map<(d0, d1) -> (0, 0)>
module attributes {stable_mosaic.version = 14 : i64} {
  func.func @_sc_knn_body(%arg0: i32, %arg1: i32, %arg2: memref<4096xf32, #tpu.memory_space<hbm>>, %arg3: memref<4096xf32, #tpu.memory_space<hbm>>, %arg4: memref<4096xf32, #tpu.memory_space<hbm>>, %arg5: memref<16384xf32, #tpu.memory_space<hbm>>, %arg6: memref<16384xf32, #tpu.memory_space<hbm>>, %arg7: memref<16384xf32, #tpu.memory_space<hbm>>, %arg8: memref<16384xi32, #tpu.memory_space<hbm>>, %arg9: memref<16xi32, #tpu.memory_space<hbm>>, %arg10: memref<16xi32, #tpu.memory_space<hbm>>, %arg11: memref<1040xi32, #tpu.memory_space<hbm>>, %arg12: memref<1040xi32, #tpu.memory_space<hbm>>, %arg13: memref<4096x128xf32, #tpu.memory_space<hbm>>, %arg14: memref<8192x128xf32, #tpu.memory_space<hbm>>, %arg15: memref<4096xf32, #tpu.memory_space<vmem>>, %arg16: memref<4096xf32, #tpu.memory_space<vmem>>, %arg17: memref<4096xf32, #tpu.memory_space<vmem>>, %arg18: memref<256xf32, #tpu.memory_space<vmem>>, %arg19: memref<256xf32, #tpu.memory_space<vmem>>, %arg20: memref<256xf32, #tpu.memory_space<vmem>>, %arg21: memref<256xi32, #tpu.memory_space<vmem>>, %arg22: memref<16xi32, #tpu.memory_space<vmem>>, %arg23: memref<16xi32, #tpu.memory_space<vmem>>, %arg24: memref<32xi32, #tpu.memory_space<vmem>>, %arg25: memref<32xi32, #tpu.memory_space<vmem>>, %arg26: memref<272xf32, #tpu.memory_space<vmem>>, %arg27: memref<272xf32, #tpu.memory_space<vmem>>, %arg28: memref<272xf32, #tpu.memory_space<vmem>>, %arg29: memref<256xi32, #tpu.memory_space<vmem>>, %arg30: memref<256xi32, #tpu.memory_space<vmem>>, %arg31: memref<256xi32, #tpu.memory_space<vmem>>, %arg32: memref<128x128xf32, #tpu.memory_space<vmem>>, %arg33: memref<128x128xf32, #tpu.memory_space<vmem>>, %arg34: memref<128x128xf32, #tpu.memory_space<vmem>>, %arg35: memref<128x128xf32, #tpu.memory_space<vmem>>, %arg36: memref<!tpu.dma_semaphore, #tpu.memory_space<semaphore_mem>>) attributes {dimension_semantics = [#tpu.dimension_semantics<core_parallel>, #tpu.dimension_semantics<subcore_parallel>], iteration_bounds = array<i64: 2, 16>, scalar_prefetch = 0 : i64, scratch_operands = 22 : i64, tpu.core_type = #tpu.core_type<sc_vector_subcore>, window_params = [{transform_indices = #map}, {transform_indices = #map}, {transform_indices = #map}, {transform_indices = #map}, {transform_indices = #map}, {transform_indices = #map}, {transform_indices = #map}, {transform_indices = #map}, {transform_indices = #map}, {transform_indices = #map}, {transform_indices = #map}, {transform_indices = #map1}, {transform_indices = #map1}]} {
    %mul3A = arith.constant 2 : i32
    %mul3A_0 = arith.muli %arg1, %mul3A : i32
    %add3A = arith.addi %mul3A_0, %arg0 : i32
    %mul3A_1 = arith.constant 256 : i32
    %mul3A_2 = arith.muli %add3A, %mul3A_1 : i32
    %add3A_3 = arith.constant 8192 : i32
    %add3A_4 = arith.addi %add3A_3, %mul3A_2 : i32
    %mul3A_5 = arith.constant 16 : i32
    %mul3A_6 = arith.muli %add3A, %mul3A_5 : i32
    %add3A_7 = arith.constant 512 : i32
    %add3A_8 = arith.addi %add3A_7, %mul3A_6 : i32
    "tpu.region"() ({
      %run_scoped3A = tpu.sem_alloc : memref<!tpu.dma_semaphore, #tpu.memory_space<semaphore_mem>>
      tpu.enqueue_dma source(%arg2 : memref<4096xf32, #tpu.memory_space<hbm>>) target(%arg15 : memref<4096xf32, #tpu.memory_space<vmem>>) target_semaphore(%run_scoped3A : memref<!tpu.dma_semaphore, #tpu.memory_space<semaphore_mem>>)
      tpu.wait_dma2 semaphore(%run_scoped3A : memref<!tpu.dma_semaphore, #tpu.memory_space<semaphore_mem>>) src(%arg2 : memref<4096xf32, #tpu.memory_space<hbm>>) dst(%arg15 : memref<4096xf32, #tpu.memory_space<vmem>>)
      tpu.yield
    }) : () -> ()
    "tpu.region"() ({
      %run_scoped3A = tpu.sem_alloc : memref<!tpu.dma_semaphore, #tpu.memory_space<semaphore_mem>>
      tpu.enqueue_dma source(%arg3 : memref<4096xf32, #tpu.memory_space<hbm>>) target(%arg16 : memref<4096xf32, #tpu.memory_space<vmem>>) target_semaphore(%run_scoped3A : memref<!tpu.dma_semaphore, #tpu.memory_space<semaphore_mem>>)
      tpu.wait_dma2 semaphore(%run_scoped3A : memref<!tpu.dma_semaphore, #tpu.memory_space<semaphore_mem>>) src(%arg3 : memref<4096xf32, #tpu.memory_space<hbm>>) dst(%arg16 : memref<4096xf32, #tpu.memory_space<vmem>>)
      tpu.yield
    }) : () -> ()
    "tpu.region"() ({
      %run_scoped3A = tpu.sem_alloc : memref<!tpu.dma_semaphore, #tpu.memory_space<semaphore_mem>>
      tpu.enqueue_dma source(%arg4 : memref<4096xf32, #tpu.memory_space<hbm>>) target(%arg17 : memref<4096xf32, #tpu.memory_space<vmem>>) target_semaphore(%run_scoped3A : memref<!tpu.dma_semaphore, #tpu.memory_space<semaphore_mem>>)
      tpu.wait_dma2 semaphore(%run_scoped3A : memref<!tpu.dma_semaphore, #tpu.memory_space<semaphore_mem>>) src(%arg4 : memref<4096xf32, #tpu.memory_space<hbm>>) dst(%arg17 : memref<4096xf32, #tpu.memory_space<vmem>>)
      tpu.yield
    }) : () -> ()
    "tpu.region"() ({
      %run_scoped3A = tpu.sem_alloc : memref<!tpu.dma_semaphore, #tpu.memory_space<semaphore_mem>>
      %dma_start3A_99 = tpu.memref_slice %arg5[%add3A_4] : memref<16384xf32, #tpu.memory_space<hbm>> -> memref<256xf32, #tpu.memory_space<hbm>>
      %dma_start3A_100 = tpu.memref_slice %arg5[%add3A_4] : memref<16384xf32, #tpu.memory_space<hbm>> -> memref<256xf32, #tpu.memory_space<hbm>>
      tpu.enqueue_dma source(%dma_start3A_100 : memref<256xf32, #tpu.memory_space<hbm>>) target(%arg18 : memref<256xf32, #tpu.memory_space<vmem>>) target_semaphore(%run_scoped3A : memref<!tpu.dma_semaphore, #tpu.memory_space<semaphore_mem>>)
      %dma_wait3A_101 = tpu.memref_slice %arg5[%add3A_4] : memref<16384xf32, #tpu.memory_space<hbm>> -> memref<256xf32, #tpu.memory_space<hbm>>
      %dma_wait3A_102 = tpu.memref_slice %arg5[%add3A_4] : memref<16384xf32, #tpu.memory_space<hbm>> -> memref<256xf32, #tpu.memory_space<hbm>>
      tpu.wait_dma2 semaphore(%run_scoped3A : memref<!tpu.dma_semaphore, #tpu.memory_space<semaphore_mem>>) src(%dma_wait3A_102 : memref<256xf32, #tpu.memory_space<hbm>>) dst(%arg18 : memref<256xf32, #tpu.memory_space<vmem>>)
      tpu.yield
    }) : () -> ()
    "tpu.region"() ({
      %run_scoped3A = tpu.sem_alloc : memref<!tpu.dma_semaphore, #tpu.memory_space<semaphore_mem>>
      %dma_start3A_99 = tpu.memref_slice %arg6[%add3A_4] : memref<16384xf32, #tpu.memory_space<hbm>> -> memref<256xf32, #tpu.memory_space<hbm>>
      %dma_start3A_100 = tpu.memref_slice %arg6[%add3A_4] : memref<16384xf32, #tpu.memory_space<hbm>> -> memref<256xf32, #tpu.memory_space<hbm>>
      tpu.enqueue_dma source(%dma_start3A_100 : memref<256xf32, #tpu.memory_space<hbm>>) target(%arg19 : memref<256xf32, #tpu.memory_space<vmem>>) target_semaphore(%run_scoped3A : memref<!tpu.dma_semaphore, #tpu.memory_space<semaphore_mem>>)
      %dma_wait3A_101 = tpu.memref_slice %arg6[%add3A_4] : memref<16384xf32, #tpu.memory_space<hbm>> -> memref<256xf32, #tpu.memory_space<hbm>>
      %dma_wait3A_102 = tpu.memref_slice %arg6[%add3A_4] : memref<16384xf32, #tpu.memory_space<hbm>> -> memref<256xf32, #tpu.memory_space<hbm>>
      tpu.wait_dma2 semaphore(%run_scoped3A : memref<!tpu.dma_semaphore, #tpu.memory_space<semaphore_mem>>) src(%dma_wait3A_102 : memref<256xf32, #tpu.memory_space<hbm>>) dst(%arg19 : memref<256xf32, #tpu.memory_space<vmem>>)
      tpu.yield
    }) : () -> ()
    "tpu.region"() ({
      %run_scoped3A = tpu.sem_alloc : memref<!tpu.dma_semaphore, #tpu.memory_space<semaphore_mem>>
      %dma_start3A_99 = tpu.memref_slice %arg7[%add3A_4] : memref<16384xf32, #tpu.memory_space<hbm>> -> memref<256xf32, #tpu.memory_space<hbm>>
      %dma_start3A_100 = tpu.memref_slice %arg7[%add3A_4] : memref<16384xf32, #tpu.memory_space<hbm>> -> memref<256xf32, #tpu.memory_space<hbm>>
      tpu.enqueue_dma source(%dma_start3A_100 : memref<256xf32, #tpu.memory_space<hbm>>) target(%arg20 : memref<256xf32, #tpu.memory_space<vmem>>) target_semaphore(%run_scoped3A : memref<!tpu.dma_semaphore, #tpu.memory_space<semaphore_mem>>)
      %dma_wait3A_101 = tpu.memref_slice %arg7[%add3A_4] : memref<16384xf32, #tpu.memory_space<hbm>> -> memref<256xf32, #tpu.memory_space<hbm>>
      %dma_wait3A_102 = tpu.memref_slice %arg7[%add3A_4] : memref<16384xf32, #tpu.memory_space<hbm>> -> memref<256xf32, #tpu.memory_space<hbm>>
      tpu.wait_dma2 semaphore(%run_scoped3A : memref<!tpu.dma_semaphore, #tpu.memory_space<semaphore_mem>>) src(%dma_wait3A_102 : memref<256xf32, #tpu.memory_space<hbm>>) dst(%arg20 : memref<256xf32, #tpu.memory_space<vmem>>)
      tpu.yield
    }) : () -> ()
    "tpu.region"() ({
      %run_scoped3A = tpu.sem_alloc : memref<!tpu.dma_semaphore, #tpu.memory_space<semaphore_mem>>
      %dma_start3A_99 = tpu.memref_slice %arg8[%add3A_4] : memref<16384xi32, #tpu.memory_space<hbm>> -> memref<256xi32, #tpu.memory_space<hbm>>
      %dma_start3A_100 = tpu.memref_slice %arg8[%add3A_4] : memref<16384xi32, #tpu.memory_space<hbm>> -> memref<256xi32, #tpu.memory_space<hbm>>
      tpu.enqueue_dma source(%dma_start3A_100 : memref<256xi32, #tpu.memory_space<hbm>>) target(%arg21 : memref<256xi32, #tpu.memory_space<vmem>>) target_semaphore(%run_scoped3A : memref<!tpu.dma_semaphore, #tpu.memory_space<semaphore_mem>>)
      %dma_wait3A_101 = tpu.memref_slice %arg8[%add3A_4] : memref<16384xi32, #tpu.memory_space<hbm>> -> memref<256xi32, #tpu.memory_space<hbm>>
      %dma_wait3A_102 = tpu.memref_slice %arg8[%add3A_4] : memref<16384xi32, #tpu.memory_space<hbm>> -> memref<256xi32, #tpu.memory_space<hbm>>
      tpu.wait_dma2 semaphore(%run_scoped3A : memref<!tpu.dma_semaphore, #tpu.memory_space<semaphore_mem>>) src(%dma_wait3A_102 : memref<256xi32, #tpu.memory_space<hbm>>) dst(%arg21 : memref<256xi32, #tpu.memory_space<vmem>>)
      tpu.yield
    }) : () -> ()
    "tpu.region"() ({
      %run_scoped3A = tpu.sem_alloc : memref<!tpu.dma_semaphore, #tpu.memory_space<semaphore_mem>>
      tpu.enqueue_dma source(%arg9 : memref<16xi32, #tpu.memory_space<hbm>>) target(%arg22 : memref<16xi32, #tpu.memory_space<vmem>>) target_semaphore(%run_scoped3A : memref<!tpu.dma_semaphore, #tpu.memory_space<semaphore_mem>>)
      tpu.wait_dma2 semaphore(%run_scoped3A : memref<!tpu.dma_semaphore, #tpu.memory_space<semaphore_mem>>) src(%arg9 : memref<16xi32, #tpu.memory_space<hbm>>) dst(%arg22 : memref<16xi32, #tpu.memory_space<vmem>>)
      tpu.yield
    }) : () -> ()
    "tpu.region"() ({
      %run_scoped3A = tpu.sem_alloc : memref<!tpu.dma_semaphore, #tpu.memory_space<semaphore_mem>>
      tpu.enqueue_dma source(%arg10 : memref<16xi32, #tpu.memory_space<hbm>>) target(%arg23 : memref<16xi32, #tpu.memory_space<vmem>>) target_semaphore(%run_scoped3A : memref<!tpu.dma_semaphore, #tpu.memory_space<semaphore_mem>>)
      tpu.wait_dma2 semaphore(%run_scoped3A : memref<!tpu.dma_semaphore, #tpu.memory_space<semaphore_mem>>) src(%arg10 : memref<16xi32, #tpu.memory_space<hbm>>) dst(%arg23 : memref<16xi32, #tpu.memory_space<vmem>>)
      tpu.yield
    }) : () -> ()
    "tpu.region"() ({
      %run_scoped3A = tpu.sem_alloc : memref<!tpu.dma_semaphore, #tpu.memory_space<semaphore_mem>>
      %dma_start3A_99 = arith.constant 0 : i32
      %dma_start3A_100 = tpu.memref_slice %arg24[%dma_start3A_99] : memref<32xi32, #tpu.memory_space<vmem>> -> memref<16xi32, #tpu.memory_space<vmem>>
      %dma_start3A_101 = tpu.memref_slice %arg11[%add3A_8] : memref<1040xi32, #tpu.memory_space<hbm>> -> memref<16xi32, #tpu.memory_space<hbm>>
      %dma_start3A_102 = arith.constant 0 : i32
      %dma_start3A_103 = tpu.memref_slice %arg24[%dma_start3A_102] : memref<32xi32, #tpu.memory_space<vmem>> -> memref<16xi32, #tpu.memory_space<vmem>>
      %dma_start3A_104 = tpu.memref_slice %arg11[%add3A_8] : memref<1040xi32, #tpu.memory_space<hbm>> -> memref<16xi32, #tpu.memory_space<hbm>>
      tpu.enqueue_dma source(%dma_start3A_104 : memref<16xi32, #tpu.memory_space<hbm>>) target(%dma_start3A_103 : memref<16xi32, #tpu.memory_space<vmem>>) target_semaphore(%run_scoped3A : memref<!tpu.dma_semaphore, #tpu.memory_space<semaphore_mem>>)
      %dma_wait3A_105 = arith.constant 0 : i32
      %dma_wait3A_106 = tpu.memref_slice %arg24[%dma_wait3A_105] : memref<32xi32, #tpu.memory_space<vmem>> -> memref<16xi32, #tpu.memory_space<vmem>>
      %dma_wait3A_107 = tpu.memref_slice %arg11[%add3A_8] : memref<1040xi32, #tpu.memory_space<hbm>> -> memref<16xi32, #tpu.memory_space<hbm>>
      %dma_wait3A_108 = arith.constant 0 : i32
      %dma_wait3A_109 = tpu.memref_slice %arg24[%dma_wait3A_108] : memref<32xi32, #tpu.memory_space<vmem>> -> memref<16xi32, #tpu.memory_space<vmem>>
      %dma_wait3A_110 = tpu.memref_slice %arg11[%add3A_8] : memref<1040xi32, #tpu.memory_space<hbm>> -> memref<16xi32, #tpu.memory_space<hbm>>
      tpu.wait_dma2 semaphore(%run_scoped3A : memref<!tpu.dma_semaphore, #tpu.memory_space<semaphore_mem>>) src(%dma_wait3A_110 : memref<16xi32, #tpu.memory_space<hbm>>) dst(%dma_wait3A_109 : memref<16xi32, #tpu.memory_space<vmem>>)
      tpu.yield
    }) : () -> ()
    "tpu.region"() ({
      %run_scoped3A = tpu.sem_alloc : memref<!tpu.dma_semaphore, #tpu.memory_space<semaphore_mem>>
      %dma_start3A_99 = arith.constant 0 : i32
      %dma_start3A_100 = tpu.memref_slice %arg25[%dma_start3A_99] : memref<32xi32, #tpu.memory_space<vmem>> -> memref<16xi32, #tpu.memory_space<vmem>>
      %dma_start3A_101 = tpu.memref_slice %arg12[%add3A_8] : memref<1040xi32, #tpu.memory_space<hbm>> -> memref<16xi32, #tpu.memory_space<hbm>>
      %dma_start3A_102 = arith.constant 0 : i32
      %dma_start3A_103 = tpu.memref_slice %arg25[%dma_start3A_102] : memref<32xi32, #tpu.memory_space<vmem>> -> memref<16xi32, #tpu.memory_space<vmem>>
      %dma_start3A_104 = tpu.memref_slice %arg12[%add3A_8] : memref<1040xi32, #tpu.memory_space<hbm>> -> memref<16xi32, #tpu.memory_space<hbm>>
      tpu.enqueue_dma source(%dma_start3A_104 : memref<16xi32, #tpu.memory_space<hbm>>) target(%dma_start3A_103 : memref<16xi32, #tpu.memory_space<vmem>>) target_semaphore(%run_scoped3A : memref<!tpu.dma_semaphore, #tpu.memory_space<semaphore_mem>>)
      %dma_wait3A_105 = arith.constant 0 : i32
      %dma_wait3A_106 = tpu.memref_slice %arg25[%dma_wait3A_105] : memref<32xi32, #tpu.memory_space<vmem>> -> memref<16xi32, #tpu.memory_space<vmem>>
      %dma_wait3A_107 = tpu.memref_slice %arg12[%add3A_8] : memref<1040xi32, #tpu.memory_space<hbm>> -> memref<16xi32, #tpu.memory_space<hbm>>
      %dma_wait3A_108 = arith.constant 0 : i32
      %dma_wait3A_109 = tpu.memref_slice %arg25[%dma_wait3A_108] : memref<32xi32, #tpu.memory_space<vmem>> -> memref<16xi32, #tpu.memory_space<vmem>>
      %dma_wait3A_110 = tpu.memref_slice %arg12[%add3A_8] : memref<1040xi32, #tpu.memory_space<hbm>> -> memref<16xi32, #tpu.memory_space<hbm>>
      tpu.wait_dma2 semaphore(%run_scoped3A : memref<!tpu.dma_semaphore, #tpu.memory_space<semaphore_mem>>) src(%dma_wait3A_110 : memref<16xi32, #tpu.memory_space<hbm>>) dst(%dma_wait3A_109 : memref<16xi32, #tpu.memory_space<vmem>>)
      tpu.yield
    }) : () -> ()
    %get3A = arith.constant 0 : index
    %get3A_9 = tpu.vector_load %arg22[%get3A] {strides = array<i32>} : memref<16xi32, #tpu.memory_space<vmem>>, vector<16xi32>,
    %get3A_10 = vector.shape_cast %get3A_9 : vector<16xi32> to vector<16xi32>
    %get3A_11 = arith.constant 0 : index
    %get3A_12 = tpu.vector_load %arg23[%get3A_11] {strides = array<i32>} : memref<16xi32, #tpu.memory_space<vmem>>, vector<16xi32>,
    %get3A_13 = vector.shape_cast %get3A_12 : vector<16xi32> to vector<16xi32>
    %broadcast_in_dim3A = arith.constant 0x7F800000 : f32
    %broadcast_in_dim3A_14 = vector.broadcast %broadcast_in_dim3A : f32 to vector<16xf32>
    %broadcast_in_dim3A_15 = arith.constant 0 : i32
    %broadcast_in_dim3A_16 = vector.broadcast %broadcast_in_dim3A_15 : i32 to vector<16xi32>
    %scan3A = arith.constant 0 : i32
    %scan3A_17 = arith.constant 16 : i32
    %scan3A_18 = arith.addi %scan3A, %scan3A_17 : i32
    %scan3A_19 = arith.constant 1 : i32
    scf.for %scan3A_99 = %scan3A to %scan3A_18 step %scan3A_19  : i32 {
      %mul3A_100 = arith.constant 1 : i32
      %mul3A_101 = arith.muli %scan3A_99, %mul3A_100 : i32
      %add3A_102 = arith.constant 0 : i32
      %add3A_103 = arith.addi %add3A_102, %mul3A_101 : i32
      %mul3A_104 = arith.constant 16 : i32
      %mul3A_105 = arith.muli %add3A_103, %mul3A_104 : i32
      %get3A_106 = arith.index_cast %mul3A_105 : i32 to index
      %get3A_107 = tpu.vector_load %arg18[%get3A_106] {strides = array<i32>} : memref<256xf32, #tpu.memory_space<vmem>>, vector<16xf32>,
      %get3A_108 = vector.shape_cast %get3A_107 : vector<16xf32> to vector<16xf32>
      %get3A_109 = arith.index_cast %mul3A_105 : i32 to index
      %get3A_110 = tpu.vector_load %arg19[%get3A_109] {strides = array<i32>} : memref<256xf32, #tpu.memory_space<vmem>>, vector<16xf32>,
      %get3A_111 = vector.shape_cast %get3A_110 : vector<16xf32> to vector<16xf32>
      %get3A_112 = arith.index_cast %mul3A_105 : i32 to index
      %get3A_113 = tpu.vector_load %arg20[%get3A_112] {strides = array<i32>} : memref<256xf32, #tpu.memory_space<vmem>>, vector<16xf32>,
      %get3A_114 = vector.shape_cast %get3A_113 : vector<16xf32> to vector<16xf32>
      %get3A_115 = arith.index_cast %mul3A_105 : i32 to index
      %get3A_116 = tpu.vector_load %arg21[%get3A_115] {strides = array<i32>} : memref<256xi32, #tpu.memory_space<vmem>>, vector<16xi32>,
      %get3A_117 = vector.shape_cast %get3A_116 : vector<16xi32> to vector<16xi32>
      %broadcast_in_dim3A_118 = vector.shape_cast %get3A_117 : vector<16xi32> to vector<16x1xi32>
      %gather3A = vector.shape_cast %broadcast_in_dim3A_118 : vector<16x1xi32> to vector<16xi32>
      %gather3A_119 = tpu.dynamic_gather %get3A_10[%gather3A] in [0] : vector<16xi32>, vector<16xi32> -> vector<16xi32>
      %broadcast_in_dim3A_120 = vector.shape_cast %get3A_117 : vector<16xi32> to vector<16x1xi32>
      %gather3A_121 = vector.shape_cast %broadcast_in_dim3A_120 : vector<16x1xi32> to vector<16xi32>
      %gather3A_122 = tpu.dynamic_gather %get3A_13[%gather3A_121] in [0] : vector<16xi32>, vector<16xi32> -> vector<16xi32>
      %get3A_123 = arith.index_cast %add3A_103 : i32 to index
      %get3A_124 = tpu.vector_load %arg24[%get3A_123] {strides = array<i32>} : memref<32xi32, #tpu.memory_space<vmem>>, vector<16xi32>,
      %get3A_125 = vector.shape_cast %get3A_124 : vector<16xi32> to vector<16xi32>
      %slice3A = vector.extract_strided_slice %get3A_125 {offsets = [0], sizes = [1], strides = [1]} : vector<16xi32> to vector<1xi32>
      %squeeze3A = vector.extract %slice3A[0] : i32 from vector<1xi32>
      %get3A_126 = arith.index_cast %add3A_103 : i32 to index
      %get3A_127 = tpu.vector_load %arg25[%get3A_126] {strides = array<i32>} : memref<32xi32, #tpu.memory_space<vmem>>, vector<16xi32>,
      %get3A_128 = vector.shape_cast %get3A_127 : vector<16xi32> to vector<16xi32>
      %slice3A_129 = vector.extract_strided_slice %get3A_128 {offsets = [0], sizes = [1], strides = [1]} : vector<16xi32> to vector<1xi32>
      %squeeze3A_130 = vector.extract %slice3A_129[0] : i32 from vector<1xi32>
      %jit3A = arith.constant 16 : i32
      %div3A = arith.divsi %squeeze3A, %jit3A : i32
      %sign3A = arith.constant 0 : i32
      %sign3A_131 = arith.cmpi sgt, %squeeze3A, %sign3A : i32
      %sign3A_132 = arith.extui %sign3A_131 : i1 to i32
      %sign3A_133 = arith.constant 0 : i32
      %sign3A_134 = arith.cmpi slt, %squeeze3A, %sign3A_133 : i32
      %sign3A_135 = arith.extui %sign3A_134 : i1 to i32
      %sign3A_136 = arith.subi %sign3A_132, %sign3A_135 : i32
      %sign3A_137 = arith.constant 0 : i32
      %sign3A_138 = arith.cmpi sgt, %jit3A, %sign3A_137 : i32
      %sign3A_139 = arith.extui %sign3A_138 : i1 to i32
      %sign3A_140 = arith.constant 0 : i32
      %sign3A_141 = arith.cmpi slt, %jit3A, %sign3A_140 : i32
      %sign3A_142 = arith.extui %sign3A_141 : i1 to i32
      %sign3A_143 = arith.subi %sign3A_139, %sign3A_142 : i32
      %ne3A = arith.cmpi ne, %sign3A_136, %sign3A_143 : i32
      %rem3A = arith.remsi %squeeze3A, %jit3A : i32
      %ne3A_144 = arith.constant 0 : i32
      %ne3A_145 = arith.cmpi ne, %rem3A, %ne3A_144 : i32
      %and3A = arith.andi %ne3A, %ne3A_145 : i1
      %sub3A = arith.constant 1 : i32
      %sub3A_146 = arith.subi %div3A, %sub3A : i32
      %select_n3A = arith.select %and3A, %sub3A_146, %div3A : i32
      %add3A_147 = arith.constant 16 : i32
      %add3A_148 = arith.addi %squeeze3A_130, %add3A_147 : i32
      %sub3A_149 = arith.constant 1 : i32
      %sub3A_150 = arith.subi %add3A_148, %sub3A_149 : i32
      %jit3A_151 = arith.constant 16 : i32
      %div3A_152 = arith.divsi %sub3A_150, %jit3A_151 : i32
      %sign3A_153 = arith.constant 0 : i32
      %sign3A_154 = arith.cmpi sgt, %sub3A_150, %sign3A_153 : i32
      %sign3A_155 = arith.extui %sign3A_154 : i1 to i32
      %sign3A_156 = arith.constant 0 : i32
      %sign3A_157 = arith.cmpi slt, %sub3A_150, %sign3A_156 : i32
      %sign3A_158 = arith.extui %sign3A_157 : i1 to i32
      %sign3A_159 = arith.subi %sign3A_155, %sign3A_158 : i32
      %sign3A_160 = arith.constant 0 : i32
      %sign3A_161 = arith.cmpi sgt, %jit3A_151, %sign3A_160 : i32
      %sign3A_162 = arith.extui %sign3A_161 : i1 to i32
      %sign3A_163 = arith.constant 0 : i32
      %sign3A_164 = arith.cmpi slt, %jit3A_151, %sign3A_163 : i32
      %sign3A_165 = arith.extui %sign3A_164 : i1 to i32
      %sign3A_166 = arith.subi %sign3A_162, %sign3A_165 : i32
      %ne3A_167 = arith.cmpi ne, %sign3A_159, %sign3A_166 : i32
      %rem3A_168 = arith.remsi %sub3A_150, %jit3A_151 : i32
      %ne3A_169 = arith.constant 0 : i32
      %ne3A_170 = arith.cmpi ne, %rem3A_168, %ne3A_169 : i32
      %and3A_171 = arith.andi %ne3A_167, %ne3A_170 : i1
      %sub3A_172 = arith.constant 1 : i32
      %sub3A_173 = arith.subi %div3A_152, %sub3A_172 : i32
      %select_n3A_174 = arith.select %and3A_171, %sub3A_173, %div3A_152 : i32
      %sub3A_175 = arith.subi %select_n3A_174, %select_n3A : i32
      %sub3A_176 = arith.constant 1 : i32
      %sub3A_177 = arith.constant 1 : i32
      %sub3A_178 = arith.subi %sub3A_176, %sub3A_177 : i32
      %add3A_179 = arith.addi %sub3A_175, %sub3A_178 : i32
      %div3A_180 = arith.constant 1 : i32
      %div3A_181 = arith.divsi %add3A_179, %div3A_180 : i32
      %while3A = arith.constant 1 : i32
      %while3A_182 = arith.constant 0 : i32
      %while3A_183 = arith.subi %div3A_181, %while3A_182 : i32
      %while3A_184 = arith.addi %while3A_182, %while3A_183 : i32
      %while3A_185 = arith.constant 1 : i32
      %while3A_186 = arith.divsi %while3A_183, %while3A_185 : i32
      %while3A_187 = arith.muli %while3A_186, %while3A_185 : i32
      %while3A_188 = arith.addi %while3A_182, %while3A_187 : i32
      %while3A_189 = arith.constant 1 : i32
      %while3A_190:6 = scf.for %while3A_241 = %while3A_182 to %while3A_188 step %while3A_189 iter_args(%while3A_242 = %broadcast_in_dim3A_14, %while3A_243 = %broadcast_in_dim3A_14, %while3A_244 = %broadcast_in_dim3A_14, %while3A_245 = %broadcast_in_dim3A_16, %while3A_246 = %broadcast_in_dim3A_16, %while3A_247 = %broadcast_in_dim3A_16) -> (vector<16xf32>, vector<16xf32>, vector<16xf32>, vector<16xi32>, vector<16xi32>, vector<16xi32>)  : i32 {
        %mul3A_248 = arith.muli %while3A_241, %while3A : i32
        %add3A_249 = arith.addi %select_n3A, %mul3A_248 : i32
        %mul3A_250 = arith.constant 16 : i32
        %mul3A_251 = arith.muli %add3A_249, %mul3A_250 : i32
        %get3A_252 = arith.index_cast %mul3A_251 : i32 to index
        %get3A_253 = tpu.vector_load %arg15[%get3A_252] {strides = array<i32>} : memref<4096xf32, #tpu.memory_space<vmem>>, vector<16xf32>,
        %get3A_254 = vector.shape_cast %get3A_253 : vector<16xf32> to vector<16xf32>
        %get3A_255 = arith.index_cast %mul3A_251 : i32 to index
        %get3A_256 = tpu.vector_load %arg16[%get3A_255] {strides = array<i32>} : memref<4096xf32, #tpu.memory_space<vmem>>, vector<16xf32>,
        %get3A_257 = vector.shape_cast %get3A_256 : vector<16xf32> to vector<16xf32>
        %get3A_258 = arith.index_cast %mul3A_251 : i32 to index
        %get3A_259 = tpu.vector_load %arg17[%get3A_258] {strides = array<i32>} : memref<4096xf32, #tpu.memory_space<vmem>>, vector<16xf32>,
        %get3A_260 = vector.shape_cast %get3A_259 : vector<16xf32> to vector<16xf32>
        %broadcast_in_dim3A_261 = vector.broadcast %mul3A_251 : i32 to vector<16xi32>
        %broadcast_in_dim3A_262 = arith.constant 0 : i32
        %broadcast_in_dim3A_263 = vector.broadcast %broadcast_in_dim3A_262 : i32 to vector<16xi32>
        %broadcast_in_dim3A_264 = vector.shape_cast %broadcast_in_dim3A_263 : vector<16xi32> to vector<16x1xi32>
        %gather3A_265 = vector.shape_cast %broadcast_in_dim3A_264 : vector<16x1xi32> to vector<16xi32>
        %gather3A_266 = tpu.dynamic_gather %get3A_254[%gather3A_265] in [0] : vector<16xf32>, vector<16xi32> -> vector<16xf32>
        %broadcast_in_dim3A_267 = vector.shape_cast %broadcast_in_dim3A_263 : vector<16xi32> to vector<16x1xi32>
        %gather3A_268 = vector.shape_cast %broadcast_in_dim3A_267 : vector<16x1xi32> to vector<16xi32>
        %gather3A_269 = tpu.dynamic_gather %get3A_257[%gather3A_268] in [0] : vector<16xf32>, vector<16xi32> -> vector<16xf32>
        %broadcast_in_dim3A_270 = vector.shape_cast %broadcast_in_dim3A_263 : vector<16xi32> to vector<16x1xi32>
        %gather3A_271 = vector.shape_cast %broadcast_in_dim3A_270 : vector<16x1xi32> to vector<16xi32>
        %gather3A_272 = tpu.dynamic_gather %get3A_260[%gather3A_271] in [0] : vector<16xf32>, vector<16xi32> -> vector<16xf32>
        %add3A_273 = arith.constant 0 : i32
        %add3A_274 = vector.broadcast %add3A_273 : i32 to vector<16xi32>
        %add3A_275 = arith.addi %broadcast_in_dim3A_261, %add3A_274 : vector<16xi32>
        %sub3A_276 = arith.subf %get3A_108, %gather3A_266 : vector<16xf32>
        %sub3A_277 = arith.subf %get3A_111, %gather3A_269 : vector<16xf32>
        %sub3A_278 = arith.subf %get3A_114, %gather3A_272 : vector<16xf32>
        %mul3A_279 = arith.mulf %sub3A_276, %sub3A_276 : vector<16xf32>
        %mul3A_280 = arith.mulf %sub3A_277, %sub3A_277 : vector<16xf32>
        %add3A_281 = arith.addf %mul3A_279, %mul3A_280 : vector<16xf32>
        %mul3A_282 = arith.mulf %sub3A_278, %sub3A_278 : vector<16xf32>
        %add3A_283 = arith.addf %add3A_281, %mul3A_282 : vector<16xf32>
        %ge3A = arith.cmpi sge, %add3A_275, %gather3A_119 : vector<16xi32>
        %lt3A = arith.cmpi slt, %add3A_275, %gather3A_122 : vector<16xi32>
        %and3A_284 = arith.andi %ge3A, %lt3A : vector<16xi1>
        %jit3A_285 = arith.constant 0x7F800000 : f32
        %broadcast_in_dim3A_286 = vector.broadcast %jit3A_285 : f32 to vector<16xf32>
        %select_n3A_287 = arith.select %and3A_284, %add3A_283, %broadcast_in_dim3A_286 : vector<16xi1>, vector<16xf32>
        %lt3A_288 = arith.cmpf olt, %select_n3A_287, %while3A_242 : vector<16xf32>
        %lt3A_289 = arith.cmpf olt, %select_n3A_287, %while3A_243 : vector<16xf32>
        %lt3A_290 = arith.cmpf olt, %select_n3A_287, %while3A_244 : vector<16xf32>
        %select_n3A_291 = arith.select %lt3A_289, %while3A_243, %select_n3A_287 : vector<16xi1>, vector<16xf32>
        %select_n3A_292 = arith.select %lt3A_290, %select_n3A_291, %while3A_244 : vector<16xi1>, vector<16xf32>
        %select_n3A_293 = arith.select %lt3A_289, %while3A_246, %add3A_275 : vector<16xi1>, vector<16xi32>
        %select_n3A_294 = arith.select %lt3A_290, %select_n3A_293, %while3A_247 : vector<16xi1>, vector<16xi32>
        %select_n3A_295 = arith.select %lt3A_288, %while3A_242, %select_n3A_287 : vector<16xi1>, vector<16xf32>
        %select_n3A_296 = arith.select %lt3A_289, %select_n3A_295, %while3A_243 : vector<16xi1>, vector<16xf32>
        %select_n3A_297 = arith.select %lt3A_288, %while3A_245, %add3A_275 : vector<16xi1>, vector<16xi32>
        %select_n3A_298 = arith.select %lt3A_289, %select_n3A_297, %while3A_246 : vector<16xi1>, vector<16xi32>
        %select_n3A_299 = arith.select %lt3A_288, %select_n3A_287, %while3A_242 : vector<16xi1>, vector<16xf32>
        %select_n3A_300 = arith.select %lt3A_288, %add3A_275, %while3A_245 : vector<16xi1>, vector<16xi32>
        %broadcast_in_dim3A_301 = arith.constant 1 : i32
        %broadcast_in_dim3A_302 = vector.broadcast %broadcast_in_dim3A_301 : i32 to vector<16xi32>
        %broadcast_in_dim3A_303 = vector.shape_cast %broadcast_in_dim3A_302 : vector<16xi32> to vector<16x1xi32>
        %gather3A_304 = vector.shape_cast %broadcast_in_dim3A_303 : vector<16x1xi32> to vector<16xi32>
        %gather3A_305 = tpu.dynamic_gather %get3A_254[%gather3A_304] in [0] : vector<16xf32>, vector<16xi32> -> vector<16xf32>
        %broadcast_in_dim3A_306 = vector.shape_cast %broadcast_in_dim3A_302 : vector<16xi32> to vector<16x1xi32>
        %gather3A_307 = vector.shape_cast %broadcast_in_dim3A_306 : vector<16x1xi32> to vector<16xi32>
        %gather3A_308 = tpu.dynamic_gather %get3A_257[%gather3A_307] in [0] : vector<16xf32>, vector<16xi32> -> vector<16xf32>
        %broadcast_in_dim3A_309 = vector.shape_cast %broadcast_in_dim3A_302 : vector<16xi32> to vector<16x1xi32>
        %gather3A_310 = vector.shape_cast %broadcast_in_dim3A_309 : vector<16x1xi32> to vector<16xi32>
        %gather3A_311 = tpu.dynamic_gather %get3A_260[%gather3A_310] in [0] : vector<16xf32>, vector<16xi32> -> vector<16xf32>
        %add3A_312 = arith.constant 1 : i32
        %add3A_313 = vector.broadcast %add3A_312 : i32 to vector<16xi32>
        %add3A_314 = arith.addi %broadcast_in_dim3A_261, %add3A_313 : vector<16xi32>
        %sub3A_315 = arith.subf %get3A_108, %gather3A_305 : vector<16xf32>
        %sub3A_316 = arith.subf %get3A_111, %gather3A_308 : vector<16xf32>
        %sub3A_317 = arith.subf %get3A_114, %gather3A_311 : vector<16xf32>
        %mul3A_318 = arith.mulf %sub3A_315, %sub3A_315 : vector<16xf32>
        %mul3A_319 = arith.mulf %sub3A_316, %sub3A_316 : vector<16xf32>
        %add3A_320 = arith.addf %mul3A_318, %mul3A_319 : vector<16xf32>
        %mul3A_321 = arith.mulf %sub3A_317, %sub3A_317 : vector<16xf32>
        %add3A_322 = arith.addf %add3A_320, %mul3A_321 : vector<16xf32>
        %ge3A_323 = arith.cmpi sge, %add3A_314, %gather3A_119 : vector<16xi32>
        %lt3A_324 = arith.cmpi slt, %add3A_314, %gather3A_122 : vector<16xi32>
        %and3A_325 = arith.andi %ge3A_323, %lt3A_324 : vector<16xi1>
        %jit3A_326 = arith.constant 0x7F800000 : f32
        %broadcast_in_dim3A_327 = vector.broadcast %jit3A_326 : f32 to vector<16xf32>
        %select_n3A_328 = arith.select %and3A_325, %add3A_322, %broadcast_in_dim3A_327 : vector<16xi1>, vector<16xf32>
        %lt3A_329 = arith.cmpf olt, %select_n3A_328, %select_n3A_299 : vector<16xf32>
        %lt3A_330 = arith.cmpf olt, %select_n3A_328, %select_n3A_296 : vector<16xf32>
        %lt3A_331 = arith.cmpf olt, %select_n3A_328, %select_n3A_292 : vector<16xf32>
        %select_n3A_332 = arith.select %lt3A_330, %select_n3A_296, %select_n3A_328 : vector<16xi1>, vector<16xf32>
        %select_n3A_333 = arith.select %lt3A_331, %select_n3A_332, %select_n3A_292 : vector<16xi1>, vector<16xf32>
        %select_n3A_334 = arith.select %lt3A_330, %select_n3A_298, %add3A_314 : vector<16xi1>, vector<16xi32>
        %select_n3A_335 = arith.select %lt3A_331, %select_n3A_334, %select_n3A_294 : vector<16xi1>, vector<16xi32>
        %select_n3A_336 = arith.select %lt3A_329, %select_n3A_299, %select_n3A_328 : vector<16xi1>, vector<16xf32>
        %select_n3A_337 = arith.select %lt3A_330, %select_n3A_336, %select_n3A_296 : vector<16xi1>, vector<16xf32>
        %select_n3A_338 = arith.select %lt3A_329, %select_n3A_300, %add3A_314 : vector<16xi1>, vector<16xi32>
        %select_n3A_339 = arith.select %lt3A_330, %select_n3A_338, %select_n3A_298 : vector<16xi1>, vector<16xi32>
        %select_n3A_340 = arith.select %lt3A_329, %select_n3A_328, %select_n3A_299 : vector<16xi1>, vector<16xf32>
        %select_n3A_341 = arith.select %lt3A_329, %add3A_314, %select_n3A_300 : vector<16xi1>, vector<16xi32>
        %broadcast_in_dim3A_342 = arith.constant 2 : i32
        %broadcast_in_dim3A_343 = vector.broadcast %broadcast_in_dim3A_342 : i32 to vector<16xi32>
        %broadcast_in_dim3A_344 = vector.shape_cast %broadcast_in_dim3A_343 : vector<16xi32> to vector<16x1xi32>
        %gather3A_345 = vector.shape_cast %broadcast_in_dim3A_344 : vector<16x1xi32> to vector<16xi32>
        %gather3A_346 = tpu.dynamic_gather %get3A_254[%gather3A_345] in [0] : vector<16xf32>, vector<16xi32> -> vector<16xf32>
        %broadcast_in_dim3A_347 = vector.shape_cast %broadcast_in_dim3A_343 : vector<16xi32> to vector<16x1xi32>
        %gather3A_348 = vector.shape_cast %broadcast_in_dim3A_347 : vector<16x1xi32> to vector<16xi32>
        %gather3A_349 = tpu.dynamic_gather %get3A_257[%gather3A_348] in [0] : vector<16xf32>, vector<16xi32> -> vector<16xf32>
        %broadcast_in_dim3A_350 = vector.shape_cast %broadcast_in_dim3A_343 : vector<16xi32> to vector<16x1xi32>
        %gather3A_351 = vector.shape_cast %broadcast_in_dim3A_350 : vector<16x1xi32> to vector<16xi32>
        %gather3A_352 = tpu.dynamic_gather %get3A_260[%gather3A_351] in [0] : vector<16xf32>, vector<16xi32> -> vector<16xf32>
        %add3A_353 = arith.constant 2 : i32
        %add3A_354 = vector.broadcast %add3A_353 : i32 to vector<16xi32>
        %add3A_355 = arith.addi %broadcast_in_dim3A_261, %add3A_354 : vector<16xi32>
        %sub3A_356 = arith.subf %get3A_108, %gather3A_346 : vector<16xf32>
        %sub3A_357 = arith.subf %get3A_111, %gather3A_349 : vector<16xf32>
        %sub3A_358 = arith.subf %get3A_114, %gather3A_352 : vector<16xf32>
        %mul3A_359 = arith.mulf %sub3A_356, %sub3A_356 : vector<16xf32>
        %mul3A_360 = arith.mulf %sub3A_357, %sub3A_357 : vector<16xf32>
        %add3A_361 = arith.addf %mul3A_359, %mul3A_360 : vector<16xf32>
        %mul3A_362 = arith.mulf %sub3A_358, %sub3A_358 : vector<16xf32>
        %add3A_363 = arith.addf %add3A_361, %mul3A_362 : vector<16xf32>
        %ge3A_364 = arith.cmpi sge, %add3A_355, %gather3A_119 : vector<16xi32>
        %lt3A_365 = arith.cmpi slt, %add3A_355, %gather3A_122 : vector<16xi32>
        %and3A_366 = arith.andi %ge3A_364, %lt3A_365 : vector<16xi1>
        %jit3A_367 = arith.constant 0x7F800000 : f32
        %broadcast_in_dim3A_368 = vector.broadcast %jit3A_367 : f32 to vector<16xf32>
        %select_n3A_369 = arith.select %and3A_366, %add3A_363, %broadcast_in_dim3A_368 : vector<16xi1>, vector<16xf32>
        %lt3A_370 = arith.cmpf olt, %select_n3A_369, %select_n3A_340 : vector<16xf32>
        %lt3A_371 = arith.cmpf olt, %select_n3A_369, %select_n3A_337 : vector<16xf32>
        %lt3A_372 = arith.cmpf olt, %select_n3A_369, %select_n3A_333 : vector<16xf32>
        %select_n3A_373 = arith.select %lt3A_371, %select_n3A_337, %select_n3A_369 : vector<16xi1>, vector<16xf32>
        %select_n3A_374 = arith.select %lt3A_372, %select_n3A_373, %select_n3A_333 : vector<16xi1>, vector<16xf32>
        %select_n3A_375 = arith.select %lt3A_371, %select_n3A_339, %add3A_355 : vector<16xi1>, vector<16xi32>
        %select_n3A_376 = arith.select %lt3A_372, %select_n3A_375, %select_n3A_335 : vector<16xi1>, vector<16xi32>
        %select_n3A_377 = arith.select %lt3A_370, %select_n3A_340, %select_n3A_369 : vector<16xi1>, vector<16xf32>
        %select_n3A_378 = arith.select %lt3A_371, %select_n3A_377, %select_n3A_337 : vector<16xi1>, vector<16xf32>
        %select_n3A_379 = arith.select %lt3A_370, %select_n3A_341, %add3A_355 : vector<16xi1>, vector<16xi32>
        %select_n3A_380 = arith.select %lt3A_371, %select_n3A_379, %select_n3A_339 : vector<16xi1>, vector<16xi32>
        %select_n3A_381 = arith.select %lt3A_370, %select_n3A_369, %select_n3A_340 : vector<16xi1>, vector<16xf32>
        %select_n3A_382 = arith.select %lt3A_370, %add3A_355, %select_n3A_341 : vector<16xi1>, vector<16xi32>
        %broadcast_in_dim3A_383 = arith.constant 3 : i32
        %broadcast_in_dim3A_384 = vector.broadcast %broadcast_in_dim3A_383 : i32 to vector<16xi32>
        %broadcast_in_dim3A_385 = vector.shape_cast %broadcast_in_dim3A_384 : vector<16xi32> to vector<16x1xi32>
        %gather3A_386 = vector.shape_cast %broadcast_in_dim3A_385 : vector<16x1xi32> to vector<16xi32>
        %gather3A_387 = tpu.dynamic_gather %get3A_254[%gather3A_386] in [0] : vector<16xf32>, vector<16xi32> -> vector<16xf32>
        %broadcast_in_dim3A_388 = vector.shape_cast %broadcast_in_dim3A_384 : vector<16xi32> to vector<16x1xi32>
        %gather3A_389 = vector.shape_cast %broadcast_in_dim3A_388 : vector<16x1xi32> to vector<16xi32>
        %gather3A_390 = tpu.dynamic_gather %get3A_257[%gather3A_389] in [0] : vector<16xf32>, vector<16xi32> -> vector<16xf32>
        %broadcast_in_dim3A_391 = vector.shape_cast %broadcast_in_dim3A_384 : vector<16xi32> to vector<16x1xi32>
        %gather3A_392 = vector.shape_cast %broadcast_in_dim3A_391 : vector<16x1xi32> to vector<16xi32>
        %gather3A_393 = tpu.dynamic_gather %get3A_260[%gather3A_392] in [0] : vector<16xf32>, vector<16xi32> -> vector<16xf32>
        %add3A_394 = arith.constant 3 : i32
        %add3A_395 = vector.broadcast %add3A_394 : i32 to vector<16xi32>
        %add3A_396 = arith.addi %broadcast_in_dim3A_261, %add3A_395 : vector<16xi32>
        %sub3A_397 = arith.subf %get3A_108, %gather3A_387 : vector<16xf32>
        %sub3A_398 = arith.subf %get3A_111, %gather3A_390 : vector<16xf32>
        %sub3A_399 = arith.subf %get3A_114, %gather3A_393 : vector<16xf32>
        %mul3A_400 = arith.mulf %sub3A_397, %sub3A_397 : vector<16xf32>
        %mul3A_401 = arith.mulf %sub3A_398, %sub3A_398 : vector<16xf32>
        %add3A_402 = arith.addf %mul3A_400, %mul3A_401 : vector<16xf32>
        %mul3A_403 = arith.mulf %sub3A_399, %sub3A_399 : vector<16xf32>
        %add3A_404 = arith.addf %add3A_402, %mul3A_403 : vector<16xf32>
        %ge3A_405 = arith.cmpi sge, %add3A_396, %gather3A_119 : vector<16xi32>
        %lt3A_406 = arith.cmpi slt, %add3A_396, %gather3A_122 : vector<16xi32>
        %and3A_407 = arith.andi %ge3A_405, %lt3A_406 : vector<16xi1>
        %jit3A_408 = arith.constant 0x7F800000 : f32
        %broadcast_in_dim3A_409 = vector.broadcast %jit3A_408 : f32 to vector<16xf32>
        %select_n3A_410 = arith.select %and3A_407, %add3A_404, %broadcast_in_dim3A_409 : vector<16xi1>, vector<16xf32>
        %lt3A_411 = arith.cmpf olt, %select_n3A_410, %select_n3A_381 : vector<16xf32>
        %lt3A_412 = arith.cmpf olt, %select_n3A_410, %select_n3A_378 : vector<16xf32>
        %lt3A_413 = arith.cmpf olt, %select_n3A_410, %select_n3A_374 : vector<16xf32>
        %select_n3A_414 = arith.select %lt3A_412, %select_n3A_378, %select_n3A_410 : vector<16xi1>, vector<16xf32>
        %select_n3A_415 = arith.select %lt3A_413, %select_n3A_414, %select_n3A_374 : vector<16xi1>, vector<16xf32>
        %select_n3A_416 = arith.select %lt3A_412, %select_n3A_380, %add3A_396 : vector<16xi1>, vector<16xi32>
        %select_n3A_417 = arith.select %lt3A_413, %select_n3A_416, %select_n3A_376 : vector<16xi1>, vector<16xi32>
        %select_n3A_418 = arith.select %lt3A_411, %select_n3A_381, %select_n3A_410 : vector<16xi1>, vector<16xf32>
        %select_n3A_419 = arith.select %lt3A_412, %select_n3A_418, %select_n3A_378 : vector<16xi1>, vector<16xf32>
        %select_n3A_420 = arith.select %lt3A_411, %select_n3A_382, %add3A_396 : vector<16xi1>, vector<16xi32>
        %select_n3A_421 = arith.select %lt3A_412, %select_n3A_420, %select_n3A_380 : vector<16xi1>, vector<16xi32>
        %select_n3A_422 = arith.select %lt3A_411, %select_n3A_410, %select_n3A_381 : vector<16xi1>, vector<16xf32>
        %select_n3A_423 = arith.select %lt3A_411, %add3A_396, %select_n3A_382 : vector<16xi1>, vector<16xi32>
        %broadcast_in_dim3A_424 = arith.constant 4 : i32
        %broadcast_in_dim3A_425 = vector.broadcast %broadcast_in_dim3A_424 : i32 to vector<16xi32>
        %broadcast_in_dim3A_426 = vector.shape_cast %broadcast_in_dim3A_425 : vector<16xi32> to vector<16x1xi32>
        %gather3A_427 = vector.shape_cast %broadcast_in_dim3A_426 : vector<16x1xi32> to vector<16xi32>
        %gather3A_428 = tpu.dynamic_gather %get3A_254[%gather3A_427] in [0] : vector<16xf32>, vector<16xi32> -> vector<16xf32>
        %broadcast_in_dim3A_429 = vector.shape_cast %broadcast_in_dim3A_425 : vector<16xi32> to vector<16x1xi32>
        %gather3A_430 = vector.shape_cast %broadcast_in_dim3A_429 : vector<16x1xi32> to vector<16xi32>
        %gather3A_431 = tpu.dynamic_gather %get3A_257[%gather3A_430] in [0] : vector<16xf32>, vector<16xi32> -> vector<16xf32>
        %broadcast_in_dim3A_432 = vector.shape_cast %broadcast_in_dim3A_425 : vector<16xi32> to vector<16x1xi32>
        %gather3A_433 = vector.shape_cast %broadcast_in_dim3A_432 : vector<16x1xi32> to vector<16xi32>
        %gather3A_434 = tpu.dynamic_gather %get3A_260[%gather3A_433] in [0] : vector<16xf32>, vector<16xi32> -> vector<16xf32>
        %add3A_435 = arith.constant 4 : i32
        %add3A_436 = vector.broadcast %add3A_435 : i32 to vector<16xi32>
        %add3A_437 = arith.addi %broadcast_in_dim3A_261, %add3A_436 : vector<16xi32>
        %sub3A_438 = arith.subf %get3A_108, %gather3A_428 : vector<16xf32>
        %sub3A_439 = arith.subf %get3A_111, %gather3A_431 : vector<16xf32>
        %sub3A_440 = arith.subf %get3A_114, %gather3A_434 : vector<16xf32>
        %mul3A_441 = arith.mulf %sub3A_438, %sub3A_438 : vector<16xf32>
        %mul3A_442 = arith.mulf %sub3A_439, %sub3A_439 : vector<16xf32>
        %add3A_443 = arith.addf %mul3A_441, %mul3A_442 : vector<16xf32>
        %mul3A_444 = arith.mulf %sub3A_440, %sub3A_440 : vector<16xf32>
        %add3A_445 = arith.addf %add3A_443, %mul3A_444 : vector<16xf32>
        %ge3A_446 = arith.cmpi sge, %add3A_437, %gather3A_119 : vector<16xi32>
        %lt3A_447 = arith.cmpi slt, %add3A_437, %gather3A_122 : vector<16xi32>
        %and3A_448 = arith.andi %ge3A_446, %lt3A_447 : vector<16xi1>
        %jit3A_449 = arith.constant 0x7F800000 : f32
        %broadcast_in_dim3A_450 = vector.broadcast %jit3A_449 : f32 to vector<16xf32>
        %select_n3A_451 = arith.select %and3A_448, %add3A_445, %broadcast_in_dim3A_450 : vector<16xi1>, vector<16xf32>
        %lt3A_452 = arith.cmpf olt, %select_n3A_451, %select_n3A_422 : vector<16xf32>
        %lt3A_453 = arith.cmpf olt, %select_n3A_451, %select_n3A_419 : vector<16xf32>
        %lt3A_454 = arith.cmpf olt, %select_n3A_451, %select_n3A_415 : vector<16xf32>
        %select_n3A_455 = arith.select %lt3A_453, %select_n3A_419, %select_n3A_451 : vector<16xi1>, vector<16xf32>
        %select_n3A_456 = arith.select %lt3A_454, %select_n3A_455, %select_n3A_415 : vector<16xi1>, vector<16xf32>
        %select_n3A_457 = arith.select %lt3A_453, %select_n3A_421, %add3A_437 : vector<16xi1>, vector<16xi32>
        %select_n3A_458 = arith.select %lt3A_454, %select_n3A_457, %select_n3A_417 : vector<16xi1>, vector<16xi32>
        %select_n3A_459 = arith.select %lt3A_452, %select_n3A_422, %select_n3A_451 : vector<16xi1>, vector<16xf32>
        %select_n3A_460 = arith.select %lt3A_453, %select_n3A_459, %select_n3A_419 : vector<16xi1>, vector<16xf32>
        %select_n3A_461 = arith.select %lt3A_452, %select_n3A_423, %add3A_437 : vector<16xi1>, vector<16xi32>
        %select_n3A_462 = arith.select %lt3A_453, %select_n3A_461, %select_n3A_421 : vector<16xi1>, vector<16xi32>
        %select_n3A_463 = arith.select %lt3A_452, %select_n3A_451, %select_n3A_422 : vector<16xi1>, vector<16xf32>
        %select_n3A_464 = arith.select %lt3A_452, %add3A_437, %select_n3A_423 : vector<16xi1>, vector<16xi32>
        %broadcast_in_dim3A_465 = arith.constant 5 : i32
        %broadcast_in_dim3A_466 = vector.broadcast %broadcast_in_dim3A_465 : i32 to vector<16xi32>
        %broadcast_in_dim3A_467 = vector.shape_cast %broadcast_in_dim3A_466 : vector<16xi32> to vector<16x1xi32>
        %gather3A_468 = vector.shape_cast %broadcast_in_dim3A_467 : vector<16x1xi32> to vector<16xi32>
        %gather3A_469 = tpu.dynamic_gather %get3A_254[%gather3A_468] in [0] : vector<16xf32>, vector<16xi32> -> vector<16xf32>
        %broadcast_in_dim3A_470 = vector.shape_cast %broadcast_in_dim3A_466 : vector<16xi32> to vector<16x1xi32>
        %gather3A_471 = vector.shape_cast %broadcast_in_dim3A_470 : vector<16x1xi32> to vector<16xi32>
        %gather3A_472 = tpu.dynamic_gather %get3A_257[%gather3A_471] in [0] : vector<16xf32>, vector<16xi32> -> vector<16xf32>
        %broadcast_in_dim3A_473 = vector.shape_cast %broadcast_in_dim3A_466 : vector<16xi32> to vector<16x1xi32>
        %gather3A_474 = vector.shape_cast %broadcast_in_dim3A_473 : vector<16x1xi32> to vector<16xi32>
        %gather3A_475 = tpu.dynamic_gather %get3A_260[%gather3A_474] in [0] : vector<16xf32>, vector<16xi32> -> vector<16xf32>
        %add3A_476 = arith.constant 5 : i32
        %add3A_477 = vector.broadcast %add3A_476 : i32 to vector<16xi32>
        %add3A_478 = arith.addi %broadcast_in_dim3A_261, %add3A_477 : vector<16xi32>
        %sub3A_479 = arith.subf %get3A_108, %gather3A_469 : vector<16xf32>
        %sub3A_480 = arith.subf %get3A_111, %gather3A_472 : vector<16xf32>
        %sub3A_481 = arith.subf %get3A_114, %gather3A_475 : vector<16xf32>
        %mul3A_482 = arith.mulf %sub3A_479, %sub3A_479 : vector<16xf32>
        %mul3A_483 = arith.mulf %sub3A_480, %sub3A_480 : vector<16xf32>
        %add3A_484 = arith.addf %mul3A_482, %mul3A_483 : vector<16xf32>
        %mul3A_485 = arith.mulf %sub3A_481, %sub3A_481 : vector<16xf32>
        %add3A_486 = arith.addf %add3A_484, %mul3A_485 : vector<16xf32>
        %ge3A_487 = arith.cmpi sge, %add3A_478, %gather3A_119 : vector<16xi32>
        %lt3A_488 = arith.cmpi slt, %add3A_478, %gather3A_122 : vector<16xi32>
        %and3A_489 = arith.andi %ge3A_487, %lt3A_488 : vector<16xi1>
        %jit3A_490 = arith.constant 0x7F800000 : f32
        %broadcast_in_dim3A_491 = vector.broadcast %jit3A_490 : f32 to vector<16xf32>
        %select_n3A_492 = arith.select %and3A_489, %add3A_486, %broadcast_in_dim3A_491 : vector<16xi1>, vector<16xf32>
        %lt3A_493 = arith.cmpf olt, %select_n3A_492, %select_n3A_463 : vector<16xf32>
        %lt3A_494 = arith.cmpf olt, %select_n3A_492, %select_n3A_460 : vector<16xf32>
        %lt3A_495 = arith.cmpf olt, %select_n3A_492, %select_n3A_456 : vector<16xf32>
        %select_n3A_496 = arith.select %lt3A_494, %select_n3A_460, %select_n3A_492 : vector<16xi1>, vector<16xf32>
        %select_n3A_497 = arith.select %lt3A_495, %select_n3A_496, %select_n3A_456 : vector<16xi1>, vector<16xf32>
        %select_n3A_498 = arith.select %lt3A_494, %select_n3A_462, %add3A_478 : vector<16xi1>, vector<16xi32>
        %select_n3A_499 = arith.select %lt3A_495, %select_n3A_498, %select_n3A_458 : vector<16xi1>, vector<16xi32>
        %select_n3A_500 = arith.select %lt3A_493, %select_n3A_463, %select_n3A_492 : vector<16xi1>, vector<16xf32>
        %select_n3A_501 = arith.select %lt3A_494, %select_n3A_500, %select_n3A_460 : vector<16xi1>, vector<16xf32>
        %select_n3A_502 = arith.select %lt3A_493, %select_n3A_464, %add3A_478 : vector<16xi1>, vector<16xi32>
        %select_n3A_503 = arith.select %lt3A_494, %select_n3A_502, %select_n3A_462 : vector<16xi1>, vector<16xi32>
        %select_n3A_504 = arith.select %lt3A_493, %select_n3A_492, %select_n3A_463 : vector<16xi1>, vector<16xf32>
        %select_n3A_505 = arith.select %lt3A_493, %add3A_478, %select_n3A_464 : vector<16xi1>, vector<16xi32>
        %broadcast_in_dim3A_506 = arith.constant 6 : i32
        %broadcast_in_dim3A_507 = vector.broadcast %broadcast_in_dim3A_506 : i32 to vector<16xi32>
        %broadcast_in_dim3A_508 = vector.shape_cast %broadcast_in_dim3A_507 : vector<16xi32> to vector<16x1xi32>
        %gather3A_509 = vector.shape_cast %broadcast_in_dim3A_508 : vector<16x1xi32> to vector<16xi32>
        %gather3A_510 = tpu.dynamic_gather %get3A_254[%gather3A_509] in [0] : vector<16xf32>, vector<16xi32> -> vector<16xf32>
        %broadcast_in_dim3A_511 = vector.shape_cast %broadcast_in_dim3A_507 : vector<16xi32> to vector<16x1xi32>
        %gather3A_512 = vector.shape_cast %broadcast_in_dim3A_511 : vector<16x1xi32> to vector<16xi32>
        %gather3A_513 = tpu.dynamic_gather %get3A_257[%gather3A_512] in [0] : vector<16xf32>, vector<16xi32> -> vector<16xf32>
        %broadcast_in_dim3A_514 = vector.shape_cast %broadcast_in_dim3A_507 : vector<16xi32> to vector<16x1xi32>
        %gather3A_515 = vector.shape_cast %broadcast_in_dim3A_514 : vector<16x1xi32> to vector<16xi32>
        %gather3A_516 = tpu.dynamic_gather %get3A_260[%gather3A_515] in [0] : vector<16xf32>, vector<16xi32> -> vector<16xf32>
        %add3A_517 = arith.constant 6 : i32
        %add3A_518 = vector.broadcast %add3A_517 : i32 to vector<16xi32>
        %add3A_519 = arith.addi %broadcast_in_dim3A_261, %add3A_518 : vector<16xi32>
        %sub3A_520 = arith.subf %get3A_108, %gather3A_510 : vector<16xf32>
        %sub3A_521 = arith.subf %get3A_111, %gather3A_513 : vector<16xf32>
        %sub3A_522 = arith.subf %get3A_114, %gather3A_516 : vector<16xf32>
        %mul3A_523 = arith.mulf %sub3A_520, %sub3A_520 : vector<16xf32>
        %mul3A_524 = arith.mulf %sub3A_521, %sub3A_521 : vector<16xf32>
        %add3A_525 = arith.addf %mul3A_523, %mul3A_524 : vector<16xf32>
        %mul3A_526 = arith.mulf %sub3A_522, %sub3A_522 : vector<16xf32>
        %add3A_527 = arith.addf %add3A_525, %mul3A_526 : vector<16xf32>
        %ge3A_528 = arith.cmpi sge, %add3A_519, %gather3A_119 : vector<16xi32>
        %lt3A_529 = arith.cmpi slt, %add3A_519, %gather3A_122 : vector<16xi32>
        %and3A_530 = arith.andi %ge3A_528, %lt3A_529 : vector<16xi1>
        %jit3A_531 = arith.constant 0x7F800000 : f32
        %broadcast_in_dim3A_532 = vector.broadcast %jit3A_531 : f32 to vector<16xf32>
        %select_n3A_533 = arith.select %and3A_530, %add3A_527, %broadcast_in_dim3A_532 : vector<16xi1>, vector<16xf32>
        %lt3A_534 = arith.cmpf olt, %select_n3A_533, %select_n3A_504 : vector<16xf32>
        %lt3A_535 = arith.cmpf olt, %select_n3A_533, %select_n3A_501 : vector<16xf32>
        %lt3A_536 = arith.cmpf olt, %select_n3A_533, %select_n3A_497 : vector<16xf32>
        %select_n3A_537 = arith.select %lt3A_535, %select_n3A_501, %select_n3A_533 : vector<16xi1>, vector<16xf32>
        %select_n3A_538 = arith.select %lt3A_536, %select_n3A_537, %select_n3A_497 : vector<16xi1>, vector<16xf32>
        %select_n3A_539 = arith.select %lt3A_535, %select_n3A_503, %add3A_519 : vector<16xi1>, vector<16xi32>
        %select_n3A_540 = arith.select %lt3A_536, %select_n3A_539, %select_n3A_499 : vector<16xi1>, vector<16xi32>
        %select_n3A_541 = arith.select %lt3A_534, %select_n3A_504, %select_n3A_533 : vector<16xi1>, vector<16xf32>
        %select_n3A_542 = arith.select %lt3A_535, %select_n3A_541, %select_n3A_501 : vector<16xi1>, vector<16xf32>
        %select_n3A_543 = arith.select %lt3A_534, %select_n3A_505, %add3A_519 : vector<16xi1>, vector<16xi32>
        %select_n3A_544 = arith.select %lt3A_535, %select_n3A_543, %select_n3A_503 : vector<16xi1>, vector<16xi32>
        %select_n3A_545 = arith.select %lt3A_534, %select_n3A_533, %select_n3A_504 : vector<16xi1>, vector<16xf32>
        %select_n3A_546 = arith.select %lt3A_534, %add3A_519, %select_n3A_505 : vector<16xi1>, vector<16xi32>
        %broadcast_in_dim3A_547 = arith.constant 7 : i32
        %broadcast_in_dim3A_548 = vector.broadcast %broadcast_in_dim3A_547 : i32 to vector<16xi32>
        %broadcast_in_dim3A_549 = vector.shape_cast %broadcast_in_dim3A_548 : vector<16xi32> to vector<16x1xi32>
        %gather3A_550 = vector.shape_cast %broadcast_in_dim3A_549 : vector<16x1xi32> to vector<16xi32>
        %gather3A_551 = tpu.dynamic_gather %get3A_254[%gather3A_550] in [0] : vector<16xf32>, vector<16xi32> -> vector<16xf32>
        %broadcast_in_dim3A_552 = vector.shape_cast %broadcast_in_dim3A_548 : vector<16xi32> to vector<16x1xi32>
        %gather3A_553 = vector.shape_cast %broadcast_in_dim3A_552 : vector<16x1xi32> to vector<16xi32>
        %gather3A_554 = tpu.dynamic_gather %get3A_257[%gather3A_553] in [0] : vector<16xf32>, vector<16xi32> -> vector<16xf32>
        %broadcast_in_dim3A_555 = vector.shape_cast %broadcast_in_dim3A_548 : vector<16xi32> to vector<16x1xi32>
        %gather3A_556 = vector.shape_cast %broadcast_in_dim3A_555 : vector<16x1xi32> to vector<16xi32>
        %gather3A_557 = tpu.dynamic_gather %get3A_260[%gather3A_556] in [0] : vector<16xf32>, vector<16xi32> -> vector<16xf32>
        %add3A_558 = arith.constant 7 : i32
        %add3A_559 = vector.broadcast %add3A_558 : i32 to vector<16xi32>
        %add3A_560 = arith.addi %broadcast_in_dim3A_261, %add3A_559 : vector<16xi32>
        %sub3A_561 = arith.subf %get3A_108, %gather3A_551 : vector<16xf32>
        %sub3A_562 = arith.subf %get3A_111, %gather3A_554 : vector<16xf32>
        %sub3A_563 = arith.subf %get3A_114, %gather3A_557 : vector<16xf32>
        %mul3A_564 = arith.mulf %sub3A_561, %sub3A_561 : vector<16xf32>
        %mul3A_565 = arith.mulf %sub3A_562, %sub3A_562 : vector<16xf32>
        %add3A_566 = arith.addf %mul3A_564, %mul3A_565 : vector<16xf32>
        %mul3A_567 = arith.mulf %sub3A_563, %sub3A_563 : vector<16xf32>
        %add3A_568 = arith.addf %add3A_566, %mul3A_567 : vector<16xf32>
        %ge3A_569 = arith.cmpi sge, %add3A_560, %gather3A_119 : vector<16xi32>
        %lt3A_570 = arith.cmpi slt, %add3A_560, %gather3A_122 : vector<16xi32>
        %and3A_571 = arith.andi %ge3A_569, %lt3A_570 : vector<16xi1>
        %jit3A_572 = arith.constant 0x7F800000 : f32
        %broadcast_in_dim3A_573 = vector.broadcast %jit3A_572 : f32 to vector<16xf32>
        %select_n3A_574 = arith.select %and3A_571, %add3A_568, %broadcast_in_dim3A_573 : vector<16xi1>, vector<16xf32>
        %lt3A_575 = arith.cmpf olt, %select_n3A_574, %select_n3A_545 : vector<16xf32>
        %lt3A_576 = arith.cmpf olt, %select_n3A_574, %select_n3A_542 : vector<16xf32>
        %lt3A_577 = arith.cmpf olt, %select_n3A_574, %select_n3A_538 : vector<16xf32>
        %select_n3A_578 = arith.select %lt3A_576, %select_n3A_542, %select_n3A_574 : vector<16xi1>, vector<16xf32>
        %select_n3A_579 = arith.select %lt3A_577, %select_n3A_578, %select_n3A_538 : vector<16xi1>, vector<16xf32>
        %select_n3A_580 = arith.select %lt3A_576, %select_n3A_544, %add3A_560 : vector<16xi1>, vector<16xi32>
        %select_n3A_581 = arith.select %lt3A_577, %select_n3A_580, %select_n3A_540 : vector<16xi1>, vector<16xi32>
        %select_n3A_582 = arith.select %lt3A_575, %select_n3A_545, %select_n3A_574 : vector<16xi1>, vector<16xf32>
        %select_n3A_583 = arith.select %lt3A_576, %select_n3A_582, %select_n3A_542 : vector<16xi1>, vector<16xf32>
        %select_n3A_584 = arith.select %lt3A_575, %select_n3A_546, %add3A_560 : vector<16xi1>, vector<16xi32>
        %select_n3A_585 = arith.select %lt3A_576, %select_n3A_584, %select_n3A_544 : vector<16xi1>, vector<16xi32>
        %select_n3A_586 = arith.select %lt3A_575, %select_n3A_574, %select_n3A_545 : vector<16xi1>, vector<16xf32>
        %select_n3A_587 = arith.select %lt3A_575, %add3A_560, %select_n3A_546 : vector<16xi1>, vector<16xi32>
        %broadcast_in_dim3A_588 = arith.constant 8 : i32
        %broadcast_in_dim3A_589 = vector.broadcast %broadcast_in_dim3A_588 : i32 to vector<16xi32>
        %broadcast_in_dim3A_590 = vector.shape_cast %broadcast_in_dim3A_589 : vector<16xi32> to vector<16x1xi32>
        %gather3A_591 = vector.shape_cast %broadcast_in_dim3A_590 : vector<16x1xi32> to vector<16xi32>
        %gather3A_592 = tpu.dynamic_gather %get3A_254[%gather3A_591] in [0] : vector<16xf32>, vector<16xi32> -> vector<16xf32>
        %broadcast_in_dim3A_593 = vector.shape_cast %broadcast_in_dim3A_589 : vector<16xi32> to vector<16x1xi32>
        %gather3A_594 = vector.shape_cast %broadcast_in_dim3A_593 : vector<16x1xi32> to vector<16xi32>
        %gather3A_595 = tpu.dynamic_gather %get3A_257[%gather3A_594] in [0] : vector<16xf32>, vector<16xi32> -> vector<16xf32>
        %broadcast_in_dim3A_596 = vector.shape_cast %broadcast_in_dim3A_589 : vector<16xi32> to vector<16x1xi32>
        %gather3A_597 = vector.shape_cast %broadcast_in_dim3A_596 : vector<16x1xi32> to vector<16xi32>
        %gather3A_598 = tpu.dynamic_gather %get3A_260[%gather3A_597] in [0] : vector<16xf32>, vector<16xi32> -> vector<16xf32>
        %add3A_599 = arith.constant 8 : i32
        %add3A_600 = vector.broadcast %add3A_599 : i32 to vector<16xi32>
        %add3A_601 = arith.addi %broadcast_in_dim3A_261, %add3A_600 : vector<16xi32>
        %sub3A_602 = arith.subf %get3A_108, %gather3A_592 : vector<16xf32>
        %sub3A_603 = arith.subf %get3A_111, %gather3A_595 : vector<16xf32>
        %sub3A_604 = arith.subf %get3A_114, %gather3A_598 : vector<16xf32>
        %mul3A_605 = arith.mulf %sub3A_602, %sub3A_602 : vector<16xf32>
        %mul3A_606 = arith.mulf %sub3A_603, %sub3A_603 : vector<16xf32>
        %add3A_607 = arith.addf %mul3A_605, %mul3A_606 : vector<16xf32>
        %mul3A_608 = arith.mulf %sub3A_604, %sub3A_604 : vector<16xf32>
        %add3A_609 = arith.addf %add3A_607, %mul3A_608 : vector<16xf32>
        %ge3A_610 = arith.cmpi sge, %add3A_601, %gather3A_119 : vector<16xi32>
        %lt3A_611 = arith.cmpi slt, %add3A_601, %gather3A_122 : vector<16xi32>
        %and3A_612 = arith.andi %ge3A_610, %lt3A_611 : vector<16xi1>
        %jit3A_613 = arith.constant 0x7F800000 : f32
        %broadcast_in_dim3A_614 = vector.broadcast %jit3A_613 : f32 to vector<16xf32>
        %select_n3A_615 = arith.select %and3A_612, %add3A_609, %broadcast_in_dim3A_614 : vector<16xi1>, vector<16xf32>
        %lt3A_616 = arith.cmpf olt, %select_n3A_615, %select_n3A_586 : vector<16xf32>
        %lt3A_617 = arith.cmpf olt, %select_n3A_615, %select_n3A_583 : vector<16xf32>
        %lt3A_618 = arith.cmpf olt, %select_n3A_615, %select_n3A_579 : vector<16xf32>
        %select_n3A_619 = arith.select %lt3A_617, %select_n3A_583, %select_n3A_615 : vector<16xi1>, vector<16xf32>
        %select_n3A_620 = arith.select %lt3A_618, %select_n3A_619, %select_n3A_579 : vector<16xi1>, vector<16xf32>
        %select_n3A_621 = arith.select %lt3A_617, %select_n3A_585, %add3A_601 : vector<16xi1>, vector<16xi32>
        %select_n3A_622 = arith.select %lt3A_618, %select_n3A_621, %select_n3A_581 : vector<16xi1>, vector<16xi32>
        %select_n3A_623 = arith.select %lt3A_616, %select_n3A_586, %select_n3A_615 : vector<16xi1>, vector<16xf32>
        %select_n3A_624 = arith.select %lt3A_617, %select_n3A_623, %select_n3A_583 : vector<16xi1>, vector<16xf32>
        %select_n3A_625 = arith.select %lt3A_616, %select_n3A_587, %add3A_601 : vector<16xi1>, vector<16xi32>
        %select_n3A_626 = arith.select %lt3A_617, %select_n3A_625, %select_n3A_585 : vector<16xi1>, vector<16xi32>
        %select_n3A_627 = arith.select %lt3A_616, %select_n3A_615, %select_n3A_586 : vector<16xi1>, vector<16xf32>
        %select_n3A_628 = arith.select %lt3A_616, %add3A_601, %select_n3A_587 : vector<16xi1>, vector<16xi32>
        %broadcast_in_dim3A_629 = arith.constant 9 : i32
        %broadcast_in_dim3A_630 = vector.broadcast %broadcast_in_dim3A_629 : i32 to vector<16xi32>
        %broadcast_in_dim3A_631 = vector.shape_cast %broadcast_in_dim3A_630 : vector<16xi32> to vector<16x1xi32>
        %gather3A_632 = vector.shape_cast %broadcast_in_dim3A_631 : vector<16x1xi32> to vector<16xi32>
        %gather3A_633 = tpu.dynamic_gather %get3A_254[%gather3A_632] in [0] : vector<16xf32>, vector<16xi32> -> vector<16xf32>
        %broadcast_in_dim3A_634 = vector.shape_cast %broadcast_in_dim3A_630 : vector<16xi32> to vector<16x1xi32>
        %gather3A_635 = vector.shape_cast %broadcast_in_dim3A_634 : vector<16x1xi32> to vector<16xi32>
        %gather3A_636 = tpu.dynamic_gather %get3A_257[%gather3A_635] in [0] : vector<16xf32>, vector<16xi32> -> vector<16xf32>
        %broadcast_in_dim3A_637 = vector.shape_cast %broadcast_in_dim3A_630 : vector<16xi32> to vector<16x1xi32>
        %gather3A_638 = vector.shape_cast %broadcast_in_dim3A_637 : vector<16x1xi32> to vector<16xi32>
        %gather3A_639 = tpu.dynamic_gather %get3A_260[%gather3A_638] in [0] : vector<16xf32>, vector<16xi32> -> vector<16xf32>
        %add3A_640 = arith.constant 9 : i32
        %add3A_641 = vector.broadcast %add3A_640 : i32 to vector<16xi32>
        %add3A_642 = arith.addi %broadcast_in_dim3A_261, %add3A_641 : vector<16xi32>
        %sub3A_643 = arith.subf %get3A_108, %gather3A_633 : vector<16xf32>
        %sub3A_644 = arith.subf %get3A_111, %gather3A_636 : vector<16xf32>
        %sub3A_645 = arith.subf %get3A_114, %gather3A_639 : vector<16xf32>
        %mul3A_646 = arith.mulf %sub3A_643, %sub3A_643 : vector<16xf32>
        %mul3A_647 = arith.mulf %sub3A_644, %sub3A_644 : vector<16xf32>
        %add3A_648 = arith.addf %mul3A_646, %mul3A_647 : vector<16xf32>
        %mul3A_649 = arith.mulf %sub3A_645, %sub3A_645 : vector<16xf32>
        %add3A_650 = arith.addf %add3A_648, %mul3A_649 : vector<16xf32>
        %ge3A_651 = arith.cmpi sge, %add3A_642, %gather3A_119 : vector<16xi32>
        %lt3A_652 = arith.cmpi slt, %add3A_642, %gather3A_122 : vector<16xi32>
        %and3A_653 = arith.andi %ge3A_651, %lt3A_652 : vector<16xi1>
        %jit3A_654 = arith.constant 0x7F800000 : f32
        %broadcast_in_dim3A_655 = vector.broadcast %jit3A_654 : f32 to vector<16xf32>
        %select_n3A_656 = arith.select %and3A_653, %add3A_650, %broadcast_in_dim3A_655 : vector<16xi1>, vector<16xf32>
        %lt3A_657 = arith.cmpf olt, %select_n3A_656, %select_n3A_627 : vector<16xf32>
        %lt3A_658 = arith.cmpf olt, %select_n3A_656, %select_n3A_624 : vector<16xf32>
        %lt3A_659 = arith.cmpf olt, %select_n3A_656, %select_n3A_620 : vector<16xf32>
        %select_n3A_660 = arith.select %lt3A_658, %select_n3A_624, %select_n3A_656 : vector<16xi1>, vector<16xf32>
        %select_n3A_661 = arith.select %lt3A_659, %select_n3A_660, %select_n3A_620 : vector<16xi1>, vector<16xf32>
        %select_n3A_662 = arith.select %lt3A_658, %select_n3A_626, %add3A_642 : vector<16xi1>, vector<16xi32>
        %select_n3A_663 = arith.select %lt3A_659, %select_n3A_662, %select_n3A_622 : vector<16xi1>, vector<16xi32>
        %select_n3A_664 = arith.select %lt3A_657, %select_n3A_627, %select_n3A_656 : vector<16xi1>, vector<16xf32>
        %select_n3A_665 = arith.select %lt3A_658, %select_n3A_664, %select_n3A_624 : vector<16xi1>, vector<16xf32>
        %select_n3A_666 = arith.select %lt3A_657, %select_n3A_628, %add3A_642 : vector<16xi1>, vector<16xi32>
        %select_n3A_667 = arith.select %lt3A_658, %select_n3A_666, %select_n3A_626 : vector<16xi1>, vector<16xi32>
        %select_n3A_668 = arith.select %lt3A_657, %select_n3A_656, %select_n3A_627 : vector<16xi1>, vector<16xf32>
        %select_n3A_669 = arith.select %lt3A_657, %add3A_642, %select_n3A_628 : vector<16xi1>, vector<16xi32>
        %broadcast_in_dim3A_670 = arith.constant 10 : i32
        %broadcast_in_dim3A_671 = vector.broadcast %broadcast_in_dim3A_670 : i32 to vector<16xi32>
        %broadcast_in_dim3A_672 = vector.shape_cast %broadcast_in_dim3A_671 : vector<16xi32> to vector<16x1xi32>
        %gather3A_673 = vector.shape_cast %broadcast_in_dim3A_672 : vector<16x1xi32> to vector<16xi32>
        %gather3A_674 = tpu.dynamic_gather %get3A_254[%gather3A_673] in [0] : vector<16xf32>, vector<16xi32> -> vector<16xf32>
        %broadcast_in_dim3A_675 = vector.shape_cast %broadcast_in_dim3A_671 : vector<16xi32> to vector<16x1xi32>
        %gather3A_676 = vector.shape_cast %broadcast_in_dim3A_675 : vector<16x1xi32> to vector<16xi32>
        %gather3A_677 = tpu.dynamic_gather %get3A_257[%gather3A_676] in [0] : vector<16xf32>, vector<16xi32> -> vector<16xf32>
        %broadcast_in_dim3A_678 = vector.shape_cast %broadcast_in_dim3A_671 : vector<16xi32> to vector<16x1xi32>
        %gather3A_679 = vector.shape_cast %broadcast_in_dim3A_678 : vector<16x1xi32> to vector<16xi32>
        %gather3A_680 = tpu.dynamic_gather %get3A_260[%gather3A_679] in [0] : vector<16xf32>, vector<16xi32> -> vector<16xf32>
        %add3A_681 = arith.constant 10 : i32
        %add3A_682 = vector.broadcast %add3A_681 : i32 to vector<16xi32>
        %add3A_683 = arith.addi %broadcast_in_dim3A_261, %add3A_682 : vector<16xi32>
        %sub3A_684 = arith.subf %get3A_108, %gather3A_674 : vector<16xf32>
        %sub3A_685 = arith.subf %get3A_111, %gather3A_677 : vector<16xf32>
        %sub3A_686 = arith.subf %get3A_114, %gather3A_680 : vector<16xf32>
        %mul3A_687 = arith.mulf %sub3A_684, %sub3A_684 : vector<16xf32>
        %mul3A_688 = arith.mulf %sub3A_685, %sub3A_685 : vector<16xf32>
        %add3A_689 = arith.addf %mul3A_687, %mul3A_688 : vector<16xf32>
        %mul3A_690 = arith.mulf %sub3A_686, %sub3A_686 : vector<16xf32>
        %add3A_691 = arith.addf %add3A_689, %mul3A_690 : vector<16xf32>
        %ge3A_692 = arith.cmpi sge, %add3A_683, %gather3A_119 : vector<16xi32>
        %lt3A_693 = arith.cmpi slt, %add3A_683, %gather3A_122 : vector<16xi32>
        %and3A_694 = arith.andi %ge3A_692, %lt3A_693 : vector<16xi1>
        %jit3A_695 = arith.constant 0x7F800000 : f32
        %broadcast_in_dim3A_696 = vector.broadcast %jit3A_695 : f32 to vector<16xf32>
        %select_n3A_697 = arith.select %and3A_694, %add3A_691, %broadcast_in_dim3A_696 : vector<16xi1>, vector<16xf32>
        %lt3A_698 = arith.cmpf olt, %select_n3A_697, %select_n3A_668 : vector<16xf32>
        %lt3A_699 = arith.cmpf olt, %select_n3A_697, %select_n3A_665 : vector<16xf32>
        %lt3A_700 = arith.cmpf olt, %select_n3A_697, %select_n3A_661 : vector<16xf32>
        %select_n3A_701 = arith.select %lt3A_699, %select_n3A_665, %select_n3A_697 : vector<16xi1>, vector<16xf32>
        %select_n3A_702 = arith.select %lt3A_700, %select_n3A_701, %select_n3A_661 : vector<16xi1>, vector<16xf32>
        %select_n3A_703 = arith.select %lt3A_699, %select_n3A_667, %add3A_683 : vector<16xi1>, vector<16xi32>
        %select_n3A_704 = arith.select %lt3A_700, %select_n3A_703, %select_n3A_663 : vector<16xi1>, vector<16xi32>
        %select_n3A_705 = arith.select %lt3A_698, %select_n3A_668, %select_n3A_697 : vector<16xi1>, vector<16xf32>
        %select_n3A_706 = arith.select %lt3A_699, %select_n3A_705, %select_n3A_665 : vector<16xi1>, vector<16xf32>
        %select_n3A_707 = arith.select %lt3A_698, %select_n3A_669, %add3A_683 : vector<16xi1>, vector<16xi32>
        %select_n3A_708 = arith.select %lt3A_699, %select_n3A_707, %select_n3A_667 : vector<16xi1>, vector<16xi32>
        %select_n3A_709 = arith.select %lt3A_698, %select_n3A_697, %select_n3A_668 : vector<16xi1>, vector<16xf32>
        %select_n3A_710 = arith.select %lt3A_698, %add3A_683, %select_n3A_669 : vector<16xi1>, vector<16xi32>
        %broadcast_in_dim3A_711 = arith.constant 11 : i32
        %broadcast_in_dim3A_712 = vector.broadcast %broadcast_in_dim3A_711 : i32 to vector<16xi32>
        %broadcast_in_dim3A_713 = vector.shape_cast %broadcast_in_dim3A_712 : vector<16xi32> to vector<16x1xi32>
        %gather3A_714 = vector.shape_cast %broadcast_in_dim3A_713 : vector<16x1xi32> to vector<16xi32>
        %gather3A_715 = tpu.dynamic_gather %get3A_254[%gather3A_714] in [0] : vector<16xf32>, vector<16xi32> -> vector<16xf32>
        %broadcast_in_dim3A_716 = vector.shape_cast %broadcast_in_dim3A_712 : vector<16xi32> to vector<16x1xi32>
        %gather3A_717 = vector.shape_cast %broadcast_in_dim3A_716 : vector<16x1xi32> to vector<16xi32>
        %gather3A_718 = tpu.dynamic_gather %get3A_257[%gather3A_717] in [0] : vector<16xf32>, vector<16xi32> -> vector<16xf32>
        %broadcast_in_dim3A_719 = vector.shape_cast %broadcast_in_dim3A_712 : vector<16xi32> to vector<16x1xi32>
        %gather3A_720 = vector.shape_cast %broadcast_in_dim3A_719 : vector<16x1xi32> to vector<16xi32>
        %gather3A_721 = tpu.dynamic_gather %get3A_260[%gather3A_720] in [0] : vector<16xf32>, vector<16xi32> -> vector<16xf32>
        %add3A_722 = arith.constant 11 : i32
        %add3A_723 = vector.broadcast %add3A_722 : i32 to vector<16xi32>
        %add3A_724 = arith.addi %broadcast_in_dim3A_261, %add3A_723 : vector<16xi32>
        %sub3A_725 = arith.subf %get3A_108, %gather3A_715 : vector<16xf32>
        %sub3A_726 = arith.subf %get3A_111, %gather3A_718 : vector<16xf32>
        %sub3A_727 = arith.subf %get3A_114, %gather3A_721 : vector<16xf32>
        %mul3A_728 = arith.mulf %sub3A_725, %sub3A_725 : vector<16xf32>
        %mul3A_729 = arith.mulf %sub3A_726, %sub3A_726 : vector<16xf32>
        %add3A_730 = arith.addf %mul3A_728, %mul3A_729 : vector<16xf32>
        %mul3A_731 = arith.mulf %sub3A_727, %sub3A_727 : vector<16xf32>
        %add3A_732 = arith.addf %add3A_730, %mul3A_731 : vector<16xf32>
        %ge3A_733 = arith.cmpi sge, %add3A_724, %gather3A_119 : vector<16xi32>
        %lt3A_734 = arith.cmpi slt, %add3A_724, %gather3A_122 : vector<16xi32>
        %and3A_735 = arith.andi %ge3A_733, %lt3A_734 : vector<16xi1>
        %jit3A_736 = arith.constant 0x7F800000 : f32
        %broadcast_in_dim3A_737 = vector.broadcast %jit3A_736 : f32 to vector<16xf32>
        %select_n3A_738 = arith.select %and3A_735, %add3A_732, %broadcast_in_dim3A_737 : vector<16xi1>, vector<16xf32>
        %lt3A_739 = arith.cmpf olt, %select_n3A_738, %select_n3A_709 : vector<16xf32>
        %lt3A_740 = arith.cmpf olt, %select_n3A_738, %select_n3A_706 : vector<16xf32>
        %lt3A_741 = arith.cmpf olt, %select_n3A_738, %select_n3A_702 : vector<16xf32>
        %select_n3A_742 = arith.select %lt3A_740, %select_n3A_706, %select_n3A_738 : vector<16xi1>, vector<16xf32>
        %select_n3A_743 = arith.select %lt3A_741, %select_n3A_742, %select_n3A_702 : vector<16xi1>, vector<16xf32>
        %select_n3A_744 = arith.select %lt3A_740, %select_n3A_708, %add3A_724 : vector<16xi1>, vector<16xi32>
        %select_n3A_745 = arith.select %lt3A_741, %select_n3A_744, %select_n3A_704 : vector<16xi1>, vector<16xi32>
        %select_n3A_746 = arith.select %lt3A_739, %select_n3A_709, %select_n3A_738 : vector<16xi1>, vector<16xf32>
        %select_n3A_747 = arith.select %lt3A_740, %select_n3A_746, %select_n3A_706 : vector<16xi1>, vector<16xf32>
        %select_n3A_748 = arith.select %lt3A_739, %select_n3A_710, %add3A_724 : vector<16xi1>, vector<16xi32>
        %select_n3A_749 = arith.select %lt3A_740, %select_n3A_748, %select_n3A_708 : vector<16xi1>, vector<16xi32>
        %select_n3A_750 = arith.select %lt3A_739, %select_n3A_738, %select_n3A_709 : vector<16xi1>, vector<16xf32>
        %select_n3A_751 = arith.select %lt3A_739, %add3A_724, %select_n3A_710 : vector<16xi1>, vector<16xi32>
        %broadcast_in_dim3A_752 = arith.constant 12 : i32
        %broadcast_in_dim3A_753 = vector.broadcast %broadcast_in_dim3A_752 : i32 to vector<16xi32>
        %broadcast_in_dim3A_754 = vector.shape_cast %broadcast_in_dim3A_753 : vector<16xi32> to vector<16x1xi32>
        %gather3A_755 = vector.shape_cast %broadcast_in_dim3A_754 : vector<16x1xi32> to vector<16xi32>
        %gather3A_756 = tpu.dynamic_gather %get3A_254[%gather3A_755] in [0] : vector<16xf32>, vector<16xi32> -> vector<16xf32>
        %broadcast_in_dim3A_757 = vector.shape_cast %broadcast_in_dim3A_753 : vector<16xi32> to vector<16x1xi32>
        %gather3A_758 = vector.shape_cast %broadcast_in_dim3A_757 : vector<16x1xi32> to vector<16xi32>
        %gather3A_759 = tpu.dynamic_gather %get3A_257[%gather3A_758] in [0] : vector<16xf32>, vector<16xi32> -> vector<16xf32>
        %broadcast_in_dim3A_760 = vector.shape_cast %broadcast_in_dim3A_753 : vector<16xi32> to vector<16x1xi32>
        %gather3A_761 = vector.shape_cast %broadcast_in_dim3A_760 : vector<16x1xi32> to vector<16xi32>
        %gather3A_762 = tpu.dynamic_gather %get3A_260[%gather3A_761] in [0] : vector<16xf32>, vector<16xi32> -> vector<16xf32>
        %add3A_763 = arith.constant 12 : i32
        %add3A_764 = vector.broadcast %add3A_763 : i32 to vector<16xi32>
        %add3A_765 = arith.addi %broadcast_in_dim3A_261, %add3A_764 : vector<16xi32>
        %sub3A_766 = arith.subf %get3A_108, %gather3A_756 : vector<16xf32>
        %sub3A_767 = arith.subf %get3A_111, %gather3A_759 : vector<16xf32>
        %sub3A_768 = arith.subf %get3A_114, %gather3A_762 : vector<16xf32>
        %mul3A_769 = arith.mulf %sub3A_766, %sub3A_766 : vector<16xf32>
        %mul3A_770 = arith.mulf %sub3A_767, %sub3A_767 : vector<16xf32>
        %add3A_771 = arith.addf %mul3A_769, %mul3A_770 : vector<16xf32>
        %mul3A_772 = arith.mulf %sub3A_768, %sub3A_768 : vector<16xf32>
        %add3A_773 = arith.addf %add3A_771, %mul3A_772 : vector<16xf32>
        %ge3A_774 = arith.cmpi sge, %add3A_765, %gather3A_119 : vector<16xi32>
        %lt3A_775 = arith.cmpi slt, %add3A_765, %gather3A_122 : vector<16xi32>
        %and3A_776 = arith.andi %ge3A_774, %lt3A_775 : vector<16xi1>
        %jit3A_777 = arith.constant 0x7F800000 : f32
        %broadcast_in_dim3A_778 = vector.broadcast %jit3A_777 : f32 to vector<16xf32>
        %select_n3A_779 = arith.select %and3A_776, %add3A_773, %broadcast_in_dim3A_778 : vector<16xi1>, vector<16xf32>
        %lt3A_780 = arith.cmpf olt, %select_n3A_779, %select_n3A_750 : vector<16xf32>
        %lt3A_781 = arith.cmpf olt, %select_n3A_779, %select_n3A_747 : vector<16xf32>
        %lt3A_782 = arith.cmpf olt, %select_n3A_779, %select_n3A_743 : vector<16xf32>
        %select_n3A_783 = arith.select %lt3A_781, %select_n3A_747, %select_n3A_779 : vector<16xi1>, vector<16xf32>
        %select_n3A_784 = arith.select %lt3A_782, %select_n3A_783, %select_n3A_743 : vector<16xi1>, vector<16xf32>
        %select_n3A_785 = arith.select %lt3A_781, %select_n3A_749, %add3A_765 : vector<16xi1>, vector<16xi32>
        %select_n3A_786 = arith.select %lt3A_782, %select_n3A_785, %select_n3A_745 : vector<16xi1>, vector<16xi32>
        %select_n3A_787 = arith.select %lt3A_780, %select_n3A_750, %select_n3A_779 : vector<16xi1>, vector<16xf32>
        %select_n3A_788 = arith.select %lt3A_781, %select_n3A_787, %select_n3A_747 : vector<16xi1>, vector<16xf32>
        %select_n3A_789 = arith.select %lt3A_780, %select_n3A_751, %add3A_765 : vector<16xi1>, vector<16xi32>
        %select_n3A_790 = arith.select %lt3A_781, %select_n3A_789, %select_n3A_749 : vector<16xi1>, vector<16xi32>
        %select_n3A_791 = arith.select %lt3A_780, %select_n3A_779, %select_n3A_750 : vector<16xi1>, vector<16xf32>
        %select_n3A_792 = arith.select %lt3A_780, %add3A_765, %select_n3A_751 : vector<16xi1>, vector<16xi32>
        %broadcast_in_dim3A_793 = arith.constant 13 : i32
        %broadcast_in_dim3A_794 = vector.broadcast %broadcast_in_dim3A_793 : i32 to vector<16xi32>
        %broadcast_in_dim3A_795 = vector.shape_cast %broadcast_in_dim3A_794 : vector<16xi32> to vector<16x1xi32>
        %gather3A_796 = vector.shape_cast %broadcast_in_dim3A_795 : vector<16x1xi32> to vector<16xi32>
        %gather3A_797 = tpu.dynamic_gather %get3A_254[%gather3A_796] in [0] : vector<16xf32>, vector<16xi32> -> vector<16xf32>
        %broadcast_in_dim3A_798 = vector.shape_cast %broadcast_in_dim3A_794 : vector<16xi32> to vector<16x1xi32>
        %gather3A_799 = vector.shape_cast %broadcast_in_dim3A_798 : vector<16x1xi32> to vector<16xi32>
        %gather3A_800 = tpu.dynamic_gather %get3A_257[%gather3A_799] in [0] : vector<16xf32>, vector<16xi32> -> vector<16xf32>
        %broadcast_in_dim3A_801 = vector.shape_cast %broadcast_in_dim3A_794 : vector<16xi32> to vector<16x1xi32>
        %gather3A_802 = vector.shape_cast %broadcast_in_dim3A_801 : vector<16x1xi32> to vector<16xi32>
        %gather3A_803 = tpu.dynamic_gather %get3A_260[%gather3A_802] in [0] : vector<16xf32>, vector<16xi32> -> vector<16xf32>
        %add3A_804 = arith.constant 13 : i32
        %add3A_805 = vector.broadcast %add3A_804 : i32 to vector<16xi32>
        %add3A_806 = arith.addi %broadcast_in_dim3A_261, %add3A_805 : vector<16xi32>
        %sub3A_807 = arith.subf %get3A_108, %gather3A_797 : vector<16xf32>
        %sub3A_808 = arith.subf %get3A_111, %gather3A_800 : vector<16xf32>
        %sub3A_809 = arith.subf %get3A_114, %gather3A_803 : vector<16xf32>
        %mul3A_810 = arith.mulf %sub3A_807, %sub3A_807 : vector<16xf32>
        %mul3A_811 = arith.mulf %sub3A_808, %sub3A_808 : vector<16xf32>
        %add3A_812 = arith.addf %mul3A_810, %mul3A_811 : vector<16xf32>
        %mul3A_813 = arith.mulf %sub3A_809, %sub3A_809 : vector<16xf32>
        %add3A_814 = arith.addf %add3A_812, %mul3A_813 : vector<16xf32>
        %ge3A_815 = arith.cmpi sge, %add3A_806, %gather3A_119 : vector<16xi32>
        %lt3A_816 = arith.cmpi slt, %add3A_806, %gather3A_122 : vector<16xi32>
        %and3A_817 = arith.andi %ge3A_815, %lt3A_816 : vector<16xi1>
        %jit3A_818 = arith.constant 0x7F800000 : f32
        %broadcast_in_dim3A_819 = vector.broadcast %jit3A_818 : f32 to vector<16xf32>
        %select_n3A_820 = arith.select %and3A_817, %add3A_814, %broadcast_in_dim3A_819 : vector<16xi1>, vector<16xf32>
        %lt3A_821 = arith.cmpf olt, %select_n3A_820, %select_n3A_791 : vector<16xf32>
        %lt3A_822 = arith.cmpf olt, %select_n3A_820, %select_n3A_788 : vector<16xf32>
        %lt3A_823 = arith.cmpf olt, %select_n3A_820, %select_n3A_784 : vector<16xf32>
        %select_n3A_824 = arith.select %lt3A_822, %select_n3A_788, %select_n3A_820 : vector<16xi1>, vector<16xf32>
        %select_n3A_825 = arith.select %lt3A_823, %select_n3A_824, %select_n3A_784 : vector<16xi1>, vector<16xf32>
        %select_n3A_826 = arith.select %lt3A_822, %select_n3A_790, %add3A_806 : vector<16xi1>, vector<16xi32>
        %select_n3A_827 = arith.select %lt3A_823, %select_n3A_826, %select_n3A_786 : vector<16xi1>, vector<16xi32>
        %select_n3A_828 = arith.select %lt3A_821, %select_n3A_791, %select_n3A_820 : vector<16xi1>, vector<16xf32>
        %select_n3A_829 = arith.select %lt3A_822, %select_n3A_828, %select_n3A_788 : vector<16xi1>, vector<16xf32>
        %select_n3A_830 = arith.select %lt3A_821, %select_n3A_792, %add3A_806 : vector<16xi1>, vector<16xi32>
        %select_n3A_831 = arith.select %lt3A_822, %select_n3A_830, %select_n3A_790 : vector<16xi1>, vector<16xi32>
        %select_n3A_832 = arith.select %lt3A_821, %select_n3A_820, %select_n3A_791 : vector<16xi1>, vector<16xf32>
        %select_n3A_833 = arith.select %lt3A_821, %add3A_806, %select_n3A_792 : vector<16xi1>, vector<16xi32>
        %broadcast_in_dim3A_834 = arith.constant 14 : i32
        %broadcast_in_dim3A_835 = vector.broadcast %broadcast_in_dim3A_834 : i32 to vector<16xi32>
        %broadcast_in_dim3A_836 = vector.shape_cast %broadcast_in_dim3A_835 : vector<16xi32> to vector<16x1xi32>
        %gather3A_837 = vector.shape_cast %broadcast_in_dim3A_836 : vector<16x1xi32> to vector<16xi32>
        %gather3A_838 = tpu.dynamic_gather %get3A_254[%gather3A_837] in [0] : vector<16xf32>, vector<16xi32> -> vector<16xf32>
        %broadcast_in_dim3A_839 = vector.shape_cast %broadcast_in_dim3A_835 : vector<16xi32> to vector<16x1xi32>
        %gather3A_840 = vector.shape_cast %broadcast_in_dim3A_839 : vector<16x1xi32> to vector<16xi32>
        %gather3A_841 = tpu.dynamic_gather %get3A_257[%gather3A_840] in [0] : vector<16xf32>, vector<16xi32> -> vector<16xf32>
        %broadcast_in_dim3A_842 = vector.shape_cast %broadcast_in_dim3A_835 : vector<16xi32> to vector<16x1xi32>
        %gather3A_843 = vector.shape_cast %broadcast_in_dim3A_842 : vector<16x1xi32> to vector<16xi32>
        %gather3A_844 = tpu.dynamic_gather %get3A_260[%gather3A_843] in [0] : vector<16xf32>, vector<16xi32> -> vector<16xf32>
        %add3A_845 = arith.constant 14 : i32
        %add3A_846 = vector.broadcast %add3A_845 : i32 to vector<16xi32>
        %add3A_847 = arith.addi %broadcast_in_dim3A_261, %add3A_846 : vector<16xi32>
        %sub3A_848 = arith.subf %get3A_108, %gather3A_838 : vector<16xf32>
        %sub3A_849 = arith.subf %get3A_111, %gather3A_841 : vector<16xf32>
        %sub3A_850 = arith.subf %get3A_114, %gather3A_844 : vector<16xf32>
        %mul3A_851 = arith.mulf %sub3A_848, %sub3A_848 : vector<16xf32>
        %mul3A_852 = arith.mulf %sub3A_849, %sub3A_849 : vector<16xf32>
        %add3A_853 = arith.addf %mul3A_851, %mul3A_852 : vector<16xf32>
        %mul3A_854 = arith.mulf %sub3A_850, %sub3A_850 : vector<16xf32>
        %add3A_855 = arith.addf %add3A_853, %mul3A_854 : vector<16xf32>
        %ge3A_856 = arith.cmpi sge, %add3A_847, %gather3A_119 : vector<16xi32>
        %lt3A_857 = arith.cmpi slt, %add3A_847, %gather3A_122 : vector<16xi32>
        %and3A_858 = arith.andi %ge3A_856, %lt3A_857 : vector<16xi1>
        %jit3A_859 = arith.constant 0x7F800000 : f32
        %broadcast_in_dim3A_860 = vector.broadcast %jit3A_859 : f32 to vector<16xf32>
        %select_n3A_861 = arith.select %and3A_858, %add3A_855, %broadcast_in_dim3A_860 : vector<16xi1>, vector<16xf32>
        %lt3A_862 = arith.cmpf olt, %select_n3A_861, %select_n3A_832 : vector<16xf32>
        %lt3A_863 = arith.cmpf olt, %select_n3A_861, %select_n3A_829 : vector<16xf32>
        %lt3A_864 = arith.cmpf olt, %select_n3A_861, %select_n3A_825 : vector<16xf32>
        %select_n3A_865 = arith.select %lt3A_863, %select_n3A_829, %select_n3A_861 : vector<16xi1>, vector<16xf32>
        %select_n3A_866 = arith.select %lt3A_864, %select_n3A_865, %select_n3A_825 : vector<16xi1>, vector<16xf32>
        %select_n3A_867 = arith.select %lt3A_863, %select_n3A_831, %add3A_847 : vector<16xi1>, vector<16xi32>
        %select_n3A_868 = arith.select %lt3A_864, %select_n3A_867, %select_n3A_827 : vector<16xi1>, vector<16xi32>
        %select_n3A_869 = arith.select %lt3A_862, %select_n3A_832, %select_n3A_861 : vector<16xi1>, vector<16xf32>
        %select_n3A_870 = arith.select %lt3A_863, %select_n3A_869, %select_n3A_829 : vector<16xi1>, vector<16xf32>
        %select_n3A_871 = arith.select %lt3A_862, %select_n3A_833, %add3A_847 : vector<16xi1>, vector<16xi32>
        %select_n3A_872 = arith.select %lt3A_863, %select_n3A_871, %select_n3A_831 : vector<16xi1>, vector<16xi32>
        %select_n3A_873 = arith.select %lt3A_862, %select_n3A_861, %select_n3A_832 : vector<16xi1>, vector<16xf32>
        %select_n3A_874 = arith.select %lt3A_862, %add3A_847, %select_n3A_833 : vector<16xi1>, vector<16xi32>
        %broadcast_in_dim3A_875 = arith.constant 15 : i32
        %broadcast_in_dim3A_876 = vector.broadcast %broadcast_in_dim3A_875 : i32 to vector<16xi32>
        %broadcast_in_dim3A_877 = vector.shape_cast %broadcast_in_dim3A_876 : vector<16xi32> to vector<16x1xi32>
        %gather3A_878 = vector.shape_cast %broadcast_in_dim3A_877 : vector<16x1xi32> to vector<16xi32>
        %gather3A_879 = tpu.dynamic_gather %get3A_254[%gather3A_878] in [0] : vector<16xf32>, vector<16xi32> -> vector<16xf32>
        %broadcast_in_dim3A_880 = vector.shape_cast %broadcast_in_dim3A_876 : vector<16xi32> to vector<16x1xi32>
        %gather3A_881 = vector.shape_cast %broadcast_in_dim3A_880 : vector<16x1xi32> to vector<16xi32>
        %gather3A_882 = tpu.dynamic_gather %get3A_257[%gather3A_881] in [0] : vector<16xf32>, vector<16xi32> -> vector<16xf32>
        %broadcast_in_dim3A_883 = vector.shape_cast %broadcast_in_dim3A_876 : vector<16xi32> to vector<16x1xi32>
        %gather3A_884 = vector.shape_cast %broadcast_in_dim3A_883 : vector<16x1xi32> to vector<16xi32>
        %gather3A_885 = tpu.dynamic_gather %get3A_260[%gather3A_884] in [0] : vector<16xf32>, vector<16xi32> -> vector<16xf32>
        %add3A_886 = arith.constant 15 : i32
        %add3A_887 = vector.broadcast %add3A_886 : i32 to vector<16xi32>
        %add3A_888 = arith.addi %broadcast_in_dim3A_261, %add3A_887 : vector<16xi32>
        %sub3A_889 = arith.subf %get3A_108, %gather3A_879 : vector<16xf32>
        %sub3A_890 = arith.subf %get3A_111, %gather3A_882 : vector<16xf32>
        %sub3A_891 = arith.subf %get3A_114, %gather3A_885 : vector<16xf32>
        %mul3A_892 = arith.mulf %sub3A_889, %sub3A_889 : vector<16xf32>
        %mul3A_893 = arith.mulf %sub3A_890, %sub3A_890 : vector<16xf32>
        %add3A_894 = arith.addf %mul3A_892, %mul3A_893 : vector<16xf32>
        %mul3A_895 = arith.mulf %sub3A_891, %sub3A_891 : vector<16xf32>
        %add3A_896 = arith.addf %add3A_894, %mul3A_895 : vector<16xf32>
        %ge3A_897 = arith.cmpi sge, %add3A_888, %gather3A_119 : vector<16xi32>
        %lt3A_898 = arith.cmpi slt, %add3A_888, %gather3A_122 : vector<16xi32>
        %and3A_899 = arith.andi %ge3A_897, %lt3A_898 : vector<16xi1>
        %jit3A_900 = arith.constant 0x7F800000 : f32
        %broadcast_in_dim3A_901 = vector.broadcast %jit3A_900 : f32 to vector<16xf32>
        %select_n3A_902 = arith.select %and3A_899, %add3A_896, %broadcast_in_dim3A_901 : vector<16xi1>, vector<16xf32>
        %lt3A_903 = arith.cmpf olt, %select_n3A_902, %select_n3A_873 : vector<16xf32>
        %lt3A_904 = arith.cmpf olt, %select_n3A_902, %select_n3A_870 : vector<16xf32>
        %lt3A_905 = arith.cmpf olt, %select_n3A_902, %select_n3A_866 : vector<16xf32>
        %select_n3A_906 = arith.select %lt3A_904, %select_n3A_870, %select_n3A_902 : vector<16xi1>, vector<16xf32>
        %select_n3A_907 = arith.select %lt3A_905, %select_n3A_906, %select_n3A_866 : vector<16xi1>, vector<16xf32>
        %select_n3A_908 = arith.select %lt3A_904, %select_n3A_872, %add3A_888 : vector<16xi1>, vector<16xi32>
        %select_n3A_909 = arith.select %lt3A_905, %select_n3A_908, %select_n3A_868 : vector<16xi1>, vector<16xi32>
        %select_n3A_910 = arith.select %lt3A_903, %select_n3A_873, %select_n3A_902 : vector<16xi1>, vector<16xf32>
        %select_n3A_911 = arith.select %lt3A_904, %select_n3A_910, %select_n3A_870 : vector<16xi1>, vector<16xf32>
        %select_n3A_912 = arith.select %lt3A_903, %select_n3A_874, %add3A_888 : vector<16xi1>, vector<16xi32>
        %select_n3A_913 = arith.select %lt3A_904, %select_n3A_912, %select_n3A_872 : vector<16xi1>, vector<16xi32>
        %select_n3A_914 = arith.select %lt3A_903, %select_n3A_902, %select_n3A_873 : vector<16xi1>, vector<16xf32>
        %select_n3A_915 = arith.select %lt3A_903, %add3A_888, %select_n3A_874 : vector<16xi1>, vector<16xi32>
        scf.yield %select_n3A_914, %select_n3A_911, %select_n3A_907, %select_n3A_915, %select_n3A_913, %select_n3A_909 : vector<16xf32>, vector<16xf32>, vector<16xf32>, vector<16xi32>, vector<16xi32>, vector<16xi32>
      }
      %while3A_191 = arith.constant 1 : i32
      %while3A_192:6 = scf.for %while3A_241 = %while3A_188 to %while3A_184 step %while3A_191 iter_args(%while3A_242 = %while3A_190#0, %while3A_243 = %while3A_190#1, %while3A_244 = %while3A_190#2, %while3A_245 = %while3A_190#3, %while3A_246 = %while3A_190#4, %while3A_247 = %while3A_190#5) -> (vector<16xf32>, vector<16xf32>, vector<16xf32>, vector<16xi32>, vector<16xi32>, vector<16xi32>)  : i32 {
        %mul3A_248 = arith.muli %while3A_241, %while3A : i32
        %add3A_249 = arith.addi %select_n3A, %mul3A_248 : i32
        %mul3A_250 = arith.constant 16 : i32
        %mul3A_251 = arith.muli %add3A_249, %mul3A_250 : i32
        %get3A_252 = arith.index_cast %mul3A_251 : i32 to index
        %get3A_253 = tpu.vector_load %arg15[%get3A_252] {strides = array<i32>} : memref<4096xf32, #tpu.memory_space<vmem>>, vector<16xf32>,
        %get3A_254 = vector.shape_cast %get3A_253 : vector<16xf32> to vector<16xf32>
        %get3A_255 = arith.index_cast %mul3A_251 : i32 to index
        %get3A_256 = tpu.vector_load %arg16[%get3A_255] {strides = array<i32>} : memref<4096xf32, #tpu.memory_space<vmem>>, vector<16xf32>,
        %get3A_257 = vector.shape_cast %get3A_256 : vector<16xf32> to vector<16xf32>
        %get3A_258 = arith.index_cast %mul3A_251 : i32 to index
        %get3A_259 = tpu.vector_load %arg17[%get3A_258] {strides = array<i32>} : memref<4096xf32, #tpu.memory_space<vmem>>, vector<16xf32>,
        %get3A_260 = vector.shape_cast %get3A_259 : vector<16xf32> to vector<16xf32>
        %broadcast_in_dim3A_261 = vector.broadcast %mul3A_251 : i32 to vector<16xi32>
        %broadcast_in_dim3A_262 = arith.constant 0 : i32
        %broadcast_in_dim3A_263 = vector.broadcast %broadcast_in_dim3A_262 : i32 to vector<16xi32>
        %broadcast_in_dim3A_264 = vector.shape_cast %broadcast_in_dim3A_263 : vector<16xi32> to vector<16x1xi32>
        %gather3A_265 = vector.shape_cast %broadcast_in_dim3A_264 : vector<16x1xi32> to vector<16xi32>
        %gather3A_266 = tpu.dynamic_gather %get3A_254[%gather3A_265] in [0] : vector<16xf32>, vector<16xi32> -> vector<16xf32>
        %broadcast_in_dim3A_267 = vector.shape_cast %broadcast_in_dim3A_263 : vector<16xi32> to vector<16x1xi32>
        %gather3A_268 = vector.shape_cast %broadcast_in_dim3A_267 : vector<16x1xi32> to vector<16xi32>
        %gather3A_269 = tpu.dynamic_gather %get3A_257[%gather3A_268] in [0] : vector<16xf32>, vector<16xi32> -> vector<16xf32>
        %broadcast_in_dim3A_270 = vector.shape_cast %broadcast_in_dim3A_263 : vector<16xi32> to vector<16x1xi32>
        %gather3A_271 = vector.shape_cast %broadcast_in_dim3A_270 : vector<16x1xi32> to vector<16xi32>
        %gather3A_272 = tpu.dynamic_gather %get3A_260[%gather3A_271] in [0] : vector<16xf32>, vector<16xi32> -> vector<16xf32>
        %add3A_273 = arith.constant 0 : i32
        %add3A_274 = vector.broadcast %add3A_273 : i32 to vector<16xi32>
        %add3A_275 = arith.addi %broadcast_in_dim3A_261, %add3A_274 : vector<16xi32>
        %sub3A_276 = arith.subf %get3A_108, %gather3A_266 : vector<16xf32>
        %sub3A_277 = arith.subf %get3A_111, %gather3A_269 : vector<16xf32>
        %sub3A_278 = arith.subf %get3A_114, %gather3A_272 : vector<16xf32>
        %mul3A_279 = arith.mulf %sub3A_276, %sub3A_276 : vector<16xf32>
        %mul3A_280 = arith.mulf %sub3A_277, %sub3A_277 : vector<16xf32>
        %add3A_281 = arith.addf %mul3A_279, %mul3A_280 : vector<16xf32>
        %mul3A_282 = arith.mulf %sub3A_278, %sub3A_278 : vector<16xf32>
        %add3A_283 = arith.addf %add3A_281, %mul3A_282 : vector<16xf32>
        %ge3A = arith.cmpi sge, %add3A_275, %gather3A_119 : vector<16xi32>
        %lt3A = arith.cmpi slt, %add3A_275, %gather3A_122 : vector<16xi32>
        %and3A_284 = arith.andi %ge3A, %lt3A : vector<16xi1>
        %jit3A_285 = arith.constant 0x7F800000 : f32
        %broadcast_in_dim3A_286 = vector.broadcast %jit3A_285 : f32 to vector<16xf32>
        %select_n3A_287 = arith.select %and3A_284, %add3A_283, %broadcast_in_dim3A_286 : vector<16xi1>, vector<16xf32>
        %lt3A_288 = arith.cmpf olt, %select_n3A_287, %while3A_242 : vector<16xf32>
        %lt3A_289 = arith.cmpf olt, %select_n3A_287, %while3A_243 : vector<16xf32>
        %lt3A_290 = arith.cmpf olt, %select_n3A_287, %while3A_244 : vector<16xf32>
        %select_n3A_291 = arith.select %lt3A_289, %while3A_243, %select_n3A_287 : vector<16xi1>, vector<16xf32>
        %select_n3A_292 = arith.select %lt3A_290, %select_n3A_291, %while3A_244 : vector<16xi1>, vector<16xf32>
        %select_n3A_293 = arith.select %lt3A_289, %while3A_246, %add3A_275 : vector<16xi1>, vector<16xi32>
        %select_n3A_294 = arith.select %lt3A_290, %select_n3A_293, %while3A_247 : vector<16xi1>, vector<16xi32>
        %select_n3A_295 = arith.select %lt3A_288, %while3A_242, %select_n3A_287 : vector<16xi1>, vector<16xf32>
        %select_n3A_296 = arith.select %lt3A_289, %select_n3A_295, %while3A_243 : vector<16xi1>, vector<16xf32>
        %select_n3A_297 = arith.select %lt3A_288, %while3A_245, %add3A_275 : vector<16xi1>, vector<16xi32>
        %select_n3A_298 = arith.select %lt3A_289, %select_n3A_297, %while3A_246 : vector<16xi1>, vector<16xi32>
        %select_n3A_299 = arith.select %lt3A_288, %select_n3A_287, %while3A_242 : vector<16xi1>, vector<16xf32>
        %select_n3A_300 = arith.select %lt3A_288, %add3A_275, %while3A_245 : vector<16xi1>, vector<16xi32>
        %broadcast_in_dim3A_301 = arith.constant 1 : i32
        %broadcast_in_dim3A_302 = vector.broadcast %broadcast_in_dim3A_301 : i32 to vector<16xi32>
        %broadcast_in_dim3A_303 = vector.shape_cast %broadcast_in_dim3A_302 : vector<16xi32> to vector<16x1xi32>
        %gather3A_304 = vector.shape_cast %broadcast_in_dim3A_303 : vector<16x1xi32> to vector<16xi32>
        %gather3A_305 = tpu.dynamic_gather %get3A_254[%gather3A_304] in [0] : vector<16xf32>, vector<16xi32> -> vector<16xf32>
        %broadcast_in_dim3A_306 = vector.shape_cast %broadcast_in_dim3A_302 : vector<16xi32> to vector<16x1xi32>
        %gather3A_307 = vector.shape_cast %broadcast_in_dim3A_306 : vector<16x1xi32> to vector<16xi32>
        %gather3A_308 = tpu.dynamic_gather %get3A_257[%gather3A_307] in [0] : vector<16xf32>, vector<16xi32> -> vector<16xf32>
        %broadcast_in_dim3A_309 = vector.shape_cast %broadcast_in_dim3A_302 : vector<16xi32> to vector<16x1xi32>
        %gather3A_310 = vector.shape_cast %broadcast_in_dim3A_309 : vector<16x1xi32> to vector<16xi32>
        %gather3A_311 = tpu.dynamic_gather %get3A_260[%gather3A_310] in [0] : vector<16xf32>, vector<16xi32> -> vector<16xf32>
        %add3A_312 = arith.constant 1 : i32
        %add3A_313 = vector.broadcast %add3A_312 : i32 to vector<16xi32>
        %add3A_314 = arith.addi %broadcast_in_dim3A_261, %add3A_313 : vector<16xi32>
        %sub3A_315 = arith.subf %get3A_108, %gather3A_305 : vector<16xf32>
        %sub3A_316 = arith.subf %get3A_111, %gather3A_308 : vector<16xf32>
        %sub3A_317 = arith.subf %get3A_114, %gather3A_311 : vector<16xf32>
        %mul3A_318 = arith.mulf %sub3A_315, %sub3A_315 : vector<16xf32>
        %mul3A_319 = arith.mulf %sub3A_316, %sub3A_316 : vector<16xf32>
        %add3A_320 = arith.addf %mul3A_318, %mul3A_319 : vector<16xf32>
        %mul3A_321 = arith.mulf %sub3A_317, %sub3A_317 : vector<16xf32>
        %add3A_322 = arith.addf %add3A_320, %mul3A_321 : vector<16xf32>
        %ge3A_323 = arith.cmpi sge, %add3A_314, %gather3A_119 : vector<16xi32>
        %lt3A_324 = arith.cmpi slt, %add3A_314, %gather3A_122 : vector<16xi32>
        %and3A_325 = arith.andi %ge3A_323, %lt3A_324 : vector<16xi1>
        %jit3A_326 = arith.constant 0x7F800000 : f32
        %broadcast_in_dim3A_327 = vector.broadcast %jit3A_326 : f32 to vector<16xf32>
        %select_n3A_328 = arith.select %and3A_325, %add3A_322, %broadcast_in_dim3A_327 : vector<16xi1>, vector<16xf32>
        %lt3A_329 = arith.cmpf olt, %select_n3A_328, %select_n3A_299 : vector<16xf32>
        %lt3A_330 = arith.cmpf olt, %select_n3A_328, %select_n3A_296 : vector<16xf32>
        %lt3A_331 = arith.cmpf olt, %select_n3A_328, %select_n3A_292 : vector<16xf32>
        %select_n3A_332 = arith.select %lt3A_330, %select_n3A_296, %select_n3A_328 : vector<16xi1>, vector<16xf32>
        %select_n3A_333 = arith.select %lt3A_331, %select_n3A_332, %select_n3A_292 : vector<16xi1>, vector<16xf32>
        %select_n3A_334 = arith.select %lt3A_330, %select_n3A_298, %add3A_314 : vector<16xi1>, vector<16xi32>
        %select_n3A_335 = arith.select %lt3A_331, %select_n3A_334, %select_n3A_294 : vector<16xi1>, vector<16xi32>
        %select_n3A_336 = arith.select %lt3A_329, %select_n3A_299, %select_n3A_328 : vector<16xi1>, vector<16xf32>
        %select_n3A_337 = arith.select %lt3A_330, %select_n3A_336, %select_n3A_296 : vector<16xi1>, vector<16xf32>
        %select_n3A_338 = arith.select %lt3A_329, %select_n3A_300, %add3A_314 : vector<16xi1>, vector<16xi32>
        %select_n3A_339 = arith.select %lt3A_330, %select_n3A_338, %select_n3A_298 : vector<16xi1>, vector<16xi32>
        %select_n3A_340 = arith.select %lt3A_329, %select_n3A_328, %select_n3A_299 : vector<16xi1>, vector<16xf32>
        %select_n3A_341 = arith.select %lt3A_329, %add3A_314, %select_n3A_300 : vector<16xi1>, vector<16xi32>
        %broadcast_in_dim3A_342 = arith.constant 2 : i32
        %broadcast_in_dim3A_343 = vector.broadcast %broadcast_in_dim3A_342 : i32 to vector<16xi32>
        %broadcast_in_dim3A_344 = vector.shape_cast %broadcast_in_dim3A_343 : vector<16xi32> to vector<16x1xi32>
        %gather3A_345 = vector.shape_cast %broadcast_in_dim3A_344 : vector<16x1xi32> to vector<16xi32>
        %gather3A_346 = tpu.dynamic_gather %get3A_254[%gather3A_345] in [0] : vector<16xf32>, vector<16xi32> -> vector<16xf32>
        %broadcast_in_dim3A_347 = vector.shape_cast %broadcast_in_dim3A_343 : vector<16xi32> to vector<16x1xi32>
        %gather3A_348 = vector.shape_cast %broadcast_in_dim3A_347 : vector<16x1xi32> to vector<16xi32>
        %gather3A_349 = tpu.dynamic_gather %get3A_257[%gather3A_348] in [0] : vector<16xf32>, vector<16xi32> -> vector<16xf32>
        %broadcast_in_dim3A_350 = vector.shape_cast %broadcast_in_dim3A_343 : vector<16xi32> to vector<16x1xi32>
        %gather3A_351 = vector.shape_cast %broadcast_in_dim3A_350 : vector<16x1xi32> to vector<16xi32>
        %gather3A_352 = tpu.dynamic_gather %get3A_260[%gather3A_351] in [0] : vector<16xf32>, vector<16xi32> -> vector<16xf32>
        %add3A_353 = arith.constant 2 : i32
        %add3A_354 = vector.broadcast %add3A_353 : i32 to vector<16xi32>
        %add3A_355 = arith.addi %broadcast_in_dim3A_261, %add3A_354 : vector<16xi32>
        %sub3A_356 = arith.subf %get3A_108, %gather3A_346 : vector<16xf32>
        %sub3A_357 = arith.subf %get3A_111, %gather3A_349 : vector<16xf32>
        %sub3A_358 = arith.subf %get3A_114, %gather3A_352 : vector<16xf32>
        %mul3A_359 = arith.mulf %sub3A_356, %sub3A_356 : vector<16xf32>
        %mul3A_360 = arith.mulf %sub3A_357, %sub3A_357 : vector<16xf32>
        %add3A_361 = arith.addf %mul3A_359, %mul3A_360 : vector<16xf32>
        %mul3A_362 = arith.mulf %sub3A_358, %sub3A_358 : vector<16xf32>
        %add3A_363 = arith.addf %add3A_361, %mul3A_362 : vector<16xf32>
        %ge3A_364 = arith.cmpi sge, %add3A_355, %gather3A_119 : vector<16xi32>
        %lt3A_365 = arith.cmpi slt, %add3A_355, %gather3A_122 : vector<16xi32>
        %and3A_366 = arith.andi %ge3A_364, %lt3A_365 : vector<16xi1>
        %jit3A_367 = arith.constant 0x7F800000 : f32
        %broadcast_in_dim3A_368 = vector.broadcast %jit3A_367 : f32 to vector<16xf32>
        %select_n3A_369 = arith.select %and3A_366, %add3A_363, %broadcast_in_dim3A_368 : vector<16xi1>, vector<16xf32>
        %lt3A_370 = arith.cmpf olt, %select_n3A_369, %select_n3A_340 : vector<16xf32>
        %lt3A_371 = arith.cmpf olt, %select_n3A_369, %select_n3A_337 : vector<16xf32>
        %lt3A_372 = arith.cmpf olt, %select_n3A_369, %select_n3A_333 : vector<16xf32>
        %select_n3A_373 = arith.select %lt3A_371, %select_n3A_337, %select_n3A_369 : vector<16xi1>, vector<16xf32>
        %select_n3A_374 = arith.select %lt3A_372, %select_n3A_373, %select_n3A_333 : vector<16xi1>, vector<16xf32>
        %select_n3A_375 = arith.select %lt3A_371, %select_n3A_339, %add3A_355 : vector<16xi1>, vector<16xi32>
        %select_n3A_376 = arith.select %lt3A_372, %select_n3A_375, %select_n3A_335 : vector<16xi1>, vector<16xi32>
        %select_n3A_377 = arith.select %lt3A_370, %select_n3A_340, %select_n3A_369 : vector<16xi1>, vector<16xf32>
        %select_n3A_378 = arith.select %lt3A_371, %select_n3A_377, %select_n3A_337 : vector<16xi1>, vector<16xf32>
        %select_n3A_379 = arith.select %lt3A_370, %select_n3A_341, %add3A_355 : vector<16xi1>, vector<16xi32>
        %select_n3A_380 = arith.select %lt3A_371, %select_n3A_379, %select_n3A_339 : vector<16xi1>, vector<16xi32>
        %select_n3A_381 = arith.select %lt3A_370, %select_n3A_369, %select_n3A_340 : vector<16xi1>, vector<16xf32>
        %select_n3A_382 = arith.select %lt3A_370, %add3A_355, %select_n3A_341 : vector<16xi1>, vector<16xi32>
        %broadcast_in_dim3A_383 = arith.constant 3 : i32
        %broadcast_in_dim3A_384 = vector.broadcast %broadcast_in_dim3A_383 : i32 to vector<16xi32>
        %broadcast_in_dim3A_385 = vector.shape_cast %broadcast_in_dim3A_384 : vector<16xi32> to vector<16x1xi32>
        %gather3A_386 = vector.shape_cast %broadcast_in_dim3A_385 : vector<16x1xi32> to vector<16xi32>
        %gather3A_387 = tpu.dynamic_gather %get3A_254[%gather3A_386] in [0] : vector<16xf32>, vector<16xi32> -> vector<16xf32>
        %broadcast_in_dim3A_388 = vector.shape_cast %broadcast_in_dim3A_384 : vector<16xi32> to vector<16x1xi32>
        %gather3A_389 = vector.shape_cast %broadcast_in_dim3A_388 : vector<16x1xi32> to vector<16xi32>
        %gather3A_390 = tpu.dynamic_gather %get3A_257[%gather3A_389] in [0] : vector<16xf32>, vector<16xi32> -> vector<16xf32>
        %broadcast_in_dim3A_391 = vector.shape_cast %broadcast_in_dim3A_384 : vector<16xi32> to vector<16x1xi32>
        %gather3A_392 = vector.shape_cast %broadcast_in_dim3A_391 : vector<16x1xi32> to vector<16xi32>
        %gather3A_393 = tpu.dynamic_gather %get3A_260[%gather3A_392] in [0] : vector<16xf32>, vector<16xi32> -> vector<16xf32>
        %add3A_394 = arith.constant 3 : i32
        %add3A_395 = vector.broadcast %add3A_394 : i32 to vector<16xi32>
        %add3A_396 = arith.addi %broadcast_in_dim3A_261, %add3A_395 : vector<16xi32>
        %sub3A_397 = arith.subf %get3A_108, %gather3A_387 : vector<16xf32>
        %sub3A_398 = arith.subf %get3A_111, %gather3A_390 : vector<16xf32>
        %sub3A_399 = arith.subf %get3A_114, %gather3A_393 : vector<16xf32>
        %mul3A_400 = arith.mulf %sub3A_397, %sub3A_397 : vector<16xf32>
        %mul3A_401 = arith.mulf %sub3A_398, %sub3A_398 : vector<16xf32>
        %add3A_402 = arith.addf %mul3A_400, %mul3A_401 : vector<16xf32>
        %mul3A_403 = arith.mulf %sub3A_399, %sub3A_399 : vector<16xf32>
        %add3A_404 = arith.addf %add3A_402, %mul3A_403 : vector<16xf32>
        %ge3A_405 = arith.cmpi sge, %add3A_396, %gather3A_119 : vector<16xi32>
        %lt3A_406 = arith.cmpi slt, %add3A_396, %gather3A_122 : vector<16xi32>
        %and3A_407 = arith.andi %ge3A_405, %lt3A_406 : vector<16xi1>
        %jit3A_408 = arith.constant 0x7F800000 : f32
        %broadcast_in_dim3A_409 = vector.broadcast %jit3A_408 : f32 to vector<16xf32>
        %select_n3A_410 = arith.select %and3A_407, %add3A_404, %broadcast_in_dim3A_409 : vector<16xi1>, vector<16xf32>
        %lt3A_411 = arith.cmpf olt, %select_n3A_410, %select_n3A_381 : vector<16xf32>
        %lt3A_412 = arith.cmpf olt, %select_n3A_410, %select_n3A_378 : vector<16xf32>
        %lt3A_413 = arith.cmpf olt, %select_n3A_410, %select_n3A_374 : vector<16xf32>
        %select_n3A_414 = arith.select %lt3A_412, %select_n3A_378, %select_n3A_410 : vector<16xi1>, vector<16xf32>
        %select_n3A_415 = arith.select %lt3A_413, %select_n3A_414, %select_n3A_374 : vector<16xi1>, vector<16xf32>
        %select_n3A_416 = arith.select %lt3A_412, %select_n3A_380, %add3A_396 : vector<16xi1>, vector<16xi32>
        %select_n3A_417 = arith.select %lt3A_413, %select_n3A_416, %select_n3A_376 : vector<16xi1>, vector<16xi32>
        %select_n3A_418 = arith.select %lt3A_411, %select_n3A_381, %select_n3A_410 : vector<16xi1>, vector<16xf32>
        %select_n3A_419 = arith.select %lt3A_412, %select_n3A_418, %select_n3A_378 : vector<16xi1>, vector<16xf32>
        %select_n3A_420 = arith.select %lt3A_411, %select_n3A_382, %add3A_396 : vector<16xi1>, vector<16xi32>
        %select_n3A_421 = arith.select %lt3A_412, %select_n3A_420, %select_n3A_380 : vector<16xi1>, vector<16xi32>
        %select_n3A_422 = arith.select %lt3A_411, %select_n3A_410, %select_n3A_381 : vector<16xi1>, vector<16xf32>
        %select_n3A_423 = arith.select %lt3A_411, %add3A_396, %select_n3A_382 : vector<16xi1>, vector<16xi32>
        %broadcast_in_dim3A_424 = arith.constant 4 : i32
        %broadcast_in_dim3A_425 = vector.broadcast %broadcast_in_dim3A_424 : i32 to vector<16xi32>
        %broadcast_in_dim3A_426 = vector.shape_cast %broadcast_in_dim3A_425 : vector<16xi32> to vector<16x1xi32>
        %gather3A_427 = vector.shape_cast %broadcast_in_dim3A_426 : vector<16x1xi32> to vector<16xi32>
        %gather3A_428 = tpu.dynamic_gather %get3A_254[%gather3A_427] in [0] : vector<16xf32>, vector<16xi32> -> vector<16xf32>
        %broadcast_in_dim3A_429 = vector.shape_cast %broadcast_in_dim3A_425 : vector<16xi32> to vector<16x1xi32>
        %gather3A_430 = vector.shape_cast %broadcast_in_dim3A_429 : vector<16x1xi32> to vector<16xi32>
        %gather3A_431 = tpu.dynamic_gather %get3A_257[%gather3A_430] in [0] : vector<16xf32>, vector<16xi32> -> vector<16xf32>
        %broadcast_in_dim3A_432 = vector.shape_cast %broadcast_in_dim3A_425 : vector<16xi32> to vector<16x1xi32>
        %gather3A_433 = vector.shape_cast %broadcast_in_dim3A_432 : vector<16x1xi32> to vector<16xi32>
        %gather3A_434 = tpu.dynamic_gather %get3A_260[%gather3A_433] in [0] : vector<16xf32>, vector<16xi32> -> vector<16xf32>
        %add3A_435 = arith.constant 4 : i32
        %add3A_436 = vector.broadcast %add3A_435 : i32 to vector<16xi32>
        %add3A_437 = arith.addi %broadcast_in_dim3A_261, %add3A_436 : vector<16xi32>
        %sub3A_438 = arith.subf %get3A_108, %gather3A_428 : vector<16xf32>
        %sub3A_439 = arith.subf %get3A_111, %gather3A_431 : vector<16xf32>
        %sub3A_440 = arith.subf %get3A_114, %gather3A_434 : vector<16xf32>
        %mul3A_441 = arith.mulf %sub3A_438, %sub3A_438 : vector<16xf32>
        %mul3A_442 = arith.mulf %sub3A_439, %sub3A_439 : vector<16xf32>
        %add3A_443 = arith.addf %mul3A_441, %mul3A_442 : vector<16xf32>
        %mul3A_444 = arith.mulf %sub3A_440, %sub3A_440 : vector<16xf32>
        %add3A_445 = arith.addf %add3A_443, %mul3A_444 : vector<16xf32>
        %ge3A_446 = arith.cmpi sge, %add3A_437, %gather3A_119 : vector<16xi32>
        %lt3A_447 = arith.cmpi slt, %add3A_437, %gather3A_122 : vector<16xi32>
        %and3A_448 = arith.andi %ge3A_446, %lt3A_447 : vector<16xi1>
        %jit3A_449 = arith.constant 0x7F800000 : f32
        %broadcast_in_dim3A_450 = vector.broadcast %jit3A_449 : f32 to vector<16xf32>
        %select_n3A_451 = arith.select %and3A_448, %add3A_445, %broadcast_in_dim3A_450 : vector<16xi1>, vector<16xf32>
        %lt3A_452 = arith.cmpf olt, %select_n3A_451, %select_n3A_422 : vector<16xf32>
        %lt3A_453 = arith.cmpf olt, %select_n3A_451, %select_n3A_419 : vector<16xf32>
        %lt3A_454 = arith.cmpf olt, %select_n3A_451, %select_n3A_415 : vector<16xf32>
        %select_n3A_455 = arith.select %lt3A_453, %select_n3A_419, %select_n3A_451 : vector<16xi1>, vector<16xf32>
        %select_n3A_456 = arith.select %lt3A_454, %select_n3A_455, %select_n3A_415 : vector<16xi1>, vector<16xf32>
        %select_n3A_457 = arith.select %lt3A_453, %select_n3A_421, %add3A_437 : vector<16xi1>, vector<16xi32>
        %select_n3A_458 = arith.select %lt3A_454, %select_n3A_457, %select_n3A_417 : vector<16xi1>, vector<16xi32>
        %select_n3A_459 = arith.select %lt3A_452, %select_n3A_422, %select_n3A_451 : vector<16xi1>, vector<16xf32>
        %select_n3A_460 = arith.select %lt3A_453, %select_n3A_459, %select_n3A_419 : vector<16xi1>, vector<16xf32>
        %select_n3A_461 = arith.select %lt3A_452, %select_n3A_423, %add3A_437 : vector<16xi1>, vector<16xi32>
        %select_n3A_462 = arith.select %lt3A_453, %select_n3A_461, %select_n3A_421 : vector<16xi1>, vector<16xi32>
        %select_n3A_463 = arith.select %lt3A_452, %select_n3A_451, %select_n3A_422 : vector<16xi1>, vector<16xf32>
        %select_n3A_464 = arith.select %lt3A_452, %add3A_437, %select_n3A_423 : vector<16xi1>, vector<16xi32>
        %broadcast_in_dim3A_465 = arith.constant 5 : i32
        %broadcast_in_dim3A_466 = vector.broadcast %broadcast_in_dim3A_465 : i32 to vector<16xi32>
        %broadcast_in_dim3A_467 = vector.shape_cast %broadcast_in_dim3A_466 : vector<16xi32> to vector<16x1xi32>
        %gather3A_468 = vector.shape_cast %broadcast_in_dim3A_467 : vector<16x1xi32> to vector<16xi32>
        %gather3A_469 = tpu.dynamic_gather %get3A_254[%gather3A_468] in [0] : vector<16xf32>, vector<16xi32> -> vector<16xf32>
        %broadcast_in_dim3A_470 = vector.shape_cast %broadcast_in_dim3A_466 : vector<16xi32> to vector<16x1xi32>
        %gather3A_471 = vector.shape_cast %broadcast_in_dim3A_470 : vector<16x1xi32> to vector<16xi32>
        %gather3A_472 = tpu.dynamic_gather %get3A_257[%gather3A_471] in [0] : vector<16xf32>, vector<16xi32> -> vector<16xf32>
        %broadcast_in_dim3A_473 = vector.shape_cast %broadcast_in_dim3A_466 : vector<16xi32> to vector<16x1xi32>
        %gather3A_474 = vector.shape_cast %broadcast_in_dim3A_473 : vector<16x1xi32> to vector<16xi32>
        %gather3A_475 = tpu.dynamic_gather %get3A_260[%gather3A_474] in [0] : vector<16xf32>, vector<16xi32> -> vector<16xf32>
        %add3A_476 = arith.constant 5 : i32
        %add3A_477 = vector.broadcast %add3A_476 : i32 to vector<16xi32>
        %add3A_478 = arith.addi %broadcast_in_dim3A_261, %add3A_477 : vector<16xi32>
        %sub3A_479 = arith.subf %get3A_108, %gather3A_469 : vector<16xf32>
        %sub3A_480 = arith.subf %get3A_111, %gather3A_472 : vector<16xf32>
        %sub3A_481 = arith.subf %get3A_114, %gather3A_475 : vector<16xf32>
        %mul3A_482 = arith.mulf %sub3A_479, %sub3A_479 : vector<16xf32>
        %mul3A_483 = arith.mulf %sub3A_480, %sub3A_480 : vector<16xf32>
        %add3A_484 = arith.addf %mul3A_482, %mul3A_483 : vector<16xf32>
        %mul3A_485 = arith.mulf %sub3A_481, %sub3A_481 : vector<16xf32>
        %add3A_486 = arith.addf %add3A_484, %mul3A_485 : vector<16xf32>
        %ge3A_487 = arith.cmpi sge, %add3A_478, %gather3A_119 : vector<16xi32>
        %lt3A_488 = arith.cmpi slt, %add3A_478, %gather3A_122 : vector<16xi32>
        %and3A_489 = arith.andi %ge3A_487, %lt3A_488 : vector<16xi1>
        %jit3A_490 = arith.constant 0x7F800000 : f32
        %broadcast_in_dim3A_491 = vector.broadcast %jit3A_490 : f32 to vector<16xf32>
        %select_n3A_492 = arith.select %and3A_489, %add3A_486, %broadcast_in_dim3A_491 : vector<16xi1>, vector<16xf32>
        %lt3A_493 = arith.cmpf olt, %select_n3A_492, %select_n3A_463 : vector<16xf32>
        %lt3A_494 = arith.cmpf olt, %select_n3A_492, %select_n3A_460 : vector<16xf32>
        %lt3A_495 = arith.cmpf olt, %select_n3A_492, %select_n3A_456 : vector<16xf32>
        %select_n3A_496 = arith.select %lt3A_494, %select_n3A_460, %select_n3A_492 : vector<16xi1>, vector<16xf32>
        %select_n3A_497 = arith.select %lt3A_495, %select_n3A_496, %select_n3A_456 : vector<16xi1>, vector<16xf32>
        %select_n3A_498 = arith.select %lt3A_494, %select_n3A_462, %add3A_478 : vector<16xi1>, vector<16xi32>
        %select_n3A_499 = arith.select %lt3A_495, %select_n3A_498, %select_n3A_458 : vector<16xi1>, vector<16xi32>
        %select_n3A_500 = arith.select %lt3A_493, %select_n3A_463, %select_n3A_492 : vector<16xi1>, vector<16xf32>
        %select_n3A_501 = arith.select %lt3A_494, %select_n3A_500, %select_n3A_460 : vector<16xi1>, vector<16xf32>
        %select_n3A_502 = arith.select %lt3A_493, %select_n3A_464, %add3A_478 : vector<16xi1>, vector<16xi32>
        %select_n3A_503 = arith.select %lt3A_494, %select_n3A_502, %select_n3A_462 : vector<16xi1>, vector<16xi32>
        %select_n3A_504 = arith.select %lt3A_493, %select_n3A_492, %select_n3A_463 : vector<16xi1>, vector<16xf32>
        %select_n3A_505 = arith.select %lt3A_493, %add3A_478, %select_n3A_464 : vector<16xi1>, vector<16xi32>
        %broadcast_in_dim3A_506 = arith.constant 6 : i32
        %broadcast_in_dim3A_507 = vector.broadcast %broadcast_in_dim3A_506 : i32 to vector<16xi32>
        %broadcast_in_dim3A_508 = vector.shape_cast %broadcast_in_dim3A_507 : vector<16xi32> to vector<16x1xi32>
        %gather3A_509 = vector.shape_cast %broadcast_in_dim3A_508 : vector<16x1xi32> to vector<16xi32>
        %gather3A_510 = tpu.dynamic_gather %get3A_254[%gather3A_509] in [0] : vector<16xf32>, vector<16xi32> -> vector<16xf32>
        %broadcast_in_dim3A_511 = vector.shape_cast %broadcast_in_dim3A_507 : vector<16xi32> to vector<16x1xi32>
        %gather3A_512 = vector.shape_cast %broadcast_in_dim3A_511 : vector<16x1xi32> to vector<16xi32>
        %gather3A_513 = tpu.dynamic_gather %get3A_257[%gather3A_512] in [0] : vector<16xf32>, vector<16xi32> -> vector<16xf32>
        %broadcast_in_dim3A_514 = vector.shape_cast %broadcast_in_dim3A_507 : vector<16xi32> to vector<16x1xi32>
        %gather3A_515 = vector.shape_cast %broadcast_in_dim3A_514 : vector<16x1xi32> to vector<16xi32>
        %gather3A_516 = tpu.dynamic_gather %get3A_260[%gather3A_515] in [0] : vector<16xf32>, vector<16xi32> -> vector<16xf32>
        %add3A_517 = arith.constant 6 : i32
        %add3A_518 = vector.broadcast %add3A_517 : i32 to vector<16xi32>
        %add3A_519 = arith.addi %broadcast_in_dim3A_261, %add3A_518 : vector<16xi32>
        %sub3A_520 = arith.subf %get3A_108, %gather3A_510 : vector<16xf32>
        %sub3A_521 = arith.subf %get3A_111, %gather3A_513 : vector<16xf32>
        %sub3A_522 = arith.subf %get3A_114, %gather3A_516 : vector<16xf32>
        %mul3A_523 = arith.mulf %sub3A_520, %sub3A_520 : vector<16xf32>
        %mul3A_524 = arith.mulf %sub3A_521, %sub3A_521 : vector<16xf32>
        %add3A_525 = arith.addf %mul3A_523, %mul3A_524 : vector<16xf32>
        %mul3A_526 = arith.mulf %sub3A_522, %sub3A_522 : vector<16xf32>
        %add3A_527 = arith.addf %add3A_525, %mul3A_526 : vector<16xf32>
        %ge3A_528 = arith.cmpi sge, %add3A_519, %gather3A_119 : vector<16xi32>
        %lt3A_529 = arith.cmpi slt, %add3A_519, %gather3A_122 : vector<16xi32>
        %and3A_530 = arith.andi %ge3A_528, %lt3A_529 : vector<16xi1>
        %jit3A_531 = arith.constant 0x7F800000 : f32
        %broadcast_in_dim3A_532 = vector.broadcast %jit3A_531 : f32 to vector<16xf32>
        %select_n3A_533 = arith.select %and3A_530, %add3A_527, %broadcast_in_dim3A_532 : vector<16xi1>, vector<16xf32>
        %lt3A_534 = arith.cmpf olt, %select_n3A_533, %select_n3A_504 : vector<16xf32>
        %lt3A_535 = arith.cmpf olt, %select_n3A_533, %select_n3A_501 : vector<16xf32>
        %lt3A_536 = arith.cmpf olt, %select_n3A_533, %select_n3A_497 : vector<16xf32>
        %select_n3A_537 = arith.select %lt3A_535, %select_n3A_501, %select_n3A_533 : vector<16xi1>, vector<16xf32>
        %select_n3A_538 = arith.select %lt3A_536, %select_n3A_537, %select_n3A_497 : vector<16xi1>, vector<16xf32>
        %select_n3A_539 = arith.select %lt3A_535, %select_n3A_503, %add3A_519 : vector<16xi1>, vector<16xi32>
        %select_n3A_540 = arith.select %lt3A_536, %select_n3A_539, %select_n3A_499 : vector<16xi1>, vector<16xi32>
        %select_n3A_541 = arith.select %lt3A_534, %select_n3A_504, %select_n3A_533 : vector<16xi1>, vector<16xf32>
        %select_n3A_542 = arith.select %lt3A_535, %select_n3A_541, %select_n3A_501 : vector<16xi1>, vector<16xf32>
        %select_n3A_543 = arith.select %lt3A_534, %select_n3A_505, %add3A_519 : vector<16xi1>, vector<16xi32>
        %select_n3A_544 = arith.select %lt3A_535, %select_n3A_543, %select_n3A_503 : vector<16xi1>, vector<16xi32>
        %select_n3A_545 = arith.select %lt3A_534, %select_n3A_533, %select_n3A_504 : vector<16xi1>, vector<16xf32>
        %select_n3A_546 = arith.select %lt3A_534, %add3A_519, %select_n3A_505 : vector<16xi1>, vector<16xi32>
        %broadcast_in_dim3A_547 = arith.constant 7 : i32
        %broadcast_in_dim3A_548 = vector.broadcast %broadcast_in_dim3A_547 : i32 to vector<16xi32>
        %broadcast_in_dim3A_549 = vector.shape_cast %broadcast_in_dim3A_548 : vector<16xi32> to vector<16x1xi32>
        %gather3A_550 = vector.shape_cast %broadcast_in_dim3A_549 : vector<16x1xi32> to vector<16xi32>
        %gather3A_551 = tpu.dynamic_gather %get3A_254[%gather3A_550] in [0] : vector<16xf32>, vector<16xi32> -> vector<16xf32>
        %broadcast_in_dim3A_552 = vector.shape_cast %broadcast_in_dim3A_548 : vector<16xi32> to vector<16x1xi32>
        %gather3A_553 = vector.shape_cast %broadcast_in_dim3A_552 : vector<16x1xi32> to vector<16xi32>
        %gather3A_554 = tpu.dynamic_gather %get3A_257[%gather3A_553] in [0] : vector<16xf32>, vector<16xi32> -> vector<16xf32>
        %broadcast_in_dim3A_555 = vector.shape_cast %broadcast_in_dim3A_548 : vector<16xi32> to vector<16x1xi32>
        %gather3A_556 = vector.shape_cast %broadcast_in_dim3A_555 : vector<16x1xi32> to vector<16xi32>
        %gather3A_557 = tpu.dynamic_gather %get3A_260[%gather3A_556] in [0] : vector<16xf32>, vector<16xi32> -> vector<16xf32>
        %add3A_558 = arith.constant 7 : i32
        %add3A_559 = vector.broadcast %add3A_558 : i32 to vector<16xi32>
        %add3A_560 = arith.addi %broadcast_in_dim3A_261, %add3A_559 : vector<16xi32>
        %sub3A_561 = arith.subf %get3A_108, %gather3A_551 : vector<16xf32>
        %sub3A_562 = arith.subf %get3A_111, %gather3A_554 : vector<16xf32>
        %sub3A_563 = arith.subf %get3A_114, %gather3A_557 : vector<16xf32>
        %mul3A_564 = arith.mulf %sub3A_561, %sub3A_561 : vector<16xf32>
        %mul3A_565 = arith.mulf %sub3A_562, %sub3A_562 : vector<16xf32>
        %add3A_566 = arith.addf %mul3A_564, %mul3A_565 : vector<16xf32>
        %mul3A_567 = arith.mulf %sub3A_563, %sub3A_563 : vector<16xf32>
        %add3A_568 = arith.addf %add3A_566, %mul3A_567 : vector<16xf32>
        %ge3A_569 = arith.cmpi sge, %add3A_560, %gather3A_119 : vector<16xi32>
        %lt3A_570 = arith.cmpi slt, %add3A_560, %gather3A_122 : vector<16xi32>
        %and3A_571 = arith.andi %ge3A_569, %lt3A_570 : vector<16xi1>
        %jit3A_572 = arith.constant 0x7F800000 : f32
        %broadcast_in_dim3A_573 = vector.broadcast %jit3A_572 : f32 to vector<16xf32>
        %select_n3A_574 = arith.select %and3A_571, %add3A_568, %broadcast_in_dim3A_573 : vector<16xi1>, vector<16xf32>
        %lt3A_575 = arith.cmpf olt, %select_n3A_574, %select_n3A_545 : vector<16xf32>
        %lt3A_576 = arith.cmpf olt, %select_n3A_574, %select_n3A_542 : vector<16xf32>
        %lt3A_577 = arith.cmpf olt, %select_n3A_574, %select_n3A_538 : vector<16xf32>
        %select_n3A_578 = arith.select %lt3A_576, %select_n3A_542, %select_n3A_574 : vector<16xi1>, vector<16xf32>
        %select_n3A_579 = arith.select %lt3A_577, %select_n3A_578, %select_n3A_538 : vector<16xi1>, vector<16xf32>
        %select_n3A_580 = arith.select %lt3A_576, %select_n3A_544, %add3A_560 : vector<16xi1>, vector<16xi32>
        %select_n3A_581 = arith.select %lt3A_577, %select_n3A_580, %select_n3A_540 : vector<16xi1>, vector<16xi32>
        %select_n3A_582 = arith.select %lt3A_575, %select_n3A_545, %select_n3A_574 : vector<16xi1>, vector<16xf32>
        %select_n3A_583 = arith.select %lt3A_576, %select_n3A_582, %select_n3A_542 : vector<16xi1>, vector<16xf32>
        %select_n3A_584 = arith.select %lt3A_575, %select_n3A_546, %add3A_560 : vector<16xi1>, vector<16xi32>
        %select_n3A_585 = arith.select %lt3A_576, %select_n3A_584, %select_n3A_544 : vector<16xi1>, vector<16xi32>
        %select_n3A_586 = arith.select %lt3A_575, %select_n3A_574, %select_n3A_545 : vector<16xi1>, vector<16xf32>
        %select_n3A_587 = arith.select %lt3A_575, %add3A_560, %select_n3A_546 : vector<16xi1>, vector<16xi32>
        %broadcast_in_dim3A_588 = arith.constant 8 : i32
        %broadcast_in_dim3A_589 = vector.broadcast %broadcast_in_dim3A_588 : i32 to vector<16xi32>
        %broadcast_in_dim3A_590 = vector.shape_cast %broadcast_in_dim3A_589 : vector<16xi32> to vector<16x1xi32>
        %gather3A_591 = vector.shape_cast %broadcast_in_dim3A_590 : vector<16x1xi32> to vector<16xi32>
        %gather3A_592 = tpu.dynamic_gather %get3A_254[%gather3A_591] in [0] : vector<16xf32>, vector<16xi32> -> vector<16xf32>
        %broadcast_in_dim3A_593 = vector.shape_cast %broadcast_in_dim3A_589 : vector<16xi32> to vector<16x1xi32>
        %gather3A_594 = vector.shape_cast %broadcast_in_dim3A_593 : vector<16x1xi32> to vector<16xi32>
        %gather3A_595 = tpu.dynamic_gather %get3A_257[%gather3A_594] in [0] : vector<16xf32>, vector<16xi32> -> vector<16xf32>
        %broadcast_in_dim3A_596 = vector.shape_cast %broadcast_in_dim3A_589 : vector<16xi32> to vector<16x1xi32>
        %gather3A_597 = vector.shape_cast %broadcast_in_dim3A_596 : vector<16x1xi32> to vector<16xi32>
        %gather3A_598 = tpu.dynamic_gather %get3A_260[%gather3A_597] in [0] : vector<16xf32>, vector<16xi32> -> vector<16xf32>
        %add3A_599 = arith.constant 8 : i32
        %add3A_600 = vector.broadcast %add3A_599 : i32 to vector<16xi32>
        %add3A_601 = arith.addi %broadcast_in_dim3A_261, %add3A_600 : vector<16xi32>
        %sub3A_602 = arith.subf %get3A_108, %gather3A_592 : vector<16xf32>
        %sub3A_603 = arith.subf %get3A_111, %gather3A_595 : vector<16xf32>
        %sub3A_604 = arith.subf %get3A_114, %gather3A_598 : vector<16xf32>
        %mul3A_605 = arith.mulf %sub3A_602, %sub3A_602 : vector<16xf32>
        %mul3A_606 = arith.mulf %sub3A_603, %sub3A_603 : vector<16xf32>
        %add3A_607 = arith.addf %mul3A_605, %mul3A_606 : vector<16xf32>
        %mul3A_608 = arith.mulf %sub3A_604, %sub3A_604 : vector<16xf32>
        %add3A_609 = arith.addf %add3A_607, %mul3A_608 : vector<16xf32>
        %ge3A_610 = arith.cmpi sge, %add3A_601, %gather3A_119 : vector<16xi32>
        %lt3A_611 = arith.cmpi slt, %add3A_601, %gather3A_122 : vector<16xi32>
        %and3A_612 = arith.andi %ge3A_610, %lt3A_611 : vector<16xi1>
        %jit3A_613 = arith.constant 0x7F800000 : f32
        %broadcast_in_dim3A_614 = vector.broadcast %jit3A_613 : f32 to vector<16xf32>
        %select_n3A_615 = arith.select %and3A_612, %add3A_609, %broadcast_in_dim3A_614 : vector<16xi1>, vector<16xf32>
        %lt3A_616 = arith.cmpf olt, %select_n3A_615, %select_n3A_586 : vector<16xf32>
        %lt3A_617 = arith.cmpf olt, %select_n3A_615, %select_n3A_583 : vector<16xf32>
        %lt3A_618 = arith.cmpf olt, %select_n3A_615, %select_n3A_579 : vector<16xf32>
        %select_n3A_619 = arith.select %lt3A_617, %select_n3A_583, %select_n3A_615 : vector<16xi1>, vector<16xf32>
        %select_n3A_620 = arith.select %lt3A_618, %select_n3A_619, %select_n3A_579 : vector<16xi1>, vector<16xf32>
        %select_n3A_621 = arith.select %lt3A_617, %select_n3A_585, %add3A_601 : vector<16xi1>, vector<16xi32>
        %select_n3A_622 = arith.select %lt3A_618, %select_n3A_621, %select_n3A_581 : vector<16xi1>, vector<16xi32>
        %select_n3A_623 = arith.select %lt3A_616, %select_n3A_586, %select_n3A_615 : vector<16xi1>, vector<16xf32>
        %select_n3A_624 = arith.select %lt3A_617, %select_n3A_623, %select_n3A_583 : vector<16xi1>, vector<16xf32>
        %select_n3A_625 = arith.select %lt3A_616, %select_n3A_587, %add3A_601 : vector<16xi1>, vector<16xi32>
        %select_n3A_626 = arith.select %lt3A_617, %select_n3A_625, %select_n3A_585 : vector<16xi1>, vector<16xi32>
        %select_n3A_627 = arith.select %lt3A_616, %select_n3A_615, %select_n3A_586 : vector<16xi1>, vector<16xf32>
        %select_n3A_628 = arith.select %lt3A_616, %add3A_601, %select_n3A_587 : vector<16xi1>, vector<16xi32>
        %broadcast_in_dim3A_629 = arith.constant 9 : i32
        %broadcast_in_dim3A_630 = vector.broadcast %broadcast_in_dim3A_629 : i32 to vector<16xi32>
        %broadcast_in_dim3A_631 = vector.shape_cast %broadcast_in_dim3A_630 : vector<16xi32> to vector<16x1xi32>
        %gather3A_632 = vector.shape_cast %broadcast_in_dim3A_631 : vector<16x1xi32> to vector<16xi32>
        %gather3A_633 = tpu.dynamic_gather %get3A_254[%gather3A_632] in [0] : vector<16xf32>, vector<16xi32> -> vector<16xf32>
        %broadcast_in_dim3A_634 = vector.shape_cast %broadcast_in_dim3A_630 : vector<16xi32> to vector<16x1xi32>
        %gather3A_635 = vector.shape_cast %broadcast_in_dim3A_634 : vector<16x1xi32> to vector<16xi32>
        %gather3A_636 = tpu.dynamic_gather %get3A_257[%gather3A_635] in [0] : vector<16xf32>, vector<16xi32> -> vector<16xf32>
        %broadcast_in_dim3A_637 = vector.shape_cast %broadcast_in_dim3A_630 : vector<16xi32> to vector<16x1xi32>
        %gather3A_638 = vector.shape_cast %broadcast_in_dim3A_637 : vector<16x1xi32> to vector<16xi32>
        %gather3A_639 = tpu.dynamic_gather %get3A_260[%gather3A_638] in [0] : vector<16xf32>, vector<16xi32> -> vector<16xf32>
        %add3A_640 = arith.constant 9 : i32
        %add3A_641 = vector.broadcast %add3A_640 : i32 to vector<16xi32>
        %add3A_642 = arith.addi %broadcast_in_dim3A_261, %add3A_641 : vector<16xi32>
        %sub3A_643 = arith.subf %get3A_108, %gather3A_633 : vector<16xf32>
        %sub3A_644 = arith.subf %get3A_111, %gather3A_636 : vector<16xf32>
        %sub3A_645 = arith.subf %get3A_114, %gather3A_639 : vector<16xf32>
        %mul3A_646 = arith.mulf %sub3A_643, %sub3A_643 : vector<16xf32>
        %mul3A_647 = arith.mulf %sub3A_644, %sub3A_644 : vector<16xf32>
        %add3A_648 = arith.addf %mul3A_646, %mul3A_647 : vector<16xf32>
        %mul3A_649 = arith.mulf %sub3A_645, %sub3A_645 : vector<16xf32>
        %add3A_650 = arith.addf %add3A_648, %mul3A_649 : vector<16xf32>
        %ge3A_651 = arith.cmpi sge, %add3A_642, %gather3A_119 : vector<16xi32>
        %lt3A_652 = arith.cmpi slt, %add3A_642, %gather3A_122 : vector<16xi32>
        %and3A_653 = arith.andi %ge3A_651, %lt3A_652 : vector<16xi1>
        %jit3A_654 = arith.constant 0x7F800000 : f32
        %broadcast_in_dim3A_655 = vector.broadcast %jit3A_654 : f32 to vector<16xf32>
        %select_n3A_656 = arith.select %and3A_653, %add3A_650, %broadcast_in_dim3A_655 : vector<16xi1>, vector<16xf32>
        %lt3A_657 = arith.cmpf olt, %select_n3A_656, %select_n3A_627 : vector<16xf32>
        %lt3A_658 = arith.cmpf olt, %select_n3A_656, %select_n3A_624 : vector<16xf32>
        %lt3A_659 = arith.cmpf olt, %select_n3A_656, %select_n3A_620 : vector<16xf32>
        %select_n3A_660 = arith.select %lt3A_658, %select_n3A_624, %select_n3A_656 : vector<16xi1>, vector<16xf32>
        %select_n3A_661 = arith.select %lt3A_659, %select_n3A_660, %select_n3A_620 : vector<16xi1>, vector<16xf32>
        %select_n3A_662 = arith.select %lt3A_658, %select_n3A_626, %add3A_642 : vector<16xi1>, vector<16xi32>
        %select_n3A_663 = arith.select %lt3A_659, %select_n3A_662, %select_n3A_622 : vector<16xi1>, vector<16xi32>
        %select_n3A_664 = arith.select %lt3A_657, %select_n3A_627, %select_n3A_656 : vector<16xi1>, vector<16xf32>
        %select_n3A_665 = arith.select %lt3A_658, %select_n3A_664, %select_n3A_624 : vector<16xi1>, vector<16xf32>
        %select_n3A_666 = arith.select %lt3A_657, %select_n3A_628, %add3A_642 : vector<16xi1>, vector<16xi32>
        %select_n3A_667 = arith.select %lt3A_658, %select_n3A_666, %select_n3A_626 : vector<16xi1>, vector<16xi32>
        %select_n3A_668 = arith.select %lt3A_657, %select_n3A_656, %select_n3A_627 : vector<16xi1>, vector<16xf32>
        %select_n3A_669 = arith.select %lt3A_657, %add3A_642, %select_n3A_628 : vector<16xi1>, vector<16xi32>
        %broadcast_in_dim3A_670 = arith.constant 10 : i32
        %broadcast_in_dim3A_671 = vector.broadcast %broadcast_in_dim3A_670 : i32 to vector<16xi32>
        %broadcast_in_dim3A_672 = vector.shape_cast %broadcast_in_dim3A_671 : vector<16xi32> to vector<16x1xi32>
        %gather3A_673 = vector.shape_cast %broadcast_in_dim3A_672 : vector<16x1xi32> to vector<16xi32>
        %gather3A_674 = tpu.dynamic_gather %get3A_254[%gather3A_673] in [0] : vector<16xf32>, vector<16xi32> -> vector<16xf32>
        %broadcast_in_dim3A_675 = vector.shape_cast %broadcast_in_dim3A_671 : vector<16xi32> to vector<16x1xi32>
        %gather3A_676 = vector.shape_cast %broadcast_in_dim3A_675 : vector<16x1xi32> to vector<16xi32>
        %gather3A_677 = tpu.dynamic_gather %get3A_257[%gather3A_676] in [0] : vector<16xf32>, vector<16xi32> -> vector<16xf32>
        %broadcast_in_dim3A_678 = vector.shape_cast %broadcast_in_dim3A_671 : vector<16xi32> to vector<16x1xi32>
        %gather3A_679 = vector.shape_cast %broadcast_in_dim3A_678 : vector<16x1xi32> to vector<16xi32>
        %gather3A_680 = tpu.dynamic_gather %get3A_260[%gather3A_679] in [0] : vector<16xf32>, vector<16xi32> -> vector<16xf32>
        %add3A_681 = arith.constant 10 : i32
        %add3A_682 = vector.broadcast %add3A_681 : i32 to vector<16xi32>
        %add3A_683 = arith.addi %broadcast_in_dim3A_261, %add3A_682 : vector<16xi32>
        %sub3A_684 = arith.subf %get3A_108, %gather3A_674 : vector<16xf32>
        %sub3A_685 = arith.subf %get3A_111, %gather3A_677 : vector<16xf32>
        %sub3A_686 = arith.subf %get3A_114, %gather3A_680 : vector<16xf32>
        %mul3A_687 = arith.mulf %sub3A_684, %sub3A_684 : vector<16xf32>
        %mul3A_688 = arith.mulf %sub3A_685, %sub3A_685 : vector<16xf32>
        %add3A_689 = arith.addf %mul3A_687, %mul3A_688 : vector<16xf32>
        %mul3A_690 = arith.mulf %sub3A_686, %sub3A_686 : vector<16xf32>
        %add3A_691 = arith.addf %add3A_689, %mul3A_690 : vector<16xf32>
        %ge3A_692 = arith.cmpi sge, %add3A_683, %gather3A_119 : vector<16xi32>
        %lt3A_693 = arith.cmpi slt, %add3A_683, %gather3A_122 : vector<16xi32>
        %and3A_694 = arith.andi %ge3A_692, %lt3A_693 : vector<16xi1>
        %jit3A_695 = arith.constant 0x7F800000 : f32
        %broadcast_in_dim3A_696 = vector.broadcast %jit3A_695 : f32 to vector<16xf32>
        %select_n3A_697 = arith.select %and3A_694, %add3A_691, %broadcast_in_dim3A_696 : vector<16xi1>, vector<16xf32>
        %lt3A_698 = arith.cmpf olt, %select_n3A_697, %select_n3A_668 : vector<16xf32>
        %lt3A_699 = arith.cmpf olt, %select_n3A_697, %select_n3A_665 : vector<16xf32>
        %lt3A_700 = arith.cmpf olt, %select_n3A_697, %select_n3A_661 : vector<16xf32>
        %select_n3A_701 = arith.select %lt3A_699, %select_n3A_665, %select_n3A_697 : vector<16xi1>, vector<16xf32>
        %select_n3A_702 = arith.select %lt3A_700, %select_n3A_701, %select_n3A_661 : vector<16xi1>, vector<16xf32>
        %select_n3A_703 = arith.select %lt3A_699, %select_n3A_667, %add3A_683 : vector<16xi1>, vector<16xi32>
        %select_n3A_704 = arith.select %lt3A_700, %select_n3A_703, %select_n3A_663 : vector<16xi1>, vector<16xi32>
        %select_n3A_705 = arith.select %lt3A_698, %select_n3A_668, %select_n3A_697 : vector<16xi1>, vector<16xf32>
        %select_n3A_706 = arith.select %lt3A_699, %select_n3A_705, %select_n3A_665 : vector<16xi1>, vector<16xf32>
        %select_n3A_707 = arith.select %lt3A_698, %select_n3A_669, %add3A_683 : vector<16xi1>, vector<16xi32>
        %select_n3A_708 = arith.select %lt3A_699, %select_n3A_707, %select_n3A_667 : vector<16xi1>, vector<16xi32>
        %select_n3A_709 = arith.select %lt3A_698, %select_n3A_697, %select_n3A_668 : vector<16xi1>, vector<16xf32>
        %select_n3A_710 = arith.select %lt3A_698, %add3A_683, %select_n3A_669 : vector<16xi1>, vector<16xi32>
        %broadcast_in_dim3A_711 = arith.constant 11 : i32
        %broadcast_in_dim3A_712 = vector.broadcast %broadcast_in_dim3A_711 : i32 to vector<16xi32>
        %broadcast_in_dim3A_713 = vector.shape_cast %broadcast_in_dim3A_712 : vector<16xi32> to vector<16x1xi32>
        %gather3A_714 = vector.shape_cast %broadcast_in_dim3A_713 : vector<16x1xi32> to vector<16xi32>
        %gather3A_715 = tpu.dynamic_gather %get3A_254[%gather3A_714] in [0] : vector<16xf32>, vector<16xi32> -> vector<16xf32>
        %broadcast_in_dim3A_716 = vector.shape_cast %broadcast_in_dim3A_712 : vector<16xi32> to vector<16x1xi32>
        %gather3A_717 = vector.shape_cast %broadcast_in_dim3A_716 : vector<16x1xi32> to vector<16xi32>
        %gather3A_718 = tpu.dynamic_gather %get3A_257[%gather3A_717] in [0] : vector<16xf32>, vector<16xi32> -> vector<16xf32>
        %broadcast_in_dim3A_719 = vector.shape_cast %broadcast_in_dim3A_712 : vector<16xi32> to vector<16x1xi32>
        %gather3A_720 = vector.shape_cast %broadcast_in_dim3A_719 : vector<16x1xi32> to vector<16xi32>
        %gather3A_721 = tpu.dynamic_gather %get3A_260[%gather3A_720] in [0] : vector<16xf32>, vector<16xi32> -> vector<16xf32>
        %add3A_722 = arith.constant 11 : i32
        %add3A_723 = vector.broadcast %add3A_722 : i32 to vector<16xi32>
        %add3A_724 = arith.addi %broadcast_in_dim3A_261, %add3A_723 : vector<16xi32>
        %sub3A_725 = arith.subf %get3A_108, %gather3A_715 : vector<16xf32>
        %sub3A_726 = arith.subf %get3A_111, %gather3A_718 : vector<16xf32>
        %sub3A_727 = arith.subf %get3A_114, %gather3A_721 : vector<16xf32>
        %mul3A_728 = arith.mulf %sub3A_725, %sub3A_725 : vector<16xf32>
        %mul3A_729 = arith.mulf %sub3A_726, %sub3A_726 : vector<16xf32>
        %add3A_730 = arith.addf %mul3A_728, %mul3A_729 : vector<16xf32>
        %mul3A_731 = arith.mulf %sub3A_727, %sub3A_727 : vector<16xf32>
        %add3A_732 = arith.addf %add3A_730, %mul3A_731 : vector<16xf32>
        %ge3A_733 = arith.cmpi sge, %add3A_724, %gather3A_119 : vector<16xi32>
        %lt3A_734 = arith.cmpi slt, %add3A_724, %gather3A_122 : vector<16xi32>
        %and3A_735 = arith.andi %ge3A_733, %lt3A_734 : vector<16xi1>
        %jit3A_736 = arith.constant 0x7F800000 : f32
        %broadcast_in_dim3A_737 = vector.broadcast %jit3A_736 : f32 to vector<16xf32>
        %select_n3A_738 = arith.select %and3A_735, %add3A_732, %broadcast_in_dim3A_737 : vector<16xi1>, vector<16xf32>
        %lt3A_739 = arith.cmpf olt, %select_n3A_738, %select_n3A_709 : vector<16xf32>
        %lt3A_740 = arith.cmpf olt, %select_n3A_738, %select_n3A_706 : vector<16xf32>
        %lt3A_741 = arith.cmpf olt, %select_n3A_738, %select_n3A_702 : vector<16xf32>
        %select_n3A_742 = arith.select %lt3A_740, %select_n3A_706, %select_n3A_738 : vector<16xi1>, vector<16xf32>
        %select_n3A_743 = arith.select %lt3A_741, %select_n3A_742, %select_n3A_702 : vector<16xi1>, vector<16xf32>
        %select_n3A_744 = arith.select %lt3A_740, %select_n3A_708, %add3A_724 : vector<16xi1>, vector<16xi32>
        %select_n3A_745 = arith.select %lt3A_741, %select_n3A_744, %select_n3A_704 : vector<16xi1>, vector<16xi32>
        %select_n3A_746 = arith.select %lt3A_739, %select_n3A_709, %select_n3A_738 : vector<16xi1>, vector<16xf32>
        %select_n3A_747 = arith.select %lt3A_740, %select_n3A_746, %select_n3A_706 : vector<16xi1>, vector<16xf32>
        %select_n3A_748 = arith.select %lt3A_739, %select_n3A_710, %add3A_724 : vector<16xi1>, vector<16xi32>
        %select_n3A_749 = arith.select %lt3A_740, %select_n3A_748, %select_n3A_708 : vector<16xi1>, vector<16xi32>
        %select_n3A_750 = arith.select %lt3A_739, %select_n3A_738, %select_n3A_709 : vector<16xi1>, vector<16xf32>
        %select_n3A_751 = arith.select %lt3A_739, %add3A_724, %select_n3A_710 : vector<16xi1>, vector<16xi32>
        %broadcast_in_dim3A_752 = arith.constant 12 : i32
        %broadcast_in_dim3A_753 = vector.broadcast %broadcast_in_dim3A_752 : i32 to vector<16xi32>
        %broadcast_in_dim3A_754 = vector.shape_cast %broadcast_in_dim3A_753 : vector<16xi32> to vector<16x1xi32>
        %gather3A_755 = vector.shape_cast %broadcast_in_dim3A_754 : vector<16x1xi32> to vector<16xi32>
        %gather3A_756 = tpu.dynamic_gather %get3A_254[%gather3A_755] in [0] : vector<16xf32>, vector<16xi32> -> vector<16xf32>
        %broadcast_in_dim3A_757 = vector.shape_cast %broadcast_in_dim3A_753 : vector<16xi32> to vector<16x1xi32>
        %gather3A_758 = vector.shape_cast %broadcast_in_dim3A_757 : vector<16x1xi32> to vector<16xi32>
        %gather3A_759 = tpu.dynamic_gather %get3A_257[%gather3A_758] in [0] : vector<16xf32>, vector<16xi32> -> vector<16xf32>
        %broadcast_in_dim3A_760 = vector.shape_cast %broadcast_in_dim3A_753 : vector<16xi32> to vector<16x1xi32>
        %gather3A_761 = vector.shape_cast %broadcast_in_dim3A_760 : vector<16x1xi32> to vector<16xi32>
        %gather3A_762 = tpu.dynamic_gather %get3A_260[%gather3A_761] in [0] : vector<16xf32>, vector<16xi32> -> vector<16xf32>
        %add3A_763 = arith.constant 12 : i32
        %add3A_764 = vector.broadcast %add3A_763 : i32 to vector<16xi32>
        %add3A_765 = arith.addi %broadcast_in_dim3A_261, %add3A_764 : vector<16xi32>
        %sub3A_766 = arith.subf %get3A_108, %gather3A_756 : vector<16xf32>
        %sub3A_767 = arith.subf %get3A_111, %gather3A_759 : vector<16xf32>
        %sub3A_768 = arith.subf %get3A_114, %gather3A_762 : vector<16xf32>
        %mul3A_769 = arith.mulf %sub3A_766, %sub3A_766 : vector<16xf32>
        %mul3A_770 = arith.mulf %sub3A_767, %sub3A_767 : vector<16xf32>
        %add3A_771 = arith.addf %mul3A_769, %mul3A_770 : vector<16xf32>
        %mul3A_772 = arith.mulf %sub3A_768, %sub3A_768 : vector<16xf32>
        %add3A_773 = arith.addf %add3A_771, %mul3A_772 : vector<16xf32>
        %ge3A_774 = arith.cmpi sge, %add3A_765, %gather3A_119 : vector<16xi32>
        %lt3A_775 = arith.cmpi slt, %add3A_765, %gather3A_122 : vector<16xi32>
        %and3A_776 = arith.andi %ge3A_774, %lt3A_775 : vector<16xi1>
        %jit3A_777 = arith.constant 0x7F800000 : f32
        %broadcast_in_dim3A_778 = vector.broadcast %jit3A_777 : f32 to vector<16xf32>
        %select_n3A_779 = arith.select %and3A_776, %add3A_773, %broadcast_in_dim3A_778 : vector<16xi1>, vector<16xf32>
        %lt3A_780 = arith.cmpf olt, %select_n3A_779, %select_n3A_750 : vector<16xf32>
        %lt3A_781 = arith.cmpf olt, %select_n3A_779, %select_n3A_747 : vector<16xf32>
        %lt3A_782 = arith.cmpf olt, %select_n3A_779, %select_n3A_743 : vector<16xf32>
        %select_n3A_783 = arith.select %lt3A_781, %select_n3A_747, %select_n3A_779 : vector<16xi1>, vector<16xf32>
        %select_n3A_784 = arith.select %lt3A_782, %select_n3A_783, %select_n3A_743 : vector<16xi1>, vector<16xf32>
        %select_n3A_785 = arith.select %lt3A_781, %select_n3A_749, %add3A_765 : vector<16xi1>, vector<16xi32>
        %select_n3A_786 = arith.select %lt3A_782, %select_n3A_785, %select_n3A_745 : vector<16xi1>, vector<16xi32>
        %select_n3A_787 = arith.select %lt3A_780, %select_n3A_750, %select_n3A_779 : vector<16xi1>, vector<16xf32>
        %select_n3A_788 = arith.select %lt3A_781, %select_n3A_787, %select_n3A_747 : vector<16xi1>, vector<16xf32>
        %select_n3A_789 = arith.select %lt3A_780, %select_n3A_751, %add3A_765 : vector<16xi1>, vector<16xi32>
        %select_n3A_790 = arith.select %lt3A_781, %select_n3A_789, %select_n3A_749 : vector<16xi1>, vector<16xi32>
        %select_n3A_791 = arith.select %lt3A_780, %select_n3A_779, %select_n3A_750 : vector<16xi1>, vector<16xf32>
        %select_n3A_792 = arith.select %lt3A_780, %add3A_765, %select_n3A_751 : vector<16xi1>, vector<16xi32>
        %broadcast_in_dim3A_793 = arith.constant 13 : i32
        %broadcast_in_dim3A_794 = vector.broadcast %broadcast_in_dim3A_793 : i32 to vector<16xi32>
        %broadcast_in_dim3A_795 = vector.shape_cast %broadcast_in_dim3A_794 : vector<16xi32> to vector<16x1xi32>
        %gather3A_796 = vector.shape_cast %broadcast_in_dim3A_795 : vector<16x1xi32> to vector<16xi32>
        %gather3A_797 = tpu.dynamic_gather %get3A_254[%gather3A_796] in [0] : vector<16xf32>, vector<16xi32> -> vector<16xf32>
        %broadcast_in_dim3A_798 = vector.shape_cast %broadcast_in_dim3A_794 : vector<16xi32> to vector<16x1xi32>
        %gather3A_799 = vector.shape_cast %broadcast_in_dim3A_798 : vector<16x1xi32> to vector<16xi32>
        %gather3A_800 = tpu.dynamic_gather %get3A_257[%gather3A_799] in [0] : vector<16xf32>, vector<16xi32> -> vector<16xf32>
        %broadcast_in_dim3A_801 = vector.shape_cast %broadcast_in_dim3A_794 : vector<16xi32> to vector<16x1xi32>
        %gather3A_802 = vector.shape_cast %broadcast_in_dim3A_801 : vector<16x1xi32> to vector<16xi32>
        %gather3A_803 = tpu.dynamic_gather %get3A_260[%gather3A_802] in [0] : vector<16xf32>, vector<16xi32> -> vector<16xf32>
        %add3A_804 = arith.constant 13 : i32
        %add3A_805 = vector.broadcast %add3A_804 : i32 to vector<16xi32>
        %add3A_806 = arith.addi %broadcast_in_dim3A_261, %add3A_805 : vector<16xi32>
        %sub3A_807 = arith.subf %get3A_108, %gather3A_797 : vector<16xf32>
        %sub3A_808 = arith.subf %get3A_111, %gather3A_800 : vector<16xf32>
        %sub3A_809 = arith.subf %get3A_114, %gather3A_803 : vector<16xf32>
        %mul3A_810 = arith.mulf %sub3A_807, %sub3A_807 : vector<16xf32>
        %mul3A_811 = arith.mulf %sub3A_808, %sub3A_808 : vector<16xf32>
        %add3A_812 = arith.addf %mul3A_810, %mul3A_811 : vector<16xf32>
        %mul3A_813 = arith.mulf %sub3A_809, %sub3A_809 : vector<16xf32>
        %add3A_814 = arith.addf %add3A_812, %mul3A_813 : vector<16xf32>
        %ge3A_815 = arith.cmpi sge, %add3A_806, %gather3A_119 : vector<16xi32>
        %lt3A_816 = arith.cmpi slt, %add3A_806, %gather3A_122 : vector<16xi32>
        %and3A_817 = arith.andi %ge3A_815, %lt3A_816 : vector<16xi1>
        %jit3A_818 = arith.constant 0x7F800000 : f32
        %broadcast_in_dim3A_819 = vector.broadcast %jit3A_818 : f32 to vector<16xf32>
        %select_n3A_820 = arith.select %and3A_817, %add3A_814, %broadcast_in_dim3A_819 : vector<16xi1>, vector<16xf32>
        %lt3A_821 = arith.cmpf olt, %select_n3A_820, %select_n3A_791 : vector<16xf32>
        %lt3A_822 = arith.cmpf olt, %select_n3A_820, %select_n3A_788 : vector<16xf32>
        %lt3A_823 = arith.cmpf olt, %select_n3A_820, %select_n3A_784 : vector<16xf32>
        %select_n3A_824 = arith.select %lt3A_822, %select_n3A_788, %select_n3A_820 : vector<16xi1>, vector<16xf32>
        %select_n3A_825 = arith.select %lt3A_823, %select_n3A_824, %select_n3A_784 : vector<16xi1>, vector<16xf32>
        %select_n3A_826 = arith.select %lt3A_822, %select_n3A_790, %add3A_806 : vector<16xi1>, vector<16xi32>
        %select_n3A_827 = arith.select %lt3A_823, %select_n3A_826, %select_n3A_786 : vector<16xi1>, vector<16xi32>
        %select_n3A_828 = arith.select %lt3A_821, %select_n3A_791, %select_n3A_820 : vector<16xi1>, vector<16xf32>
        %select_n3A_829 = arith.select %lt3A_822, %select_n3A_828, %select_n3A_788 : vector<16xi1>, vector<16xf32>
        %select_n3A_830 = arith.select %lt3A_821, %select_n3A_792, %add3A_806 : vector<16xi1>, vector<16xi32>
        %select_n3A_831 = arith.select %lt3A_822, %select_n3A_830, %select_n3A_790 : vector<16xi1>, vector<16xi32>
        %select_n3A_832 = arith.select %lt3A_821, %select_n3A_820, %select_n3A_791 : vector<16xi1>, vector<16xf32>
        %select_n3A_833 = arith.select %lt3A_821, %add3A_806, %select_n3A_792 : vector<16xi1>, vector<16xi32>
        %broadcast_in_dim3A_834 = arith.constant 14 : i32
        %broadcast_in_dim3A_835 = vector.broadcast %broadcast_in_dim3A_834 : i32 to vector<16xi32>
        %broadcast_in_dim3A_836 = vector.shape_cast %broadcast_in_dim3A_835 : vector<16xi32> to vector<16x1xi32>
        %gather3A_837 = vector.shape_cast %broadcast_in_dim3A_836 : vector<16x1xi32> to vector<16xi32>
        %gather3A_838 = tpu.dynamic_gather %get3A_254[%gather3A_837] in [0] : vector<16xf32>, vector<16xi32> -> vector<16xf32>
        %broadcast_in_dim3A_839 = vector.shape_cast %broadcast_in_dim3A_835 : vector<16xi32> to vector<16x1xi32>
        %gather3A_840 = vector.shape_cast %broadcast_in_dim3A_839 : vector<16x1xi32> to vector<16xi32>
        %gather3A_841 = tpu.dynamic_gather %get3A_257[%gather3A_840] in [0] : vector<16xf32>, vector<16xi32> -> vector<16xf32>
        %broadcast_in_dim3A_842 = vector.shape_cast %broadcast_in_dim3A_835 : vector<16xi32> to vector<16x1xi32>
        %gather3A_843 = vector.shape_cast %broadcast_in_dim3A_842 : vector<16x1xi32> to vector<16xi32>
        %gather3A_844 = tpu.dynamic_gather %get3A_260[%gather3A_843] in [0] : vector<16xf32>, vector<16xi32> -> vector<16xf32>
        %add3A_845 = arith.constant 14 : i32
        %add3A_846 = vector.broadcast %add3A_845 : i32 to vector<16xi32>
        %add3A_847 = arith.addi %broadcast_in_dim3A_261, %add3A_846 : vector<16xi32>
        %sub3A_848 = arith.subf %get3A_108, %gather3A_838 : vector<16xf32>
        %sub3A_849 = arith.subf %get3A_111, %gather3A_841 : vector<16xf32>
        %sub3A_850 = arith.subf %get3A_114, %gather3A_844 : vector<16xf32>
        %mul3A_851 = arith.mulf %sub3A_848, %sub3A_848 : vector<16xf32>
        %mul3A_852 = arith.mulf %sub3A_849, %sub3A_849 : vector<16xf32>
        %add3A_853 = arith.addf %mul3A_851, %mul3A_852 : vector<16xf32>
        %mul3A_854 = arith.mulf %sub3A_850, %sub3A_850 : vector<16xf32>
        %add3A_855 = arith.addf %add3A_853, %mul3A_854 : vector<16xf32>
        %ge3A_856 = arith.cmpi sge, %add3A_847, %gather3A_119 : vector<16xi32>
        %lt3A_857 = arith.cmpi slt, %add3A_847, %gather3A_122 : vector<16xi32>
        %and3A_858 = arith.andi %ge3A_856, %lt3A_857 : vector<16xi1>
        %jit3A_859 = arith.constant 0x7F800000 : f32
        %broadcast_in_dim3A_860 = vector.broadcast %jit3A_859 : f32 to vector<16xf32>
        %select_n3A_861 = arith.select %and3A_858, %add3A_855, %broadcast_in_dim3A_860 : vector<16xi1>, vector<16xf32>
        %lt3A_862 = arith.cmpf olt, %select_n3A_861, %select_n3A_832 : vector<16xf32>
        %lt3A_863 = arith.cmpf olt, %select_n3A_861, %select_n3A_829 : vector<16xf32>
        %lt3A_864 = arith.cmpf olt, %select_n3A_861, %select_n3A_825 : vector<16xf32>
        %select_n3A_865 = arith.select %lt3A_863, %select_n3A_829, %select_n3A_861 : vector<16xi1>, vector<16xf32>
        %select_n3A_866 = arith.select %lt3A_864, %select_n3A_865, %select_n3A_825 : vector<16xi1>, vector<16xf32>
        %select_n3A_867 = arith.select %lt3A_863, %select_n3A_831, %add3A_847 : vector<16xi1>, vector<16xi32>
        %select_n3A_868 = arith.select %lt3A_864, %select_n3A_867, %select_n3A_827 : vector<16xi1>, vector<16xi32>
        %select_n3A_869 = arith.select %lt3A_862, %select_n3A_832, %select_n3A_861 : vector<16xi1>, vector<16xf32>
        %select_n3A_870 = arith.select %lt3A_863, %select_n3A_869, %select_n3A_829 : vector<16xi1>, vector<16xf32>
        %select_n3A_871 = arith.select %lt3A_862, %select_n3A_833, %add3A_847 : vector<16xi1>, vector<16xi32>
        %select_n3A_872 = arith.select %lt3A_863, %select_n3A_871, %select_n3A_831 : vector<16xi1>, vector<16xi32>
        %select_n3A_873 = arith.select %lt3A_862, %select_n3A_861, %select_n3A_832 : vector<16xi1>, vector<16xf32>
        %select_n3A_874 = arith.select %lt3A_862, %add3A_847, %select_n3A_833 : vector<16xi1>, vector<16xi32>
        %broadcast_in_dim3A_875 = arith.constant 15 : i32
        %broadcast_in_dim3A_876 = vector.broadcast %broadcast_in_dim3A_875 : i32 to vector<16xi32>
        %broadcast_in_dim3A_877 = vector.shape_cast %broadcast_in_dim3A_876 : vector<16xi32> to vector<16x1xi32>
        %gather3A_878 = vector.shape_cast %broadcast_in_dim3A_877 : vector<16x1xi32> to vector<16xi32>
        %gather3A_879 = tpu.dynamic_gather %get3A_254[%gather3A_878] in [0] : vector<16xf32>, vector<16xi32> -> vector<16xf32>
        %broadcast_in_dim3A_880 = vector.shape_cast %broadcast_in_dim3A_876 : vector<16xi32> to vector<16x1xi32>
        %gather3A_881 = vector.shape_cast %broadcast_in_dim3A_880 : vector<16x1xi32> to vector<16xi32>
        %gather3A_882 = tpu.dynamic_gather %get3A_257[%gather3A_881] in [0] : vector<16xf32>, vector<16xi32> -> vector<16xf32>
        %broadcast_in_dim3A_883 = vector.shape_cast %broadcast_in_dim3A_876 : vector<16xi32> to vector<16x1xi32>
        %gather3A_884 = vector.shape_cast %broadcast_in_dim3A_883 : vector<16x1xi32> to vector<16xi32>
        %gather3A_885 = tpu.dynamic_gather %get3A_260[%gather3A_884] in [0] : vector<16xf32>, vector<16xi32> -> vector<16xf32>
        %add3A_886 = arith.constant 15 : i32
        %add3A_887 = vector.broadcast %add3A_886 : i32 to vector<16xi32>
        %add3A_888 = arith.addi %broadcast_in_dim3A_261, %add3A_887 : vector<16xi32>
        %sub3A_889 = arith.subf %get3A_108, %gather3A_879 : vector<16xf32>
        %sub3A_890 = arith.subf %get3A_111, %gather3A_882 : vector<16xf32>
        %sub3A_891 = arith.subf %get3A_114, %gather3A_885 : vector<16xf32>
        %mul3A_892 = arith.mulf %sub3A_889, %sub3A_889 : vector<16xf32>
        %mul3A_893 = arith.mulf %sub3A_890, %sub3A_890 : vector<16xf32>
        %add3A_894 = arith.addf %mul3A_892, %mul3A_893 : vector<16xf32>
        %mul3A_895 = arith.mulf %sub3A_891, %sub3A_891 : vector<16xf32>
        %add3A_896 = arith.addf %add3A_894, %mul3A_895 : vector<16xf32>
        %ge3A_897 = arith.cmpi sge, %add3A_888, %gather3A_119 : vector<16xi32>
        %lt3A_898 = arith.cmpi slt, %add3A_888, %gather3A_122 : vector<16xi32>
        %and3A_899 = arith.andi %ge3A_897, %lt3A_898 : vector<16xi1>
        %jit3A_900 = arith.constant 0x7F800000 : f32
        %broadcast_in_dim3A_901 = vector.broadcast %jit3A_900 : f32 to vector<16xf32>
        %select_n3A_902 = arith.select %and3A_899, %add3A_896, %broadcast_in_dim3A_901 : vector<16xi1>, vector<16xf32>
        %lt3A_903 = arith.cmpf olt, %select_n3A_902, %select_n3A_873 : vector<16xf32>
        %lt3A_904 = arith.cmpf olt, %select_n3A_902, %select_n3A_870 : vector<16xf32>
        %lt3A_905 = arith.cmpf olt, %select_n3A_902, %select_n3A_866 : vector<16xf32>
        %select_n3A_906 = arith.select %lt3A_904, %select_n3A_870, %select_n3A_902 : vector<16xi1>, vector<16xf32>
        %select_n3A_907 = arith.select %lt3A_905, %select_n3A_906, %select_n3A_866 : vector<16xi1>, vector<16xf32>
        %select_n3A_908 = arith.select %lt3A_904, %select_n3A_872, %add3A_888 : vector<16xi1>, vector<16xi32>
        %select_n3A_909 = arith.select %lt3A_905, %select_n3A_908, %select_n3A_868 : vector<16xi1>, vector<16xi32>
        %select_n3A_910 = arith.select %lt3A_903, %select_n3A_873, %select_n3A_902 : vector<16xi1>, vector<16xf32>
        %select_n3A_911 = arith.select %lt3A_904, %select_n3A_910, %select_n3A_870 : vector<16xi1>, vector<16xf32>
        %select_n3A_912 = arith.select %lt3A_903, %select_n3A_874, %add3A_888 : vector<16xi1>, vector<16xi32>
        %select_n3A_913 = arith.select %lt3A_904, %select_n3A_912, %select_n3A_872 : vector<16xi1>, vector<16xi32>
        %select_n3A_914 = arith.select %lt3A_903, %select_n3A_902, %select_n3A_873 : vector<16xi1>, vector<16xf32>
        %select_n3A_915 = arith.select %lt3A_903, %add3A_888, %select_n3A_874 : vector<16xi1>, vector<16xi32>
        scf.yield %select_n3A_914, %select_n3A_911, %select_n3A_907, %select_n3A_915, %select_n3A_913, %select_n3A_909 : vector<16xf32>, vector<16xf32>, vector<16xf32>, vector<16xi32>, vector<16xi32>, vector<16xi32>
      }
      %max3A = arith.constant 1.000000e-16 : f32
      %max3A_193 = vector.broadcast %max3A : f32 to vector<16xf32>
      %max3A_194 = arith.maximumf %while3A_192#0, %max3A_193 : vector<16xf32>
      %div3A_195 = arith.constant 1.000000e+00 : f32
      %div3A_196 = vector.broadcast %div3A_195 : f32 to vector<16xf32>
      %div3A_197 = arith.divf %div3A_196, %max3A_194 : vector<16xf32>
      %max3A_198 = arith.constant 1.000000e-16 : f32
      %max3A_199 = vector.broadcast %max3A_198 : f32 to vector<16xf32>
      %max3A_200 = arith.maximumf %while3A_192#1, %max3A_199 : vector<16xf32>
      %div3A_201 = arith.constant 1.000000e+00 : f32
      %div3A_202 = vector.broadcast %div3A_201 : f32 to vector<16xf32>
      %div3A_203 = arith.divf %div3A_202, %max3A_200 : vector<16xf32>
      %max3A_204 = arith.constant 1.000000e-16 : f32
      %max3A_205 = vector.broadcast %max3A_204 : f32 to vector<16xf32>
      %max3A_206 = arith.maximumf %while3A_192#2, %max3A_205 : vector<16xf32>
      %div3A_207 = arith.constant 1.000000e+00 : f32
      %div3A_208 = vector.broadcast %div3A_207 : f32 to vector<16xf32>
      %div3A_209 = arith.divf %div3A_208, %max3A_206 : vector<16xf32>
      %add3A_210 = arith.addf %div3A_197, %div3A_203 : vector<16xf32>
      %add3A_211 = arith.addf %add3A_210, %div3A_209 : vector<16xf32>
      %div3A_212 = arith.constant 1.000000e+00 : f32
      %div3A_213 = vector.broadcast %div3A_212 : f32 to vector<16xf32>
      %div3A_214 = arith.divf %div3A_213, %add3A_211 : vector<16xf32>
      %mul3A_215 = arith.mulf %div3A_197, %div3A_214 : vector<16xf32>
      %swap3A = arith.index_cast %mul3A_105 : i32 to index
      %swap3A_216 = tpu.vector_load %arg26[%swap3A] {strides = array<i32>} : memref<272xf32, #tpu.memory_space<vmem>>, vector<16xf32>,
      %swap3A_217 = vector.shape_cast %swap3A_216 : vector<16xf32> to vector<16xf32>
      %swap3A_218 = vector.shape_cast %mul3A_215 : vector<16xf32> to vector<16xf32>
      tpu.vector_store %arg26[%swap3A], %swap3A_218 {strides = array<i32>} : memref<272xf32, #tpu.memory_space<vmem>>, vector<16xf32>,
      %mul3A_219 = arith.mulf %div3A_203, %div3A_214 : vector<16xf32>
      %swap3A_220 = arith.index_cast %mul3A_105 : i32 to index
      %swap3A_221 = tpu.vector_load %arg27[%swap3A_220] {strides = array<i32>} : memref<272xf32, #tpu.memory_space<vmem>>, vector<16xf32>,
      %swap3A_222 = vector.shape_cast %swap3A_221 : vector<16xf32> to vector<16xf32>
      %swap3A_223 = vector.shape_cast %mul3A_219 : vector<16xf32> to vector<16xf32>
      tpu.vector_store %arg27[%swap3A_220], %swap3A_223 {strides = array<i32>} : memref<272xf32, #tpu.memory_space<vmem>>, vector<16xf32>,
      %mul3A_224 = arith.mulf %div3A_209, %div3A_214 : vector<16xf32>
      %swap3A_225 = arith.index_cast %mul3A_105 : i32 to index
      %swap3A_226 = tpu.vector_load %arg28[%swap3A_225] {strides = array<i32>} : memref<272xf32, #tpu.memory_space<vmem>>, vector<16xf32>,
      %swap3A_227 = vector.shape_cast %swap3A_226 : vector<16xf32> to vector<16xf32>
      %swap3A_228 = vector.shape_cast %mul3A_224 : vector<16xf32> to vector<16xf32>
      tpu.vector_store %arg28[%swap3A_225], %swap3A_228 {strides = array<i32>} : memref<272xf32, #tpu.memory_space<vmem>>, vector<16xf32>,
      %swap3A_229 = arith.index_cast %mul3A_105 : i32 to index
      %swap3A_230 = tpu.vector_load %arg29[%swap3A_229] {strides = array<i32>} : memref<256xi32, #tpu.memory_space<vmem>>, vector<16xi32>,
      %swap3A_231 = vector.shape_cast %swap3A_230 : vector<16xi32> to vector<16xi32>
      %swap3A_232 = vector.shape_cast %while3A_192#3 : vector<16xi32> to vector<16xi32>
      tpu.vector_store %arg29[%swap3A_229], %swap3A_232 {strides = array<i32>} : memref<256xi32, #tpu.memory_space<vmem>>, vector<16xi32>,
      %swap3A_233 = arith.index_cast %mul3A_105 : i32 to index
      %swap3A_234 = tpu.vector_load %arg30[%swap3A_233] {strides = array<i32>} : memref<256xi32, #tpu.memory_space<vmem>>, vector<16xi32>,
      %swap3A_235 = vector.shape_cast %swap3A_234 : vector<16xi32> to vector<16xi32>
      %swap3A_236 = vector.shape_cast %while3A_192#4 : vector<16xi32> to vector<16xi32>
      tpu.vector_store %arg30[%swap3A_233], %swap3A_236 {strides = array<i32>} : memref<256xi32, #tpu.memory_space<vmem>>, vector<16xi32>,
      %swap3A_237 = arith.index_cast %mul3A_105 : i32 to index
      %swap3A_238 = tpu.vector_load %arg31[%swap3A_237] {strides = array<i32>} : memref<256xi32, #tpu.memory_space<vmem>>, vector<16xi32>,
      %swap3A_239 = vector.shape_cast %swap3A_238 : vector<16xi32> to vector<16xi32>
      %swap3A_240 = vector.shape_cast %while3A_192#5 : vector<16xi32> to vector<16xi32>
      tpu.vector_store %arg31[%swap3A_237], %swap3A_240 {strides = array<i32>} : memref<256xi32, #tpu.memory_space<vmem>>, vector<16xi32>,
    }
    %scan3A_20 = arith.constant 16 : i32
    %broadcast_in_dim3A_21 = arith.constant 0 : i32
    %broadcast_in_dim3A_22 = vector.broadcast %broadcast_in_dim3A_21 : i32 to vector<16xi32>
    %dma_start3A = arith.constant 0 : i32
    %dma_start3A_23 = tpu.memref_slice %arg29[%dma_start3A] : memref<256xi32, #tpu.memory_space<vmem>> -> memref<128xi32, #tpu.memory_space<vmem>>
    %dma_start3A_24 = arith.constant 0 : i32
    %dma_start3A_25 = arith.constant 0 : i32
    %dma_start3A_26 = tpu.memref_slice %arg13[%dma_start3A_24, %dma_start3A_25] : memref<4096x128xf32, #tpu.memory_space<hbm>> -> memref<4096x128xf32, #tpu.memory_space<hbm>>
    tpu.enqueue_indirect_dma source(%dma_start3A_26 : memref<4096x128xf32, #tpu.memory_space<hbm>>) target(%arg32 : memref<128x128xf32, #tpu.memory_space<vmem>>) offsets(%dma_start3A_23 : memref<128xi32, #tpu.memory_space<vmem>>) semaphore(%arg36 : memref<!tpu.dma_semaphore, #tpu.memory_space<semaphore_mem>>)
    %dma_start3A_27 = arith.constant 0 : i32
    %dma_start3A_28 = tpu.memref_slice %arg30[%dma_start3A_27] : memref<256xi32, #tpu.memory_space<vmem>> -> memref<128xi32, #tpu.memory_space<vmem>>
    %dma_start3A_29 = arith.constant 0 : i32
    %dma_start3A_30 = arith.constant 0 : i32
    %dma_start3A_31 = tpu.memref_slice %arg13[%dma_start3A_29, %dma_start3A_30] : memref<4096x128xf32, #tpu.memory_space<hbm>> -> memref<4096x128xf32, #tpu.memory_space<hbm>>
    tpu.enqueue_indirect_dma source(%dma_start3A_31 : memref<4096x128xf32, #tpu.memory_space<hbm>>) target(%arg33 : memref<128x128xf32, #tpu.memory_space<vmem>>) offsets(%dma_start3A_28 : memref<128xi32, #tpu.memory_space<vmem>>) semaphore(%arg36 : memref<!tpu.dma_semaphore, #tpu.memory_space<semaphore_mem>>)
    %dma_start3A_32 = arith.constant 0 : i32
    %dma_start3A_33 = tpu.memref_slice %arg31[%dma_start3A_32] : memref<256xi32, #tpu.memory_space<vmem>> -> memref<128xi32, #tpu.memory_space<vmem>>
    %dma_start3A_34 = arith.constant 0 : i32
    %dma_start3A_35 = arith.constant 0 : i32
    %dma_start3A_36 = tpu.memref_slice %arg13[%dma_start3A_34, %dma_start3A_35] : memref<4096x128xf32, #tpu.memory_space<hbm>> -> memref<4096x128xf32, #tpu.memory_space<hbm>>
    tpu.enqueue_indirect_dma source(%dma_start3A_36 : memref<4096x128xf32, #tpu.memory_space<hbm>>) target(%arg34 : memref<128x128xf32, #tpu.memory_space<vmem>>) offsets(%dma_start3A_33 : memref<128xi32, #tpu.memory_space<vmem>>) semaphore(%arg36 : memref<!tpu.dma_semaphore, #tpu.memory_space<semaphore_mem>>)
    %dma_wait3A = arith.constant 0 : i32
    %dma_wait3A_37 = tpu.memref_slice %arg29[%dma_wait3A] : memref<256xi32, #tpu.memory_space<vmem>> -> memref<128xi32, #tpu.memory_space<vmem>>
    %dma_wait3A_38 = arith.constant 0 : i32
    %dma_wait3A_39 = arith.constant 0 : i32
    %dma_wait3A_40 = tpu.memref_slice %arg13[%dma_wait3A_38, %dma_wait3A_39] : memref<4096x128xf32, #tpu.memory_space<hbm>> -> memref<4096x128xf32, #tpu.memory_space<hbm>>
    tpu.wait_indirect_dma semaphore(%arg36 : memref<!tpu.dma_semaphore, #tpu.memory_space<semaphore_mem>>) src(%dma_wait3A_40 : memref<4096x128xf32, #tpu.memory_space<hbm>>) dst(%arg32 : memref<128x128xf32, #tpu.memory_space<vmem>>)
    %dma_wait3A_41 = arith.constant 0 : i32
    %dma_wait3A_42 = tpu.memref_slice %arg30[%dma_wait3A_41] : memref<256xi32, #tpu.memory_space<vmem>> -> memref<128xi32, #tpu.memory_space<vmem>>
    %dma_wait3A_43 = arith.constant 0 : i32
    %dma_wait3A_44 = arith.constant 0 : i32
    %dma_wait3A_45 = tpu.memref_slice %arg13[%dma_wait3A_43, %dma_wait3A_44] : memref<4096x128xf32, #tpu.memory_space<hbm>> -> memref<4096x128xf32, #tpu.memory_space<hbm>>
    tpu.wait_indirect_dma semaphore(%arg36 : memref<!tpu.dma_semaphore, #tpu.memory_space<semaphore_mem>>) src(%dma_wait3A_45 : memref<4096x128xf32, #tpu.memory_space<hbm>>) dst(%arg33 : memref<128x128xf32, #tpu.memory_space<vmem>>)
    %dma_wait3A_46 = arith.constant 0 : i32
    %dma_wait3A_47 = tpu.memref_slice %arg31[%dma_wait3A_46] : memref<256xi32, #tpu.memory_space<vmem>> -> memref<128xi32, #tpu.memory_space<vmem>>
    %dma_wait3A_48 = arith.constant 0 : i32
    %dma_wait3A_49 = arith.constant 0 : i32
    %dma_wait3A_50 = tpu.memref_slice %arg13[%dma_wait3A_48, %dma_wait3A_49] : memref<4096x128xf32, #tpu.memory_space<hbm>> -> memref<4096x128xf32, #tpu.memory_space<hbm>>
    tpu.wait_indirect_dma semaphore(%arg36 : memref<!tpu.dma_semaphore, #tpu.memory_space<semaphore_mem>>) src(%dma_wait3A_50 : memref<4096x128xf32, #tpu.memory_space<hbm>>) dst(%arg34 : memref<128x128xf32, #tpu.memory_space<vmem>>)
    %scan3A_51 = arith.constant 0 : i32
    %scan3A_52 = arith.constant 128 : i32
    %scan3A_53 = arith.addi %scan3A_51, %scan3A_52 : i32
    %scan3A_54 = arith.constant 1 : i32
    scf.for %scan3A_99 = %scan3A_51 to %scan3A_53 step %scan3A_54  : i32 {
      %mul3A_100 = arith.constant 1 : i32
      %mul3A_101 = arith.muli %scan3A_99, %mul3A_100 : i32
      %add3A_102 = arith.constant 0 : i32
      %add3A_103 = arith.addi %add3A_102, %mul3A_101 : i32
      %add3A_104 = arith.constant 0 : i32
      %add3A_105 = arith.addi %add3A_104, %add3A_103 : i32
      %get3A_106 = arith.index_cast %add3A_105 : i32 to index
      %get3A_107 = tpu.vector_load %arg26[%get3A_106] {strides = array<i32>} : memref<272xf32, #tpu.memory_space<vmem>>, vector<16xf32>,
      %get3A_108 = vector.shape_cast %get3A_107 : vector<16xf32> to vector<16xf32>
      %broadcast_in_dim3A_109 = vector.shape_cast %broadcast_in_dim3A_22 : vector<16xi32> to vector<16x1xi32>
      %gather3A = vector.shape_cast %broadcast_in_dim3A_109 : vector<16x1xi32> to vector<16xi32>
      %gather3A_110 = tpu.dynamic_gather %get3A_108[%gather3A] in [0] : vector<16xf32>, vector<16xi32> -> vector<16xf32>
      %add3A_111 = arith.constant 0 : i32
      %add3A_112 = arith.addi %add3A_111, %add3A_103 : i32
      %get3A_113 = arith.index_cast %add3A_112 : i32 to index
      %get3A_114 = tpu.vector_load %arg27[%get3A_113] {strides = array<i32>} : memref<272xf32, #tpu.memory_space<vmem>>, vector<16xf32>,
      %get3A_115 = vector.shape_cast %get3A_114 : vector<16xf32> to vector<16xf32>
      %broadcast_in_dim3A_116 = vector.shape_cast %broadcast_in_dim3A_22 : vector<16xi32> to vector<16x1xi32>
      %gather3A_117 = vector.shape_cast %broadcast_in_dim3A_116 : vector<16x1xi32> to vector<16xi32>
      %gather3A_118 = tpu.dynamic_gather %get3A_115[%gather3A_117] in [0] : vector<16xf32>, vector<16xi32> -> vector<16xf32>
      %add3A_119 = arith.constant 0 : i32
      %add3A_120 = arith.addi %add3A_119, %add3A_103 : i32
      %get3A_121 = arith.index_cast %add3A_120 : i32 to index
      %get3A_122 = tpu.vector_load %arg28[%get3A_121] {strides = array<i32>} : memref<272xf32, #tpu.memory_space<vmem>>, vector<16xf32>,
      %get3A_123 = vector.shape_cast %get3A_122 : vector<16xf32> to vector<16xf32>
      %broadcast_in_dim3A_124 = vector.shape_cast %broadcast_in_dim3A_22 : vector<16xi32> to vector<16x1xi32>
      %gather3A_125 = vector.shape_cast %broadcast_in_dim3A_124 : vector<16x1xi32> to vector<16xi32>
      %gather3A_126 = tpu.dynamic_gather %get3A_123[%gather3A_125] in [0] : vector<16xf32>, vector<16xi32> -> vector<16xf32>
      %get3A_127 = arith.index_cast %add3A_103 : i32 to index
      %get3A_128 = arith.constant 0 : index
      %get3A_129 = tpu.vector_load %arg32[%get3A_127, %get3A_128] {strides = array<i32>} : memref<128x128xf32, #tpu.memory_space<vmem>>, vector<1x16xf32>,
      %get3A_130 = vector.shape_cast %get3A_129 : vector<1x16xf32> to vector<16xf32>
      %mul3A_131 = arith.mulf %gather3A_110, %get3A_130 : vector<16xf32>
      %get3A_132 = arith.index_cast %add3A_103 : i32 to index
      %get3A_133 = arith.constant 0 : index
      %get3A_134 = tpu.vector_load %arg33[%get3A_132, %get3A_133] {strides = array<i32>} : memref<128x128xf32, #tpu.memory_space<vmem>>, vector<1x16xf32>,
      %get3A_135 = vector.shape_cast %get3A_134 : vector<1x16xf32> to vector<16xf32>
      %mul3A_136 = arith.mulf %gather3A_118, %get3A_135 : vector<16xf32>
      %add3A_137 = arith.addf %mul3A_131, %mul3A_136 : vector<16xf32>
      %get3A_138 = arith.index_cast %add3A_103 : i32 to index
      %get3A_139 = arith.constant 0 : index
      %get3A_140 = tpu.vector_load %arg34[%get3A_138, %get3A_139] {strides = array<i32>} : memref<128x128xf32, #tpu.memory_space<vmem>>, vector<1x16xf32>,
      %get3A_141 = vector.shape_cast %get3A_140 : vector<1x16xf32> to vector<16xf32>
      %mul3A_142 = arith.mulf %gather3A_126, %get3A_141 : vector<16xf32>
      %add3A_143 = arith.addf %add3A_137, %mul3A_142 : vector<16xf32>
      %swap3A = arith.index_cast %add3A_103 : i32 to index
      %swap3A_144 = arith.constant 0 : index
      %swap3A_145 = tpu.vector_load %arg35[%swap3A, %swap3A_144] {strides = array<i32>} : memref<128x128xf32, #tpu.memory_space<vmem>>, vector<1x16xf32>,
      %swap3A_146 = vector.shape_cast %swap3A_145 : vector<1x16xf32> to vector<16xf32>
      %swap3A_147 = vector.shape_cast %add3A_143 : vector<16xf32> to vector<1x16xf32>
      tpu.vector_store %arg35[%swap3A, %swap3A_144], %swap3A_147 {strides = array<i32>} : memref<128x128xf32, #tpu.memory_space<vmem>>, vector<1x16xf32>,
      %get3A_148 = arith.index_cast %add3A_103 : i32 to index
      %get3A_149 = arith.constant 16 : index
      %get3A_150 = tpu.vector_load %arg32[%get3A_148, %get3A_149] {strides = array<i32>} : memref<128x128xf32, #tpu.memory_space<vmem>>, vector<1x16xf32>,
      %get3A_151 = vector.shape_cast %get3A_150 : vector<1x16xf32> to vector<16xf32>
      %mul3A_152 = arith.mulf %gather3A_110, %get3A_151 : vector<16xf32>
      %get3A_153 = arith.index_cast %add3A_103 : i32 to index
      %get3A_154 = arith.constant 16 : index
      %get3A_155 = tpu.vector_load %arg33[%get3A_153, %get3A_154] {strides = array<i32>} : memref<128x128xf32, #tpu.memory_space<vmem>>, vector<1x16xf32>,
      %get3A_156 = vector.shape_cast %get3A_155 : vector<1x16xf32> to vector<16xf32>
      %mul3A_157 = arith.mulf %gather3A_118, %get3A_156 : vector<16xf32>
      %add3A_158 = arith.addf %mul3A_152, %mul3A_157 : vector<16xf32>
      %get3A_159 = arith.index_cast %add3A_103 : i32 to index
      %get3A_160 = arith.constant 16 : index
      %get3A_161 = tpu.vector_load %arg34[%get3A_159, %get3A_160] {strides = array<i32>} : memref<128x128xf32, #tpu.memory_space<vmem>>, vector<1x16xf32>,
      %get3A_162 = vector.shape_cast %get3A_161 : vector<1x16xf32> to vector<16xf32>
      %mul3A_163 = arith.mulf %gather3A_126, %get3A_162 : vector<16xf32>
      %add3A_164 = arith.addf %add3A_158, %mul3A_163 : vector<16xf32>
      %swap3A_165 = arith.index_cast %add3A_103 : i32 to index
      %swap3A_166 = arith.constant 16 : index
      %swap3A_167 = tpu.vector_load %arg35[%swap3A_165, %swap3A_166] {strides = array<i32>} : memref<128x128xf32, #tpu.memory_space<vmem>>, vector<1x16xf32>,
      %swap3A_168 = vector.shape_cast %swap3A_167 : vector<1x16xf32> to vector<16xf32>
      %swap3A_169 = vector.shape_cast %add3A_164 : vector<16xf32> to vector<1x16xf32>
      tpu.vector_store %arg35[%swap3A_165, %swap3A_166], %swap3A_169 {strides = array<i32>} : memref<128x128xf32, #tpu.memory_space<vmem>>, vector<1x16xf32>,
      %get3A_170 = arith.index_cast %add3A_103 : i32 to index
      %get3A_171 = arith.constant 32 : index
      %get3A_172 = tpu.vector_load %arg32[%get3A_170, %get3A_171] {strides = array<i32>} : memref<128x128xf32, #tpu.memory_space<vmem>>, vector<1x16xf32>,
      %get3A_173 = vector.shape_cast %get3A_172 : vector<1x16xf32> to vector<16xf32>
      %mul3A_174 = arith.mulf %gather3A_110, %get3A_173 : vector<16xf32>
      %get3A_175 = arith.index_cast %add3A_103 : i32 to index
      %get3A_176 = arith.constant 32 : index
      %get3A_177 = tpu.vector_load %arg33[%get3A_175, %get3A_176] {strides = array<i32>} : memref<128x128xf32, #tpu.memory_space<vmem>>, vector<1x16xf32>,
      %get3A_178 = vector.shape_cast %get3A_177 : vector<1x16xf32> to vector<16xf32>
      %mul3A_179 = arith.mulf %gather3A_118, %get3A_178 : vector<16xf32>
      %add3A_180 = arith.addf %mul3A_174, %mul3A_179 : vector<16xf32>
      %get3A_181 = arith.index_cast %add3A_103 : i32 to index
      %get3A_182 = arith.constant 32 : index
      %get3A_183 = tpu.vector_load %arg34[%get3A_181, %get3A_182] {strides = array<i32>} : memref<128x128xf32, #tpu.memory_space<vmem>>, vector<1x16xf32>,
      %get3A_184 = vector.shape_cast %get3A_183 : vector<1x16xf32> to vector<16xf32>
      %mul3A_185 = arith.mulf %gather3A_126, %get3A_184 : vector<16xf32>
      %add3A_186 = arith.addf %add3A_180, %mul3A_185 : vector<16xf32>
      %swap3A_187 = arith.index_cast %add3A_103 : i32 to index
      %swap3A_188 = arith.constant 32 : index
      %swap3A_189 = tpu.vector_load %arg35[%swap3A_187, %swap3A_188] {strides = array<i32>} : memref<128x128xf32, #tpu.memory_space<vmem>>, vector<1x16xf32>,
      %swap3A_190 = vector.shape_cast %swap3A_189 : vector<1x16xf32> to vector<16xf32>
      %swap3A_191 = vector.shape_cast %add3A_186 : vector<16xf32> to vector<1x16xf32>
      tpu.vector_store %arg35[%swap3A_187, %swap3A_188], %swap3A_191 {strides = array<i32>} : memref<128x128xf32, #tpu.memory_space<vmem>>, vector<1x16xf32>,
      %get3A_192 = arith.index_cast %add3A_103 : i32 to index
      %get3A_193 = arith.constant 48 : index
      %get3A_194 = tpu.vector_load %arg32[%get3A_192, %get3A_193] {strides = array<i32>} : memref<128x128xf32, #tpu.memory_space<vmem>>, vector<1x16xf32>,
      %get3A_195 = vector.shape_cast %get3A_194 : vector<1x16xf32> to vector<16xf32>
      %mul3A_196 = arith.mulf %gather3A_110, %get3A_195 : vector<16xf32>
      %get3A_197 = arith.index_cast %add3A_103 : i32 to index
      %get3A_198 = arith.constant 48 : index
      %get3A_199 = tpu.vector_load %arg33[%get3A_197, %get3A_198] {strides = array<i32>} : memref<128x128xf32, #tpu.memory_space<vmem>>, vector<1x16xf32>,
      %get3A_200 = vector.shape_cast %get3A_199 : vector<1x16xf32> to vector<16xf32>
      %mul3A_201 = arith.mulf %gather3A_118, %get3A_200 : vector<16xf32>
      %add3A_202 = arith.addf %mul3A_196, %mul3A_201 : vector<16xf32>
      %get3A_203 = arith.index_cast %add3A_103 : i32 to index
      %get3A_204 = arith.constant 48 : index
      %get3A_205 = tpu.vector_load %arg34[%get3A_203, %get3A_204] {strides = array<i32>} : memref<128x128xf32, #tpu.memory_space<vmem>>, vector<1x16xf32>,
      %get3A_206 = vector.shape_cast %get3A_205 : vector<1x16xf32> to vector<16xf32>
      %mul3A_207 = arith.mulf %gather3A_126, %get3A_206 : vector<16xf32>
      %add3A_208 = arith.addf %add3A_202, %mul3A_207 : vector<16xf32>
      %swap3A_209 = arith.index_cast %add3A_103 : i32 to index
      %swap3A_210 = arith.constant 48 : index
      %swap3A_211 = tpu.vector_load %arg35[%swap3A_209, %swap3A_210] {strides = array<i32>} : memref<128x128xf32, #tpu.memory_space<vmem>>, vector<1x16xf32>,
      %swap3A_212 = vector.shape_cast %swap3A_211 : vector<1x16xf32> to vector<16xf32>
      %swap3A_213 = vector.shape_cast %add3A_208 : vector<16xf32> to vector<1x16xf32>
      tpu.vector_store %arg35[%swap3A_209, %swap3A_210], %swap3A_213 {strides = array<i32>} : memref<128x128xf32, #tpu.memory_space<vmem>>, vector<1x16xf32>,
      %get3A_214 = arith.index_cast %add3A_103 : i32 to index
      %get3A_215 = arith.constant 64 : index
      %get3A_216 = tpu.vector_load %arg32[%get3A_214, %get3A_215] {strides = array<i32>} : memref<128x128xf32, #tpu.memory_space<vmem>>, vector<1x16xf32>,
      %get3A_217 = vector.shape_cast %get3A_216 : vector<1x16xf32> to vector<16xf32>
      %mul3A_218 = arith.mulf %gather3A_110, %get3A_217 : vector<16xf32>
      %get3A_219 = arith.index_cast %add3A_103 : i32 to index
      %get3A_220 = arith.constant 64 : index
      %get3A_221 = tpu.vector_load %arg33[%get3A_219, %get3A_220] {strides = array<i32>} : memref<128x128xf32, #tpu.memory_space<vmem>>, vector<1x16xf32>,
      %get3A_222 = vector.shape_cast %get3A_221 : vector<1x16xf32> to vector<16xf32>
      %mul3A_223 = arith.mulf %gather3A_118, %get3A_222 : vector<16xf32>
      %add3A_224 = arith.addf %mul3A_218, %mul3A_223 : vector<16xf32>
      %get3A_225 = arith.index_cast %add3A_103 : i32 to index
      %get3A_226 = arith.constant 64 : index
      %get3A_227 = tpu.vector_load %arg34[%get3A_225, %get3A_226] {strides = array<i32>} : memref<128x128xf32, #tpu.memory_space<vmem>>, vector<1x16xf32>,
      %get3A_228 = vector.shape_cast %get3A_227 : vector<1x16xf32> to vector<16xf32>
      %mul3A_229 = arith.mulf %gather3A_126, %get3A_228 : vector<16xf32>
      %add3A_230 = arith.addf %add3A_224, %mul3A_229 : vector<16xf32>
      %swap3A_231 = arith.index_cast %add3A_103 : i32 to index
      %swap3A_232 = arith.constant 64 : index
      %swap3A_233 = tpu.vector_load %arg35[%swap3A_231, %swap3A_232] {strides = array<i32>} : memref<128x128xf32, #tpu.memory_space<vmem>>, vector<1x16xf32>,
      %swap3A_234 = vector.shape_cast %swap3A_233 : vector<1x16xf32> to vector<16xf32>
      %swap3A_235 = vector.shape_cast %add3A_230 : vector<16xf32> to vector<1x16xf32>
      tpu.vector_store %arg35[%swap3A_231, %swap3A_232], %swap3A_235 {strides = array<i32>} : memref<128x128xf32, #tpu.memory_space<vmem>>, vector<1x16xf32>,
      %get3A_236 = arith.index_cast %add3A_103 : i32 to index
      %get3A_237 = arith.constant 80 : index
      %get3A_238 = tpu.vector_load %arg32[%get3A_236, %get3A_237] {strides = array<i32>} : memref<128x128xf32, #tpu.memory_space<vmem>>, vector<1x16xf32>,
      %get3A_239 = vector.shape_cast %get3A_238 : vector<1x16xf32> to vector<16xf32>
      %mul3A_240 = arith.mulf %gather3A_110, %get3A_239 : vector<16xf32>
      %get3A_241 = arith.index_cast %add3A_103 : i32 to index
      %get3A_242 = arith.constant 80 : index
      %get3A_243 = tpu.vector_load %arg33[%get3A_241, %get3A_242] {strides = array<i32>} : memref<128x128xf32, #tpu.memory_space<vmem>>, vector<1x16xf32>,
      %get3A_244 = vector.shape_cast %get3A_243 : vector<1x16xf32> to vector<16xf32>
      %mul3A_245 = arith.mulf %gather3A_118, %get3A_244 : vector<16xf32>
      %add3A_246 = arith.addf %mul3A_240, %mul3A_245 : vector<16xf32>
      %get3A_247 = arith.index_cast %add3A_103 : i32 to index
      %get3A_248 = arith.constant 80 : index
      %get3A_249 = tpu.vector_load %arg34[%get3A_247, %get3A_248] {strides = array<i32>} : memref<128x128xf32, #tpu.memory_space<vmem>>, vector<1x16xf32>,
      %get3A_250 = vector.shape_cast %get3A_249 : vector<1x16xf32> to vector<16xf32>
      %mul3A_251 = arith.mulf %gather3A_126, %get3A_250 : vector<16xf32>
      %add3A_252 = arith.addf %add3A_246, %mul3A_251 : vector<16xf32>
      %swap3A_253 = arith.index_cast %add3A_103 : i32 to index
      %swap3A_254 = arith.constant 80 : index
      %swap3A_255 = tpu.vector_load %arg35[%swap3A_253, %swap3A_254] {strides = array<i32>} : memref<128x128xf32, #tpu.memory_space<vmem>>, vector<1x16xf32>,
      %swap3A_256 = vector.shape_cast %swap3A_255 : vector<1x16xf32> to vector<16xf32>
      %swap3A_257 = vector.shape_cast %add3A_252 : vector<16xf32> to vector<1x16xf32>
      tpu.vector_store %arg35[%swap3A_253, %swap3A_254], %swap3A_257 {strides = array<i32>} : memref<128x128xf32, #tpu.memory_space<vmem>>, vector<1x16xf32>,
      %get3A_258 = arith.index_cast %add3A_103 : i32 to index
      %get3A_259 = arith.constant 96 : index
      %get3A_260 = tpu.vector_load %arg32[%get3A_258, %get3A_259] {strides = array<i32>} : memref<128x128xf32, #tpu.memory_space<vmem>>, vector<1x16xf32>,
      %get3A_261 = vector.shape_cast %get3A_260 : vector<1x16xf32> to vector<16xf32>
      %mul3A_262 = arith.mulf %gather3A_110, %get3A_261 : vector<16xf32>
      %get3A_263 = arith.index_cast %add3A_103 : i32 to index
      %get3A_264 = arith.constant 96 : index
      %get3A_265 = tpu.vector_load %arg33[%get3A_263, %get3A_264] {strides = array<i32>} : memref<128x128xf32, #tpu.memory_space<vmem>>, vector<1x16xf32>,
      %get3A_266 = vector.shape_cast %get3A_265 : vector<1x16xf32> to vector<16xf32>
      %mul3A_267 = arith.mulf %gather3A_118, %get3A_266 : vector<16xf32>
      %add3A_268 = arith.addf %mul3A_262, %mul3A_267 : vector<16xf32>
      %get3A_269 = arith.index_cast %add3A_103 : i32 to index
      %get3A_270 = arith.constant 96 : index
      %get3A_271 = tpu.vector_load %arg34[%get3A_269, %get3A_270] {strides = array<i32>} : memref<128x128xf32, #tpu.memory_space<vmem>>, vector<1x16xf32>,
      %get3A_272 = vector.shape_cast %get3A_271 : vector<1x16xf32> to vector<16xf32>
      %mul3A_273 = arith.mulf %gather3A_126, %get3A_272 : vector<16xf32>
      %add3A_274 = arith.addf %add3A_268, %mul3A_273 : vector<16xf32>
      %swap3A_275 = arith.index_cast %add3A_103 : i32 to index
      %swap3A_276 = arith.constant 96 : index
      %swap3A_277 = tpu.vector_load %arg35[%swap3A_275, %swap3A_276] {strides = array<i32>} : memref<128x128xf32, #tpu.memory_space<vmem>>, vector<1x16xf32>,
      %swap3A_278 = vector.shape_cast %swap3A_277 : vector<1x16xf32> to vector<16xf32>
      %swap3A_279 = vector.shape_cast %add3A_274 : vector<16xf32> to vector<1x16xf32>
      tpu.vector_store %arg35[%swap3A_275, %swap3A_276], %swap3A_279 {strides = array<i32>} : memref<128x128xf32, #tpu.memory_space<vmem>>, vector<1x16xf32>,
      %get3A_280 = arith.index_cast %add3A_103 : i32 to index
      %get3A_281 = arith.constant 112 : index
      %get3A_282 = tpu.vector_load %arg32[%get3A_280, %get3A_281] {strides = array<i32>} : memref<128x128xf32, #tpu.memory_space<vmem>>, vector<1x16xf32>,
      %get3A_283 = vector.shape_cast %get3A_282 : vector<1x16xf32> to vector<16xf32>
      %mul3A_284 = arith.mulf %gather3A_110, %get3A_283 : vector<16xf32>
      %get3A_285 = arith.index_cast %add3A_103 : i32 to index
      %get3A_286 = arith.constant 112 : index
      %get3A_287 = tpu.vector_load %arg33[%get3A_285, %get3A_286] {strides = array<i32>} : memref<128x128xf32, #tpu.memory_space<vmem>>, vector<1x16xf32>,
      %get3A_288 = vector.shape_cast %get3A_287 : vector<1x16xf32> to vector<16xf32>
      %mul3A_289 = arith.mulf %gather3A_118, %get3A_288 : vector<16xf32>
      %add3A_290 = arith.addf %mul3A_284, %mul3A_289 : vector<16xf32>
      %get3A_291 = arith.index_cast %add3A_103 : i32 to index
      %get3A_292 = arith.constant 112 : index
      %get3A_293 = tpu.vector_load %arg34[%get3A_291, %get3A_292] {strides = array<i32>} : memref<128x128xf32, #tpu.memory_space<vmem>>, vector<1x16xf32>,
      %get3A_294 = vector.shape_cast %get3A_293 : vector<1x16xf32> to vector<16xf32>
      %mul3A_295 = arith.mulf %gather3A_126, %get3A_294 : vector<16xf32>
      %add3A_296 = arith.addf %add3A_290, %mul3A_295 : vector<16xf32>
      %swap3A_297 = arith.index_cast %add3A_103 : i32 to index
      %swap3A_298 = arith.constant 112 : index
      %swap3A_299 = tpu.vector_load %arg35[%swap3A_297, %swap3A_298] {strides = array<i32>} : memref<128x128xf32, #tpu.memory_space<vmem>>, vector<1x16xf32>,
      %swap3A_300 = vector.shape_cast %swap3A_299 : vector<1x16xf32> to vector<16xf32>
      %swap3A_301 = vector.shape_cast %add3A_296 : vector<16xf32> to vector<1x16xf32>
      tpu.vector_store %arg35[%swap3A_297, %swap3A_298], %swap3A_301 {strides = array<i32>} : memref<128x128xf32, #tpu.memory_space<vmem>>, vector<1x16xf32>,
    }
    %scan3A_55 = arith.constant 128 : i32
    %mul3A_56 = arith.constant 256 : i32
    %mul3A_57 = arith.muli %add3A, %mul3A_56 : i32
    %add3A_58 = arith.constant 0 : i32
    %add3A_59 = arith.addi %mul3A_57, %add3A_58 : i32
    "tpu.region"() ({
      %run_scoped3A = tpu.sem_alloc : memref<!tpu.dma_semaphore, #tpu.memory_space<semaphore_mem>>
      %dma_start3A_99 = arith.constant 0 : i32
      %dma_start3A_100 = tpu.memref_slice %arg14[%add3A_59, %dma_start3A_99] : memref<8192x128xf32, #tpu.memory_space<hbm>> -> memref<128x128xf32, #tpu.memory_space<hbm>>
      %dma_start3A_101 = arith.constant 0 : i32
      %dma_start3A_102 = tpu.memref_slice %arg14[%add3A_59, %dma_start3A_101] : memref<8192x128xf32, #tpu.memory_space<hbm>> -> memref<128x128xf32, #tpu.memory_space<hbm>>
      tpu.enqueue_dma source(%arg35 : memref<128x128xf32, #tpu.memory_space<vmem>>) target(%dma_start3A_102 : memref<128x128xf32, #tpu.memory_space<hbm>>) target_semaphore(%run_scoped3A : memref<!tpu.dma_semaphore, #tpu.memory_space<semaphore_mem>>)
      %dma_wait3A_103 = arith.constant 0 : i32
      %dma_wait3A_104 = tpu.memref_slice %arg14[%add3A_59, %dma_wait3A_103] : memref<8192x128xf32, #tpu.memory_space<hbm>> -> memref<128x128xf32, #tpu.memory_space<hbm>>
      %dma_wait3A_105 = arith.constant 0 : i32
      %dma_wait3A_106 = tpu.memref_slice %arg14[%add3A_59, %dma_wait3A_105] : memref<8192x128xf32, #tpu.memory_space<hbm>> -> memref<128x128xf32, #tpu.memory_space<hbm>>
      tpu.wait_dma2 semaphore(%run_scoped3A : memref<!tpu.dma_semaphore, #tpu.memory_space<semaphore_mem>>) src(%arg35 : memref<128x128xf32, #tpu.memory_space<vmem>>) dst(%dma_wait3A_106 : memref<128x128xf32, #tpu.memory_space<hbm>>)
      tpu.yield
    }) : () -> ()
    %dma_start3A_60 = arith.constant 128 : i32
    %dma_start3A_61 = tpu.memref_slice %arg29[%dma_start3A_60] : memref<256xi32, #tpu.memory_space<vmem>> -> memref<128xi32, #tpu.memory_space<vmem>>
    %dma_start3A_62 = arith.constant 0 : i32
    %dma_start3A_63 = arith.constant 0 : i32
    %dma_start3A_64 = tpu.memref_slice %arg13[%dma_start3A_62, %dma_start3A_63] : memref<4096x128xf32, #tpu.memory_space<hbm>> -> memref<4096x128xf32, #tpu.memory_space<hbm>>
    tpu.enqueue_indirect_dma source(%dma_start3A_64 : memref<4096x128xf32, #tpu.memory_space<hbm>>) target(%arg32 : memref<128x128xf32, #tpu.memory_space<vmem>>) offsets(%dma_start3A_61 : memref<128xi32, #tpu.memory_space<vmem>>) semaphore(%arg36 : memref<!tpu.dma_semaphore, #tpu.memory_space<semaphore_mem>>)
    %dma_start3A_65 = arith.constant 128 : i32
    %dma_start3A_66 = tpu.memref_slice %arg30[%dma_start3A_65] : memref<256xi32, #tpu.memory_space<vmem>> -> memref<128xi32, #tpu.memory_space<vmem>>
    %dma_start3A_67 = arith.constant 0 : i32
    %dma_start3A_68 = arith.constant 0 : i32
    %dma_start3A_69 = tpu.memref_slice %arg13[%dma_start3A_67, %dma_start3A_68] : memref<4096x128xf32, #tpu.memory_space<hbm>> -> memref<4096x128xf32, #tpu.memory_space<hbm>>
    tpu.enqueue_indirect_dma source(%dma_start3A_69 : memref<4096x128xf32, #tpu.memory_space<hbm>>) target(%arg33 : memref<128x128xf32, #tpu.memory_space<vmem>>) offsets(%dma_start3A_66 : memref<128xi32, #tpu.memory_space<vmem>>) semaphore(%arg36 : memref<!tpu.dma_semaphore, #tpu.memory_space<semaphore_mem>>)
    %dma_start3A_70 = arith.constant 128 : i32
    %dma_start3A_71 = tpu.memref_slice %arg31[%dma_start3A_70] : memref<256xi32, #tpu.memory_space<vmem>> -> memref<128xi32, #tpu.memory_space<vmem>>
    %dma_start3A_72 = arith.constant 0 : i32
    %dma_start3A_73 = arith.constant 0 : i32
    %dma_start3A_74 = tpu.memref_slice %arg13[%dma_start3A_72, %dma_start3A_73] : memref<4096x128xf32, #tpu.memory_space<hbm>> -> memref<4096x128xf32, #tpu.memory_space<hbm>>
    tpu.enqueue_indirect_dma source(%dma_start3A_74 : memref<4096x128xf32, #tpu.memory_space<hbm>>) target(%arg34 : memref<128x128xf32, #tpu.memory_space<vmem>>) offsets(%dma_start3A_71 : memref<128xi32, #tpu.memory_space<vmem>>) semaphore(%arg36 : memref<!tpu.dma_semaphore, #tpu.memory_space<semaphore_mem>>)
    %dma_wait3A_75 = arith.constant 128 : i32
    %dma_wait3A_76 = tpu.memref_slice %arg29[%dma_wait3A_75] : memref<256xi32, #tpu.memory_space<vmem>> -> memref<128xi32, #tpu.memory_space<vmem>>
    %dma_wait3A_77 = arith.constant 0 : i32
    %dma_wait3A_78 = arith.constant 0 : i32
    %dma_wait3A_79 = tpu.memref_slice %arg13[%dma_wait3A_77, %dma_wait3A_78] : memref<4096x128xf32, #tpu.memory_space<hbm>> -> memref<4096x128xf32, #tpu.memory_space<hbm>>
    tpu.wait_indirect_dma semaphore(%arg36 : memref<!tpu.dma_semaphore, #tpu.memory_space<semaphore_mem>>) src(%dma_wait3A_79 : memref<4096x128xf32, #tpu.memory_space<hbm>>) dst(%arg32 : memref<128x128xf32, #tpu.memory_space<vmem>>)
    %dma_wait3A_80 = arith.constant 128 : i32
    %dma_wait3A_81 = tpu.memref_slice %arg30[%dma_wait3A_80] : memref<256xi32, #tpu.memory_space<vmem>> -> memref<128xi32, #tpu.memory_space<vmem>>
    %dma_wait3A_82 = arith.constant 0 : i32
    %dma_wait3A_83 = arith.constant 0 : i32
    %dma_wait3A_84 = tpu.memref_slice %arg13[%dma_wait3A_82, %dma_wait3A_83] : memref<4096x128xf32, #tpu.memory_space<hbm>> -> memref<4096x128xf32, #tpu.memory_space<hbm>>
    tpu.wait_indirect_dma semaphore(%arg36 : memref<!tpu.dma_semaphore, #tpu.memory_space<semaphore_mem>>) src(%dma_wait3A_84 : memref<4096x128xf32, #tpu.memory_space<hbm>>) dst(%arg33 : memref<128x128xf32, #tpu.memory_space<vmem>>)
    %dma_wait3A_85 = arith.constant 128 : i32
    %dma_wait3A_86 = tpu.memref_slice %arg31[%dma_wait3A_85] : memref<256xi32, #tpu.memory_space<vmem>> -> memref<128xi32, #tpu.memory_space<vmem>>
    %dma_wait3A_87 = arith.constant 0 : i32
    %dma_wait3A_88 = arith.constant 0 : i32
    %dma_wait3A_89 = tpu.memref_slice %arg13[%dma_wait3A_87, %dma_wait3A_88] : memref<4096x128xf32, #tpu.memory_space<hbm>> -> memref<4096x128xf32, #tpu.memory_space<hbm>>
    tpu.wait_indirect_dma semaphore(%arg36 : memref<!tpu.dma_semaphore, #tpu.memory_space<semaphore_mem>>) src(%dma_wait3A_89 : memref<4096x128xf32, #tpu.memory_space<hbm>>) dst(%arg34 : memref<128x128xf32, #tpu.memory_space<vmem>>)
    %scan3A_90 = arith.constant 0 : i32
    %scan3A_91 = arith.constant 128 : i32
    %scan3A_92 = arith.addi %scan3A_90, %scan3A_91 : i32
    %scan3A_93 = arith.constant 1 : i32
    scf.for %scan3A_99 = %scan3A_90 to %scan3A_92 step %scan3A_93  : i32 {
      %mul3A_100 = arith.constant 1 : i32
      %mul3A_101 = arith.muli %scan3A_99, %mul3A_100 : i32
      %add3A_102 = arith.constant 0 : i32
      %add3A_103 = arith.addi %add3A_102, %mul3A_101 : i32
      %add3A_104 = arith.constant 128 : i32
      %add3A_105 = arith.addi %add3A_104, %add3A_103 : i32
      %get3A_106 = arith.index_cast %add3A_105 : i32 to index
      %get3A_107 = tpu.vector_load %arg26[%get3A_106] {strides = array<i32>} : memref<272xf32, #tpu.memory_space<vmem>>, vector<16xf32>,
      %get3A_108 = vector.shape_cast %get3A_107 : vector<16xf32> to vector<16xf32>
      %broadcast_in_dim3A_109 = vector.shape_cast %broadcast_in_dim3A_22 : vector<16xi32> to vector<16x1xi32>
      %gather3A = vector.shape_cast %broadcast_in_dim3A_109 : vector<16x1xi32> to vector<16xi32>
      %gather3A_110 = tpu.dynamic_gather %get3A_108[%gather3A] in [0] : vector<16xf32>, vector<16xi32> -> vector<16xf32>
      %add3A_111 = arith.constant 128 : i32
      %add3A_112 = arith.addi %add3A_111, %add3A_103 : i32
      %get3A_113 = arith.index_cast %add3A_112 : i32 to index
      %get3A_114 = tpu.vector_load %arg27[%get3A_113] {strides = array<i32>} : memref<272xf32, #tpu.memory_space<vmem>>, vector<16xf32>,
      %get3A_115 = vector.shape_cast %get3A_114 : vector<16xf32> to vector<16xf32>
      %broadcast_in_dim3A_116 = vector.shape_cast %broadcast_in_dim3A_22 : vector<16xi32> to vector<16x1xi32>
      %gather3A_117 = vector.shape_cast %broadcast_in_dim3A_116 : vector<16x1xi32> to vector<16xi32>
      %gather3A_118 = tpu.dynamic_gather %get3A_115[%gather3A_117] in [0] : vector<16xf32>, vector<16xi32> -> vector<16xf32>
      %add3A_119 = arith.constant 128 : i32
      %add3A_120 = arith.addi %add3A_119, %add3A_103 : i32
      %get3A_121 = arith.index_cast %add3A_120 : i32 to index
      %get3A_122 = tpu.vector_load %arg28[%get3A_121] {strides = array<i32>} : memref<272xf32, #tpu.memory_space<vmem>>, vector<16xf32>,
      %get3A_123 = vector.shape_cast %get3A_122 : vector<16xf32> to vector<16xf32>
      %broadcast_in_dim3A_124 = vector.shape_cast %broadcast_in_dim3A_22 : vector<16xi32> to vector<16x1xi32>
      %gather3A_125 = vector.shape_cast %broadcast_in_dim3A_124 : vector<16x1xi32> to vector<16xi32>
      %gather3A_126 = tpu.dynamic_gather %get3A_123[%gather3A_125] in [0] : vector<16xf32>, vector<16xi32> -> vector<16xf32>
      %get3A_127 = arith.index_cast %add3A_103 : i32 to index
      %get3A_128 = arith.constant 0 : index
      %get3A_129 = tpu.vector_load %arg32[%get3A_127, %get3A_128] {strides = array<i32>} : memref<128x128xf32, #tpu.memory_space<vmem>>, vector<1x16xf32>,
      %get3A_130 = vector.shape_cast %get3A_129 : vector<1x16xf32> to vector<16xf32>
      %mul3A_131 = arith.mulf %gather3A_110, %get3A_130 : vector<16xf32>
      %get3A_132 = arith.index_cast %add3A_103 : i32 to index
      %get3A_133 = arith.constant 0 : index
      %get3A_134 = tpu.vector_load %arg33[%get3A_132, %get3A_133] {strides = array<i32>} : memref<128x128xf32, #tpu.memory_space<vmem>>, vector<1x16xf32>,
      %get3A_135 = vector.shape_cast %get3A_134 : vector<1x16xf32> to vector<16xf32>
      %mul3A_136 = arith.mulf %gather3A_118, %get3A_135 : vector<16xf32>
      %add3A_137 = arith.addf %mul3A_131, %mul3A_136 : vector<16xf32>
      %get3A_138 = arith.index_cast %add3A_103 : i32 to index
      %get3A_139 = arith.constant 0 : index
      %get3A_140 = tpu.vector_load %arg34[%get3A_138, %get3A_139] {strides = array<i32>} : memref<128x128xf32, #tpu.memory_space<vmem>>, vector<1x16xf32>,
      %get3A_141 = vector.shape_cast %get3A_140 : vector<1x16xf32> to vector<16xf32>
      %mul3A_142 = arith.mulf %gather3A_126, %get3A_141 : vector<16xf32>
      %add3A_143 = arith.addf %add3A_137, %mul3A_142 : vector<16xf32>
      %swap3A = arith.index_cast %add3A_103 : i32 to index
      %swap3A_144 = arith.constant 0 : index
      %swap3A_145 = tpu.vector_load %arg35[%swap3A, %swap3A_144] {strides = array<i32>} : memref<128x128xf32, #tpu.memory_space<vmem>>, vector<1x16xf32>,
      %swap3A_146 = vector.shape_cast %swap3A_145 : vector<1x16xf32> to vector<16xf32>
      %swap3A_147 = vector.shape_cast %add3A_143 : vector<16xf32> to vector<1x16xf32>
      tpu.vector_store %arg35[%swap3A, %swap3A_144], %swap3A_147 {strides = array<i32>} : memref<128x128xf32, #tpu.memory_space<vmem>>, vector<1x16xf32>,
      %get3A_148 = arith.index_cast %add3A_103 : i32 to index
      %get3A_149 = arith.constant 16 : index
      %get3A_150 = tpu.vector_load %arg32[%get3A_148, %get3A_149] {strides = array<i32>} : memref<128x128xf32, #tpu.memory_space<vmem>>, vector<1x16xf32>,
      %get3A_151 = vector.shape_cast %get3A_150 : vector<1x16xf32> to vector<16xf32>
      %mul3A_152 = arith.mulf %gather3A_110, %get3A_151 : vector<16xf32>
      %get3A_153 = arith.index_cast %add3A_103 : i32 to index
      %get3A_154 = arith.constant 16 : index
      %get3A_155 = tpu.vector_load %arg33[%get3A_153, %get3A_154] {strides = array<i32>} : memref<128x128xf32, #tpu.memory_space<vmem>>, vector<1x16xf32>,
      %get3A_156 = vector.shape_cast %get3A_155 : vector<1x16xf32> to vector<16xf32>
      %mul3A_157 = arith.mulf %gather3A_118, %get3A_156 : vector<16xf32>
      %add3A_158 = arith.addf %mul3A_152, %mul3A_157 : vector<16xf32>
      %get3A_159 = arith.index_cast %add3A_103 : i32 to index
      %get3A_160 = arith.constant 16 : index
      %get3A_161 = tpu.vector_load %arg34[%get3A_159, %get3A_160] {strides = array<i32>} : memref<128x128xf32, #tpu.memory_space<vmem>>, vector<1x16xf32>,
      %get3A_162 = vector.shape_cast %get3A_161 : vector<1x16xf32> to vector<16xf32>
      %mul3A_163 = arith.mulf %gather3A_126, %get3A_162 : vector<16xf32>
      %add3A_164 = arith.addf %add3A_158, %mul3A_163 : vector<16xf32>
      %swap3A_165 = arith.index_cast %add3A_103 : i32 to index
      %swap3A_166 = arith.constant 16 : index
      %swap3A_167 = tpu.vector_load %arg35[%swap3A_165, %swap3A_166] {strides = array<i32>} : memref<128x128xf32, #tpu.memory_space<vmem>>, vector<1x16xf32>,
      %swap3A_168 = vector.shape_cast %swap3A_167 : vector<1x16xf32> to vector<16xf32>
      %swap3A_169 = vector.shape_cast %add3A_164 : vector<16xf32> to vector<1x16xf32>
      tpu.vector_store %arg35[%swap3A_165, %swap3A_166], %swap3A_169 {strides = array<i32>} : memref<128x128xf32, #tpu.memory_space<vmem>>, vector<1x16xf32>,
      %get3A_170 = arith.index_cast %add3A_103 : i32 to index
      %get3A_171 = arith.constant 32 : index
      %get3A_172 = tpu.vector_load %arg32[%get3A_170, %get3A_171] {strides = array<i32>} : memref<128x128xf32, #tpu.memory_space<vmem>>, vector<1x16xf32>,
      %get3A_173 = vector.shape_cast %get3A_172 : vector<1x16xf32> to vector<16xf32>
      %mul3A_174 = arith.mulf %gather3A_110, %get3A_173 : vector<16xf32>
      %get3A_175 = arith.index_cast %add3A_103 : i32 to index
      %get3A_176 = arith.constant 32 : index
      %get3A_177 = tpu.vector_load %arg33[%get3A_175, %get3A_176] {strides = array<i32>} : memref<128x128xf32, #tpu.memory_space<vmem>>, vector<1x16xf32>,
      %get3A_178 = vector.shape_cast %get3A_177 : vector<1x16xf32> to vector<16xf32>
      %mul3A_179 = arith.mulf %gather3A_118, %get3A_178 : vector<16xf32>
      %add3A_180 = arith.addf %mul3A_174, %mul3A_179 : vector<16xf32>
      %get3A_181 = arith.index_cast %add3A_103 : i32 to index
      %get3A_182 = arith.constant 32 : index
      %get3A_183 = tpu.vector_load %arg34[%get3A_181, %get3A_182] {strides = array<i32>} : memref<128x128xf32, #tpu.memory_space<vmem>>, vector<1x16xf32>,
      %get3A_184 = vector.shape_cast %get3A_183 : vector<1x16xf32> to vector<16xf32>
      %mul3A_185 = arith.mulf %gather3A_126, %get3A_184 : vector<16xf32>
      %add3A_186 = arith.addf %add3A_180, %mul3A_185 : vector<16xf32>
      %swap3A_187 = arith.index_cast %add3A_103 : i32 to index
      %swap3A_188 = arith.constant 32 : index
      %swap3A_189 = tpu.vector_load %arg35[%swap3A_187, %swap3A_188] {strides = array<i32>} : memref<128x128xf32, #tpu.memory_space<vmem>>, vector<1x16xf32>,
      %swap3A_190 = vector.shape_cast %swap3A_189 : vector<1x16xf32> to vector<16xf32>
      %swap3A_191 = vector.shape_cast %add3A_186 : vector<16xf32> to vector<1x16xf32>
      tpu.vector_store %arg35[%swap3A_187, %swap3A_188], %swap3A_191 {strides = array<i32>} : memref<128x128xf32, #tpu.memory_space<vmem>>, vector<1x16xf32>,
      %get3A_192 = arith.index_cast %add3A_103 : i32 to index
      %get3A_193 = arith.constant 48 : index
      %get3A_194 = tpu.vector_load %arg32[%get3A_192, %get3A_193] {strides = array<i32>} : memref<128x128xf32, #tpu.memory_space<vmem>>, vector<1x16xf32>,
      %get3A_195 = vector.shape_cast %get3A_194 : vector<1x16xf32> to vector<16xf32>
      %mul3A_196 = arith.mulf %gather3A_110, %get3A_195 : vector<16xf32>
      %get3A_197 = arith.index_cast %add3A_103 : i32 to index
      %get3A_198 = arith.constant 48 : index
      %get3A_199 = tpu.vector_load %arg33[%get3A_197, %get3A_198] {strides = array<i32>} : memref<128x128xf32, #tpu.memory_space<vmem>>, vector<1x16xf32>,
      %get3A_200 = vector.shape_cast %get3A_199 : vector<1x16xf32> to vector<16xf32>
      %mul3A_201 = arith.mulf %gather3A_118, %get3A_200 : vector<16xf32>
      %add3A_202 = arith.addf %mul3A_196, %mul3A_201 : vector<16xf32>
      %get3A_203 = arith.index_cast %add3A_103 : i32 to index
      %get3A_204 = arith.constant 48 : index
      %get3A_205 = tpu.vector_load %arg34[%get3A_203, %get3A_204] {strides = array<i32>} : memref<128x128xf32, #tpu.memory_space<vmem>>, vector<1x16xf32>,
      %get3A_206 = vector.shape_cast %get3A_205 : vector<1x16xf32> to vector<16xf32>
      %mul3A_207 = arith.mulf %gather3A_126, %get3A_206 : vector<16xf32>
      %add3A_208 = arith.addf %add3A_202, %mul3A_207 : vector<16xf32>
      %swap3A_209 = arith.index_cast %add3A_103 : i32 to index
      %swap3A_210 = arith.constant 48 : index
      %swap3A_211 = tpu.vector_load %arg35[%swap3A_209, %swap3A_210] {strides = array<i32>} : memref<128x128xf32, #tpu.memory_space<vmem>>, vector<1x16xf32>,
      %swap3A_212 = vector.shape_cast %swap3A_211 : vector<1x16xf32> to vector<16xf32>
      %swap3A_213 = vector.shape_cast %add3A_208 : vector<16xf32> to vector<1x16xf32>
      tpu.vector_store %arg35[%swap3A_209, %swap3A_210], %swap3A_213 {strides = array<i32>} : memref<128x128xf32, #tpu.memory_space<vmem>>, vector<1x16xf32>,
      %get3A_214 = arith.index_cast %add3A_103 : i32 to index
      %get3A_215 = arith.constant 64 : index
      %get3A_216 = tpu.vector_load %arg32[%get3A_214, %get3A_215] {strides = array<i32>} : memref<128x128xf32, #tpu.memory_space<vmem>>, vector<1x16xf32>,
      %get3A_217 = vector.shape_cast %get3A_216 : vector<1x16xf32> to vector<16xf32>
      %mul3A_218 = arith.mulf %gather3A_110, %get3A_217 : vector<16xf32>
      %get3A_219 = arith.index_cast %add3A_103 : i32 to index
      %get3A_220 = arith.constant 64 : index
      %get3A_221 = tpu.vector_load %arg33[%get3A_219, %get3A_220] {strides = array<i32>} : memref<128x128xf32, #tpu.memory_space<vmem>>, vector<1x16xf32>,
      %get3A_222 = vector.shape_cast %get3A_221 : vector<1x16xf32> to vector<16xf32>
      %mul3A_223 = arith.mulf %gather3A_118, %get3A_222 : vector<16xf32>
      %add3A_224 = arith.addf %mul3A_218, %mul3A_223 : vector<16xf32>
      %get3A_225 = arith.index_cast %add3A_103 : i32 to index
      %get3A_226 = arith.constant 64 : index
      %get3A_227 = tpu.vector_load %arg34[%get3A_225, %get3A_226] {strides = array<i32>} : memref<128x128xf32, #tpu.memory_space<vmem>>, vector<1x16xf32>,
      %get3A_228 = vector.shape_cast %get3A_227 : vector<1x16xf32> to vector<16xf32>
      %mul3A_229 = arith.mulf %gather3A_126, %get3A_228 : vector<16xf32>
      %add3A_230 = arith.addf %add3A_224, %mul3A_229 : vector<16xf32>
      %swap3A_231 = arith.index_cast %add3A_103 : i32 to index
      %swap3A_232 = arith.constant 64 : index
      %swap3A_233 = tpu.vector_load %arg35[%swap3A_231, %swap3A_232] {strides = array<i32>} : memref<128x128xf32, #tpu.memory_space<vmem>>, vector<1x16xf32>,
      %swap3A_234 = vector.shape_cast %swap3A_233 : vector<1x16xf32> to vector<16xf32>
      %swap3A_235 = vector.shape_cast %add3A_230 : vector<16xf32> to vector<1x16xf32>
      tpu.vector_store %arg35[%swap3A_231, %swap3A_232], %swap3A_235 {strides = array<i32>} : memref<128x128xf32, #tpu.memory_space<vmem>>, vector<1x16xf32>,
      %get3A_236 = arith.index_cast %add3A_103 : i32 to index
      %get3A_237 = arith.constant 80 : index
      %get3A_238 = tpu.vector_load %arg32[%get3A_236, %get3A_237] {strides = array<i32>} : memref<128x128xf32, #tpu.memory_space<vmem>>, vector<1x16xf32>,
      %get3A_239 = vector.shape_cast %get3A_238 : vector<1x16xf32> to vector<16xf32>
      %mul3A_240 = arith.mulf %gather3A_110, %get3A_239 : vector<16xf32>
      %get3A_241 = arith.index_cast %add3A_103 : i32 to index
      %get3A_242 = arith.constant 80 : index
      %get3A_243 = tpu.vector_load %arg33[%get3A_241, %get3A_242] {strides = array<i32>} : memref<128x128xf32, #tpu.memory_space<vmem>>, vector<1x16xf32>,
      %get3A_244 = vector.shape_cast %get3A_243 : vector<1x16xf32> to vector<16xf32>
      %mul3A_245 = arith.mulf %gather3A_118, %get3A_244 : vector<16xf32>
      %add3A_246 = arith.addf %mul3A_240, %mul3A_245 : vector<16xf32>
      %get3A_247 = arith.index_cast %add3A_103 : i32 to index
      %get3A_248 = arith.constant 80 : index
      %get3A_249 = tpu.vector_load %arg34[%get3A_247, %get3A_248] {strides = array<i32>} : memref<128x128xf32, #tpu.memory_space<vmem>>, vector<1x16xf32>,
      %get3A_250 = vector.shape_cast %get3A_249 : vector<1x16xf32> to vector<16xf32>
      %mul3A_251 = arith.mulf %gather3A_126, %get3A_250 : vector<16xf32>
      %add3A_252 = arith.addf %add3A_246, %mul3A_251 : vector<16xf32>
      %swap3A_253 = arith.index_cast %add3A_103 : i32 to index
      %swap3A_254 = arith.constant 80 : index
      %swap3A_255 = tpu.vector_load %arg35[%swap3A_253, %swap3A_254] {strides = array<i32>} : memref<128x128xf32, #tpu.memory_space<vmem>>, vector<1x16xf32>,
      %swap3A_256 = vector.shape_cast %swap3A_255 : vector<1x16xf32> to vector<16xf32>
      %swap3A_257 = vector.shape_cast %add3A_252 : vector<16xf32> to vector<1x16xf32>
      tpu.vector_store %arg35[%swap3A_253, %swap3A_254], %swap3A_257 {strides = array<i32>} : memref<128x128xf32, #tpu.memory_space<vmem>>, vector<1x16xf32>,
      %get3A_258 = arith.index_cast %add3A_103 : i32 to index
      %get3A_259 = arith.constant 96 : index
      %get3A_260 = tpu.vector_load %arg32[%get3A_258, %get3A_259] {strides = array<i32>} : memref<128x128xf32, #tpu.memory_space<vmem>>, vector<1x16xf32>,
      %get3A_261 = vector.shape_cast %get3A_260 : vector<1x16xf32> to vector<16xf32>
      %mul3A_262 = arith.mulf %gather3A_110, %get3A_261 : vector<16xf32>
      %get3A_263 = arith.index_cast %add3A_103 : i32 to index
      %get3A_264 = arith.constant 96 : index
      %get3A_265 = tpu.vector_load %arg33[%get3A_263, %get3A_264] {strides = array<i32>} : memref<128x128xf32, #tpu.memory_space<vmem>>, vector<1x16xf32>,
      %get3A_266 = vector.shape_cast %get3A_265 : vector<1x16xf32> to vector<16xf32>
      %mul3A_267 = arith.mulf %gather3A_118, %get3A_266 : vector<16xf32>
      %add3A_268 = arith.addf %mul3A_262, %mul3A_267 : vector<16xf32>
      %get3A_269 = arith.index_cast %add3A_103 : i32 to index
      %get3A_270 = arith.constant 96 : index
      %get3A_271 = tpu.vector_load %arg34[%get3A_269, %get3A_270] {strides = array<i32>} : memref<128x128xf32, #tpu.memory_space<vmem>>, vector<1x16xf32>,
      %get3A_272 = vector.shape_cast %get3A_271 : vector<1x16xf32> to vector<16xf32>
      %mul3A_273 = arith.mulf %gather3A_126, %get3A_272 : vector<16xf32>
      %add3A_274 = arith.addf %add3A_268, %mul3A_273 : vector<16xf32>
      %swap3A_275 = arith.index_cast %add3A_103 : i32 to index
      %swap3A_276 = arith.constant 96 : index
      %swap3A_277 = tpu.vector_load %arg35[%swap3A_275, %swap3A_276] {strides = array<i32>} : memref<128x128xf32, #tpu.memory_space<vmem>>, vector<1x16xf32>,
      %swap3A_278 = vector.shape_cast %swap3A_277 : vector<1x16xf32> to vector<16xf32>
      %swap3A_279 = vector.shape_cast %add3A_274 : vector<16xf32> to vector<1x16xf32>
      tpu.vector_store %arg35[%swap3A_275, %swap3A_276], %swap3A_279 {strides = array<i32>} : memref<128x128xf32, #tpu.memory_space<vmem>>, vector<1x16xf32>,
      %get3A_280 = arith.index_cast %add3A_103 : i32 to index
      %get3A_281 = arith.constant 112 : index
      %get3A_282 = tpu.vector_load %arg32[%get3A_280, %get3A_281] {strides = array<i32>} : memref<128x128xf32, #tpu.memory_space<vmem>>, vector<1x16xf32>,
      %get3A_283 = vector.shape_cast %get3A_282 : vector<1x16xf32> to vector<16xf32>
      %mul3A_284 = arith.mulf %gather3A_110, %get3A_283 : vector<16xf32>
      %get3A_285 = arith.index_cast %add3A_103 : i32 to index
      %get3A_286 = arith.constant 112 : index
      %get3A_287 = tpu.vector_load %arg33[%get3A_285, %get3A_286] {strides = array<i32>} : memref<128x128xf32, #tpu.memory_space<vmem>>, vector<1x16xf32>,
      %get3A_288 = vector.shape_cast %get3A_287 : vector<1x16xf32> to vector<16xf32>
      %mul3A_289 = arith.mulf %gather3A_118, %get3A_288 : vector<16xf32>
      %add3A_290 = arith.addf %mul3A_284, %mul3A_289 : vector<16xf32>
      %get3A_291 = arith.index_cast %add3A_103 : i32 to index
      %get3A_292 = arith.constant 112 : index
      %get3A_293 = tpu.vector_load %arg34[%get3A_291, %get3A_292] {strides = array<i32>} : memref<128x128xf32, #tpu.memory_space<vmem>>, vector<1x16xf32>,
      %get3A_294 = vector.shape_cast %get3A_293 : vector<1x16xf32> to vector<16xf32>
      %mul3A_295 = arith.mulf %gather3A_126, %get3A_294 : vector<16xf32>
      %add3A_296 = arith.addf %add3A_290, %mul3A_295 : vector<16xf32>
      %swap3A_297 = arith.index_cast %add3A_103 : i32 to index
      %swap3A_298 = arith.constant 112 : index
      %swap3A_299 = tpu.vector_load %arg35[%swap3A_297, %swap3A_298] {strides = array<i32>} : memref<128x128xf32, #tpu.memory_space<vmem>>, vector<1x16xf32>,
      %swap3A_300 = vector.shape_cast %swap3A_299 : vector<1x16xf32> to vector<16xf32>
      %swap3A_301 = vector.shape_cast %add3A_296 : vector<16xf32> to vector<1x16xf32>
      tpu.vector_store %arg35[%swap3A_297, %swap3A_298], %swap3A_301 {strides = array<i32>} : memref<128x128xf32, #tpu.memory_space<vmem>>, vector<1x16xf32>,
    }
    %scan3A_94 = arith.constant 128 : i32
    %mul3A_95 = arith.constant 256 : i32
    %mul3A_96 = arith.muli %add3A, %mul3A_95 : i32
    %add3A_97 = arith.constant 128 : i32
    %add3A_98 = arith.addi %mul3A_96, %add3A_97 : i32
    "tpu.region"() ({
      %run_scoped3A = tpu.sem_alloc : memref<!tpu.dma_semaphore, #tpu.memory_space<semaphore_mem>>
      %dma_start3A_99 = arith.constant 0 : i32
      %dma_start3A_100 = tpu.memref_slice %arg14[%add3A_98, %dma_start3A_99] : memref<8192x128xf32, #tpu.memory_space<hbm>> -> memref<128x128xf32, #tpu.memory_space<hbm>>
      %dma_start3A_101 = arith.constant 0 : i32
      %dma_start3A_102 = tpu.memref_slice %arg14[%add3A_98, %dma_start3A_101] : memref<8192x128xf32, #tpu.memory_space<hbm>> -> memref<128x128xf32, #tpu.memory_space<hbm>>
      tpu.enqueue_dma source(%arg35 : memref<128x128xf32, #tpu.memory_space<vmem>>) target(%dma_start3A_102 : memref<128x128xf32, #tpu.memory_space<hbm>>) target_semaphore(%run_scoped3A : memref<!tpu.dma_semaphore, #tpu.memory_space<semaphore_mem>>)
      %dma_wait3A_103 = arith.constant 0 : i32
      %dma_wait3A_104 = tpu.memref_slice %arg14[%add3A_98, %dma_wait3A_103] : memref<8192x128xf32, #tpu.memory_space<hbm>> -> memref<128x128xf32, #tpu.memory_space<hbm>>
      %dma_wait3A_105 = arith.constant 0 : i32
      %dma_wait3A_106 = tpu.memref_slice %arg14[%add3A_98, %dma_wait3A_105] : memref<8192x128xf32, #tpu.memory_space<hbm>> -> memref<128x128xf32, #tpu.memory_space<hbm>>
      tpu.wait_dma2 semaphore(%run_scoped3A : memref<!tpu.dma_semaphore, #tpu.memory_space<semaphore_mem>>) src(%arg35 : memref<128x128xf32, #tpu.memory_space<vmem>>) dst(%dma_wait3A_106 : memref<128x128xf32, #tpu.memory_space<hbm>>)
      tpu.yield
    }) : () -> ()
    return
  }
}

module attributes {stable_mosaic.version = 14 : i64} {
  func.func @_tc_mlp_body(%arg0: i32, %arg1: memref<2048x128xf32, #tpu.memory_space<vmem>>, %arg2: memref<2048x64xf32, #tpu.memory_space<vmem>>, %arg3: memref<8x512xf32, #tpu.memory_space<vmem>>, %arg4: memref<128x128xf32, #tpu.memory_space<vmem>>, %arg5: memref<64x128xf32, #tpu.memory_space<vmem>>, %arg6: memref<1x128xf32, #tpu.memory_space<vmem>>, %arg7: memref<128x128xf32, #tpu.memory_space<vmem>>, %arg8: memref<1x128xf32, #tpu.memory_space<vmem>>, %arg9: memref<512x128xf32, #tpu.memory_space<vmem>>, %arg10: memref<1x128xf32, #tpu.memory_space<vmem>>, %arg11: memref<2048x128xf32, #tpu.memory_space<vmem>>) attributes {dimension_semantics = [#tpu.dimension_semantics<arbitrary>], iteration_bounds = array<i64: 4>, scalar_prefetch = 0 : i64, scratch_operands = 0 : i64, tpu.core_type = #tpu.core_type<tc>, window_params = [{transform_indices = @transform_0, window_bounds = array<i64: 2048, 128>}, {transform_indices = @transform_1, window_bounds = array<i64: 2048, 64>}, {pipeline_mode = #tpu.pipeline_mode<synchronous>, transform_indices = @transform_2, window_bounds = array<i64: 8, 512>}, {pipeline_mode = #tpu.pipeline_mode<synchronous>, transform_indices = @transform_3, window_bounds = array<i64: 128, 128>}, {pipeline_mode = #tpu.pipeline_mode<synchronous>, transform_indices = @transform_4, window_bounds = array<i64: 64, 128>}, {pipeline_mode = #tpu.pipeline_mode<synchronous>, transform_indices = @transform_5, window_bounds = array<i64: 1, 128>}, {pipeline_mode = #tpu.pipeline_mode<synchronous>, transform_indices = @transform_6, window_bounds = array<i64: 128, 128>}, {pipeline_mode = #tpu.pipeline_mode<synchronous>, transform_indices = @transform_7, window_bounds = array<i64: 1, 128>}, {pipeline_mode = #tpu.pipeline_mode<synchronous>, transform_indices = @transform_8, window_bounds = array<i64: 512, 128>}, {pipeline_mode = #tpu.pipeline_mode<synchronous>, transform_indices = @transform_9, window_bounds = array<i64: 1, 128>}, {transform_indices = @transform_10, window_bounds = array<i64: 2048, 128>}]} {
    %add3A = arith.constant 0 : i32
    %add3A_0 = arith.addi %arg0, %add3A : i32
    %get3A = arith.index_cast %add3A_0 : i32 to index
    %get3A_1 = arith.constant 0 : index
    %get3A_2 = vector.load %arg3[%get3A, %get3A_1] : memref<8x512xf32, #tpu.memory_space<vmem>>, vector<1x512xf32>
    %get3A_3 = arith.constant 0 : index
    %get3A_4 = arith.constant 0 : index
    %get3A_5 = vector.load %arg9[%get3A_3, %get3A_4] : memref<512x128xf32, #tpu.memory_space<vmem>>, vector<512x128xf32>
    %dot_general3A = arith.constant dense<0.000000e+00> : vector<1x128xf32>
    %dot_general3A_6 = tpu.matmul %get3A_2, %get3A_5, %dot_general3A {dimension_numbers = #tpu.dot_dimension_numbers<[1], [0], [0], [1], [0, 0, 1, 1], [], []>, transpose_lhs_hint = false} : vector<1x512xf32>, vector<512x128xf32>, vector<1x128xf32> -> vector<1x128xf32>
    %get3A_7 = arith.constant 0 : index
    %get3A_8 = arith.constant 0 : index
    %get3A_9 = vector.load %arg10[%get3A_7, %get3A_8] : memref<1x128xf32, #tpu.memory_space<vmem>>, vector<1x128xf32>
    %add3A_10 = arith.addf %dot_general3A_6, %get3A_9 : vector<1x128xf32>
    %max3A = arith.constant 0.000000e+00 : f32
    %max3A_11 = vector.broadcast %max3A : f32 to vector<1x128xf32>
    %max3A_12 = arith.maximumf %add3A_10, %max3A_11 : vector<1x128xf32>
    %get3A_13 = arith.constant 0 : index
    %get3A_14 = arith.constant 0 : index
    %get3A_15 = vector.load %arg1[%get3A_13, %get3A_14] : memref<2048x128xf32, #tpu.memory_space<vmem>>, vector<2048x128xf32>
    %get3A_16 = arith.constant 0 : index
    %get3A_17 = arith.constant 0 : index
    %get3A_18 = vector.load %arg4[%get3A_16, %get3A_17] : memref<128x128xf32, #tpu.memory_space<vmem>>, vector<128x128xf32>
    %dot_general3A_19 = arith.constant dense<0.000000e+00> : vector<2048x128xf32>
    %dot_general3A_20 = tpu.matmul %get3A_15, %get3A_18, %dot_general3A_19 {dimension_numbers = #tpu.dot_dimension_numbers<[1], [0], [0], [1], [0, 0, 1, 1], [], []>, transpose_lhs_hint = false} : vector<2048x128xf32>, vector<128x128xf32>, vector<2048x128xf32> -> vector<2048x128xf32>
    %get3A_21 = arith.constant 0 : index
    %get3A_22 = arith.constant 0 : index
    %get3A_23 = vector.load %arg2[%get3A_21, %get3A_22] : memref<2048x64xf32, #tpu.memory_space<vmem>>, vector<2048x64xf32>
    %get3A_24 = arith.constant 0 : index
    %get3A_25 = arith.constant 0 : index
    %get3A_26 = vector.load %arg5[%get3A_24, %get3A_25] : memref<64x128xf32, #tpu.memory_space<vmem>>, vector<64x128xf32>
    %dot_general3A_27 = arith.constant dense<0.000000e+00> : vector<2048x128xf32>
    %dot_general3A_28 = tpu.matmul %get3A_23, %get3A_26, %dot_general3A_27 {dimension_numbers = #tpu.dot_dimension_numbers<[1], [0], [0], [1], [0, 0, 1, 1], [], []>, transpose_lhs_hint = false} : vector<2048x64xf32>, vector<64x128xf32>, vector<2048x128xf32> -> vector<2048x128xf32>
    %add3A_29 = arith.addf %dot_general3A_20, %dot_general3A_28 : vector<2048x128xf32>
    %get3A_30 = arith.constant 0 : index
    %get3A_31 = arith.constant 0 : index
    %get3A_32 = vector.load %arg6[%get3A_30, %get3A_31] : memref<1x128xf32, #tpu.memory_space<vmem>>, vector<1x128xf32>
    %add3A_33 = vector.broadcast %get3A_32 : vector<1x128xf32> to vector<2048x128xf32>
    %add3A_34 = arith.addf %add3A_29, %add3A_33 : vector<2048x128xf32>
    %max3A_35 = arith.constant 0.000000e+00 : f32
    %max3A_36 = vector.broadcast %max3A_35 : f32 to vector<2048x128xf32>
    %max3A_37 = arith.maximumf %add3A_34, %max3A_36 : vector<2048x128xf32>
    %get3A_38 = arith.constant 0 : index
    %get3A_39 = arith.constant 0 : index
    %get3A_40 = vector.load %arg7[%get3A_38, %get3A_39] : memref<128x128xf32, #tpu.memory_space<vmem>>, vector<128x128xf32>
    %dot_general3A_41 = arith.constant dense<0.000000e+00> : vector<2048x128xf32>
    %dot_general3A_42 = tpu.matmul %max3A_37, %get3A_40, %dot_general3A_41 {dimension_numbers = #tpu.dot_dimension_numbers<[1], [0], [0], [1], [0, 0, 1, 1], [], []>, transpose_lhs_hint = false} : vector<2048x128xf32>, vector<128x128xf32>, vector<2048x128xf32> -> vector<2048x128xf32>
    %get3A_43 = arith.constant 0 : index
    %get3A_44 = arith.constant 0 : index
    %get3A_45 = vector.load %arg8[%get3A_43, %get3A_44] : memref<1x128xf32, #tpu.memory_space<vmem>>, vector<1x128xf32>
    %add3A_46 = vector.broadcast %get3A_45 : vector<1x128xf32> to vector<2048x128xf32>
    %add3A_47 = arith.addf %dot_general3A_42, %add3A_46 : vector<2048x128xf32>
    %mul3A = vector.broadcast %max3A_12 : vector<1x128xf32> to vector<2048x128xf32>
    %mul3A_48 = arith.mulf %add3A_47, %mul3A : vector<2048x128xf32>
    %swap3A = arith.constant 0 : index
    %swap3A_49 = arith.constant 0 : index
    %swap3A_50 = vector.load %arg11[%swap3A, %swap3A_49] : memref<2048x128xf32, #tpu.memory_space<vmem>>, vector<2048x128xf32>
    tpu.vector_store %arg11[%swap3A, %swap3A_49], %mul3A_48 {strides = array<i32>} : memref<2048x128xf32, #tpu.memory_space<vmem>>, vector<2048x128xf32>,
    return
  }
  func.func @transform_0(%arg0: i32) -> (i32, i32) {
    %c0_i32 = arith.constant 0 : i32
    %c0_i32_0 = arith.constant 0 : i32
    return %arg0, %c0_i32 : i32, i32
  }
  func.func @transform_1(%arg0: i32) -> (i32, i32) {
    %c0_i32 = arith.constant 0 : i32
    %c0_i32_0 = arith.constant 0 : i32
    return %arg0, %c0_i32 : i32, i32
  }
  func.func @transform_2(%arg0: i32) -> (i32, i32) {
    %c0_i32 = arith.constant 0 : i32
    %c0_i32_0 = arith.constant 0 : i32
    %c0_i32_1 = arith.constant 0 : i32
    return %c0_i32, %c0_i32_0 : i32, i32
  }
  func.func @transform_3(%arg0: i32) -> (i32, i32) {
    %c0_i32 = arith.constant 0 : i32
    %c0_i32_0 = arith.constant 0 : i32
    %c0_i32_1 = arith.constant 0 : i32
    return %c0_i32, %c0_i32_0 : i32, i32
  }
  func.func @transform_4(%arg0: i32) -> (i32, i32) {
    %c0_i32 = arith.constant 0 : i32
    %c0_i32_0 = arith.constant 0 : i32
    %c0_i32_1 = arith.constant 0 : i32
    return %c0_i32, %c0_i32_0 : i32, i32
  }
  func.func @transform_5(%arg0: i32) -> (i32, i32) {
    %c0_i32 = arith.constant 0 : i32
    %c0_i32_0 = arith.constant 0 : i32
    %c0_i32_1 = arith.constant 0 : i32
    return %c0_i32, %c0_i32_0 : i32, i32
  }
  func.func @transform_6(%arg0: i32) -> (i32, i32) {
    %c0_i32 = arith.constant 0 : i32
    %c0_i32_0 = arith.constant 0 : i32
    %c0_i32_1 = arith.constant 0 : i32
    return %c0_i32, %c0_i32_0 : i32, i32
  }
  func.func @transform_7(%arg0: i32) -> (i32, i32) {
    %c0_i32 = arith.constant 0 : i32
    %c0_i32_0 = arith.constant 0 : i32
    %c0_i32_1 = arith.constant 0 : i32
    return %c0_i32, %c0_i32_0 : i32, i32
  }
  func.func @transform_8(%arg0: i32) -> (i32, i32) {
    %c0_i32 = arith.constant 0 : i32
    %c0_i32_0 = arith.constant 0 : i32
    %c0_i32_1 = arith.constant 0 : i32
    return %c0_i32, %c0_i32_0 : i32, i32
  }
  func.func @transform_9(%arg0: i32) -> (i32, i32) {
    %c0_i32 = arith.constant 0 : i32
    %c0_i32_0 = arith.constant 0 : i32
    %c0_i32_1 = arith.constant 0 : i32
    return %c0_i32, %c0_i32_0 : i32, i32
  }
  func.func @transform_10(%arg0: i32) -> (i32, i32) {
    %c0_i32 = arith.constant 0 : i32
    %c0_i32_0 = arith.constant 0 : i32
    return %arg0, %c0_i32 : i32, i32
  }
}

module attributes {stable_mosaic.version = 14 : i64} {
  func.func @_tc_mlp_body(%arg0: i32, %arg1: memref<2048x128xf32, #tpu.memory_space<vmem>>, %arg2: memref<2048x64xf32, #tpu.memory_space<vmem>>, %arg3: memref<8x512xf32, #tpu.memory_space<vmem>>, %arg4: memref<128x128xf32, #tpu.memory_space<vmem>>, %arg5: memref<64x128xf32, #tpu.memory_space<vmem>>, %arg6: memref<1x128xf32, #tpu.memory_space<vmem>>, %arg7: memref<128x128xf32, #tpu.memory_space<vmem>>, %arg8: memref<1x128xf32, #tpu.memory_space<vmem>>, %arg9: memref<512x128xf32, #tpu.memory_space<vmem>>, %arg10: memref<1x128xf32, #tpu.memory_space<vmem>>, %arg11: memref<2048x128xf32, #tpu.memory_space<vmem>>) attributes {dimension_semantics = [#tpu.dimension_semantics<arbitrary>], iteration_bounds = array<i64: 4>, scalar_prefetch = 0 : i64, scratch_operands = 0 : i64, tpu.core_type = #tpu.core_type<tc>, window_params = [{transform_indices = @transform_0, window_bounds = array<i64: 2048, 128>}, {transform_indices = @transform_1, window_bounds = array<i64: 2048, 64>}, {pipeline_mode = #tpu.pipeline_mode<synchronous>, transform_indices = @transform_2, window_bounds = array<i64: 8, 512>}, {pipeline_mode = #tpu.pipeline_mode<synchronous>, transform_indices = @transform_3, window_bounds = array<i64: 128, 128>}, {pipeline_mode = #tpu.pipeline_mode<synchronous>, transform_indices = @transform_4, window_bounds = array<i64: 64, 128>}, {pipeline_mode = #tpu.pipeline_mode<synchronous>, transform_indices = @transform_5, window_bounds = array<i64: 1, 128>}, {pipeline_mode = #tpu.pipeline_mode<synchronous>, transform_indices = @transform_6, window_bounds = array<i64: 128, 128>}, {pipeline_mode = #tpu.pipeline_mode<synchronous>, transform_indices = @transform_7, window_bounds = array<i64: 1, 128>}, {pipeline_mode = #tpu.pipeline_mode<synchronous>, transform_indices = @transform_8, window_bounds = array<i64: 512, 128>}, {pipeline_mode = #tpu.pipeline_mode<synchronous>, transform_indices = @transform_9, window_bounds = array<i64: 1, 128>}, {transform_indices = @transform_10, window_bounds = array<i64: 2048, 128>}]} {
    %add3A = arith.constant 4 : i32
    %add3A_0 = arith.addi %arg0, %add3A : i32
    %get3A = arith.index_cast %add3A_0 : i32 to index
    %get3A_1 = arith.constant 0 : index
    %get3A_2 = vector.load %arg3[%get3A, %get3A_1] : memref<8x512xf32, #tpu.memory_space<vmem>>, vector<1x512xf32>
    %get3A_3 = arith.constant 0 : index
    %get3A_4 = arith.constant 0 : index
    %get3A_5 = vector.load %arg9[%get3A_3, %get3A_4] : memref<512x128xf32, #tpu.memory_space<vmem>>, vector<512x128xf32>
    %dot_general3A = arith.constant dense<0.000000e+00> : vector<1x128xf32>
    %dot_general3A_6 = tpu.matmul %get3A_2, %get3A_5, %dot_general3A {dimension_numbers = #tpu.dot_dimension_numbers<[1], [0], [0], [1], [0, 0, 1, 1], [], []>, transpose_lhs_hint = false} : vector<1x512xf32>, vector<512x128xf32>, vector<1x128xf32> -> vector<1x128xf32>
    %get3A_7 = arith.constant 0 : index
    %get3A_8 = arith.constant 0 : index
    %get3A_9 = vector.load %arg10[%get3A_7, %get3A_8] : memref<1x128xf32, #tpu.memory_space<vmem>>, vector<1x128xf32>
    %add3A_10 = arith.addf %dot_general3A_6, %get3A_9 : vector<1x128xf32>
    %max3A = arith.constant 0.000000e+00 : f32
    %max3A_11 = vector.broadcast %max3A : f32 to vector<1x128xf32>
    %max3A_12 = arith.maximumf %add3A_10, %max3A_11 : vector<1x128xf32>
    %get3A_13 = arith.constant 0 : index
    %get3A_14 = arith.constant 0 : index
    %get3A_15 = vector.load %arg1[%get3A_13, %get3A_14] : memref<2048x128xf32, #tpu.memory_space<vmem>>, vector<2048x128xf32>
    %get3A_16 = arith.constant 0 : index
    %get3A_17 = arith.constant 0 : index
    %get3A_18 = vector.load %arg4[%get3A_16, %get3A_17] : memref<128x128xf32, #tpu.memory_space<vmem>>, vector<128x128xf32>
    %dot_general3A_19 = arith.constant dense<0.000000e+00> : vector<2048x128xf32>
    %dot_general3A_20 = tpu.matmul %get3A_15, %get3A_18, %dot_general3A_19 {dimension_numbers = #tpu.dot_dimension_numbers<[1], [0], [0], [1], [0, 0, 1, 1], [], []>, transpose_lhs_hint = false} : vector<2048x128xf32>, vector<128x128xf32>, vector<2048x128xf32> -> vector<2048x128xf32>
    %get3A_21 = arith.constant 0 : index
    %get3A_22 = arith.constant 0 : index
    %get3A_23 = vector.load %arg2[%get3A_21, %get3A_22] : memref<2048x64xf32, #tpu.memory_space<vmem>>, vector<2048x64xf32>
    %get3A_24 = arith.constant 0 : index
    %get3A_25 = arith.constant 0 : index
    %get3A_26 = vector.load %arg5[%get3A_24, %get3A_25] : memref<64x128xf32, #tpu.memory_space<vmem>>, vector<64x128xf32>
    %dot_general3A_27 = arith.constant dense<0.000000e+00> : vector<2048x128xf32>
    %dot_general3A_28 = tpu.matmul %get3A_23, %get3A_26, %dot_general3A_27 {dimension_numbers = #tpu.dot_dimension_numbers<[1], [0], [0], [1], [0, 0, 1, 1], [], []>, transpose_lhs_hint = false} : vector<2048x64xf32>, vector<64x128xf32>, vector<2048x128xf32> -> vector<2048x128xf32>
    %add3A_29 = arith.addf %dot_general3A_20, %dot_general3A_28 : vector<2048x128xf32>
    %get3A_30 = arith.constant 0 : index
    %get3A_31 = arith.constant 0 : index
    %get3A_32 = vector.load %arg6[%get3A_30, %get3A_31] : memref<1x128xf32, #tpu.memory_space<vmem>>, vector<1x128xf32>
    %add3A_33 = vector.broadcast %get3A_32 : vector<1x128xf32> to vector<2048x128xf32>
    %add3A_34 = arith.addf %add3A_29, %add3A_33 : vector<2048x128xf32>
    %max3A_35 = arith.constant 0.000000e+00 : f32
    %max3A_36 = vector.broadcast %max3A_35 : f32 to vector<2048x128xf32>
    %max3A_37 = arith.maximumf %add3A_34, %max3A_36 : vector<2048x128xf32>
    %get3A_38 = arith.constant 0 : index
    %get3A_39 = arith.constant 0 : index
    %get3A_40 = vector.load %arg7[%get3A_38, %get3A_39] : memref<128x128xf32, #tpu.memory_space<vmem>>, vector<128x128xf32>
    %dot_general3A_41 = arith.constant dense<0.000000e+00> : vector<2048x128xf32>
    %dot_general3A_42 = tpu.matmul %max3A_37, %get3A_40, %dot_general3A_41 {dimension_numbers = #tpu.dot_dimension_numbers<[1], [0], [0], [1], [0, 0, 1, 1], [], []>, transpose_lhs_hint = false} : vector<2048x128xf32>, vector<128x128xf32>, vector<2048x128xf32> -> vector<2048x128xf32>
    %get3A_43 = arith.constant 0 : index
    %get3A_44 = arith.constant 0 : index
    %get3A_45 = vector.load %arg8[%get3A_43, %get3A_44] : memref<1x128xf32, #tpu.memory_space<vmem>>, vector<1x128xf32>
    %add3A_46 = vector.broadcast %get3A_45 : vector<1x128xf32> to vector<2048x128xf32>
    %add3A_47 = arith.addf %dot_general3A_42, %add3A_46 : vector<2048x128xf32>
    %mul3A = vector.broadcast %max3A_12 : vector<1x128xf32> to vector<2048x128xf32>
    %mul3A_48 = arith.mulf %add3A_47, %mul3A : vector<2048x128xf32>
    %swap3A = arith.constant 0 : index
    %swap3A_49 = arith.constant 0 : index
    %swap3A_50 = vector.load %arg11[%swap3A, %swap3A_49] : memref<2048x128xf32, #tpu.memory_space<vmem>>, vector<2048x128xf32>
    tpu.vector_store %arg11[%swap3A, %swap3A_49], %mul3A_48 {strides = array<i32>} : memref<2048x128xf32, #tpu.memory_space<vmem>>, vector<2048x128xf32>,
    return
  }
  func.func @transform_0(%arg0: i32) -> (i32, i32) {
    %c0_i32 = arith.constant 0 : i32
    %c0_i32_0 = arith.constant 0 : i32
    return %arg0, %c0_i32 : i32, i32
  }
  func.func @transform_1(%arg0: i32) -> (i32, i32) {
    %c0_i32 = arith.constant 0 : i32
    %c0_i32_0 = arith.constant 0 : i32
    return %arg0, %c0_i32 : i32, i32
  }
  func.func @transform_2(%arg0: i32) -> (i32, i32) {
    %c0_i32 = arith.constant 0 : i32
    %c0_i32_0 = arith.constant 0 : i32
    %c0_i32_1 = arith.constant 0 : i32
    return %c0_i32, %c0_i32_0 : i32, i32
  }
  func.func @transform_3(%arg0: i32) -> (i32, i32) {
    %c0_i32 = arith.constant 0 : i32
    %c0_i32_0 = arith.constant 0 : i32
    %c0_i32_1 = arith.constant 0 : i32
    return %c0_i32, %c0_i32_0 : i32, i32
  }
  func.func @transform_4(%arg0: i32) -> (i32, i32) {
    %c0_i32 = arith.constant 0 : i32
    %c0_i32_0 = arith.constant 0 : i32
    %c0_i32_1 = arith.constant 0 : i32
    return %c0_i32, %c0_i32_0 : i32, i32
  }
  func.func @transform_5(%arg0: i32) -> (i32, i32) {
    %c0_i32 = arith.constant 0 : i32
    %c0_i32_0 = arith.constant 0 : i32
    %c0_i32_1 = arith.constant 0 : i32
    return %c0_i32, %c0_i32_0 : i32, i32
  }
  func.func @transform_6(%arg0: i32) -> (i32, i32) {
    %c0_i32 = arith.constant 0 : i32
    %c0_i32_0 = arith.constant 0 : i32
    %c0_i32_1 = arith.constant 0 : i32
    return %c0_i32, %c0_i32_0 : i32, i32
  }
  func.func @transform_7(%arg0: i32) -> (i32, i32) {
    %c0_i32 = arith.constant 0 : i32
    %c0_i32_0 = arith.constant 0 : i32
    %c0_i32_1 = arith.constant 0 : i32
    return %c0_i32, %c0_i32_0 : i32, i32
  }
  func.func @transform_8(%arg0: i32) -> (i32, i32) {
    %c0_i32 = arith.constant 0 : i32
    %c0_i32_0 = arith.constant 0 : i32
    %c0_i32_1 = arith.constant 0 : i32
    return %c0_i32, %c0_i32_0 : i32, i32
  }
  func.func @transform_9(%arg0: i32) -> (i32, i32) {
    %c0_i32 = arith.constant 0 : i32
    %c0_i32_0 = arith.constant 0 : i32
    %c0_i32_1 = arith.constant 0 : i32
    return %c0_i32, %c0_i32_0 : i32, i32
  }
  func.func @transform_10(%arg0: i32) -> (i32, i32) {
    %c0_i32 = arith.constant 0 : i32
    %c0_i32_0 = arith.constant 0 : i32
    return %arg0, %c0_i32 : i32, i32
  }
}

</mosaic_0001>

<sc_bundles>
// kernel: kernel.6.cloned.1.call-start
scs
__scs_entry_jumppad:
0x0: {  	(pc) =	sbr.rel $0x88, $3  }
0x1: {  	(tag) =	ssettag $0x0;
	lr =	simm.s32 $0x1  }
0x2: {  	[smem:$0x3F94] =	sst lr;
	_ =	strace $0xD0000000  }
0x3: {  	_ = 	snop  }
0x4: {  	_ = 	snop  }
0x5: {  	_ = 	snop  }
0x6: {  	_ = 	snop  }
0x7: {  	_ = 	snop  }
__scs_overlays_trampoline_lowered:
0x8: {  	[smem:$0x3FA3] =	sst s0  }
0x9: {  	[smem:$0x3FA4] =	sst s1  }
0xa: {  	[smem:$0x3FA5] =	sst s2  }
0xb: {  	[smem:$0x3FA6] =	sst s3  }
0xc: {  	[smem:$0x3FA7] =	sst s4  }
0xd: {  	[smem:$0x3FA8] =	sst s5  }
0xe: {  	[smem:$0x3FA9] =	sst s6  }
0xf: {  	[smem:$0x3FAA] =	sst s7  }
0x10: {  	[smem:$0x3FAB] =	sst s8  }
0x11: {  	[smem:$0x3FAC] =	sst s9;
	s0 =	simm.s32 @!p0 $0x0  }
0x12: {  	s1 =	sld [smem:$0x3F92];
	s0 =	simm.s32 @p0 $0x1  }
0x13: {  	[smem:$0x3FAD] =	sst s0;
	s0 =	simm.s32 @!p1 $0x0  }
0x14: {  	s2 =	sld [smem:$0x3F91];
	s0 =	simm.s32 @p1 $0x1  }
0x15: {  	[smem:$0x3FAE] =	sst s0;
	s0 =	simm.s32 @!p2 $0x0  }
0x16: {  	s3 =	sld [smem:$0x3FDB];
	s0 =	simm.s32 @p2 $0x1  }
0x17: {  	s4 =	simm.s32 $0x1BF5;
	[smem:$0x3FB0] =	sst s0  }
0x18: {  	s0 =	sld [smem:$0x3F93];
	_ =	swait.ge [sflag:s4], $0x0  }
0x19: {  	s7 =	sld [smem:$0x3F94]  }
0x1a: {  	s8 =	sadd.s32 $0xFFFFE003, lr  }
0x1b: {  	s9 =	sadd.s32 $0xFFFFFEF7, lr;
	s5 =	simm.s32 $0xFFFFFFFF;
	p2 =	slt.u32 s8, $0xFFFFF086  }
0x1c: {  	p1 =	slt.u32 s9, $0xF7A;
	s5 =	simm.s32 @!p2 $0x0  }
0x1d: {  	s5 =	simm.s32 @p1 $0x1;
	p0 =	seq.s32 s7, s2  }
0x1e: {  	s7 =	smul.u32 @!p0 $0xF7A, s2;
	p2 =	seq.s32 @!p0 s5, $0x0  }
0x1f: {  	s9 =	smul.u32 $0xF7A, s1;
	s8 =	simm.s32 @!p0 $0x1BF5;
	p2 =	por !p2, p0  }
0x20: {  	[sflag:s8] =	ssyncset.s32 @!p0 $0xFFFFF086;
	s6 =	sadd.s32 @!p0 s3, s7;
	s7 =	simm.s32 @!p0 $0x108  }
0x21: {  	s3 =	sadd.s32 s3, s9;
	s6 =	sadd.s32 @!p0 $0x88, s6;
	s7 =	simm.s32 @p2 $0x1082  }
0x22: {  	[simem:s7], [sflag:s8] =	dma.local @!p0 [hbm:s6], $0xF7A  }
0x23: {  	s9 =	sor.u32 $0xD0000000, s2;
	s6 =	simm.s32 $0x108;
	_ =	swait.ge @!p0 [sflag:s8], $0x0  }
0x24: {  	s3 =	sadd.s32 $0x88, s3;
	s6 =	simm.s32 @!p1 $0x1082;
	[sflag:s4] =	ssyncset.s32 $0xFFFFF086  }
0x25: {  	[simem:s6], [sflag:s4] =	dma.local [hbm:s3], $0xF7A  }
0x26: {  	[smem:$0x3F94] =	sst s1;
	(tag) =	ssettag s2;
	_ =	strace s9  }
0x27: {  	s1 =	sld [smem:$0x3FA4]  }
0x28: {  	s2 =	sld [smem:$0x3FA5]  }
0x29: {  	s4 =	sld [smem:$0x3FA7]  }
0x2a: {  	p0 =	seq.s32 s5, $0x0;
	s5 =	sld [smem:$0x3FA8]  }
0x2b: {  	s6 =	sld [smem:$0x3FA9]  }
0x2c: {  	s7 =	sld [smem:$0x3FAA]  }
0x2d: {  	s3 =	simm.s32 $0x108;
	s8 =	sld [smem:$0x3FAB]  }
0x2e: {  	s3 =	simm.s32 @!p0 $0x1082;
	s9 =	sld [smem:$0x3FAC]  }
0x2f: {  	lr =	sadd.s32 s0, s3;
	s0 =	sld [smem:$0x3FA3]  }
0x30: {  	s3 =	sld [smem:$0x3FA6]  }
0x31: {  	[smem:$0x3FAF] =	sst s10  }
0x32: {  	s10 =	sld [smem:$0x3FAD];
	_ =	sdelay $0x3  }
0x33: {  	p0 =	seq.s32 s10, $0x1;
	s10 =	sld [smem:$0x3FAF];
	_ =	sdelay $0x3  }
0x34: {  	[smem:$0x3FAF] =	sst s10  }
0x35: {  	s10 =	sld [smem:$0x3FAE];
	_ =	sdelay $0x3  }
0x36: {  	p1 =	seq.s32 s10, $0x1;
	s10 =	sld [smem:$0x3FAF];
	_ =	sdelay $0x3  }
0x37: {  	[smem:$0x3FAF] =	sst s10  }
0x38: {  	s10 =	sld [smem:$0x3FB0]  }
0x39: {  	_ = 	snop;
	(pc) =	sbr.ind lr, $3  }
0x3a: {  	_ = 	snop  }
0x3b: {  	_ = 	snop  }
0x3c: {  	p2 =	seq.s32 s10, $0x1;
	s10 =	sld [smem:$0x3FAF]  }
0x3d: {  	_ =	shalt  }
0x3e: {  	_ =	shalt  }
0x3f: {  	_ =	shalt  }
0x40: {  	_ =	shalt  }
0x41: {  	_ =	shalt  }
0x42: {  	_ =	shalt  }
0x43: {  	_ =	shalt  }
0x44: {  	_ =	shalt  }
0x45: {  	_ =	shalt  }
0x46: {  	_ =	shalt  }
0x47: {  	_ =	shalt  }
0x48: {  	_ =	shalt  }
0x49: {  	_ =	shalt  }
0x4a: {  	_ =	shalt  }
0x4b: {  	_ =	shalt  }
0x4c: {  	_ =	shalt  }
0x4d: {  	_ =	shalt  }
0x4e: {  	_ =	shalt  }
0x4f: {  	_ =	shalt  }
0x50: {  	_ =	shalt  }
0x51: {  	_ =	shalt  }
0x52: {  	_ =	shalt  }
0x53: {  	_ =	shalt  }
0x54: {  	_ =	shalt  }
0x55: {  	_ =	shalt  }
0x56: {  	_ =	shalt  }
0x57: {  	_ =	shalt  }
0x58: {  	_ =	shalt  }
0x59: {  	_ =	shalt  }
0x5a: {  	_ =	shalt  }
0x5b: {  	_ =	shalt  }
0x5c: {  	_ =	shalt  }
0x5d: {  	_ =	shalt  }
0x5e: {  	_ =	shalt  }
0x5f: {  	_ =	shalt  }
0x60: {  	_ =	shalt  }
0x61: {  	_ =	shalt  }
0x62: {  	_ =	shalt  }
0x63: {  	_ =	shalt  }
0x64: {  	_ =	shalt  }
0x65: {  	_ =	shalt  }
0x66: {  	_ =	shalt  }
0x67: {  	_ =	shalt  }
0x68: {  	_ =	shalt  }
0x69: {  	_ =	shalt  }
0x6a: {  	_ =	shalt  }
0x6b: {  	_ =	shalt  }
0x6c: {  	_ =	shalt  }
0x6d: {  	_ =	shalt  }
0x6e: {  	_ =	shalt  }
0x6f: {  	_ =	shalt  }
0x70: {  	_ =	shalt  }
0x71: {  	_ =	shalt  }
0x72: {  	_ =	shalt  }
0x73: {  	_ =	shalt  }
0x74: {  	_ =	shalt  }
0x75: {  	_ =	shalt  }
0x76: {  	_ =	shalt  }
0x77: {  	_ =	shalt  }
0x78: {  	_ =	shalt  }
0x79: {  	_ =	shalt  }
0x7a: {  	_ =	shalt  }
0x7b: {  	_ =	shalt  }
0x7c: {  	_ =	shalt  }
0x7d: {  	_ =	shalt  }
0x7e: {  	_ =	shalt  }
0x7f: {  	_ =	shalt  }
0x80: {  	_ =	shalt  }
0x81: {  	_ =	shalt  }
0x82: {  	_ =	shalt  }
0x83: {  	_ =	shalt  }
0x84: {  	_ =	shalt  }
0x85: {  	_ =	shalt  }
0x86: {  	_ =	shalt  }
0x87: {  	_ =	shalt  }
.Lfunc_end0:
.L_simem_size_0:
called_computation_lowered:
.L_overlay_start_0:
0x88: {  	s2 =	sld [smem:$0x3FD9]  }
0x89: {  	s3 =	sld [smem:$0x3FFE];
	_ =	sdelay $0x1  }
0x8a: {  	s1 =	srdreg.scid  }
0x8b: {  	s0 =	sand.u32 $0x1, s1  }
0x8c: {  	s14 =	sshll.u32 s0, $0xA;
	s2 =	sadd.s32 s3, s2  }
0x8d: {  	s2 =	sadd.s32 s2, s14  }
0x8e: {  	[smem:$0x3FBB] =	sst s2  }
0x8f: {  	_ = 	snop  }
0x90: {  	s2 =	sld [smem:$0x3FD0];
	_ =	sdelay $0x1  }
0x91: {  	s15 =	sld [smem:$0x3FC8]  }
0x92: {  	s5 =	simm.s32 $0xB;
	s6 =	simm.s32 $0x10;
	s4 =	sld [smem:$0x3FC3]  }
0x93: {  	[smem:s6], [sflag:s5] =	dma.local [hbm:s2], $0x1  }
0x94: {  	_ =	swait.eq [sflag:s5], $0x1  }
0x95: {  	[sflag:s5] =	ssyncset.done $0x0  }
0x96: {  	s16 =	sld [smem:$0x11];
	[sflag:s5] =	ssyncadd.s32 $0xFFFFFFFF  }
0x97: {  	s17 =	sld [smem:$0x12];
	(tm) =	ssettm $0x1  }
0x98: {  	s18 =	sld [smem:$0x3FFB];
	_ =	sdelay $0x3  }
0x99: {  	_ =	strace s18  }
0x9a: {  	s6 =	sld [smem:$0x3FFC];
	_ =	sdelay $0x3  }
0x9b: {  	_ =	strace s6  }
0x9c: {  	s6 =	sld [smem:$0x3FFD];
	_ =	sdelay $0x3  }
0x9d: {  	_ =	strace s6  }
0x9e: {  	_ =	strace $0x8FFFFFFF  }
0x9f: {  	s19 =	sld [smem:$0x3FDB];
	_ =	sdelay $0x1  }
0xa0: {  	s7 =	simm.s32 $_scs_section_size  }
0xa1: {  	s8 =	simm.s32 $_size__tile_overlayer_lowered;
	s9 =	simm.s32 $_tile_overlayer_lowered  }
0xa2: {  	s22 =	simm.s32 $0x1BFF;
	s21 =	sshll.u32 s9, $0x1;
	s6 =	sadd.s32 s7, s19  }
0xa3: {  	s10 =	simm.s32 $0x0;
	s20 =	sshll.u32 s8, $0x1;
	s8 =	sadd.s32 s21, s6  }
0xa4: {  	[timem:s10], [sflag:s22] =	dma.local [hbm:s8], s20  }
0xa5: {  	_ =	swait.ge [sflag:s22], s20  }
0xa6: {  	s7 =	ssub.s32 $0x0, s20;
	[sflag:s22] =	ssyncset.done $0x0  }
0xa7: {  	[sflag:s22] =	ssyncadd.s32 s7;
	_ =	sdelay $0x1  }
0xa8: {  	s23 =	simm.s32 $0x1B8B  }
0xa9: {  	_ =	swait.ge [sflag:s23], $0x1  }
0xaa: {  	[sflag:s23] =	ssyncset.done $0x0  }
0xab: {  	s25 =	simm.s32 $0x1B8E;
	s24 =	sld [smem:$0x3FFE];
	[sflag:s23] =	ssyncadd.s32 $0xFFFFFFFF  }
0xac: {  	s26 =	simm.s32 $execute0_lowered;
	[smem:$0x3FD2] =	sst s25  }
0xad: {  	s8 =	sshll.u32 s26, $0x1;
	_ =	strace $0x80000046;
	[dreg:$0x1] =	wrdreg $0xFFFFFFFF  }
0xae: {  	s28 =	simm.s32 $_size_execute0_lowered;
	s6 =	sadd.s32 s6, s8;
	[dreg:$0x0] =	wrdreg $0x0  }
0xaf: {  	s8 =	sshll.u32 s28, $0x1;
	[dreg:$0x2] =	wrdreg s6  }
0xb0: {  	[dreg:$0x3] =	wrdreg s8  }
0xb1: {  	[dreg:$0x4] =	wrdreg $0xC0  }
0xb2: {  	_ =	task [dreg:s10], $0x5FFFF  }
0xb3: {  	[dreg:$0x1] =	wrdreg $0xFFFFFFFF  }
0xb4: {  	[dreg:$0x0] =	wrdreg $0x60  }
0xb5: {  	[dreg:$0x2] =	wrdreg s24  }
0xb6: {  	[dreg:$0x3] =	wrdreg s16  }
0xb7: {  	[dreg:$0x4] =	wrdreg s17  }
0xb8: {  	[dreg:$0x5] =	wrdreg s4  }
0xb9: {  	[dreg:$0x6] =	wrdreg s15  }
0xba: {  	[dreg:$0x7] =	wrdreg $0x9  }
0xbb: {  	_ =	task.clear_ibuf [dreg:s10], $0x8FFFF;
	_ =	strace $0x90000046  }
0xbc: {  	s29 =	simm.s32 $0x9;
	_ =	strace $0x80000048  }
0xbd: {  	_ =	swait.ge [sflag:s29], $0x1  }
0xbe: {  	[sflag:s29] =	ssyncadd.s32 $0xFFFFFFFF  }
0xbf: {  	_ =	strace $0x90000048  }
0xc0: {  	_ =	sfence  }
0xc1: {  	s30 =	sld [smem:$0x0];
	_ =	sdelay $0x2  }
0xc2: {  	s31 =	sshll.u32 s1, $0xD;
	s1 =	sshrl.u32 s1, $0x2  }
0xc3: {  	s3 =	sand.u32 $0x4000, s31;
	s1 =	sadd.s32 s1, s30  }
0xc4: {  	s0 =	sor.u32 s3, s0;
	s1 =	sshll.u32 s1, $0x11  }
0xc5: {  	s0 =	sor.u32 s1, s0  }
0xc6: {  	s0 =	sadd.s32 $0x8F2B, s0  }
0xc7: {  	[sflag:s0] =	ssyncadd.remote.s32 $0x1  }
0xc8: {  	_ =	sfence.sel $0xFFFF  }
0xc9: {  	[dreg:$0x0] =	wrdreg $0xFFFFFFFF;
	(pc) =	sbr.abs _section_cstart, $3  }
0xca: {  	[dreg:$0x1] =	wrdreg $0xFFFFFFFF  }
0xcb: {  	_ =	task.clear_ibuf [dreg:s10], $0x2FFFF;
	_ =	strace $0x9FFFFFFF  }
0xcc: {  	(tm) =	ssettm $0x7FFFFFFF  }
0xcd: {  	_ =	shalt  }
tec
execute0_lowered:
.L_overlay_start_1:
0x0: {  	(tag) =	ssettag $0x1  }
0x1: {  	s0 =	rddreg [dreg:$0x0]  }
0x2: {  	s1 =	rddreg [dreg:$0x1]  }
0x3: {  	s11 =	rddreg [dreg:$0x2]  }
0x4: {  	s12 =	rddreg [dreg:$0x3]  }
0x5: {  	s2 =	rddreg [dreg:$0x4]  }
0x6: {  	s4 =	srdreg.scid;
	s5 =	stileid.u32;
	s3 =	simm.s32 $0x0  }
0x7: {  	s18 =	simm.s32 $0x2;
	s30 =	simm.s32 $0x1;
	s31 =	simm.s32 $0x80  }
0x8: {  	s20 =	simm.s32 $0x7D80;
	s22 =	simm.s32 $0xBD80;
	s23 =	simm.s32 $0xFD80  }
0x9: {  	s28 =	simm.s32 $0x0;
	s9 =	sand.u32 $0x1, s4;
	s29 =	sshll.u32 s5, $0x1  }
0xa: {  	[smem:$0x7FF] =	sst s3;
	s4 =	sadd.s32 $0x2E00, s0;
	s5 =	sadd.s32 $0x3E00, s0  }
0xb: {  	s6 =	sadd.s32 $0x3C00, s0;
	s7 =	sadd.s32 $0x3600, s0;
	s8 =	sadd.s32 $0x4200, s0  }
0xc: {  	s10 =	sor.u32 s9, s29;
	_ =	strace $0x80000047;
	s9 =	ssub.s32 $0x2, s9  }
0xd: {  	v0 =	vimm.s32 $0x0;
	s13 =	sshll.u32 s10, $0x5;
	s15 =	sshll.u32 s10, $0x1;
	s10 =	sshll.u32 s10, $0xC  }
0xe: {  	v1 =	vimm.s32 $0x1;
	v2 =	vimm.s32 $0x2;
	v3 =	vimm.s32 $0x3;
	s16 =	sshrl.u32 s9, $0x1;
	s14 =	sadd.s32 s13, s0;
	s15 =	sadd.s32 s15, s0  }
0xf: {  	v4 =	vimm.s32 $0x4;
	v5 =	vimm.s32 $0x5;
	v6 =	vimm.s32 $0x6;
	s0 =	sadd.s32 s10, s0;
	s17 =	ssub.s32 s9, s16;
	s10 =	sadd.s32 s1, s13  }
0x10: {  	v7 =	vimm.s32 $0x7;
	v8 =	vimm.s32 $0x8;
	v9 =	vimm.s32 $0x9;
	s11 =	sadd.s32 s11, s13;
	s12 =	sadd.s32 s12, s13;
	s1 =	simm.s32 $0x3D80  }
0x11: {  	v10 =	vimm.s32 $0xA;
	v11 =	vimm.s32 $0xB;
	v12 =	vimm.s32 $0xC;
	s9 =	sadd.s32 $0x2600, s14;
	s13 =	sadd.s32 $0x3800, s15;
	s14 =	sadd.s32 $0x3A00, s15  }
0x12: {  	v13 =	vimm.s32 $0xD;
	v14 =	vimm.s32 $0xE;
	v15 =	vimm.s32 $0xF;
	s15 =	sadd.s32 $0x4400, s0;
	s16 =	sadd.s32 $0x4C00, s0;
	s17 =	smax.u32 s17, $0x1  }
.LBB2_1:
0x13: {  	[tilespmem:s3], [sflag:$0x2] =	stream.linear.gather [hbm4b:s4+s3], $0x1000, $0x38;
	[tilespmem:$0x13D80] =	vst v63  }
0x14: {  	_ =	swait.ge [sflag:s18], $0x1000  }
0x15: {  	[sflag:s18] =	ssyncset.done $0x0  }
0x16: {  	s0 =	simm.s32 $0x1000;
	[sflag:s18] =	ssyncadd.s32 $0xFFFFF000  }
0x17: {  	[tilespmem:s0], [sflag:$0x2] =	stream.linear.gather [hbm4b:s5+s3], $0x1000, $0x38;
	[tilespmem:$0x13D80] =	vst v63  }
0x18: {  	_ =	swait.ge [sflag:s18], $0x1000  }
0x19: {  	[sflag:s18] =	ssyncset.done $0x0  }
0x1a: {  	s21 =	simm.s32 $0x2000;
	[sflag:s18] =	ssyncadd.s32 $0xFFFFF000  }
0x1b: {  	[tilespmem:s21], [sflag:$0x2] =	stream.linear.gather [hbm4b:s6+s3], $0x1000, $0x38;
	[tilespmem:$0x13D80] =	vst v63  }
0x1c: {  	_ =	swait.ge [sflag:s18], $0x1000  }
0x1d: {  	[sflag:s18] =	ssyncset.done $0x0  }
0x1e: {  	s24 =	simm.s32 $0x3000;
	[sflag:s18] =	ssyncadd.s32 $0xFFFFF000  }
0x1f: {  	[tilespmem:s24], [sflag:$0x2] =	stream.linear.gather [hbm4b:s9+s3], $0x100, $0x38;
	[tilespmem:$0x13D80] =	vst v63  }
0x20: {  	_ =	swait.ge [sflag:s18], $0x100  }
0x21: {  	[sflag:s18] =	ssyncset.done $0x0  }
0x22: {  	s25 =	simm.s32 $0x3100;
	[sflag:s18] =	ssyncadd.s32 $0xFFFFFF00  }
0x23: {  	[tilespmem:s25], [sflag:$0x2] =	stream.linear.gather [hbm4b:s10+s3], $0x100, $0x38;
	[tilespmem:$0x13D80] =	vst v63  }
0x24: {  	_ =	swait.ge [sflag:s18], $0x100  }
0x25: {  	[sflag:s18] =	ssyncset.done $0x0  }
0x26: {  	s26 =	simm.s32 $0x3200;
	[sflag:s18] =	ssyncadd.s32 $0xFFFFFF00  }
0x27: {  	[tilespmem:s26], [sflag:$0x2] =	stream.linear.gather [hbm4b:s11+s3], $0x100, $0x38;
	[tilespmem:$0x13D80] =	vst v63  }
0x28: {  	_ =	swait.ge [sflag:s18], $0x100  }
0x29: {  	[sflag:s18] =	ssyncset.done $0x0  }
0x2a: {  	s19 =	simm.s32 $0x3300;
	[sflag:s18] =	ssyncadd.s32 $0xFFFFFF00  }
0x2b: {  	[tilespmem:s19], [sflag:$0x2] =	stream.linear.gather [hbm4b:s12+s3], $0x100, $0x38;
	[tilespmem:$0x13D80] =	vst v63  }
0x2c: {  	_ =	swait.ge [sflag:s18], $0x100  }
0x2d: {  	[sflag:s18] =	ssyncset.done $0x0  }
0x2e: {  	s21 =	simm.s32 $0x3400;
	[sflag:s18] =	ssyncadd.s32 $0xFFFFFF00  }
0x2f: {  	[tilespmem:s21], [sflag:$0x2] =	stream.linear.gather [hbm4b:s7+s3], $0x80, $0x38;
	[tilespmem:$0x13D80] =	vst v63  }
0x30: {  	_ =	swait.ge [sflag:s18], $0x80  }
0x31: {  	[sflag:s18] =	ssyncset.done $0x0  }
0x32: {  	s24 =	simm.s32 $0x3480;
	[sflag:s18] =	ssyncadd.s32 $0xFFFFFF80  }
0x33: {  	[tilespmem:s24], [sflag:$0x2] =	stream.linear.gather [hbm4b:s8+s3], $0x80, $0x38;
	[tilespmem:$0x13D80] =	vst v63  }
0x34: {  	_ =	swait.ge [sflag:s18], $0x80  }
0x35: {  	[sflag:s18] =	ssyncset.done $0x0  }
0x36: {  	s25 =	simm.s32 $0x3500;
	[sflag:s18] =	ssyncadd.s32 $0xFFFFFF80  }
0x37: {  	[tilespmem:s25], [sflag:$0x2] =	stream.linear.gather [hbm4b:s13+s3], $0x10, $0x38;
	[tilespmem:$0x13D80] =	vst v63  }
0x38: {  	_ =	swait.ge [sflag:s18], $0x10  }
0x39: {  	[sflag:s18] =	ssyncset.done $0x0  }
0x3a: {  	s26 =	simm.s32 $0x3580;
	[sflag:s18] =	ssyncadd.s32 $0xFFFFFFF0  }
0x3b: {  	[tilespmem:s26], [sflag:$0x2] =	stream.linear.gather [hbm4b:s14+s3], $0x10, $0x38;
	[tilespmem:$0x13D80] =	vst v63  }
.Ltmp0:
0x3c: {  	_ =	swait.ge [sflag:s18], $0x10;
	(pc) =	sbr.rel .LBB2_2-.Ltmp0, $4  }
0x3d: {  	[sflag:s18] =	ssyncset.done $0x0  }
0x3e: {  	[sflag:s18] =	ssyncadd.s32 $0xFFFFFFF0  }
0x3f: {  	v16 =	vld [tilespmem:$0x3400]  }
0x40: {  	s29 =	simm.s32 $0x0;
	v17 =	vld [tilespmem:$0x3480]  }
.LBB2_3:
0x41: {  	v27 =	vimm.s32 $0x0;
	v18 =	vimm.f32 $+Inf;
	v19 =	vimm.f32 $+Inf  }
0x42: {  	v20 =	vimm.f32 $+Inf;
	v28 =	vimm.s32 $0x0;
	v29 =	vimm.s32 $0x0  }
.LBB2_7:
0x43: {  	(erf) = vrcp.f32 v18  }
0x44: {  	(erf) = vrcp.f32 v19;
	_ =	sdelay $0x1  }
0x45: {  	(erf) = vrcp.f32 v20;
	_ =	sdelay $0x5  }
0x46: {  	v18 =	vpop (erf)  }
0x47: {  	v19 =	vpop (erf)  }
0x48: {  	v63 =	vadd.f32 v19, v18  }
0x49: {  	v21 =	vpop (erf)  }
0x4a: {  	v20 =	vadd.f32 v21, v63;
	_ =	sdelay $0x1  }
0x4b: {  	(erf) = vrcp.f32 v20;
	_ =	sdelay $0x7  }
0x4c: {  	s29 =	sadd.s32 $0x1, s29  }
0x4d: {  	[tilespmem:s0+$0x3A80] =	vst v27;
	p0 =	sne.s32 s29, $0x10;
	v20 =	vpop (erf)  }
.Ltmp1:
0x4e: {  	[tilespmem:s0+$0x3B80] =	vst v28;
	v18 =	vmul.f32 v20, v18;
	(pc) =	sbr.rel @!p0 .LBB2_8-.Ltmp1, $4  }
0x4f: {  	[tilespmem:s0+$0x3C80] =	vst v29;
	v19 =	vmul.f32 v20, v19  }
0x50: {  	[tilespmem:s0+$0x3600] =	vst v18;
	v18 =	vmul.f32 v20, v21  }
0x51: {  	[tilespmem:s0+$0x3780] =	vst v19  }
0x52: {  	[tilespmem:s0+$0x3900] =	vst v18  }
.LBB2_2:
0x53: {  	v18 =	vld [tilespmem:s29+$0x3500];
	_ =	sdelay $0x1  }
0x54: {  	v19 =	vld [tilespmem:s29+$0x3580];
	_ =	sdelay $0x2  }
0x55: {  	(v2sf) =	vpush v18, $0x0;
	_ =	sdelay $0x1  }
0x56: {  	(v2sf) =	vpush v19, $0x0;
	_ =	sdelay $0xc  }
0x57: {  	s0 =	spop (v2sf)  }
0x58: {  	s19 =	sand.u32 $0xF, s0;
	s21 =	sshra.s32 s0, $0x1F;
	p0 =	slt.s32 s0, $0x1  }
0x59: {  	s26 =	spop (v2sf);
	p1 =	sne.s32 s19, $0x0;
	s21 =	sshrl.u32 s21, $0x1C  }
0x5a: {  	s19 =	sadd.s32 $0xF, s26;
	p0 =	por !p0, !p1;
	s0 =	sadd.s32 s21, s0  }
0x5b: {  	s21 =	simm.s32 $0x1;
	s24 =	sshra.s32 s19, $0x1F;
	s25 =	sand.u32 $0xF, s19  }
0x5c: {  	p5 =	slt.s32 s19, $0x1;
	p0 =	por !p0, !p0;
	s0 =	sshra.s32 s0, $0x4  }
0x5d: {  	s24 =	sshrl.u32 s24, $0x1C;
	p6 =	sne.s32 s25, $0x0;
	s21 =	simm.s32 @!p0 $0x0  }
0x5e: {  	s19 =	sadd.s32 s24, s19;
	p0 =	por !p5, !p6;
	s26 =	ssub.s32 s0, s21  }
0x5f: {  	s19 =	sshra.s32 s19, $0x4;
	p0 =	por !p0, !p0;
	s21 =	simm.s32 $0x1  }
0x60: {  	s19 =	ssub.s32 s19, s26;
	s21 =	simm.s32 @!p0 $0x0  }
0x61: {  	s19 =	ssub.s32 s19, s21  }
0x62: {  	p0 =	slt.s32 s19, $0x1  }
.Ltmp2:
0x63: {  	s0 =	sshll.u32 s29, $0x4;
	(pc) =	sbr.rel @p0 .LBB2_3-.Ltmp2, $4  }
0x64: {  	v18 =	vld [tilespmem:s0+$0x3000]  }
0x65: {  	v19 =	vld [tilespmem:s0+$0x3100]  }
0x66: {  	v20 =	vld [tilespmem:s0+$0x3200]  }
0x67: {  	v21 =	vld [tilespmem:s0+$0x3300]  }
0x68: {  	_ =	sdelay $0x2  }
0x69: {  	s21 =	sshll.u32 s26, $0x6;
	v30 =	vimm.f32 $+Inf;
	v29 =	vimm.s32 $0x0;
	v28 =	vimm.s32 $0x0  }
0x6a: {  	v27 =	vimm.s32 $0x0;
	v31 =	vimm.f32 $+Inf;
	s21 =	sshra.s32 s21, $0x2;
	v22 =	vand.u32 $0xF, v21  }
0x6b: {  	s26 =	sshll.u32 s26, $0x4;
	v32 =	vimm.f32 $+Inf;
	s24 =	sadd.s32 $0x1000, s21;
	s25 =	sadd.s32 $0x2000, s21;
	v21 =	vperm.xlane v16, v22;
	v22 =	vperm.xlane v17, v22  }
.LBB2_5:
0x6c: {  	v25 =	vld [tilespmem:s21+$0x0]  }
0x6d: {  	v26 =	vld [tilespmem:s24+$0x0]  }
0x6e: {  	v24 =	vld [tilespmem:s25+$0x0];
	_ =	sdelay $0x3  }
0x6f: {  	v23 =	vperm.xlane v25, v0  }
0x70: {  	v33 =	vperm.xlane v26, v0;
	v34 =	vperm.xlane v24, v0  }
0x71: {  	v47 =	vperm.xlane v25, v1;
	v35 =	vperm.xlane v26, v1  }
0x72: {  	v36 =	vperm.xlane v24, v1;
	v53 =	vperm.xlane v25, v2  }
0x73: {  	v38 =	vperm.xlane v26, v2;
	v55 =	vperm.xlane v24, v2  }
0x74: {  	v62 =	vperm.xlane v25, v3;
	v63 =	vperm.xlane v26, v3;
	v23 =	vsub.f32 v18, v23  }
0x75: {  	v40 =	vperm.xlane v24, v3;
	v33 =	vsub.f32 v19, v33;
	v34 =	vsub.f32 v20, v34  }
0x76: {  	v46 =	vperm.xlane v25, v4;
	v35 =	vsub.f32 v19, v35;
	v36 =	vsub.f32 v20, v36  }
0x77: {  	v57 =	vsub.f32 v19, v38;
	v23 =	vmul.f32 v23, v23;
	v33 =	vmul.f32 v33, v33  }
0x78: {  	v34 =	vmul.f32 v34, v34;
	v35 =	vmul.f32 v35, v35  }
0x79: {  	v56 =	vsub.f32 v18, v53;
	v49 =	vmul.f32 v36, v36;
	v36 =	vmul.f32 v57, v57  }
0x7a: {  	v57 =	vperm.xlane v26, v5;
	v33 =	vadd.f32 v33, v23;
	v23 =	vmov s26  }
0x7b: {  	vm0 =	vge.s32 v23, v21;
	vm1 =	vlt.s32 v23, v22;
	v51 =	vor.u32 $0x1, v23  }
0x7c: {  	v39 =	vor.u32 $0x2, v23;
	v44 =	vor.u32 $0x3, v23;
	v33 =	vadd.f32 v34, v33  }
0x7d: {  	vm0 =	vmand vm0, vm1;
	v34 =	vsub.f32 v18, v47;
	vm6 =	vge.s32 v51, v21  }
0x7e: {  	vm3 =	vlt.s32 v51, v22;
	vm9 =	vge.s32 v39, v21;
	vm10 =	vlt.s32 v39, v22  }
0x7f: {  	vm14 =	vge.s32 v44, v21;
	vm15 =	vlt.s32 v44, v22;
	v47 =	vperm.xlane v26, v4  }
0x80: {  	vm1 =	vmand vm6, vm3;
	vm11 =	vmand vm9, vm10;
	v33 =	vnsel vm0, $0x7F800000, v33  }
0x81: {  	vm4 =	vmand vm14, vm15;
	v34 =	vmul.f32 v34, v34;
	vm0 =	vlt.f32 v33, v31  }
0x82: {  	vm5 =	vlt.f32 v33, v30;
	vm2 =	vlt.f32 v33, v32;
	v37 =	vsel vm0, v31, v33  }
0x83: {  	v48 =	vnsel vm0, s26, v28;
	v34 =	vadd.f32 v35, v34;
	v50 =	vsel vm2, v32, v33  }
0x84: {  	v52 =	vnsel vm2, s26, v27;
	v54 =	vsel vm2, v33, v32;
	v27 =	vsel vm2, s26, v27  }
0x85: {  	v33 =	vsub.f32 v20, v55;
	v35 =	vmul.f32 v56, v56;
	v56 =	vperm.xlane v25, v5  }
0x86: {  	v30 =	vsel vm5, v37, v30;
	v29 =	vsel vm5, v48, v29;
	v31 =	vsel vm0, v50, v31  }
0x87: {  	v34 =	vadd.f32 v49, v34;
	v35 =	vadd.f32 v36, v35;
	v33 =	vmul.f32 v33, v33  }
0x88: {  	v28 =	vsel vm0, v52, v28;
	v48 =	vperm.xlane v24, v4;
	v36 =	vsub.f32 v19, v63  }
0x89: {  	v63 =	vperm.xlane v26, v6;
	v34 =	vnsel vm1, $0x7F800000, v34;
	v33 =	vadd.f32 v33, v35  }
0x8a: {  	v35 =	vsub.f32 v18, v62;
	v36 =	vmul.f32 v36, v36;
	v62 =	vperm.xlane v25, v6  }
0x8b: {  	vm7 =	vlt.f32 v34, v31;
	vm1 =	vlt.f32 v34, v30;
	vm8 =	vlt.f32 v34, v54  }
0x8c: {  	v58 =	vsel vm7, v31, v34;
	v59 =	vsel vm7, v28, v51;
	v60 =	vsel vm8, v54, v34  }
0x8d: {  	v61 =	vsel vm8, v27, v51;
	v33 =	vnsel vm11, $0x7F800000, v33;
	v32 =	vsel vm8, v34, v54  }
0x8e: {  	v27 =	vsel vm8, v51, v27;
	v34 =	vsub.f32 v20, v40;
	v35 =	vmul.f32 v35, v35  }
0x8f: {  	v54 =	vor.u32 $0x4, v23;
	v30 =	vsel vm1, v58, v30;
	v29 =	vsel vm1, v59, v29  }
0x90: {  	v31 =	vsel vm7, v60, v31;
	v28 =	vsel vm7, v61, v28;
	vm13 =	vlt.f32 v33, v32  }
0x91: {  	vm7 =	vge.s32 v54, v21;
	vm8 =	vlt.s32 v54, v22;
	v58 =	vperm.xlane v24, v5  }
0x92: {  	v61 =	vor.u32 $0x5, v23;
	vm0 =	vlt.f32 v33, v31;
	vm12 =	vlt.f32 v33, v30  }
0x93: {  	v42 =	vsel vm13, v32, v33;
	v35 =	vadd.f32 v36, v35;
	v34 =	vmul.f32 v34, v34  }
0x94: {  	v43 =	vsel vm13, v27, v39;
	v32 =	vsel vm13, v33, v32;
	v27 =	vsel vm13, v39, v27  }
0x95: {  	v36 =	vsub.f32 v20, v48;
	vm9 =	vmand vm7, vm8;
	vm13 =	vlt.s32 v61, v22  }
0x96: {  	v41 =	vsel vm0, v31, v33;
	v38 =	vsel vm0, v28, v39;
	v31 =	vsel vm0, v42, v31  }
0x97: {  	v28 =	vsel vm0, v43, v28;
	v37 =	vsub.f32 v20, v58;
	v43 =	vsub.f32 v18, v62  }
0x98: {  	v62 =	vperm.xlane v25, v8;
	v42 =	vperm.xlane v24, v8;
	v30 =	vsel vm12, v41, v30  }
0x99: {  	v29 =	vsel vm12, v38, v29;
	v34 =	vadd.f32 v34, v35;
	v35 =	vsub.f32 v19, v47  }
0x9a: {  	v53 =	vmul.f32 v36, v36;
	vm12 =	vge.s32 v61, v21;
	v60 =	vmul.f32 v37, v37  }
0x9b: {  	vm1 =	vmand vm12, vm13;
	v45 =	vnsel vm4, $0x7F800000, v34;
	v34 =	vsub.f32 v18, v46  }
0x9c: {  	v35 =	vmul.f32 v35, v35;
	v46 =	vor.u32 $0x6, v23;
	vm0 =	vlt.f32 v45, v32  }
0x9d: {  	vm5 =	vlt.f32 v45, v31;
	vm6 =	vlt.f32 v45, v30;
	vm15 =	vge.s32 v46, v21  }
0x9e: {  	v49 =	vsel vm5, v31, v45;
	v50 =	vsel vm5, v28, v44;
	v34 =	vmul.f32 v34, v34  }
0x9f: {  	v51 =	vsel vm0, v32, v45;
	v52 =	vsel vm0, v27, v44;
	v32 =	vsel vm0, v45, v32  }
0xa0: {  	v27 =	vsel vm0, v44, v27;
	v44 =	vsub.f32 v19, v63;
	v45 =	vperm.xlane v24, v6  }
0xa1: {  	v63 =	vperm.xlane v26, v8;
	v30 =	vsel vm6, v49, v30;
	v29 =	vsel vm6, v50, v29  }
0xa2: {  	v31 =	vsel vm5, v51, v31;
	v28 =	vsel vm5, v52, v28;
	v34 =	vadd.f32 v35, v34  }
0xa3: {  	vm6 =	vlt.s32 v46, v22;
	v35 =	vsub.f32 v19, v57;
	v33 =	vsub.f32 v20, v45  }
0xa4: {  	v51 =	vperm.xlane v25, v7;
	v52 =	vperm.xlane v26, v7;
	v34 =	vadd.f32 v53, v34  }
0xa5: {  	vm2 =	vmand vm15, vm6;
	v35 =	vmul.f32 v35, v35;
	v33 =	vmul.f32 v33, v33  }
0xa6: {  	v53 =	vperm.xlane v24, v7;
	v55 =	vnsel vm9, $0x7F800000, v34;
	v34 =	vsub.f32 v18, v56  }
0xa7: {  	vm0 =	vlt.f32 v55, v32;
	vm10 =	vlt.f32 v55, v31;
	vm11 =	vlt.f32 v55, v30  }
0xa8: {  	v38 =	vsel vm10, v31, v55;
	v39 =	vsel vm10, v28, v54;
	v40 =	vsel vm0, v32, v55  }
0xa9: {  	v34 =	vmul.f32 v34, v34;
	v59 =	vsel vm0, v27, v54;
	v32 =	vsel vm0, v55, v32  }
0xaa: {  	v27 =	vsel vm0, v54, v27;
	v54 =	vsub.f32 v18, v51;
	v55 =	vsub.f32 v19, v52  }
0xab: {  	v51 =	vperm.xlane v26, v9;
	v52 =	vperm.xlane v24, v9;
	v30 =	vsel vm11, v38, v30  }
0xac: {  	v29 =	vsel vm11, v39, v29;
	v31 =	vsel vm10, v40, v31;
	v28 =	vsel vm10, v59, v28  }
0xad: {  	v38 =	vmul.f32 v44, v44;
	v44 =	vsub.f32 v19, v63;
	v34 =	vadd.f32 v35, v34  }
0xae: {  	v35 =	vmul.f32 v43, v43;
	v39 =	vmul.f32 v55, v55;
	v43 =	vsub.f32 v18, v62  }
0xaf: {  	v36 =	vsub.f32 v19, v51;
	v37 =	vmul.f32 v44, v44;
	v34 =	vadd.f32 v60, v34  }
0xb0: {  	v35 =	vadd.f32 v38, v35;
	v38 =	vmul.f32 v54, v54;
	v60 =	vor.u32 $0x7, v23  }
0xb1: {  	v36 =	vmul.f32 v36, v36;
	vm10 =	vge.s32 v60, v21;
	vm11 =	vlt.s32 v60, v22  }
0xb2: {  	v34 =	vnsel vm1, $0x7F800000, v34;
	v33 =	vadd.f32 v33, v35;
	v35 =	vsub.f32 v20, v53  }
0xb3: {  	v58 =	vadd.f32 v39, v38;
	vm14 =	vlt.f32 v34, v32;
	vm1 =	vlt.f32 v34, v31  }
0xb4: {  	vm7 =	vlt.f32 v34, v30;
	v47 =	vsel vm1, v31, v34;
	v48 =	vsel vm14, v32, v34  }
0xb5: {  	v49 =	vsel vm1, v28, v61;
	v50 =	vsel vm14, v27, v61;
	v33 =	vnsel vm2, $0x7F800000, v33  }
0xb6: {  	v32 =	vsel vm14, v34, v32;
	v27 =	vsel vm14, v61, v27;
	v35 =	vmul.f32 v35, v35  }
0xb7: {  	v34 =	vmul.f32 v43, v43;
	v30 =	vsel vm7, v47, v30;
	v31 =	vsel vm1, v48, v31  }
0xb8: {  	v29 =	vsel vm7, v49, v29;
	v28 =	vsel vm1, v50, v28;
	vm9 =	vlt.f32 v33, v32  }
0xb9: {  	v49 =	vor.u32 $0x8, v23;
	v50 =	vperm.xlane v25, v9;
	vm8 =	vlt.f32 v33, v31  }
0xba: {  	vm2 =	vlt.f32 v33, v30;
	v59 =	vsel vm9, v32, v33;
	v35 =	vadd.f32 v35, v58  }
0xbb: {  	v61 =	vsel vm9, v27, v46;
	v32 =	vsel vm9, v33, v32;
	v27 =	vsel vm9, v46, v27  }
0xbc: {  	v34 =	vadd.f32 v37, v34;
	vm14 =	vge.s32 v49, v21;
	vm15 =	vlt.s32 v49, v22  }
0xbd: {  	v56 =	vsel vm8, v31, v33;
	v57 =	vsel vm8, v28, v46;
	v31 =	vsel vm8, v59, v31  }
0xbe: {  	v28 =	vsel vm8, v61, v28;
	v33 =	vsub.f32 v20, v42;
	vm0 =	vmand vm14, vm15  }
0xbf: {  	v59 =	vperm.xlane v25, v10;
	v61 =	vperm.xlane v24, v10;
	v30 =	vsel vm2, v56, v30  }
0xc0: {  	v29 =	vsel vm2, v57, v29;
	vm2 =	vmand vm10, vm11;
	v57 =	vor.u32 $0x9, v23  }
0xc1: {  	v35 =	vnsel vm2, $0x7F800000, v35;
	v33 =	vmul.f32 v33, v33;
	vm8 =	vge.s32 v57, v21  }
0xc2: {  	vm9 =	vlt.s32 v57, v22;
	vm12 =	vlt.f32 v35, v31;
	vm13 =	vlt.f32 v35, v30  }
0xc3: {  	vm2 =	vlt.f32 v35, v32;
	vm10 =	vmand vm8, vm9;
	v45 =	vsel vm12, v31, v35  }
0xc4: {  	v46 =	vsel vm12, v28, v60;
	v47 =	vsel vm2, v32, v35;
	v48 =	vsel vm2, v27, v60  }
0xc5: {  	v33 =	vadd.f32 v33, v34;
	v32 =	vsel vm2, v35, v32;
	v27 =	vsel vm2, v60, v27  }
0xc6: {  	v34 =	vsub.f32 v18, v50;
	v35 =	vsub.f32 v20, v52;
	v60 =	vperm.xlane v26, v10  }
0xc7: {  	v30 =	vsel vm13, v45, v30;
	v29 =	vsel vm13, v46, v29;
	v31 =	vsel vm12, v47, v31  }
0xc8: {  	v28 =	vsel vm12, v48, v28;
	v45 =	vor.u32 $0xA, v23;
	v47 =	vperm.xlane v25, v11  }
0xc9: {  	v48 =	vperm.xlane v26, v11;
	v33 =	vnsel vm0, $0x7F800000, v33;
	v34 =	vmul.f32 v34, v34  }
0xca: {  	v35 =	vmul.f32 v35, v35;
	vm13 =	vge.s32 v45, v21;
	vm14 =	vlt.s32 v45, v22  }
0xcb: {  	vm0 =	vlt.f32 v33, v31;
	vm6 =	vlt.f32 v33, v30;
	vm7 =	vlt.f32 v33, v32  }
0xcc: {  	vm15 =	vmand vm13, vm14;
	v53 =	vsel vm0, v31, v33;
	v54 =	vsel vm0, v28, v49  }
0xcd: {  	v55 =	vsel vm7, v32, v33;
	v34 =	vadd.f32 v36, v34;
	v56 =	vsel vm7, v27, v49  }
0xce: {  	v32 =	vsel vm7, v33, v32;
	v27 =	vsel vm7, v49, v27;
	v36 =	vsub.f32 v20, v61  }
0xcf: {  	v49 =	vperm.xlane v24, v11;
	v30 =	vsel vm6, v53, v30;
	v29 =	vsel vm6, v54, v29  }
0xd0: {  	v31 =	vsel vm0, v55, v31;
	v28 =	vsel vm0, v56, v28;
	v53 =	vor.u32 $0xB, v23  }
0xd1: {  	v54 =	vperm.xlane v25, v12;
	v55 =	vperm.xlane v26, v12;
	v34 =	vadd.f32 v35, v34  }
0xd2: {  	v35 =	vsub.f32 v19, v60;
	v44 =	vmul.f32 v36, v36;
	v37 =	vsub.f32 v20, v49  }
0xd3: {  	vm6 =	vge.s32 v53, v21;
	vm7 =	vlt.s32 v53, v22;
	v36 =	vor.u32 $0xC, v23  }
0xd4: {  	v56 =	vsub.f32 v18, v54;
	vm1 =	vmand vm6, vm7;
	vm9 =	vge.s32 v36, v21  }
0xd5: {  	v54 =	vperm.xlane v25, v14;
	v58 =	vnsel vm10, $0x7F800000, v34;
	v34 =	vsub.f32 v18, v59  }
0xd6: {  	v35 =	vmul.f32 v35, v35;
	v52 =	vmul.f32 v37, v37;
	vm10 =	vlt.s32 v36, v22  }
0xd7: {  	vm0 =	vlt.f32 v58, v32;
	vm11 =	vlt.f32 v58, v31;
	vm12 =	vlt.f32 v58, v30  }
0xd8: {  	vm2 =	vmand vm9, vm10;
	v62 =	vsel vm11, v31, v58;
	v63 =	vsel vm11, v28, v57  }
0xd9: {  	v34 =	vmul.f32 v34, v34;
	v42 =	vsel vm0, v32, v58;
	v43 =	vsel vm0, v27, v57  }
0xda: {  	v32 =	vsel vm0, v58, v32;
	v27 =	vsel vm0, v57, v27;
	v57 =	vsub.f32 v19, v55  }
0xdb: {  	v58 =	vperm.xlane v24, v12;
	v55 =	vperm.xlane v26, v14;
	v30 =	vsel vm12, v62, v30  }
0xdc: {  	v29 =	vsel vm12, v63, v29;
	v31 =	vsel vm11, v42, v31;
	v34 =	vadd.f32 v35, v34  }
0xdd: {  	v28 =	vsel vm11, v43, v28;
	v35 =	vsub.f32 v19, v48;
	v33 =	vsub.f32 v20, v58  }
0xde: {  	v63 =	vperm.xlane v25, v13;
	v25 =	vperm.xlane v25, v15;
	v58 =	vsub.f32 v19, v55  }
0xdf: {  	v34 =	vadd.f32 v44, v34;
	v35 =	vmul.f32 v35, v35;
	v33 =	vmul.f32 v33, v33  }
0xe0: {  	v25 =	vsub.f32 v18, v25;
	v44 =	vperm.xlane v26, v13;
	v26 =	vperm.xlane v26, v15  }
0xe1: {  	v37 =	vmul.f32 v58, v58;
	v46 =	vnsel vm15, $0x7F800000, v34;
	v34 =	vsub.f32 v18, v47  }
0xe2: {  	v25 =	vmul.f32 v25, v25;
	v47 =	vsub.f32 v19, v44;
	v26 =	vsub.f32 v19, v26  }
0xe3: {  	vm0 =	vlt.f32 v46, v32;
	vm4 =	vlt.f32 v46, v31;
	vm5 =	vlt.f32 v46, v30  }
0xe4: {  	v38 =	vsel vm4, v31, v46;
	v39 =	vsel vm4, v28, v45;
	v50 =	vsel vm0, v32, v46  }
0xe5: {  	v34 =	vmul.f32 v34, v34;
	v51 =	vsel vm0, v27, v45;
	v32 =	vsel vm0, v46, v32  }
0xe6: {  	v27 =	vsel vm0, v45, v27;
	v45 =	vperm.xlane v24, v13;
	v46 =	vsub.f32 v18, v63  }
0xe7: {  	v26 =	vmul.f32 v26, v26;
	v30 =	vsel vm5, v38, v30;
	v29 =	vsel vm5, v39, v29  }
0xe8: {  	v31 =	vsel vm4, v50, v31;
	v28 =	vsel vm4, v51, v28;
	v38 =	vmul.f32 v57, v57  }
0xe9: {  	v57 =	vsub.f32 v18, v54;
	v34 =	vadd.f32 v35, v34;
	v35 =	vmul.f32 v56, v56  }
0xea: {  	v56 =	vperm.xlane v24, v14;
	v24 =	vperm.xlane v24, v15;
	v25 =	vadd.f32 v26, v25  }
0xeb: {  	v39 =	vmul.f32 v47, v47;
	v34 =	vadd.f32 v52, v34;
	v35 =	vadd.f32 v38, v35  }
0xec: {  	v38 =	vmul.f32 v46, v46;
	v52 =	vor.u32 $0xD, v23;
	v24 =	vsub.f32 v20, v24  }
0xed: {  	vm14 =	vge.s32 v52, v21;
	vm15 =	vlt.s32 v52, v22;
	v33 =	vadd.f32 v33, v35  }
0xee: {  	v34 =	vnsel vm1, $0x7F800000, v34;
	v35 =	vsub.f32 v20, v45;
	v50 =	vadd.f32 v39, v38  }
0xef: {  	v24 =	vmul.f32 v24, v24;
	vm8 =	vlt.f32 v34, v32;
	vm1 =	vlt.f32 v34, v31  }
0xf0: {  	vm11 =	vlt.f32 v34, v30;
	v59 =	vsel vm1, v31, v34;
	v60 =	vsel vm8, v32, v34  }
0xf1: {  	v61 =	vsel vm1, v28, v53;
	v62 =	vsel vm8, v27, v53;
	v33 =	vnsel vm2, $0x7F800000, v33  }
0xf2: {  	v32 =	vsel vm8, v34, v32;
	v27 =	vsel vm8, v53, v27;
	v35 =	vmul.f32 v35, v35  }
0xf3: {  	v34 =	vmul.f32 v57, v57;
	v24 =	vadd.f32 v24, v25;
	v30 =	vsel vm11, v59, v30  }
0xf4: {  	v31 =	vsel vm1, v60, v31;
	v29 =	vsel vm11, v61, v29;
	v28 =	vsel vm1, v62, v28  }
0xf5: {  	vm13 =	vlt.f32 v33, v32;
	v61 =	vor.u32 $0xE, v23;
	v23 =	vor.u32 $0xF, v23  }
0xf6: {  	vm12 =	vlt.f32 v33, v31;
	vm2 =	vlt.f32 v33, v30;
	v51 =	vsel vm13, v32, v33  }
0xf7: {  	v35 =	vadd.f32 v35, v50;
	v53 =	vsel vm13, v27, v36;
	v32 =	vsel vm13, v33, v32  }
0xf8: {  	v27 =	vsel vm13, v36, v27;
	v34 =	vadd.f32 v37, v34;
	vm8 =	vge.s32 v61, v21  }
0xf9: {  	vm9 =	vlt.s32 v61, v22;
	vm13 =	vlt.s32 v23, v22;
	v48 =	vsel vm12, v31, v33  }
0xfa: {  	v49 =	vsel vm12, v28, v36;
	v31 =	vsel vm12, v51, v31;
	v33 =	vsub.f32 v20, v56  }
0xfb: {  	v30 =	vsel vm2, v48, v30;
	v29 =	vsel vm2, v49, v29;
	vm2 =	vmand vm14, vm15  }
0xfc: {  	v28 =	vsel vm12, v53, v28;
	vm0 =	vmand vm8, vm9;
	v35 =	vnsel vm2, $0x7F800000, v35  }
0xfd: {  	vm12 =	vge.s32 v23, v21;
	v33 =	vmul.f32 v33, v33;
	vm6 =	vlt.f32 v35, v31  }
0xfe: {  	vm7 =	vlt.f32 v35, v30;
	vm2 =	vlt.f32 v35, v32;
	v59 =	vsel vm6, v31, v35  }
0xff: {  	v60 =	vsel vm6, v28, v52;
	v33 =	vadd.f32 v33, v34;
	v62 =	vsel vm2, v32, v35  }
0x100: {  	v63 =	vsel vm2, v27, v52;
	v32 =	vsel vm2, v35, v32;
	v27 =	vsel vm2, v52, v27  }
0x101: {  	vm2 =	vmand vm12, vm13;
	v30 =	vsel vm7, v59, v30;
	v29 =	vsel vm7, v60, v29  }
0x102: {  	v31 =	vsel vm6, v62, v31;
	v28 =	vsel vm6, v63, v28;
	v33 =	vnsel vm0, $0x7F800000, v33  }
0x103: {  	v24 =	vnsel vm2, $0x7F800000, v24;
	vm0 =	vlt.f32 v33, v31;
	vm10 =	vlt.f32 v33, v32  }
0x104: {  	vm11 =	vlt.f32 v33, v30;
	v34 =	vsel vm0, v31, v33;
	v26 =	vsel vm0, v28, v61  }
0x105: {  	v25 =	vsel vm10, v32, v33;
	v32 =	vsel vm10, v33, v32;
	v30 =	vsel vm11, v34, v30  }
0x106: {  	p0 =	sne.s32 s19, $0x1;
	v26 =	vsel vm11, v26, v29;
	v29 =	vsel vm10, v27, v61;
	v25 =	vsel vm0, v25, v31  }
.Ltmp3:
0x107: {  	v27 =	vsel vm10, v61, v27;
	vm15 =	vlt.f32 v24, v32;
	v28 =	vsel vm0, v29, v28;
	(pc) =	sbr.rel @p0 .LBB2_5-.Ltmp3, $4  }
0x108: {  	vm14 =	vlt.f32 v24, v25;
	vm2 =	vlt.f32 v24, v30;
	v31 =	vsel vm15, v32, v24  }
0x109: {  	v32 =	vsel vm15, v24, v32;
	v29 =	vsel vm14, v25, v24;
	v31 =	vsel vm14, v31, v25  }
0x10a: {  	s21 =	sadd.s32 $0x10, s21;
	s24 =	sadd.s32 $0x10, s24;
	v25 =	vsel vm15, v27, v23;
	v30 =	vsel vm2, v29, v30;
	v29 =	vsel vm14, v28, v23  }
0x10b: {  	s25 =	sadd.s32 $0x10, s25;
	s19 =	sadd.s32 $0xFFFFFFFF, s19;
	s26 =	sadd.s32 $0x10, s26;
	v27 =	vsel vm15, v23, v27;
	v28 =	vsel vm14, v25, v28;
	v29 =	vsel vm2, v29, v26  }
.Ltmp4:
0x10c: {  	(pc) =	sbr.rel .LBB2_7-.Ltmp4, $2  }
0x10d: {  	_ =	sdelay $0x2  }
0x10e: {  	v18 =	vmax.f32 v32, $1.000000020e-16;
	v19 =	vmax.f32 v31, $1.000000020e-16;
	v20 =	vmax.f32 v30, $1.000000020e-16  }
.LBB2_8:
0x10f: {  	s0 =	simm.s32 $0x3A80  }
0x110: {  	[tilespmem:s1], [sflag:$0x1] =	stream.indirect.gather [hbm4b:s2+s31], $0x80, s0, s31, $0xb8;
	[tilespmem:$0x13D80] =	vst v63  }
0x111: {  	s26 =	simm.s32 $0x3B80  }
0x112: {  	[tilespmem:s20], [sflag:$0x1] =	stream.indirect.gather [hbm4b:s2+s31], $0x80, s26, s31, $0xb8;
	[tilespmem:$0x13D80] =	vst v63  }
0x113: {  	s29 =	simm.s32 $0x3C80  }
0x114: {  	[tilespmem:s22], [sflag:$0x1] =	stream.indirect.gather [hbm4b:s2+s31], $0x80, s29, s31, $0xb8;
	[tilespmem:$0x13D80] =	vst v63  }
0x115: {  	_ =	swait.ge [sflag:s30], $0x4000  }
0x116: {  	[sflag:s30] =	ssyncset.done $0x0  }
0x117: {  	[sflag:s30] =	ssyncadd.s32 $0xFFFFC000  }
0x118: {  	_ =	swait.ge [sflag:s30], $0x4000  }
0x119: {  	[sflag:s30] =	ssyncset.done $0x0  }
0x11a: {  	[sflag:s30] =	ssyncadd.s32 $0xFFFFC000  }
0x11b: {  	_ =	swait.ge [sflag:s30], $0x4000  }
0x11c: {  	[sflag:s30] =	ssyncset.done $0x0  }
0x11d: {  	s0 =	simm.s32 $0x0;
	[sflag:s30] =	ssyncadd.s32 $0xFFFFC000  }
0x11e: {  	v18 =	vld [tilespmem:s0+$0x3D80]  }
0x11f: {  	v21 =	vld [tilespmem:s0+$0x7D80]  }
0x120: {  	v19 =	vld [tilespmem:s0+$0x3D90]  }
0x121: {  	v17 =	vld [tilespmem:s0+$0x7D90]  }
0x122: {  	v24 =	vld [tilespmem:s0+$0x3DA0]  }
0x123: {  	v26 =	vld [tilespmem:s0+$0x7DD0]  }
0x124: {  	v27 =	vld [tilespmem:s0+$0xBD90]  }
0x125: {  	v28 =	vld [tilespmem:s0+$0xBDB0]  }
0x126: {  	v16 =	vld [tilespmem:s0+$0x3DD0]  }
0x127: {  	v22 =	vld [tilespmem:s0+$0x3DE0]  }
0x128: {  	v23 =	vld [tilespmem:s0+$0x7DB0]  }
0x129: {  	v20 =	vld [tilespmem:s0+$0xBDA0]  }
0x12a: {  	v30 =	vld [tilespmem:s0+$0x3DB0]  }
0x12b: {  	v29 =	vld [tilespmem:s0+$0xBDE0]  }
0x12c: {  	v25 =	vld [tilespmem:s0+$0x7DF0]  }
0x12d: {  	v31 =	vld [tilespmem:s0+$0x7DC0]  }
0x12e: {  	v32 =	vld [tilespmem:s0+$0x3DC0]  }
0x12f: {  	v33 =	vld [tilespmem:s0+$0x7DE0]  }
0x130: {  	v34 =	vld [tilespmem:s0+$0x7DA0]  }
0x131: {  	v35 =	vld [tilespmem:s0+$0xBDC0]  }
0x132: {  	s19 =	simm.s32 $0x3900;
	v36 =	vld [tilespmem:s0+$0xBD80]  }
0x133: {  	s21 =	simm.s32 $0x3780;
	v37 =	vld [tilespmem:s19+$0x0]  }
0x134: {  	s24 =	simm.s32 $0x3600;
	s25 =	simm.s32 $0x200;
	s26 =	simm.s32 $0x3600;
	v38 =	vld [tilespmem:s21+$0x0]  }
.LBB2_9:
0x135: {  	v39 =	vld [tilespmem:s0+$0xBDF0];
	s24 =	sadd.s32 $0x1, s24;
	s21 =	sadd.s32 $0x1, s21;
	s19 =	sadd.s32 $0x1, s19  }
0x136: {  	s29 =	sshra.s32 s25, $0x2;
	p0 =	sne.s32 s25, $0xFE00;
	s25 =	sadd.s32 $0x200, s25;
	v40 =	vld [tilespmem:s26+$0x0]  }
0x137: {  	s26 =	smov.u32 s24;
	v41 =	vld [tilespmem:s29+$0x3D80]  }
0x138: {  	v42 =	vld [tilespmem:s29+$0x7D80];
	v37 =	vperm.xlane v37, v0  }
0x139: {  	v43 =	vld [tilespmem:s29+$0x3D90];
	v38 =	vperm.xlane v38, v0  }
0x13a: {  	v44 =	vld [tilespmem:s29+$0x7D90];
	v45 =	vmul.f32 v27, v37;
	v46 =	vmul.f32 v28, v37  }
0x13b: {  	v48 =	vmul.f32 v29, v37;
	v39 =	vmul.f32 v39, v37;
	v47 =	vld [tilespmem:s29+$0x3DA0]  }
0x13c: {  	v36 =	vmul.f32 v36, v37;
	v35 =	vmul.f32 v35, v37;
	v29 =	vld [tilespmem:s29+$0x7DD0]  }
0x13d: {  	v40 =	vperm.xlane v40, v0;
	v49 =	vmul.f32 v21, v38;
	v27 =	vld [tilespmem:s29+$0xBD90];
	v21 =	vmov v42  }
0x13e: {  	v34 =	vmul.f32 v34, v38;
	v42 =	vmul.f32 v26, v38;
	v28 =	vld [tilespmem:s29+$0xBDB0]  }
0x13f: {  	v33 =	vmul.f32 v33, v38;
	v30 =	vmul.f32 v30, v40;
	v50 =	vld [tilespmem:s0+$0x3DF0]  }
0x140: {  	v31 =	vmul.f32 v31, v38;
	v32 =	vmul.f32 v32, v40;
	v51 =	vld [tilespmem:s29+$0x3DD0]  }
0x141: {  	v54 =	vmul.f32 v23, v38;
	v53 =	vmul.f32 v18, v40;
	v18 =	vmovc v41;
	v52 =	vld [tilespmem:s29+$0x3DE0];
	v26 =	vmov v29  }
0x142: {  	v41 =	vmul.f32 v24, v40;
	v55 =	vadd.f32 v31, v32;
	v29 =	vmul.f32 v19, v40;
	v19 =	vmovc v43;
	v23 =	vld [tilespmem:s29+$0x7DB0]  }
0x143: {  	v31 =	vadd.f32 v49, v53;
	v32 =	vmul.f32 v17, v38;
	v17 =	vmovc v44;
	v43 =	vadd.f32 v54, v30;
	v49 =	vld [tilespmem:s0+$0xBDD0]  }
0x144: {  	v25 =	vmul.f32 v25, v38;
	v24 =	vmovc v47;
	v35 =	vadd.f32 v35, v55;
	v44 =	vld [tilespmem:s29+$0xBDA0];
	v50 =	vmul.f32 v50, v40  }
0x145: {  	v32 =	vadd.f32 v32, v29;
	v38 =	vadd.f32 v46, v43;
	v43 =	vmul.f32 v16, v40;
	v30 =	vld [tilespmem:s29+$0x3DB0];
	v16 =	vmovc v51  }
0x146: {  	v36 =	vadd.f32 v36, v31;
	v46 =	vmul.f32 v22, v40;
	v29 =	vld [tilespmem:s29+$0xBDE0];
	[tilespmem:s0+$0xFDC0] =	vst v35;
	v35 =	vadd.f32 v25, v50  }
0x147: {  	v34 =	vadd.f32 v34, v41;
	v41 =	vmul.f32 v20, v37;
	v40 =	vadd.f32 v45, v32;
	v25 =	vld [tilespmem:s29+$0x7DF0];
	[tilespmem:s0+$0xFDB0] =	vst v38  }
0x148: {  	v31 =	vld [tilespmem:s29+$0x7DC0];
	[tilespmem:s0+$0xFD80] =	vst v36;
	v36 =	vadd.f32 v42, v43;
	v37 =	vmul.f32 v49, v37;
	v35 =	vadd.f32 v39, v35  }
0x149: {  	v22 =	vmovc v52;
	v38 =	vadd.f32 v41, v34;
	v39 =	vadd.f32 v33, v46;
	v32 =	vld [tilespmem:s29+$0x3DC0];
	[tilespmem:s0+$0xFD90] =	vst v40;
	v20 =	vmov v44  }
0x14a: {  	v33 =	vld [tilespmem:s29+$0x7DE0];
	v36 =	vadd.f32 v37, v36;
	[tilespmem:s0+$0xFDF0] =	vst v35  }
.Ltmp5:
0x14b: {  	v37 =	vadd.f32 v48, v39;
	v34 =	vld [tilespmem:s29+$0x7DA0];
	[tilespmem:s0+$0xFDA0] =	vst v38;
	(pc) =	sbr.rel @p0 .LBB2_9-.Ltmp5, $4  }
0x14c: {  	v35 =	vld [tilespmem:s29+$0xBDC0];
	[tilespmem:s0+$0xFDD0] =	vst v36  }
0x14d: {  	v36 =	vld [tilespmem:s29+$0xBD80];
	[tilespmem:s0+$0xFDE0] =	vst v37;
	s0 =	smov.u32 s29  }
0x14e: {  	v37 =	vld [tilespmem:s19+$0x0]  }
0x14f: {  	v38 =	vld [tilespmem:s21+$0x0]  }
0x150: {  	_ = 	snop  }
0x151: {  	v39 =	vld [tilespmem:s0+$0xBDF0];
	_ =	sdelay $0x1  }
0x152: {  	v40 =	vld [tilespmem:s26+$0x0];
	v37 =	vperm.xlane v37, v0;
	_ =	sdelay $0x1  }
0x153: {  	v38 =	vperm.xlane v38, v0;
	v27 =	vmul.f32 v27, v37  }
0x154: {  	v28 =	vmul.f32 v28, v37;
	v39 =	vmul.f32 v39, v37  }
0x155: {  	v36 =	vmul.f32 v36, v37;
	v35 =	vmul.f32 v35, v37  }
0x156: {  	v40 =	vperm.xlane v40, v0;
	v20 =	vmul.f32 v20, v37  }
0x157: {  	v21 =	vmul.f32 v21, v38;
	v34 =	vmul.f32 v34, v38  }
0x158: {  	v26 =	vmul.f32 v26, v38;
	v31 =	vmul.f32 v31, v38  }
0x159: {  	v41 =	vld [tilespmem:s0+$0x3DF0];
	v23 =	vmul.f32 v23, v38;
	v32 =	vmul.f32 v32, v40  }
0x15a: {  	v30 =	vmul.f32 v30, v40;
	v18 =	vmul.f32 v18, v40  }
0x15b: {  	v17 =	vmul.f32 v17, v38;
	v19 =	vmul.f32 v19, v40;
	v31 =	vadd.f32 v31, v32  }
0x15c: {  	v33 =	vmul.f32 v33, v38;
	v18 =	vadd.f32 v21, v18;
	v21 =	vadd.f32 v23, v30;
	v23 =	vld [tilespmem:s0+$0xBDD0]  }
0x15d: {  	v24 =	vmul.f32 v24, v40;
	v17 =	vadd.f32 v17, v19;
	v30 =	vadd.f32 v35, v31  }
0x15e: {  	v25 =	vmul.f32 v25, v38;
	v31 =	vmul.f32 v41, v40;
	v18 =	vadd.f32 v36, v18  }
0x15f: {  	v16 =	vmul.f32 v16, v40;
	v24 =	vadd.f32 v34, v24;
	v17 =	vadd.f32 v27, v17;
	[tilespmem:s0+$0xFDC0] =	vst v30  }
0x160: {  	v19 =	vadd.f32 v28, v21;
	v21 =	vmul.f32 v22, v40;
	v22 =	vadd.f32 v25, v31;
	[tilespmem:s0+$0xFD80] =	vst v18  }
0x161: {  	v16 =	vadd.f32 v26, v16;
	[tilespmem:s0+$0xFD90] =	vst v17;
	v17 =	vadd.f32 v20, v24;
	v18 =	vmul.f32 v23, v37  }
0x162: {  	[tilespmem:s0+$0xFDB0] =	vst v19;
	v20 =	vadd.f32 v33, v21;
	v19 =	vadd.f32 v39, v22;
	v22 =	vmul.f32 v29, v37  }
0x163: {  	[tilespmem:s0+$0xFDA0] =	vst v17;
	v16 =	vadd.f32 v18, v16  }
0x164: {  	[tilespmem:s0+$0xFDF0] =	vst v19;
	v17 =	vadd.f32 v22, v20  }
0x165: {  	[tilespmem:s0+$0xFDD0] =	vst v16  }
0x166: {  	s24 =	simm.s32 $0x0;
	[tilespmem:s0+$0xFDE0] =	vst v17  }
0x167: {  	[hbm4b:s15+s24] =	stream.linear.scatter [tilespmem:s23], [sflag:$0x2], $0x4000, $0x38;
	[tilespmem:$0x13D80] =	vst v63  }
0x168: {  	_ =	swait.ge [sflag:s18], $0x4000  }
0x169: {  	[sflag:s18] =	ssyncset.done $0x0  }
0x16a: {  	s25 =	simm.s32 $0x3B00;
	[sflag:s18] =	ssyncadd.s32 $0xFFFFC000  }
0x16b: {  	[tilespmem:s1], [sflag:$0x1] =	stream.indirect.gather [hbm4b:s2+s31], $0x80, s25, s31, $0xb8;
	[tilespmem:$0x13D80] =	vst v63  }
0x16c: {  	s26 =	simm.s32 $0x3C00  }
0x16d: {  	[tilespmem:s20], [sflag:$0x1] =	stream.indirect.gather [hbm4b:s2+s31], $0x80, s26, s31, $0xb8;
	[tilespmem:$0x13D80] =	vst v63  }
0x16e: {  	s29 =	simm.s32 $0x3D00  }
0x16f: {  	[tilespmem:s22], [sflag:$0x1] =	stream.indirect.gather [hbm4b:s2+s31], $0x80, s29, s31, $0xb8;
	[tilespmem:$0x13D80] =	vst v63  }
0x170: {  	_ =	swait.ge [sflag:s30], $0x4000  }
0x171: {  	[sflag:s30] =	ssyncset.done $0x0  }
0x172: {  	[sflag:s30] =	ssyncadd.s32 $0xFFFFC000  }
0x173: {  	_ =	swait.ge [sflag:s30], $0x4000  }
0x174: {  	[sflag:s30] =	ssyncset.done $0x0  }
0x175: {  	[sflag:s30] =	ssyncadd.s32 $0xFFFFC000  }
0x176: {  	_ =	swait.ge [sflag:s30], $0x4000  }
0x177: {  	[sflag:s30] =	ssyncset.done $0x0  }
0x178: {  	s0 =	simm.s32 $0x0;
	[sflag:s30] =	ssyncadd.s32 $0xFFFFC000  }
0x179: {  	v18 =	vld [tilespmem:s0+$0x3D80]  }
0x17a: {  	v21 =	vld [tilespmem:s0+$0x7D80]  }
0x17b: {  	v19 =	vld [tilespmem:s0+$0x3D90]  }
0x17c: {  	v17 =	vld [tilespmem:s0+$0x7D90]  }
0x17d: {  	v24 =	vld [tilespmem:s0+$0x3DA0]  }
0x17e: {  	v26 =	vld [tilespmem:s0+$0x7DD0]  }
0x17f: {  	v27 =	vld [tilespmem:s0+$0xBD90]  }
0x180: {  	v28 =	vld [tilespmem:s0+$0xBDB0]  }
0x181: {  	v16 =	vld [tilespmem:s0+$0x3DD0]  }
0x182: {  	v22 =	vld [tilespmem:s0+$0x3DE0]  }
0x183: {  	v23 =	vld [tilespmem:s0+$0x7DB0]  }
0x184: {  	v20 =	vld [tilespmem:s0+$0xBDA0]  }
0x185: {  	v30 =	vld [tilespmem:s0+$0x3DB0]  }
0x186: {  	v29 =	vld [tilespmem:s0+$0xBDE0]  }
0x187: {  	v25 =	vld [tilespmem:s0+$0x7DF0]  }
0x188: {  	v31 =	vld [tilespmem:s0+$0x7DC0]  }
0x189: {  	v32 =	vld [tilespmem:s0+$0x3DC0]  }
0x18a: {  	v33 =	vld [tilespmem:s0+$0x7DE0]  }
0x18b: {  	v34 =	vld [tilespmem:s0+$0x7DA0]  }
0x18c: {  	v35 =	vld [tilespmem:s0+$0xBDC0]  }
0x18d: {  	s19 =	simm.s32 $0x3980;
	v36 =	vld [tilespmem:s0+$0xBD80]  }
0x18e: {  	s21 =	simm.s32 $0x3800;
	v37 =	vld [tilespmem:s19+$0x0]  }
0x18f: {  	s24 =	simm.s32 $0x3680;
	s25 =	simm.s32 $0x200;
	s26 =	simm.s32 $0x3680;
	v38 =	vld [tilespmem:s21+$0x0]  }
.LBB2_11:
0x190: {  	v39 =	vld [tilespmem:s0+$0xBDF0];
	s19 =	sadd.s32 $0x1, s19;
	s21 =	sadd.s32 $0x1, s21;
	s24 =	sadd.s32 $0x1, s24  }
0x191: {  	s29 =	sshra.s32 s25, $0x2;
	p0 =	sne.s32 s25, $0xFE00;
	s25 =	sadd.s32 $0x200, s25;
	v40 =	vld [tilespmem:s26+$0x0]  }
0x192: {  	s26 =	smov.u32 s24;
	v41 =	vld [tilespmem:s29+$0x3D80]  }
0x193: {  	v42 =	vld [tilespmem:s29+$0x7D80];
	v37 =	vperm.xlane v37, v0  }
0x194: {  	v43 =	vld [tilespmem:s29+$0x3D90];
	v38 =	vperm.xlane v38, v0  }
0x195: {  	v44 =	vld [tilespmem:s29+$0x7D90];
	v45 =	vmul.f32 v27, v37;
	v46 =	vmul.f32 v28, v37  }
0x196: {  	v48 =	vmul.f32 v29, v37;
	v39 =	vmul.f32 v39, v37;
	v47 =	vld [tilespmem:s29+$0x3DA0]  }
0x197: {  	v36 =	vmul.f32 v36, v37;
	v35 =	vmul.f32 v35, v37;
	v29 =	vld [tilespmem:s29+$0x7DD0]  }
0x198: {  	v40 =	vperm.xlane v40, v0;
	v49 =	vmul.f32 v21, v38;
	v27 =	vld [tilespmem:s29+$0xBD90];
	v21 =	vmov v42  }
0x199: {  	v34 =	vmul.f32 v34, v38;
	v42 =	vmul.f32 v26, v38;
	v28 =	vld [tilespmem:s29+$0xBDB0]  }
0x19a: {  	v33 =	vmul.f32 v33, v38;
	v30 =	vmul.f32 v30, v40;
	v50 =	vld [tilespmem:s0+$0x3DF0]  }
0x19b: {  	v31 =	vmul.f32 v31, v38;
	v32 =	vmul.f32 v32, v40;
	v51 =	vld [tilespmem:s29+$0x3DD0]  }
0x19c: {  	v54 =	vmul.f32 v23, v38;
	v53 =	vmul.f32 v18, v40;
	v18 =	vmovc v41;
	v52 =	vld [tilespmem:s29+$0x3DE0];
	v26 =	vmov v29  }
0x19d: {  	v41 =	vmul.f32 v24, v40;
	v55 =	vadd.f32 v31, v32;
	v29 =	vmul.f32 v19, v40;
	v19 =	vmovc v43;
	v23 =	vld [tilespmem:s29+$0x7DB0]  }
0x19e: {  	v31 =	vadd.f32 v49, v53;
	v32 =	vmul.f32 v17, v38;
	v17 =	vmovc v44;
	v43 =	vadd.f32 v54, v30;
	v49 =	vld [tilespmem:s0+$0xBDD0]  }
0x19f: {  	v25 =	vmul.f32 v25, v38;
	v24 =	vmovc v47;
	v35 =	vadd.f32 v35, v55;
	v44 =	vld [tilespmem:s29+$0xBDA0];
	v50 =	vmul.f32 v50, v40  }
0x1a0: {  	v32 =	vadd.f32 v32, v29;
	v38 =	vadd.f32 v46, v43;
	v43 =	vmul.f32 v16, v40;
	v30 =	vld [tilespmem:s29+$0x3DB0];
	v16 =	vmovc v51  }
0x1a1: {  	v36 =	vadd.f32 v36, v31;
	v46 =	vmul.f32 v22, v40;
	v29 =	vld [tilespmem:s29+$0xBDE0];
	[tilespmem:s0+$0xFDC0] =	vst v35;
	v35 =	vadd.f32 v25, v50  }
0x1a2: {  	v34 =	vadd.f32 v34, v41;
	v41 =	vmul.f32 v20, v37;
	v40 =	vadd.f32 v45, v32;
	v25 =	vld [tilespmem:s29+$0x7DF0];
	[tilespmem:s0+$0xFDB0] =	vst v38  }
0x1a3: {  	v31 =	vld [tilespmem:s29+$0x7DC0];
	[tilespmem:s0+$0xFD80] =	vst v36;
	v36 =	vadd.f32 v42, v43;
	v37 =	vmul.f32 v49, v37;
	v35 =	vadd.f32 v39, v35  }
0x1a4: {  	v22 =	vmovc v52;
	v38 =	vadd.f32 v41, v34;
	v39 =	vadd.f32 v33, v46;
	v32 =	vld [tilespmem:s29+$0x3DC0];
	[tilespmem:s0+$0xFD90] =	vst v40;
	v20 =	vmov v44  }
0x1a5: {  	v33 =	vld [tilespmem:s29+$0x7DE0];
	v36 =	vadd.f32 v37, v36;
	[tilespmem:s0+$0xFDF0] =	vst v35  }
.Ltmp6:
0x1a6: {  	v37 =	vadd.f32 v48, v39;
	v34 =	vld [tilespmem:s29+$0x7DA0];
	[tilespmem:s0+$0xFDA0] =	vst v38;
	(pc) =	sbr.rel @p0 .LBB2_11-.Ltmp6, $4  }
0x1a7: {  	v35 =	vld [tilespmem:s29+$0xBDC0];
	[tilespmem:s0+$0xFDD0] =	vst v36  }
0x1a8: {  	v36 =	vld [tilespmem:s29+$0xBD80];
	[tilespmem:s0+$0xFDE0] =	vst v37;
	s0 =	smov.u32 s29  }
0x1a9: {  	v37 =	vld [tilespmem:s19+$0x0]  }
0x1aa: {  	v38 =	vld [tilespmem:s21+$0x0]  }
0x1ab: {  	_ = 	snop  }
0x1ac: {  	v39 =	vld [tilespmem:s0+$0xBDF0];
	_ =	sdelay $0x1  }
0x1ad: {  	v40 =	vld [tilespmem:s26+$0x0];
	v37 =	vperm.xlane v37, v0;
	_ =	sdelay $0x1  }
0x1ae: {  	v38 =	vperm.xlane v38, v0;
	v27 =	vmul.f32 v27, v37  }
0x1af: {  	v28 =	vmul.f32 v28, v37;
	v39 =	vmul.f32 v39, v37  }
0x1b0: {  	v36 =	vmul.f32 v36, v37;
	v35 =	vmul.f32 v35, v37  }
0x1b1: {  	v40 =	vperm.xlane v40, v0;
	v20 =	vmul.f32 v20, v37  }
0x1b2: {  	v21 =	vmul.f32 v21, v38;
	v34 =	vmul.f32 v34, v38  }
0x1b3: {  	v41 =	vld [tilespmem:s0+$0x3DF0];
	v26 =	vmul.f32 v26, v38;
	v33 =	vmul.f32 v33, v38  }
0x1b4: {  	v31 =	vmul.f32 v31, v38;
	v32 =	vmul.f32 v32, v40  }
0x1b5: {  	v23 =	vmul.f32 v23, v38;
	v30 =	vmul.f32 v30, v40  }
0x1b6: {  	v17 =	vmul.f32 v17, v38;
	v18 =	vmul.f32 v18, v40;
	v31 =	vadd.f32 v31, v32  }
0x1b7: {  	v54 =	vld [tilespmem:s0+$0xBDD0];
	v25 =	vmul.f32 v25, v38;
	v19 =	vmul.f32 v19, v40;
	v53 =	vadd.f32 v23, v30  }
0x1b8: {  	v56 =	vmul.f32 v41, v40;
	v18 =	vadd.f32 v21, v18;
	v55 =	vadd.f32 v35, v31  }
0x1b9: {  	v24 =	vmul.f32 v24, v40;
	v17 =	vadd.f32 v17, v19;
	v57 =	vadd.f32 v28, v53  }
0x1ba: {  	v16 =	vmul.f32 v16, v40;
	v59 =	vadd.f32 v25, v56;
	v18 =	vadd.f32 v36, v18;
	[tilespmem:s0+$0xFDC0] =	vst v55  }
0x1bb: {  	v58 =	vmul.f32 v22, v40;
	v24 =	vadd.f32 v34, v24;
	v17 =	vadd.f32 v27, v17;
	[tilespmem:s0+$0xFDB0] =	vst v57  }
0x1bc: {  	v60 =	vmul.f32 v54, v37;
	v16 =	vadd.f32 v26, v16;
	v61 =	vadd.f32 v39, v59;
	[tilespmem:s0+$0xFD80] =	vst v18  }
0x1bd: {  	v62 =	vmul.f32 v29, v37;
	v63 =	vadd.f32 v33, v58;
	[tilespmem:s0+$0xFD90] =	vst v17;
	v17 =	vadd.f32 v20, v24  }
0x1be: {  	v16 =	vadd.f32 v60, v16;
	[tilespmem:s0+$0xFDF0] =	vst v61  }
0x1bf: {  	s28 =	sadd.s32 $0x1, s28;
	[tilespmem:s0+$0xFDA0] =	vst v17;
	v17 =	vadd.f32 v62, v63  }
0x1c0: {  	p0 =	sne.s32 s28, s17;
	[tilespmem:s0+$0xFDD0] =	vst v16  }
.Ltmp7:
0x1c1: {  	[tilespmem:s0+$0xFDE0] =	vst v17;
	(pc) =	sbr.rel @p0 .LBB2_1-.Ltmp7, $4  }
0x1c2: {  	[hbm4b:s16+s3] =	stream.linear.scatter [tilespmem:s23], [sflag:$0x2], $0x4000, $0x38;
	[tilespmem:$0x13D80] =	vst v63  }
0x1c3: {  	_ =	swait.ge [sflag:s18], $0x4000  }
0x1c4: {  	[sflag:s18] =	ssyncset.done $0x0  }
0x1c5: {  	[sflag:s18] =	ssyncadd.s32 $0xFFFFC000  }
0x1c6: {  	_ =	sfence.sel $0x180000  }
0x1c7: {  	[bflag:$0x0] =	sbarrier.arrive $0xFFFF  }
0x1c8: {  	_ =	strace $0x90000047  }
0x1c9: {  	s0 =	stileid.u32;
	[bflag:$0x2] =	sbarrier.arrive $0xFFFF  }
0x1ca: {  	p0 =	sne.s32 s0, $0x0;
	s0 =	rddreg [dreg:$0x5]  }
0x1cb: {  	s0 =	sadd.s32 @!p0 $0x100000, s0  }
0x1cc: {  	[sflag:s0] =	ssyncadd.tile.s32 @!p0 $0x1;
	_ =	shalt  }
.Lfunc_end2:
_tile_overlayer_lowered:
.L_overlay_start_2:
0x1cd: {  	(tag) =	ssettag $0x2  }
0x1ce: {  	s0 =	rddreg [dreg:$0x0];
	s2 =	stileid.u32  }
0x1cf: {  	s1 =	rddreg [dreg:$0x1];
	p0 =	sne.s32 s2, $0x0  }
0x1d0: {  	s3 =	rddreg [dreg:$0x2];
	[bflag:$0x3] =	sbarrier.arrive $0xFFFF;
	s2 =	simm.s32 @!p0 $0x1C02  }
0x1d1: {  	[timem:s3], [sflag:s2] =	dma.local @!p0 [hbm:s0], s1  }
0x1d2: {  	s0 =	simm.s32 @!p0 $0x2  }
0x1d3: {  	_ =	swait.ge @!p0 [sflag:s0], s1  }
0x1d4: {  	s1 =	ssub.s32 @!p0 $0x0, s1;
	[sflag:s0] =	ssyncset.done @!p0 $0x0  }
0x1d5: {  	[sflag:s0] =	ssyncadd.s32 @!p0 s1  }
0x1d6: {  	[bflag:$0x3] =	sbarrier.arrive $0xFFFF  }
0x1d7: {  	_ =	shalt  }

// kernel: kernel.9.cloned.1.call-start
scs
__scs_entry_jumppad:
0x0: {  	(pc) =	sbr.rel $0x88, $3  }
0x1: {  	(tag) =	ssettag $0x0;
	lr =	simm.s32 $0x1  }
0x2: {  	[smem:$0x3F94] =	sst lr;
	_ =	strace $0xD0000000  }
0x3: {  	_ = 	snop  }
0x4: {  	_ = 	snop  }
0x5: {  	_ = 	snop  }
0x6: {  	_ = 	snop  }
0x7: {  	_ = 	snop  }
__scs_overlays_trampoline_lowered:
0x8: {  	[smem:$0x3FA3] =	sst s0  }
0x9: {  	[smem:$0x3FA4] =	sst s1  }
0xa: {  	[smem:$0x3FA5] =	sst s2  }
0xb: {  	[smem:$0x3FA6] =	sst s3  }
0xc: {  	[smem:$0x3FA7] =	sst s4  }
0xd: {  	[smem:$0x3FA8] =	sst s5  }
0xe: {  	[smem:$0x3FA9] =	sst s6  }
0xf: {  	[smem:$0x3FAA] =	sst s7  }
0x10: {  	[smem:$0x3FAB] =	sst s8  }
0x11: {  	[smem:$0x3FAC] =	sst s9;
	s0 =	simm.s32 @!p0 $0x0  }
0x12: {  	s1 =	sld [smem:$0x3F92];
	s0 =	simm.s32 @p0 $0x1  }
0x13: {  	[smem:$0x3FAD] =	sst s0;
	s0 =	simm.s32 @!p1 $0x0  }
0x14: {  	s2 =	sld [smem:$0x3F91];
	s0 =	simm.s32 @p1 $0x1  }
0x15: {  	[smem:$0x3FAE] =	sst s0;
	s0 =	simm.s32 @!p2 $0x0  }
0x16: {  	s3 =	sld [smem:$0x3FDB];
	s0 =	simm.s32 @p2 $0x1  }
0x17: {  	s4 =	simm.s32 $0x1BF5;
	[smem:$0x3FB0] =	sst s0  }
0x18: {  	s0 =	sld [smem:$0x3F93];
	_ =	swait.ge [sflag:s4], $0x0  }
0x19: {  	s7 =	sld [smem:$0x3F94]  }
0x1a: {  	s8 =	sadd.s32 $0xFFFFE003, lr  }
0x1b: {  	s9 =	sadd.s32 $0xFFFFFEF7, lr;
	s5 =	simm.s32 $0xFFFFFFFF;
	p2 =	slt.u32 s8, $0xFFFFF086  }
0x1c: {  	p1 =	slt.u32 s9, $0xF7A;
	s5 =	simm.s32 @!p2 $0x0  }
0x1d: {  	s5 =	simm.s32 @p1 $0x1;
	p0 =	seq.s32 s7, s2  }
0x1e: {  	s7 =	smul.u32 @!p0 $0xF7A, s2;
	p2 =	seq.s32 @!p0 s5, $0x0  }
0x1f: {  	s9 =	smul.u32 $0xF7A, s1;
	s8 =	simm.s32 @!p0 $0x1BF5;
	p2 =	por !p2, p0  }
0x20: {  	[sflag:s8] =	ssyncset.s32 @!p0 $0xFFFFF086;
	s6 =	sadd.s32 @!p0 s3, s7;
	s7 =	simm.s32 @!p0 $0x108  }
0x21: {  	s3 =	sadd.s32 s3, s9;
	s6 =	sadd.s32 @!p0 $0x88, s6;
	s7 =	simm.s32 @p2 $0x1082  }
0x22: {  	[simem:s7], [sflag:s8] =	dma.local @!p0 [hbm:s6], $0xF7A  }
0x23: {  	s9 =	sor.u32 $0xD0000000, s2;
	s6 =	simm.s32 $0x108;
	_ =	swait.ge @!p0 [sflag:s8], $0x0  }
0x24: {  	s3 =	sadd.s32 $0x88, s3;
	s6 =	simm.s32 @!p1 $0x1082;
	[sflag:s4] =	ssyncset.s32 $0xFFFFF086  }
0x25: {  	[simem:s6], [sflag:s4] =	dma.local [hbm:s3], $0xF7A  }
0x26: {  	[smem:$0x3F94] =	sst s1;
	(tag) =	ssettag s2;
	_ =	strace s9  }
0x27: {  	s1 =	sld [smem:$0x3FA4]  }
0x28: {  	s2 =	sld [smem:$0x3FA5]  }
0x29: {  	s4 =	sld [smem:$0x3FA7]  }
0x2a: {  	p0 =	seq.s32 s5, $0x0;
	s5 =	sld [smem:$0x3FA8]  }
0x2b: {  	s6 =	sld [smem:$0x3FA9]  }
0x2c: {  	s7 =	sld [smem:$0x3FAA]  }
0x2d: {  	s3 =	simm.s32 $0x108;
	s8 =	sld [smem:$0x3FAB]  }
0x2e: {  	s3 =	simm.s32 @!p0 $0x1082;
	s9 =	sld [smem:$0x3FAC]  }
0x2f: {  	lr =	sadd.s32 s0, s3;
	s0 =	sld [smem:$0x3FA3]  }
0x30: {  	s3 =	sld [smem:$0x3FA6]  }
0x31: {  	[smem:$0x3FAF] =	sst s10  }
0x32: {  	s10 =	sld [smem:$0x3FAD];
	_ =	sdelay $0x3  }
0x33: {  	p0 =	seq.s32 s10, $0x1;
	s10 =	sld [smem:$0x3FAF];
	_ =	sdelay $0x3  }
0x34: {  	[smem:$0x3FAF] =	sst s10  }
0x35: {  	s10 =	sld [smem:$0x3FAE];
	_ =	sdelay $0x3  }
0x36: {  	p1 =	seq.s32 s10, $0x1;
	s10 =	sld [smem:$0x3FAF];
	_ =	sdelay $0x3  }
0x37: {  	[smem:$0x3FAF] =	sst s10  }
0x38: {  	s10 =	sld [smem:$0x3FB0]  }
0x39: {  	_ = 	snop;
	(pc) =	sbr.ind lr, $3  }
0x3a: {  	_ = 	snop  }
0x3b: {  	_ = 	snop  }
0x3c: {  	p2 =	seq.s32 s10, $0x1;
	s10 =	sld [smem:$0x3FAF]  }
0x3d: {  	_ =	shalt  }
0x3e: {  	_ =	shalt  }
0x3f: {  	_ =	shalt  }
0x40: {  	_ =	shalt  }
0x41: {  	_ =	shalt  }
0x42: {  	_ =	shalt  }
0x43: {  	_ =	shalt  }
0x44: {  	_ =	shalt  }
0x45: {  	_ =	shalt  }
0x46: {  	_ =	shalt  }
0x47: {  	_ =	shalt  }
0x48: {  	_ =	shalt  }
0x49: {  	_ =	shalt  }
0x4a: {  	_ =	shalt  }
0x4b: {  	_ =	shalt  }
0x4c: {  	_ =	shalt  }
0x4d: {  	_ =	shalt  }
0x4e: {  	_ =	shalt  }
0x4f: {  	_ =	shalt  }
0x50: {  	_ =	shalt  }
0x51: {  	_ =	shalt  }
0x52: {  	_ =	shalt  }
0x53: {  	_ =	shalt  }
0x54: {  	_ =	shalt  }
0x55: {  	_ =	shalt  }
0x56: {  	_ =	shalt  }
0x57: {  	_ =	shalt  }
0x58: {  	_ =	shalt  }
0x59: {  	_ =	shalt  }
0x5a: {  	_ =	shalt  }
0x5b: {  	_ =	shalt  }
0x5c: {  	_ =	shalt  }
0x5d: {  	_ =	shalt  }
0x5e: {  	_ =	shalt  }
0x5f: {  	_ =	shalt  }
0x60: {  	_ =	shalt  }
0x61: {  	_ =	shalt  }
0x62: {  	_ =	shalt  }
0x63: {  	_ =	shalt  }
0x64: {  	_ =	shalt  }
0x65: {  	_ =	shalt  }
0x66: {  	_ =	shalt  }
0x67: {  	_ =	shalt  }
0x68: {  	_ =	shalt  }
0x69: {  	_ =	shalt  }
0x6a: {  	_ =	shalt  }
0x6b: {  	_ =	shalt  }
0x6c: {  	_ =	shalt  }
0x6d: {  	_ =	shalt  }
0x6e: {  	_ =	shalt  }
0x6f: {  	_ =	shalt  }
0x70: {  	_ =	shalt  }
0x71: {  	_ =	shalt  }
0x72: {  	_ =	shalt  }
0x73: {  	_ =	shalt  }
0x74: {  	_ =	shalt  }
0x75: {  	_ =	shalt  }
0x76: {  	_ =	shalt  }
0x77: {  	_ =	shalt  }
0x78: {  	_ =	shalt  }
0x79: {  	_ =	shalt  }
0x7a: {  	_ =	shalt  }
0x7b: {  	_ =	shalt  }
0x7c: {  	_ =	shalt  }
0x7d: {  	_ =	shalt  }
0x7e: {  	_ =	shalt  }
0x7f: {  	_ =	shalt  }
0x80: {  	_ =	shalt  }
0x81: {  	_ =	shalt  }
0x82: {  	_ =	shalt  }
0x83: {  	_ =	shalt  }
0x84: {  	_ =	shalt  }
0x85: {  	_ =	shalt  }
0x86: {  	_ =	shalt  }
0x87: {  	_ =	shalt  }
.Lfunc_end0:
.L_simem_size_0:
called_computation.1_lowered:
.L_overlay_start_0:
0x88: {  	s2 =	sld [smem:$0x3FD9]  }
0x89: {  	s3 =	sld [smem:$0x3FFE];
	_ =	sdelay $0x1  }
0x8a: {  	s1 =	srdreg.scid  }
0x8b: {  	s0 =	sand.u32 $0x1, s1  }
0x8c: {  	s15 =	sshll.u32 s0, $0xA;
	s2 =	sadd.s32 s3, s2  }
0x8d: {  	s2 =	sadd.s32 s2, s15  }
0x8e: {  	[smem:$0x3FBB] =	sst s2  }
0x8f: {  	_ = 	snop  }
0x90: {  	s4 =	sld [smem:$0x3FD0];
	_ =	sdelay $0x1  }
0x91: {  	s2 =	sld [smem:$0x3FC8]  }
0x92: {  	s7 =	simm.s32 $0xB;
	s5 =	simm.s32 $0x10;
	s16 =	sld [smem:$0x3FC3]  }
0x93: {  	[smem:s5], [sflag:s7] =	dma.local [hbm:s4], $0x1  }
0x94: {  	_ =	swait.eq [sflag:s7], $0x1  }
0x95: {  	s17 =	sld [smem:$0x10];
	[sflag:s7] =	ssyncset.done $0x0  }
0x96: {  	s6 =	sld [smem:$0x11];
	[sflag:s7] =	ssyncadd.s32 $0xFFFFFFFF  }
0x97: {  	s18 =	sld [smem:$0x12];
	(tm) =	ssettm $0x1  }
0x98: {  	s19 =	sld [smem:$0x3FFB];
	_ =	sdelay $0x3  }
0x99: {  	_ =	strace s19  }
0x9a: {  	s4 =	sld [smem:$0x3FFC];
	_ =	sdelay $0x3  }
0x9b: {  	_ =	strace s4  }
0x9c: {  	s4 =	sld [smem:$0x3FFD];
	_ =	sdelay $0x3  }
0x9d: {  	_ =	strace s4  }
0x9e: {  	_ =	strace $0x8FFFFFFF  }
0x9f: {  	s20 =	sld [smem:$0x3FDB];
	_ =	sdelay $0x1  }
0xa0: {  	s8 =	simm.s32 $_scs_section_size  }
0xa1: {  	s9 =	simm.s32 $_size__tile_overlayer_lowered;
	s10 =	simm.s32 $_tile_overlayer_lowered  }
0xa2: {  	s11 =	simm.s32 $0x1BFF;
	s21 =	sshll.u32 s10, $0x1;
	s8 =	sadd.s32 s8, s20  }
0xa3: {  	s22 =	simm.s32 $0x0;
	s9 =	sshll.u32 s9, $0x1;
	s10 =	sadd.s32 s21, s8  }
0xa4: {  	[timem:s22], [sflag:s11] =	dma.local [hbm:s10], s9  }
0xa5: {  	_ =	swait.ge [sflag:s11], s9  }
0xa6: {  	s9 =	ssub.s32 $0x0, s9;
	[sflag:s11] =	ssyncset.done $0x0  }
0xa7: {  	[sflag:s11] =	ssyncadd.s32 s9;
	_ =	sdelay $0x1  }
0xa8: {  	s23 =	simm.s32 $0x1B8B  }
0xa9: {  	_ =	swait.ge [sflag:s23], $0x1  }
0xaa: {  	[sflag:s23] =	ssyncset.done $0x0  }
0xab: {  	[sflag:s23] =	ssyncadd.s32 $0xFFFFFFFF  }
0xac: {  	s9 =	sld [smem:$0x0]  }
0xad: {  	s10 =	sand.u32 $0xFFFFFFFE, s1  }
0xae: {  	p0 =	sne.s32 s1, s10  }
0xaf: {  	s10 =	sshll.u32 @p0 s10, $0xE  }
0xb0: {  	s10 =	sadd.s32 @p0 $0x11B8D, s10;
	s11 =	sshll.u32 @p0 s9, $0x11  }
0xb1: {  	s10 =	sor.u32 @p0 s11, s10  }
0xb2: {  	[sflag:s10] =	ssyncadd.remote.s32 @p0 $0x1;
	_ =	sdelay $0x1  }
0xb3: {  	s10 =	simm.s32 @p0 $0x1B8D  }
0xb4: {  	_ =	swait.eq @p0 [sflag:s10], $0x1  }
0xb5: {  	[sflag:s10] =	ssyncadd.s32 @p0 $0xFFFFFFFF  }
0xb6: {  	s11 =	sshll.u32 @!p0 s1, $0xE  }
0xb7: {  	s11 =	sor.u32 @!p0 $0x4000, s11;
	s10 =	simm.s32 @!p0 $0x1B8D  }
0xb8: {  	s9 =	sshll.u32 @!p0 s9, $0x11;
	s11 =	sadd.s32 @!p0 $0x11B8D, s11;
	_ =	swait.eq @!p0 [sflag:s10], $0x1  }
0xb9: {  	s9 =	sor.u32 @!p0 s9, s11;
	[sflag:s10] =	ssyncadd.s32 @!p0 $0xFFFFFFFF  }
0xba: {  	s25 =	simm.s32 $0x1B8E;
	s24 =	sld [smem:$0x3FFE];
	[sflag:s9] =	ssyncadd.remote.s32 @!p0 $0x1  }
0xbb: {  	s26 =	simm.s32 $execute0_lowered;
	[smem:$0x3FD2] =	sst s25  }
0xbc: {  	s10 =	sshll.u32 s26, $0x1;
	_ =	strace $0x80000049;
	[dreg:$0x1] =	wrdreg $0xFFFFFFFF  }
0xbd: {  	s28 =	simm.s32 $_size_execute0_lowered;
	s8 =	sadd.s32 s8, s10;
	[dreg:$0x0] =	wrdreg $0x0  }
0xbe: {  	s10 =	sshll.u32 s28, $0x1;
	[dreg:$0x2] =	wrdreg s8  }
0xbf: {  	[dreg:$0x3] =	wrdreg s10  }
0xc0: {  	[dreg:$0x4] =	wrdreg $0xC0  }
0xc1: {  	_ =	task [dreg:s22], $0x5FFFF  }
0xc2: {  	[dreg:$0x1] =	wrdreg $0xFFFFFFFF  }
0xc3: {  	[dreg:$0x0] =	wrdreg $0x60  }
0xc4: {  	[dreg:$0x2] =	wrdreg s24  }
0xc5: {  	[dreg:$0x3] =	wrdreg s6  }
0xc6: {  	[dreg:$0x4] =	wrdreg s18  }
0xc7: {  	[dreg:$0x5] =	wrdreg s16  }
0xc8: {  	[dreg:$0x6] =	wrdreg s2  }
0xc9: {  	[dreg:$0x7] =	wrdreg s17  }
0xca: {  	[dreg:$0x8] =	wrdreg $0xA  }
0xcb: {  	_ =	task.clear_ibuf [dreg:s22], $0x9FFFF;
	_ =	strace $0x90000049  }
0xcc: {  	s29 =	simm.s32 $0xA;
	_ =	strace $0x8000004B  }
0xcd: {  	_ =	swait.ge [sflag:s29], $0x1  }
0xce: {  	[sflag:s29] =	ssyncadd.s32 $0xFFFFFFFF  }
0xcf: {  	_ =	strace $0x9000004B  }
0xd0: {  	_ =	sfence  }
0xd1: {  	s30 =	sld [smem:$0x0];
	_ =	sdelay $0x2  }
0xd2: {  	s31 =	sshll.u32 s1, $0xD;
	s1 =	sshrl.u32 s1, $0x2  }
0xd3: {  	s3 =	sand.u32 $0x4000, s31;
	s1 =	sadd.s32 s1, s30  }
0xd4: {  	s0 =	sor.u32 s3, s0;
	s1 =	sshll.u32 s1, $0x11  }
0xd5: {  	s0 =	sor.u32 s1, s0  }
0xd6: {  	s0 =	sadd.s32 $0x8F2B, s0  }
0xd7: {  	[sflag:s0] =	ssyncadd.remote.s32 $0x1  }
0xd8: {  	_ =	sfence.sel $0xFFFF  }
0xd9: {  	[dreg:$0x0] =	wrdreg $0xFFFFFFFF;
	(pc) =	sbr.abs _section_cstart, $3  }
0xda: {  	[dreg:$0x1] =	wrdreg $0xFFFFFFFF  }
0xdb: {  	_ =	task.clear_ibuf [dreg:s22], $0x2FFFF;
	_ =	strace $0x9FFFFFFF  }
0xdc: {  	(tm) =	ssettm $0x7FFFFFFF  }
0xdd: {  	_ =	shalt  }
tec
execute0_lowered:
.L_overlay_start_1:
0x0: {  	(tag) =	ssettag $0x1  }
0x1: {  	s0 =	rddreg [dreg:$0x0]  }
0x2: {  	s1 =	rddreg [dreg:$0x1]  }
0x3: {  	s11 =	rddreg [dreg:$0x2]  }
0x4: {  	s12 =	rddreg [dreg:$0x3]  }
0x5: {  	s2 =	rddreg [dreg:$0x4]  }
0x6: {  	s14 =	rddreg [dreg:$0x5]  }
0x7: {  	s4 =	srdreg.scid;
	s5 =	stileid.u32;
	s3 =	simm.s32 $0x0  }
0x8: {  	s18 =	simm.s32 $0x2;
	s30 =	simm.s32 $0x1;
	s31 =	simm.s32 $0x80  }
0x9: {  	s20 =	simm.s32 $0x7D80;
	s22 =	simm.s32 $0xBD80;
	s23 =	simm.s32 $0xFD80  }
0xa: {  	s28 =	simm.s32 $0x0;
	s8 =	sand.u32 $0x1, s4;
	s26 =	sshll.u32 s5, $0x1  }
0xb: {  	[smem:$0x7FF] =	sst s3;
	s4 =	sadd.s32 $0x2E00, s0;
	s5 =	sadd.s32 $0x3E00, s0  }
0xc: {  	s6 =	sadd.s32 $0x3C00, s0;
	s13 =	sor.u32 s8, s26;
	_ =	strace $0x8000004A  }
0xd: {  	s10 =	ssub.s32 $0x2, s8;
	s8 =	sadd.s32 $0x4200, s0;
	s7 =	sshll.u32 s13, $0x5  }
0xe: {  	v0 =	vimm.s32 $0x0;
	s16 =	sshll.u32 s13, $0x1;
	s17 =	sshrl.u32 s10, $0x1;
	s29 =	sshll.u32 s13, $0xC  }
0xf: {  	v1 =	vimm.s32 $0x1;
	v2 =	vimm.s32 $0x2;
	v3 =	vimm.s32 $0x3;
	s15 =	sor.u32 $0x400, s7;
	s7 =	sadd.s32 $0x3600, s0;
	s17 =	ssub.s32 s10, s17  }
0x10: {  	v4 =	vimm.s32 $0x4;
	v5 =	vimm.s32 $0x5;
	v6 =	vimm.s32 $0x6;
	s14 =	sadd.s32 s14, s29;
	s9 =	sadd.s32 s15, s0;
	s0 =	sadd.s32 s16, s0  }
0x11: {  	v7 =	vimm.s32 $0x7;
	v8 =	vimm.s32 $0x8;
	v9 =	vimm.s32 $0x9;
	s10 =	sadd.s32 s1, s15;
	s11 =	sadd.s32 s11, s15;
	s12 =	sadd.s32 s12, s15  }
0x12: {  	v10 =	vimm.s32 $0xA;
	v11 =	vimm.s32 $0xB;
	v12 =	vimm.s32 $0xC;
	s16 =	sadd.s32 $0x800, s14;
	s17 =	smax.u32 s17, $0x1;
	s1 =	simm.s32 $0x3D80  }
0x13: {  	v13 =	vimm.s32 $0xD;
	v14 =	vimm.s32 $0xE;
	v15 =	vimm.s32 $0xF;
	s9 =	sadd.s32 $0x2600, s9;
	s13 =	sadd.s32 $0x3840, s0;
	s15 =	sadd.s32 $0x3A40, s0  }
.LBB2_1:
0x14: {  	[tilespmem:s3], [sflag:$0x2] =	stream.linear.gather [hbm4b:s4+s3], $0x1000, $0x38;
	[tilespmem:$0x13D80] =	vst v63  }
0x15: {  	_ =	swait.ge [sflag:s18], $0x1000  }
0x16: {  	[sflag:s18] =	ssyncset.done $0x0  }
0x17: {  	s0 =	simm.s32 $0x1000;
	[sflag:s18] =	ssyncadd.s32 $0xFFFFF000  }
0x18: {  	[tilespmem:s0], [sflag:$0x2] =	stream.linear.gather [hbm4b:s5+s3], $0x1000, $0x38;
	[tilespmem:$0x13D80] =	vst v63  }
0x19: {  	_ =	swait.ge [sflag:s18], $0x1000  }
0x1a: {  	[sflag:s18] =	ssyncset.done $0x0  }
0x1b: {  	s21 =	simm.s32 $0x2000;
	[sflag:s18] =	ssyncadd.s32 $0xFFFFF000  }
0x1c: {  	[tilespmem:s21], [sflag:$0x2] =	stream.linear.gather [hbm4b:s6+s3], $0x1000, $0x38;
	[tilespmem:$0x13D80] =	vst v63  }
0x1d: {  	_ =	swait.ge [sflag:s18], $0x1000  }
0x1e: {  	[sflag:s18] =	ssyncset.done $0x0  }
0x1f: {  	s24 =	simm.s32 $0x3000;
	[sflag:s18] =	ssyncadd.s32 $0xFFFFF000  }
0x20: {  	[tilespmem:s24], [sflag:$0x2] =	stream.linear.gather [hbm4b:s9+s3], $0x100, $0x38;
	[tilespmem:$0x13D80] =	vst v63  }
0x21: {  	_ =	swait.ge [sflag:s18], $0x100  }
0x22: {  	[sflag:s18] =	ssyncset.done $0x0  }
0x23: {  	s25 =	simm.s32 $0x3100;
	[sflag:s18] =	ssyncadd.s32 $0xFFFFFF00  }
0x24: {  	[tilespmem:s25], [sflag:$0x2] =	stream.linear.gather [hbm4b:s10+s3], $0x100, $0x38;
	[tilespmem:$0x13D80] =	vst v63  }
0x25: {  	_ =	swait.ge [sflag:s18], $0x100  }
0x26: {  	[sflag:s18] =	ssyncset.done $0x0  }
0x27: {  	s26 =	simm.s32 $0x3200;
	[sflag:s18] =	ssyncadd.s32 $0xFFFFFF00  }
0x28: {  	[tilespmem:s26], [sflag:$0x2] =	stream.linear.gather [hbm4b:s11+s3], $0x100, $0x38;
	[tilespmem:$0x13D80] =	vst v63  }
0x29: {  	_ =	swait.ge [sflag:s18], $0x100  }
0x2a: {  	[sflag:s18] =	ssyncset.done $0x0  }
0x2b: {  	s19 =	simm.s32 $0x3300;
	[sflag:s18] =	ssyncadd.s32 $0xFFFFFF00  }
0x2c: {  	[tilespmem:s19], [sflag:$0x2] =	stream.linear.gather [hbm4b:s12+s3], $0x100, $0x38;
	[tilespmem:$0x13D80] =	vst v63  }
0x2d: {  	_ =	swait.ge [sflag:s18], $0x100  }
0x2e: {  	[sflag:s18] =	ssyncset.done $0x0  }
0x2f: {  	s21 =	simm.s32 $0x3400;
	[sflag:s18] =	ssyncadd.s32 $0xFFFFFF00  }
0x30: {  	[tilespmem:s21], [sflag:$0x2] =	stream.linear.gather [hbm4b:s7+s3], $0x80, $0x38;
	[tilespmem:$0x13D80] =	vst v63  }
0x31: {  	_ =	swait.ge [sflag:s18], $0x80  }
0x32: {  	[sflag:s18] =	ssyncset.done $0x0  }
0x33: {  	s24 =	simm.s32 $0x3480;
	[sflag:s18] =	ssyncadd.s32 $0xFFFFFF80  }
0x34: {  	[tilespmem:s24], [sflag:$0x2] =	stream.linear.gather [hbm4b:s8+s3], $0x80, $0x38;
	[tilespmem:$0x13D80] =	vst v63  }
0x35: {  	_ =	swait.ge [sflag:s18], $0x80  }
0x36: {  	[sflag:s18] =	ssyncset.done $0x0  }
0x37: {  	s25 =	simm.s32 $0x3500;
	[sflag:s18] =	ssyncadd.s32 $0xFFFFFF80  }
0x38: {  	[tilespmem:s25], [sflag:$0x2] =	stream.linear.gather [hbm4b:s13+s3], $0x10, $0x38;
	[tilespmem:$0x13D80] =	vst v63  }
0x39: {  	_ =	swait.ge [sflag:s18], $0x10  }
0x3a: {  	[sflag:s18] =	ssyncset.done $0x0  }
0x3b: {  	s26 =	simm.s32 $0x3580;
	[sflag:s18] =	ssyncadd.s32 $0xFFFFFFF0  }
0x3c: {  	[tilespmem:s26], [sflag:$0x2] =	stream.linear.gather [hbm4b:s15+s3], $0x10, $0x38;
	[tilespmem:$0x13D80] =	vst v63  }
.Ltmp0:
0x3d: {  	_ =	swait.ge [sflag:s18], $0x10;
	(pc) =	sbr.rel .LBB2_2-.Ltmp0, $4  }
0x3e: {  	[sflag:s18] =	ssyncset.done $0x0  }
0x3f: {  	[sflag:s18] =	ssyncadd.s32 $0xFFFFFFF0  }
0x40: {  	v16 =	vld [tilespmem:$0x3400]  }
0x41: {  	s29 =	simm.s32 $0x0;
	v17 =	vld [tilespmem:$0x3480]  }
.LBB2_3:
0x42: {  	v27 =	vimm.s32 $0x0;
	v18 =	vimm.f32 $+Inf;
	v19 =	vimm.f32 $+Inf  }
0x43: {  	v20 =	vimm.f32 $+Inf;
	v28 =	vimm.s32 $0x0;
	v29 =	vimm.s32 $0x0  }
.LBB2_7:
0x44: {  	(erf) = vrcp.f32 v18  }
0x45: {  	(erf) = vrcp.f32 v19;
	_ =	sdelay $0x1  }
0x46: {  	(erf) = vrcp.f32 v20;
	_ =	sdelay $0x5  }
0x47: {  	v18 =	vpop (erf)  }
0x48: {  	v19 =	vpop (erf)  }
0x49: {  	v63 =	vadd.f32 v19, v18  }
0x4a: {  	v21 =	vpop (erf)  }
0x4b: {  	v20 =	vadd.f32 v21, v63;
	_ =	sdelay $0x1  }
0x4c: {  	(erf) = vrcp.f32 v20;
	_ =	sdelay $0x7  }
0x4d: {  	s29 =	sadd.s32 $0x1, s29  }
0x4e: {  	[tilespmem:s0+$0x3A80] =	vst v27;
	p0 =	sne.s32 s29, $0x10;
	v20 =	vpop (erf)  }
.Ltmp1:
0x4f: {  	[tilespmem:s0+$0x3B80] =	vst v28;
	v18 =	vmul.f32 v20, v18;
	(pc) =	sbr.rel @!p0 .LBB2_8-.Ltmp1, $4  }
0x50: {  	[tilespmem:s0+$0x3C80] =	vst v29;
	v19 =	vmul.f32 v20, v19  }
0x51: {  	[tilespmem:s0+$0x3600] =	vst v18;
	v18 =	vmul.f32 v20, v21  }
0x52: {  	[tilespmem:s0+$0x3780] =	vst v19  }
0x53: {  	[tilespmem:s0+$0x3900] =	vst v18  }
.LBB2_2:
0x54: {  	v18 =	vld [tilespmem:s29+$0x3500];
	_ =	sdelay $0x1  }
0x55: {  	v19 =	vld [tilespmem:s29+$0x3580];
	_ =	sdelay $0x2  }
0x56: {  	(v2sf) =	vpush v18, $0x0;
	_ =	sdelay $0x1  }
0x57: {  	(v2sf) =	vpush v19, $0x0;
	_ =	sdelay $0xc  }
0x58: {  	s0 =	spop (v2sf)  }
0x59: {  	s19 =	sand.u32 $0xF, s0;
	s21 =	sshra.s32 s0, $0x1F;
	p0 =	slt.s32 s0, $0x1  }
0x5a: {  	s26 =	spop (v2sf);
	p1 =	sne.s32 s19, $0x0;
	s21 =	sshrl.u32 s21, $0x1C  }
0x5b: {  	s19 =	sadd.s32 $0xF, s26;
	p0 =	por !p0, !p1;
	s0 =	sadd.s32 s21, s0  }
0x5c: {  	s21 =	simm.s32 $0x1;
	s24 =	sshra.s32 s19, $0x1F;
	s25 =	sand.u32 $0xF, s19  }
0x5d: {  	p5 =	slt.s32 s19, $0x1;
	p0 =	por !p0, !p0;
	s0 =	sshra.s32 s0, $0x4  }
0x5e: {  	s24 =	sshrl.u32 s24, $0x1C;
	p6 =	sne.s32 s25, $0x0;
	s21 =	simm.s32 @!p0 $0x0  }
0x5f: {  	s19 =	sadd.s32 s24, s19;
	p0 =	por !p5, !p6;
	s26 =	ssub.s32 s0, s21  }
0x60: {  	s19 =	sshra.s32 s19, $0x4;
	p0 =	por !p0, !p0;
	s21 =	simm.s32 $0x1  }
0x61: {  	s19 =	ssub.s32 s19, s26;
	s21 =	simm.s32 @!p0 $0x0  }
0x62: {  	s19 =	ssub.s32 s19, s21  }
0x63: {  	p0 =	slt.s32 s19, $0x1  }
.Ltmp2:
0x64: {  	s0 =	sshll.u32 s29, $0x4;
	(pc) =	sbr.rel @p0 .LBB2_3-.Ltmp2, $4  }
0x65: {  	v18 =	vld [tilespmem:s0+$0x3000]  }
0x66: {  	v19 =	vld [tilespmem:s0+$0x3100]  }
0x67: {  	v20 =	vld [tilespmem:s0+$0x3200]  }
0x68: {  	v21 =	vld [tilespmem:s0+$0x3300]  }
0x69: {  	_ =	sdelay $0x2  }
0x6a: {  	s21 =	sshll.u32 s26, $0x6;
	v30 =	vimm.f32 $+Inf;
	v29 =	vimm.s32 $0x0;
	v28 =	vimm.s32 $0x0  }
0x6b: {  	v27 =	vimm.s32 $0x0;
	v31 =	vimm.f32 $+Inf;
	s21 =	sshra.s32 s21, $0x2;
	v22 =	vand.u32 $0xF, v21  }
0x6c: {  	s26 =	sshll.u32 s26, $0x4;
	v32 =	vimm.f32 $+Inf;
	s24 =	sadd.s32 $0x1000, s21;
	s25 =	sadd.s32 $0x2000, s21;
	v21 =	vperm.xlane v16, v22;
	v22 =	vperm.xlane v17, v22  }
.LBB2_5:
0x6d: {  	v25 =	vld [tilespmem:s21+$0x0]  }
0x6e: {  	v26 =	vld [tilespmem:s24+$0x0]  }
0x6f: {  	v24 =	vld [tilespmem:s25+$0x0];
	_ =	sdelay $0x3  }
0x70: {  	v23 =	vperm.xlane v25, v0  }
0x71: {  	v33 =	vperm.xlane v26, v0;
	v34 =	vperm.xlane v24, v0  }
0x72: {  	v47 =	vperm.xlane v25, v1;
	v35 =	vperm.xlane v26, v1  }
0x73: {  	v36 =	vperm.xlane v24, v1;
	v53 =	vperm.xlane v25, v2  }
0x74: {  	v38 =	vperm.xlane v26, v2;
	v55 =	vperm.xlane v24, v2  }
0x75: {  	v62 =	vperm.xlane v25, v3;
	v63 =	vperm.xlane v26, v3;
	v23 =	vsub.f32 v18, v23  }
0x76: {  	v40 =	vperm.xlane v24, v3;
	v33 =	vsub.f32 v19, v33;
	v34 =	vsub.f32 v20, v34  }
0x77: {  	v46 =	vperm.xlane v25, v4;
	v35 =	vsub.f32 v19, v35;
	v36 =	vsub.f32 v20, v36  }
0x78: {  	v57 =	vsub.f32 v19, v38;
	v23 =	vmul.f32 v23, v23;
	v33 =	vmul.f32 v33, v33  }
0x79: {  	v34 =	vmul.f32 v34, v34;
	v35 =	vmul.f32 v35, v35  }
0x7a: {  	v56 =	vsub.f32 v18, v53;
	v49 =	vmul.f32 v36, v36;
	v36 =	vmul.f32 v57, v57  }
0x7b: {  	v57 =	vperm.xlane v26, v5;
	v33 =	vadd.f32 v33, v23;
	v23 =	vmov s26  }
0x7c: {  	vm0 =	vge.s32 v23, v21;
	vm1 =	vlt.s32 v23, v22;
	v51 =	vor.u32 $0x1, v23  }
0x7d: {  	v39 =	vor.u32 $0x2, v23;
	v44 =	vor.u32 $0x3, v23;
	v33 =	vadd.f32 v34, v33  }
0x7e: {  	vm0 =	vmand vm0, vm1;
	v34 =	vsub.f32 v18, v47;
	vm6 =	vge.s32 v51, v21  }
0x7f: {  	vm3 =	vlt.s32 v51, v22;
	vm9 =	vge.s32 v39, v21;
	vm10 =	vlt.s32 v39, v22  }
0x80: {  	vm14 =	vge.s32 v44, v21;
	vm15 =	vlt.s32 v44, v22;
	v47 =	vperm.xlane v26, v4  }
0x81: {  	vm1 =	vmand vm6, vm3;
	vm11 =	vmand vm9, vm10;
	v33 =	vnsel vm0, $0x7F800000, v33  }
0x82: {  	vm4 =	vmand vm14, vm15;
	v34 =	vmul.f32 v34, v34;
	vm0 =	vlt.f32 v33, v31  }
0x83: {  	vm5 =	vlt.f32 v33, v30;
	vm2 =	vlt.f32 v33, v32;
	v37 =	vsel vm0, v31, v33  }
0x84: {  	v48 =	vnsel vm0, s26, v28;
	v34 =	vadd.f32 v35, v34;
	v50 =	vsel vm2, v32, v33  }
0x85: {  	v52 =	vnsel vm2, s26, v27;
	v54 =	vsel vm2, v33, v32;
	v27 =	vsel vm2, s26, v27  }
0x86: {  	v33 =	vsub.f32 v20, v55;
	v35 =	vmul.f32 v56, v56;
	v56 =	vperm.xlane v25, v5  }
0x87: {  	v30 =	vsel vm5, v37, v30;
	v29 =	vsel vm5, v48, v29;
	v31 =	vsel vm0, v50, v31  }
0x88: {  	v34 =	vadd.f32 v49, v34;
	v35 =	vadd.f32 v36, v35;
	v33 =	vmul.f32 v33, v33  }
0x89: {  	v28 =	vsel vm0, v52, v28;
	v48 =	vperm.xlane v24, v4;
	v36 =	vsub.f32 v19, v63  }
0x8a: {  	v63 =	vperm.xlane v26, v6;
	v34 =	vnsel vm1, $0x7F800000, v34;
	v33 =	vadd.f32 v33, v35  }
0x8b: {  	v35 =	vsub.f32 v18, v62;
	v36 =	vmul.f32 v36, v36;
	v62 =	vperm.xlane v25, v6  }
0x8c: {  	vm7 =	vlt.f32 v34, v31;
	vm1 =	vlt.f32 v34, v30;
	vm8 =	vlt.f32 v34, v54  }
0x8d: {  	v58 =	vsel vm7, v31, v34;
	v59 =	vsel vm7, v28, v51;
	v60 =	vsel vm8, v54, v34  }
0x8e: {  	v61 =	vsel vm8, v27, v51;
	v33 =	vnsel vm11, $0x7F800000, v33;
	v32 =	vsel vm8, v34, v54  }
0x8f: {  	v27 =	vsel vm8, v51, v27;
	v34 =	vsub.f32 v20, v40;
	v35 =	vmul.f32 v35, v35  }
0x90: {  	v54 =	vor.u32 $0x4, v23;
	v30 =	vsel vm1, v58, v30;
	v29 =	vsel vm1, v59, v29  }
0x91: {  	v31 =	vsel vm7, v60, v31;
	v28 =	vsel vm7, v61, v28;
	vm13 =	vlt.f32 v33, v32  }
0x92: {  	vm7 =	vge.s32 v54, v21;
	vm8 =	vlt.s32 v54, v22;
	v58 =	vperm.xlane v24, v5  }
0x93: {  	v61 =	vor.u32 $0x5, v23;
	vm0 =	vlt.f32 v33, v31;
	vm12 =	vlt.f32 v33, v30  }
0x94: {  	v42 =	vsel vm13, v32, v33;
	v35 =	vadd.f32 v36, v35;
	v34 =	vmul.f32 v34, v34  }
0x95: {  	v43 =	vsel vm13, v27, v39;
	v32 =	vsel vm13, v33, v32;
	v27 =	vsel vm13, v39, v27  }
0x96: {  	v36 =	vsub.f32 v20, v48;
	vm9 =	vmand vm7, vm8;
	vm13 =	vlt.s32 v61, v22  }
0x97: {  	v41 =	vsel vm0, v31, v33;
	v38 =	vsel vm0, v28, v39;
	v31 =	vsel vm0, v42, v31  }
0x98: {  	v28 =	vsel vm0, v43, v28;
	v37 =	vsub.f32 v20, v58;
	v43 =	vsub.f32 v18, v62  }
0x99: {  	v62 =	vperm.xlane v25, v8;
	v42 =	vperm.xlane v24, v8;
	v30 =	vsel vm12, v41, v30  }
0x9a: {  	v29 =	vsel vm12, v38, v29;
	v34 =	vadd.f32 v34, v35;
	v35 =	vsub.f32 v19, v47  }
0x9b: {  	v53 =	vmul.f32 v36, v36;
	vm12 =	vge.s32 v61, v21;
	v60 =	vmul.f32 v37, v37  }
0x9c: {  	vm1 =	vmand vm12, vm13;
	v45 =	vnsel vm4, $0x7F800000, v34;
	v34 =	vsub.f32 v18, v46  }
0x9d: {  	v35 =	vmul.f32 v35, v35;
	v46 =	vor.u32 $0x6, v23;
	vm0 =	vlt.f32 v45, v32  }
0x9e: {  	vm5 =	vlt.f32 v45, v31;
	vm6 =	vlt.f32 v45, v30;
	vm15 =	vge.s32 v46, v21  }
0x9f: {  	v49 =	vsel vm5, v31, v45;
	v50 =	vsel vm5, v28, v44;
	v34 =	vmul.f32 v34, v34  }
0xa0: {  	v51 =	vsel vm0, v32, v45;
	v52 =	vsel vm0, v27, v44;
	v32 =	vsel vm0, v45, v32  }
0xa1: {  	v27 =	vsel vm0, v44, v27;
	v44 =	vsub.f32 v19, v63;
	v45 =	vperm.xlane v24, v6  }
0xa2: {  	v63 =	vperm.xlane v26, v8;
	v30 =	vsel vm6, v49, v30;
	v29 =	vsel vm6, v50, v29  }
0xa3: {  	v31 =	vsel vm5, v51, v31;
	v28 =	vsel vm5, v52, v28;
	v34 =	vadd.f32 v35, v34  }
0xa4: {  	vm6 =	vlt.s32 v46, v22;
	v35 =	vsub.f32 v19, v57;
	v33 =	vsub.f32 v20, v45  }
0xa5: {  	v51 =	vperm.xlane v25, v7;
	v52 =	vperm.xlane v26, v7;
	v34 =	vadd.f32 v53, v34  }
0xa6: {  	vm2 =	vmand vm15, vm6;
	v35 =	vmul.f32 v35, v35;
	v33 =	vmul.f32 v33, v33  }
0xa7: {  	v53 =	vperm.xlane v24, v7;
	v55 =	vnsel vm9, $0x7F800000, v34;
	v34 =	vsub.f32 v18, v56  }
0xa8: {  	vm0 =	vlt.f32 v55, v32;
	vm10 =	vlt.f32 v55, v31;
	vm11 =	vlt.f32 v55, v30  }
0xa9: {  	v38 =	vsel vm10, v31, v55;
	v39 =	vsel vm10, v28, v54;
	v40 =	vsel vm0, v32, v55  }
0xaa: {  	v34 =	vmul.f32 v34, v34;
	v59 =	vsel vm0, v27, v54;
	v32 =	vsel vm0, v55, v32  }
0xab: {  	v27 =	vsel vm0, v54, v27;
	v54 =	vsub.f32 v18, v51;
	v55 =	vsub.f32 v19, v52  }
0xac: {  	v51 =	vperm.xlane v26, v9;
	v52 =	vperm.xlane v24, v9;
	v30 =	vsel vm11, v38, v30  }
0xad: {  	v29 =	vsel vm11, v39, v29;
	v31 =	vsel vm10, v40, v31;
	v28 =	vsel vm10, v59, v28  }
0xae: {  	v38 =	vmul.f32 v44, v44;
	v44 =	vsub.f32 v19, v63;
	v34 =	vadd.f32 v35, v34  }
0xaf: {  	v35 =	vmul.f32 v43, v43;
	v39 =	vmul.f32 v55, v55;
	v43 =	vsub.f32 v18, v62  }
0xb0: {  	v36 =	vsub.f32 v19, v51;
	v37 =	vmul.f32 v44, v44;
	v34 =	vadd.f32 v60, v34  }
0xb1: {  	v35 =	vadd.f32 v38, v35;
	v38 =	vmul.f32 v54, v54;
	v60 =	vor.u32 $0x7, v23  }
0xb2: {  	v36 =	vmul.f32 v36, v36;
	vm10 =	vge.s32 v60, v21;
	vm11 =	vlt.s32 v60, v22  }
0xb3: {  	v34 =	vnsel vm1, $0x7F800000, v34;
	v33 =	vadd.f32 v33, v35;
	v35 =	vsub.f32 v20, v53  }
0xb4: {  	v58 =	vadd.f32 v39, v38;
	vm14 =	vlt.f32 v34, v32;
	vm1 =	vlt.f32 v34, v31  }
0xb5: {  	vm7 =	vlt.f32 v34, v30;
	v47 =	vsel vm1, v31, v34;
	v48 =	vsel vm14, v32, v34  }
0xb6: {  	v49 =	vsel vm1, v28, v61;
	v50 =	vsel vm14, v27, v61;
	v33 =	vnsel vm2, $0x7F800000, v33  }
0xb7: {  	v32 =	vsel vm14, v34, v32;
	v27 =	vsel vm14, v61, v27;
	v35 =	vmul.f32 v35, v35  }
0xb8: {  	v34 =	vmul.f32 v43, v43;
	v30 =	vsel vm7, v47, v30;
	v31 =	vsel vm1, v48, v31  }
0xb9: {  	v29 =	vsel vm7, v49, v29;
	v28 =	vsel vm1, v50, v28;
	vm9 =	vlt.f32 v33, v32  }
0xba: {  	v49 =	vor.u32 $0x8, v23;
	v50 =	vperm.xlane v25, v9;
	vm8 =	vlt.f32 v33, v31  }
0xbb: {  	vm2 =	vlt.f32 v33, v30;
	v59 =	vsel vm9, v32, v33;
	v35 =	vadd.f32 v35, v58  }
0xbc: {  	v61 =	vsel vm9, v27, v46;
	v32 =	vsel vm9, v33, v32;
	v27 =	vsel vm9, v46, v27  }
0xbd: {  	v34 =	vadd.f32 v37, v34;
	vm14 =	vge.s32 v49, v21;
	vm15 =	vlt.s32 v49, v22  }
0xbe: {  	v56 =	vsel vm8, v31, v33;
	v57 =	vsel vm8, v28, v46;
	v31 =	vsel vm8, v59, v31  }
0xbf: {  	v28 =	vsel vm8, v61, v28;
	v33 =	vsub.f32 v20, v42;
	vm0 =	vmand vm14, vm15  }
0xc0: {  	v59 =	vperm.xlane v25, v10;
	v61 =	vperm.xlane v24, v10;
	v30 =	vsel vm2, v56, v30  }
0xc1: {  	v29 =	vsel vm2, v57, v29;
	vm2 =	vmand vm10, vm11;
	v57 =	vor.u32 $0x9, v23  }
0xc2: {  	v35 =	vnsel vm2, $0x7F800000, v35;
	v33 =	vmul.f32 v33, v33;
	vm8 =	vge.s32 v57, v21  }
0xc3: {  	vm9 =	vlt.s32 v57, v22;
	vm12 =	vlt.f32 v35, v31;
	vm13 =	vlt.f32 v35, v30  }
0xc4: {  	vm2 =	vlt.f32 v35, v32;
	vm10 =	vmand vm8, vm9;
	v45 =	vsel vm12, v31, v35  }
0xc5: {  	v46 =	vsel vm12, v28, v60;
	v47 =	vsel vm2, v32, v35;
	v48 =	vsel vm2, v27, v60  }
0xc6: {  	v33 =	vadd.f32 v33, v34;
	v32 =	vsel vm2, v35, v32;
	v27 =	vsel vm2, v60, v27  }
0xc7: {  	v34 =	vsub.f32 v18, v50;
	v35 =	vsub.f32 v20, v52;
	v60 =	vperm.xlane v26, v10  }
0xc8: {  	v30 =	vsel vm13, v45, v30;
	v29 =	vsel vm13, v46, v29;
	v31 =	vsel vm12, v47, v31  }
0xc9: {  	v28 =	vsel vm12, v48, v28;
	v45 =	vor.u32 $0xA, v23;
	v47 =	vperm.xlane v25, v11  }
0xca: {  	v48 =	vperm.xlane v26, v11;
	v33 =	vnsel vm0, $0x7F800000, v33;
	v34 =	vmul.f32 v34, v34  }
0xcb: {  	v35 =	vmul.f32 v35, v35;
	vm13 =	vge.s32 v45, v21;
	vm14 =	vlt.s32 v45, v22  }
0xcc: {  	vm0 =	vlt.f32 v33, v31;
	vm6 =	vlt.f32 v33, v30;
	vm7 =	vlt.f32 v33, v32  }
0xcd: {  	vm15 =	vmand vm13, vm14;
	v53 =	vsel vm0, v31, v33;
	v54 =	vsel vm0, v28, v49  }
0xce: {  	v55 =	vsel vm7, v32, v33;
	v34 =	vadd.f32 v36, v34;
	v56 =	vsel vm7, v27, v49  }
0xcf: {  	v32 =	vsel vm7, v33, v32;
	v27 =	vsel vm7, v49, v27;
	v36 =	vsub.f32 v20, v61  }
0xd0: {  	v49 =	vperm.xlane v24, v11;
	v30 =	vsel vm6, v53, v30;
	v29 =	vsel vm6, v54, v29  }
0xd1: {  	v31 =	vsel vm0, v55, v31;
	v28 =	vsel vm0, v56, v28;
	v53 =	vor.u32 $0xB, v23  }
0xd2: {  	v54 =	vperm.xlane v25, v12;
	v55 =	vperm.xlane v26, v12;
	v34 =	vadd.f32 v35, v34  }
0xd3: {  	v35 =	vsub.f32 v19, v60;
	v44 =	vmul.f32 v36, v36;
	v37 =	vsub.f32 v20, v49  }
0xd4: {  	vm6 =	vge.s32 v53, v21;
	vm7 =	vlt.s32 v53, v22;
	v36 =	vor.u32 $0xC, v23  }
0xd5: {  	v56 =	vsub.f32 v18, v54;
	vm1 =	vmand vm6, vm7;
	vm9 =	vge.s32 v36, v21  }
0xd6: {  	v54 =	vperm.xlane v25, v14;
	v58 =	vnsel vm10, $0x7F800000, v34;
	v34 =	vsub.f32 v18, v59  }
0xd7: {  	v35 =	vmul.f32 v35, v35;
	v52 =	vmul.f32 v37, v37;
	vm10 =	vlt.s32 v36, v22  }
0xd8: {  	vm0 =	vlt.f32 v58, v32;
	vm11 =	vlt.f32 v58, v31;
	vm12 =	vlt.f32 v58, v30  }
0xd9: {  	vm2 =	vmand vm9, vm10;
	v62 =	vsel vm11, v31, v58;
	v63 =	vsel vm11, v28, v57  }
0xda: {  	v34 =	vmul.f32 v34, v34;
	v42 =	vsel vm0, v32, v58;
	v43 =	vsel vm0, v27, v57  }
0xdb: {  	v32 =	vsel vm0, v58, v32;
	v27 =	vsel vm0, v57, v27;
	v57 =	vsub.f32 v19, v55  }
0xdc: {  	v58 =	vperm.xlane v24, v12;
	v55 =	vperm.xlane v26, v14;
	v30 =	vsel vm12, v62, v30  }
0xdd: {  	v29 =	vsel vm12, v63, v29;
	v31 =	vsel vm11, v42, v31;
	v34 =	vadd.f32 v35, v34  }
0xde: {  	v28 =	vsel vm11, v43, v28;
	v35 =	vsub.f32 v19, v48;
	v33 =	vsub.f32 v20, v58  }
0xdf: {  	v63 =	vperm.xlane v25, v13;
	v25 =	vperm.xlane v25, v15;
	v58 =	vsub.f32 v19, v55  }
0xe0: {  	v34 =	vadd.f32 v44, v34;
	v35 =	vmul.f32 v35, v35;
	v33 =	vmul.f32 v33, v33  }
0xe1: {  	v25 =	vsub.f32 v18, v25;
	v44 =	vperm.xlane v26, v13;
	v26 =	vperm.xlane v26, v15  }
0xe2: {  	v37 =	vmul.f32 v58, v58;
	v46 =	vnsel vm15, $0x7F800000, v34;
	v34 =	vsub.f32 v18, v47  }
0xe3: {  	v25 =	vmul.f32 v25, v25;
	v47 =	vsub.f32 v19, v44;
	v26 =	vsub.f32 v19, v26  }
0xe4: {  	vm0 =	vlt.f32 v46, v32;
	vm4 =	vlt.f32 v46, v31;
	vm5 =	vlt.f32 v46, v30  }
0xe5: {  	v38 =	vsel vm4, v31, v46;
	v39 =	vsel vm4, v28, v45;
	v50 =	vsel vm0, v32, v46  }
0xe6: {  	v34 =	vmul.f32 v34, v34;
	v51 =	vsel vm0, v27, v45;
	v32 =	vsel vm0, v46, v32  }
0xe7: {  	v27 =	vsel vm0, v45, v27;
	v45 =	vperm.xlane v24, v13;
	v46 =	vsub.f32 v18, v63  }
0xe8: {  	v26 =	vmul.f32 v26, v26;
	v30 =	vsel vm5, v38, v30;
	v29 =	vsel vm5, v39, v29  }
0xe9: {  	v31 =	vsel vm4, v50, v31;
	v28 =	vsel vm4, v51, v28;
	v38 =	vmul.f32 v57, v57  }
0xea: {  	v57 =	vsub.f32 v18, v54;
	v34 =	vadd.f32 v35, v34;
	v35 =	vmul.f32 v56, v56  }
0xeb: {  	v56 =	vperm.xlane v24, v14;
	v24 =	vperm.xlane v24, v15;
	v25 =	vadd.f32 v26, v25  }
0xec: {  	v39 =	vmul.f32 v47, v47;
	v34 =	vadd.f32 v52, v34;
	v35 =	vadd.f32 v38, v35  }
0xed: {  	v38 =	vmul.f32 v46, v46;
	v52 =	vor.u32 $0xD, v23;
	v24 =	vsub.f32 v20, v24  }
0xee: {  	vm14 =	vge.s32 v52, v21;
	vm15 =	vlt.s32 v52, v22;
	v33 =	vadd.f32 v33, v35  }
0xef: {  	v34 =	vnsel vm1, $0x7F800000, v34;
	v35 =	vsub.f32 v20, v45;
	v50 =	vadd.f32 v39, v38  }
0xf0: {  	v24 =	vmul.f32 v24, v24;
	vm8 =	vlt.f32 v34, v32;
	vm1 =	vlt.f32 v34, v31  }
0xf1: {  	vm11 =	vlt.f32 v34, v30;
	v59 =	vsel vm1, v31, v34;
	v60 =	vsel vm8, v32, v34  }
0xf2: {  	v61 =	vsel vm1, v28, v53;
	v62 =	vsel vm8, v27, v53;
	v33 =	vnsel vm2, $0x7F800000, v33  }
0xf3: {  	v32 =	vsel vm8, v34, v32;
	v27 =	vsel vm8, v53, v27;
	v35 =	vmul.f32 v35, v35  }
0xf4: {  	v34 =	vmul.f32 v57, v57;
	v24 =	vadd.f32 v24, v25;
	v30 =	vsel vm11, v59, v30  }
0xf5: {  	v31 =	vsel vm1, v60, v31;
	v29 =	vsel vm11, v61, v29;
	v28 =	vsel vm1, v62, v28  }
0xf6: {  	vm13 =	vlt.f32 v33, v32;
	v61 =	vor.u32 $0xE, v23;
	v23 =	vor.u32 $0xF, v23  }
0xf7: {  	vm12 =	vlt.f32 v33, v31;
	vm2 =	vlt.f32 v33, v30;
	v51 =	vsel vm13, v32, v33  }
0xf8: {  	v35 =	vadd.f32 v35, v50;
	v53 =	vsel vm13, v27, v36;
	v32 =	vsel vm13, v33, v32  }
0xf9: {  	v27 =	vsel vm13, v36, v27;
	v34 =	vadd.f32 v37, v34;
	vm8 =	vge.s32 v61, v21  }
0xfa: {  	vm9 =	vlt.s32 v61, v22;
	vm13 =	vlt.s32 v23, v22;
	v48 =	vsel vm12, v31, v33  }
0xfb: {  	v49 =	vsel vm12, v28, v36;
	v31 =	vsel vm12, v51, v31;
	v33 =	vsub.f32 v20, v56  }
0xfc: {  	v30 =	vsel vm2, v48, v30;
	v29 =	vsel vm2, v49, v29;
	vm2 =	vmand vm14, vm15  }
0xfd: {  	v28 =	vsel vm12, v53, v28;
	vm0 =	vmand vm8, vm9;
	v35 =	vnsel vm2, $0x7F800000, v35  }
0xfe: {  	vm12 =	vge.s32 v23, v21;
	v33 =	vmul.f32 v33, v33;
	vm6 =	vlt.f32 v35, v31  }
0xff: {  	vm7 =	vlt.f32 v35, v30;
	vm2 =	vlt.f32 v35, v32;
	v59 =	vsel vm6, v31, v35  }
0x100: {  	v60 =	vsel vm6, v28, v52;
	v33 =	vadd.f32 v33, v34;
	v62 =	vsel vm2, v32, v35  }
0x101: {  	v63 =	vsel vm2, v27, v52;
	v32 =	vsel vm2, v35, v32;
	v27 =	vsel vm2, v52, v27  }
0x102: {  	vm2 =	vmand vm12, vm13;
	v30 =	vsel vm7, v59, v30;
	v29 =	vsel vm7, v60, v29  }
0x103: {  	v31 =	vsel vm6, v62, v31;
	v28 =	vsel vm6, v63, v28;
	v33 =	vnsel vm0, $0x7F800000, v33  }
0x104: {  	v24 =	vnsel vm2, $0x7F800000, v24;
	vm0 =	vlt.f32 v33, v31;
	vm10 =	vlt.f32 v33, v32  }
0x105: {  	vm11 =	vlt.f32 v33, v30;
	v34 =	vsel vm0, v31, v33;
	v26 =	vsel vm0, v28, v61  }
0x106: {  	v25 =	vsel vm10, v32, v33;
	v32 =	vsel vm10, v33, v32;
	v30 =	vsel vm11, v34, v30  }
0x107: {  	p0 =	sne.s32 s19, $0x1;
	v26 =	vsel vm11, v26, v29;
	v29 =	vsel vm10, v27, v61;
	v25 =	vsel vm0, v25, v31  }
.Ltmp3:
0x108: {  	v27 =	vsel vm10, v61, v27;
	vm15 =	vlt.f32 v24, v32;
	v28 =	vsel vm0, v29, v28;
	(pc) =	sbr.rel @p0 .LBB2_5-.Ltmp3, $4  }
0x109: {  	vm14 =	vlt.f32 v24, v25;
	vm2 =	vlt.f32 v24, v30;
	v31 =	vsel vm15, v32, v24  }
0x10a: {  	v32 =	vsel vm15, v24, v32;
	v29 =	vsel vm14, v25, v24;
	v31 =	vsel vm14, v31, v25  }
0x10b: {  	s21 =	sadd.s32 $0x10, s21;
	s24 =	sadd.s32 $0x10, s24;
	v25 =	vsel vm15, v27, v23;
	v30 =	vsel vm2, v29, v30;
	v29 =	vsel vm14, v28, v23  }
0x10c: {  	s25 =	sadd.s32 $0x10, s25;
	s19 =	sadd.s32 $0xFFFFFFFF, s19;
	s26 =	sadd.s32 $0x10, s26;
	v27 =	vsel vm15, v23, v27;
	v28 =	vsel vm14, v25, v28;
	v29 =	vsel vm2, v29, v26  }
.Ltmp4:
0x10d: {  	(pc) =	sbr.rel .LBB2_7-.Ltmp4, $2  }
0x10e: {  	_ =	sdelay $0x2  }
0x10f: {  	v18 =	vmax.f32 v32, $1.000000020e-16;
	v19 =	vmax.f32 v31, $1.000000020e-16;
	v20 =	vmax.f32 v30, $1.000000020e-16  }
.LBB2_8:
0x110: {  	s0 =	simm.s32 $0x3A80  }
0x111: {  	[tilespmem:s1], [sflag:$0x1] =	stream.indirect.gather [hbm4b:s2+s31], $0x80, s0, s31, $0xb8;
	[tilespmem:$0x13D80] =	vst v63  }
0x112: {  	s26 =	simm.s32 $0x3B80  }
0x113: {  	[tilespmem:s20], [sflag:$0x1] =	stream.indirect.gather [hbm4b:s2+s31], $0x80, s26, s31, $0xb8;
	[tilespmem:$0x13D80] =	vst v63  }
0x114: {  	s29 =	simm.s32 $0x3C80  }
0x115: {  	[tilespmem:s22], [sflag:$0x1] =	stream.indirect.gather [hbm4b:s2+s31], $0x80, s29, s31, $0xb8;
	[tilespmem:$0x13D80] =	vst v63  }
0x116: {  	_ =	swait.ge [sflag:s30], $0x4000  }
0x117: {  	[sflag:s30] =	ssyncset.done $0x0  }
0x118: {  	[sflag:s30] =	ssyncadd.s32 $0xFFFFC000  }
0x119: {  	_ =	swait.ge [sflag:s30], $0x4000  }
0x11a: {  	[sflag:s30] =	ssyncset.done $0x0  }
0x11b: {  	[sflag:s30] =	ssyncadd.s32 $0xFFFFC000  }
0x11c: {  	_ =	swait.ge [sflag:s30], $0x4000  }
0x11d: {  	[sflag:s30] =	ssyncset.done $0x0  }
0x11e: {  	s0 =	simm.s32 $0x0;
	[sflag:s30] =	ssyncadd.s32 $0xFFFFC000  }
0x11f: {  	v18 =	vld [tilespmem:s0+$0x3D80]  }
0x120: {  	v21 =	vld [tilespmem:s0+$0x7D80]  }
0x121: {  	v19 =	vld [tilespmem:s0+$0x3D90]  }
0x122: {  	v17 =	vld [tilespmem:s0+$0x7D90]  }
0x123: {  	v24 =	vld [tilespmem:s0+$0x3DA0]  }
0x124: {  	v26 =	vld [tilespmem:s0+$0x7DD0]  }
0x125: {  	v27 =	vld [tilespmem:s0+$0xBD90]  }
0x126: {  	v28 =	vld [tilespmem:s0+$0xBDB0]  }
0x127: {  	v16 =	vld [tilespmem:s0+$0x3DD0]  }
0x128: {  	v22 =	vld [tilespmem:s0+$0x3DE0]  }
0x129: {  	v23 =	vld [tilespmem:s0+$0x7DB0]  }
0x12a: {  	v20 =	vld [tilespmem:s0+$0xBDA0]  }
0x12b: {  	v30 =	vld [tilespmem:s0+$0x3DB0]  }
0x12c: {  	v29 =	vld [tilespmem:s0+$0xBDE0]  }
0x12d: {  	v25 =	vld [tilespmem:s0+$0x7DF0]  }
0x12e: {  	v31 =	vld [tilespmem:s0+$0x7DC0]  }
0x12f: {  	v32 =	vld [tilespmem:s0+$0x3DC0]  }
0x130: {  	v33 =	vld [tilespmem:s0+$0x7DE0]  }
0x131: {  	v34 =	vld [tilespmem:s0+$0x7DA0]  }
0x132: {  	v35 =	vld [tilespmem:s0+$0xBDC0]  }
0x133: {  	s19 =	simm.s32 $0x3900;
	v36 =	vld [tilespmem:s0+$0xBD80]  }
0x134: {  	s21 =	simm.s32 $0x3780;
	v37 =	vld [tilespmem:s19+$0x0]  }
0x135: {  	s24 =	simm.s32 $0x3600;
	s25 =	simm.s32 $0x200;
	s26 =	simm.s32 $0x3600;
	v38 =	vld [tilespmem:s21+$0x0]  }
.LBB2_9:
0x136: {  	v39 =	vld [tilespmem:s0+$0xBDF0];
	s24 =	sadd.s32 $0x1, s24;
	s21 =	sadd.s32 $0x1, s21;
	s19 =	sadd.s32 $0x1, s19  }
0x137: {  	s29 =	sshra.s32 s25, $0x2;
	p0 =	sne.s32 s25, $0xFE00;
	s25 =	sadd.s32 $0x200, s25;
	v40 =	vld [tilespmem:s26+$0x0]  }
0x138: {  	s26 =	smov.u32 s24;
	v41 =	vld [tilespmem:s29+$0x3D80]  }
0x139: {  	v42 =	vld [tilespmem:s29+$0x7D80];
	v37 =	vperm.xlane v37, v0  }
0x13a: {  	v43 =	vld [tilespmem:s29+$0x3D90];
	v38 =	vperm.xlane v38, v0  }
0x13b: {  	v44 =	vld [tilespmem:s29+$0x7D90];
	v45 =	vmul.f32 v27, v37;
	v46 =	vmul.f32 v28, v37  }
0x13c: {  	v48 =	vmul.f32 v29, v37;
	v39 =	vmul.f32 v39, v37;
	v47 =	vld [tilespmem:s29+$0x3DA0]  }
0x13d: {  	v36 =	vmul.f32 v36, v37;
	v35 =	vmul.f32 v35, v37;
	v29 =	vld [tilespmem:s29+$0x7DD0]  }
0x13e: {  	v40 =	vperm.xlane v40, v0;
	v49 =	vmul.f32 v21, v38;
	v27 =	vld [tilespmem:s29+$0xBD90];
	v21 =	vmov v42  }
0x13f: {  	v34 =	vmul.f32 v34, v38;
	v42 =	vmul.f32 v26, v38;
	v28 =	vld [tilespmem:s29+$0xBDB0]  }
0x140: {  	v33 =	vmul.f32 v33, v38;
	v30 =	vmul.f32 v30, v40;
	v50 =	vld [tilespmem:s0+$0x3DF0]  }
0x141: {  	v31 =	vmul.f32 v31, v38;
	v32 =	vmul.f32 v32, v40;
	v51 =	vld [tilespmem:s29+$0x3DD0]  }
0x142: {  	v54 =	vmul.f32 v23, v38;
	v53 =	vmul.f32 v18, v40;
	v18 =	vmovc v41;
	v52 =	vld [tilespmem:s29+$0x3DE0];
	v26 =	vmov v29  }
0x143: {  	v41 =	vmul.f32 v24, v40;
	v55 =	vadd.f32 v31, v32;
	v29 =	vmul.f32 v19, v40;
	v19 =	vmovc v43;
	v23 =	vld [tilespmem:s29+$0x7DB0]  }
0x144: {  	v31 =	vadd.f32 v49, v53;
	v32 =	vmul.f32 v17, v38;
	v17 =	vmovc v44;
	v43 =	vadd.f32 v54, v30;
	v49 =	vld [tilespmem:s0+$0xBDD0]  }
0x145: {  	v25 =	vmul.f32 v25, v38;
	v24 =	vmovc v47;
	v35 =	vadd.f32 v35, v55;
	v44 =	vld [tilespmem:s29+$0xBDA0];
	v50 =	vmul.f32 v50, v40  }
0x146: {  	v32 =	vadd.f32 v32, v29;
	v38 =	vadd.f32 v46, v43;
	v43 =	vmul.f32 v16, v40;
	v30 =	vld [tilespmem:s29+$0x3DB0];
	v16 =	vmovc v51  }
0x147: {  	v36 =	vadd.f32 v36, v31;
	v46 =	vmul.f32 v22, v40;
	v29 =	vld [tilespmem:s29+$0xBDE0];
	[tilespmem:s0+$0xFDC0] =	vst v35;
	v35 =	vadd.f32 v25, v50  }
0x148: {  	v34 =	vadd.f32 v34, v41;
	v41 =	vmul.f32 v20, v37;
	v40 =	vadd.f32 v45, v32;
	v25 =	vld [tilespmem:s29+$0x7DF0];
	[tilespmem:s0+$0xFDB0] =	vst v38  }
0x149: {  	v31 =	vld [tilespmem:s29+$0x7DC0];
	[tilespmem:s0+$0xFD80] =	vst v36;
	v36 =	vadd.f32 v42, v43;
	v37 =	vmul.f32 v49, v37;
	v35 =	vadd.f32 v39, v35  }
0x14a: {  	v22 =	vmovc v52;
	v38 =	vadd.f32 v41, v34;
	v39 =	vadd.f32 v33, v46;
	v32 =	vld [tilespmem:s29+$0x3DC0];
	[tilespmem:s0+$0xFD90] =	vst v40;
	v20 =	vmov v44  }
0x14b: {  	v33 =	vld [tilespmem:s29+$0x7DE0];
	v36 =	vadd.f32 v37, v36;
	[tilespmem:s0+$0xFDF0] =	vst v35  }
.Ltmp5:
0x14c: {  	v37 =	vadd.f32 v48, v39;
	v34 =	vld [tilespmem:s29+$0x7DA0];
	[tilespmem:s0+$0xFDA0] =	vst v38;
	(pc) =	sbr.rel @p0 .LBB2_9-.Ltmp5, $4  }
0x14d: {  	v35 =	vld [tilespmem:s29+$0xBDC0];
	[tilespmem:s0+$0xFDD0] =	vst v36  }
0x14e: {  	v36 =	vld [tilespmem:s29+$0xBD80];
	[tilespmem:s0+$0xFDE0] =	vst v37;
	s0 =	smov.u32 s29  }
0x14f: {  	v37 =	vld [tilespmem:s19+$0x0]  }
0x150: {  	v38 =	vld [tilespmem:s21+$0x0]  }
0x151: {  	_ = 	snop  }
0x152: {  	v39 =	vld [tilespmem:s0+$0xBDF0];
	_ =	sdelay $0x1  }
0x153: {  	v40 =	vld [tilespmem:s26+$0x0];
	v37 =	vperm.xlane v37, v0;
	_ =	sdelay $0x1  }
0x154: {  	v38 =	vperm.xlane v38, v0;
	v27 =	vmul.f32 v27, v37  }
0x155: {  	v28 =	vmul.f32 v28, v37;
	v39 =	vmul.f32 v39, v37  }
0x156: {  	v36 =	vmul.f32 v36, v37;
	v35 =	vmul.f32 v35, v37  }
0x157: {  	v40 =	vperm.xlane v40, v0;
	v20 =	vmul.f32 v20, v37  }
0x158: {  	v21 =	vmul.f32 v21, v38;
	v34 =	vmul.f32 v34, v38  }
0x159: {  	v26 =	vmul.f32 v26, v38;
	v31 =	vmul.f32 v31, v38  }
0x15a: {  	v41 =	vld [tilespmem:s0+$0x3DF0];
	v23 =	vmul.f32 v23, v38;
	v32 =	vmul.f32 v32, v40  }
0x15b: {  	v30 =	vmul.f32 v30, v40;
	v18 =	vmul.f32 v18, v40  }
0x15c: {  	v17 =	vmul.f32 v17, v38;
	v19 =	vmul.f32 v19, v40;
	v31 =	vadd.f32 v31, v32  }
0x15d: {  	v33 =	vmul.f32 v33, v38;
	v18 =	vadd.f32 v21, v18;
	v21 =	vadd.f32 v23, v30;
	v23 =	vld [tilespmem:s0+$0xBDD0]  }
0x15e: {  	v24 =	vmul.f32 v24, v40;
	v17 =	vadd.f32 v17, v19;
	v30 =	vadd.f32 v35, v31  }
0x15f: {  	v25 =	vmul.f32 v25, v38;
	v31 =	vmul.f32 v41, v40;
	v18 =	vadd.f32 v36, v18  }
0x160: {  	v16 =	vmul.f32 v16, v40;
	v24 =	vadd.f32 v34, v24;
	v17 =	vadd.f32 v27, v17;
	[tilespmem:s0+$0xFDC0] =	vst v30  }
0x161: {  	v19 =	vadd.f32 v28, v21;
	v21 =	vmul.f32 v22, v40;
	v22 =	vadd.f32 v25, v31;
	[tilespmem:s0+$0xFD80] =	vst v18  }
0x162: {  	v16 =	vadd.f32 v26, v16;
	[tilespmem:s0+$0xFD90] =	vst v17;
	v17 =	vadd.f32 v20, v24;
	v18 =	vmul.f32 v23, v37  }
0x163: {  	[tilespmem:s0+$0xFDB0] =	vst v19;
	v20 =	vadd.f32 v33, v21;
	v19 =	vadd.f32 v39, v22;
	v22 =	vmul.f32 v29, v37  }
0x164: {  	[tilespmem:s0+$0xFDA0] =	vst v17;
	v16 =	vadd.f32 v18, v16  }
0x165: {  	[tilespmem:s0+$0xFDF0] =	vst v19;
	v17 =	vadd.f32 v22, v20  }
0x166: {  	[tilespmem:s0+$0xFDD0] =	vst v16  }
0x167: {  	s24 =	simm.s32 $0x0;
	[tilespmem:s0+$0xFDE0] =	vst v17  }
0x168: {  	[hbm4b:s14+s24] =	stream.linear.scatter [tilespmem:s23], [sflag:$0x2], $0x4000, $0x38;
	[tilespmem:$0x13D80] =	vst v63  }
0x169: {  	_ =	swait.ge [sflag:s18], $0x4000  }
0x16a: {  	[sflag:s18] =	ssyncset.done $0x0  }
0x16b: {  	s25 =	simm.s32 $0x3B00;
	[sflag:s18] =	ssyncadd.s32 $0xFFFFC000  }
0x16c: {  	[tilespmem:s1], [sflag:$0x1] =	stream.indirect.gather [hbm4b:s2+s31], $0x80, s25, s31, $0xb8;
	[tilespmem:$0x13D80] =	vst v63  }
0x16d: {  	s26 =	simm.s32 $0x3C00  }
0x16e: {  	[tilespmem:s20], [sflag:$0x1] =	stream.indirect.gather [hbm4b:s2+s31], $0x80, s26, s31, $0xb8;
	[tilespmem:$0x13D80] =	vst v63  }
0x16f: {  	s29 =	simm.s32 $0x3D00  }
0x170: {  	[tilespmem:s22], [sflag:$0x1] =	stream.indirect.gather [hbm4b:s2+s31], $0x80, s29, s31, $0xb8;
	[tilespmem:$0x13D80] =	vst v63  }
0x171: {  	_ =	swait.ge [sflag:s30], $0x4000  }
0x172: {  	[sflag:s30] =	ssyncset.done $0x0  }
0x173: {  	[sflag:s30] =	ssyncadd.s32 $0xFFFFC000  }
0x174: {  	_ =	swait.ge [sflag:s30], $0x4000  }
0x175: {  	[sflag:s30] =	ssyncset.done $0x0  }
0x176: {  	[sflag:s30] =	ssyncadd.s32 $0xFFFFC000  }
0x177: {  	_ =	swait.ge [sflag:s30], $0x4000  }
0x178: {  	[sflag:s30] =	ssyncset.done $0x0  }
0x179: {  	s0 =	simm.s32 $0x0;
	[sflag:s30] =	ssyncadd.s32 $0xFFFFC000  }
0x17a: {  	v18 =	vld [tilespmem:s0+$0x3D80]  }
0x17b: {  	v21 =	vld [tilespmem:s0+$0x7D80]  }
0x17c: {  	v19 =	vld [tilespmem:s0+$0x3D90]  }
0x17d: {  	v17 =	vld [tilespmem:s0+$0x7D90]  }
0x17e: {  	v24 =	vld [tilespmem:s0+$0x3DA0]  }
0x17f: {  	v26 =	vld [tilespmem:s0+$0x7DD0]  }
0x180: {  	v27 =	vld [tilespmem:s0+$0xBD90]  }
0x181: {  	v28 =	vld [tilespmem:s0+$0xBDB0]  }
0x182: {  	v16 =	vld [tilespmem:s0+$0x3DD0]  }
0x183: {  	v22 =	vld [tilespmem:s0+$0x3DE0]  }
0x184: {  	v23 =	vld [tilespmem:s0+$0x7DB0]  }
0x185: {  	v20 =	vld [tilespmem:s0+$0xBDA0]  }
0x186: {  	v30 =	vld [tilespmem:s0+$0x3DB0]  }
0x187: {  	v29 =	vld [tilespmem:s0+$0xBDE0]  }
0x188: {  	v25 =	vld [tilespmem:s0+$0x7DF0]  }
0x189: {  	v31 =	vld [tilespmem:s0+$0x7DC0]  }
0x18a: {  	v32 =	vld [tilespmem:s0+$0x3DC0]  }
0x18b: {  	v33 =	vld [tilespmem:s0+$0x7DE0]  }
0x18c: {  	v34 =	vld [tilespmem:s0+$0x7DA0]  }
0x18d: {  	v35 =	vld [tilespmem:s0+$0xBDC0]  }
0x18e: {  	s19 =	simm.s32 $0x3980;
	v36 =	vld [tilespmem:s0+$0xBD80]  }
0x18f: {  	s21 =	simm.s32 $0x3800;
	v37 =	vld [tilespmem:s19+$0x0]  }
0x190: {  	s24 =	simm.s32 $0x3680;
	s25 =	simm.s32 $0x200;
	s26 =	simm.s32 $0x3680;
	v38 =	vld [tilespmem:s21+$0x0]  }
.LBB2_11:
0x191: {  	v39 =	vld [tilespmem:s0+$0xBDF0];
	s19 =	sadd.s32 $0x1, s19;
	s21 =	sadd.s32 $0x1, s21;
	s24 =	sadd.s32 $0x1, s24  }
0x192: {  	s29 =	sshra.s32 s25, $0x2;
	p0 =	sne.s32 s25, $0xFE00;
	s25 =	sadd.s32 $0x200, s25;
	v40 =	vld [tilespmem:s26+$0x0]  }
0x193: {  	s26 =	smov.u32 s24;
	v41 =	vld [tilespmem:s29+$0x3D80]  }
0x194: {  	v42 =	vld [tilespmem:s29+$0x7D80];
	v37 =	vperm.xlane v37, v0  }
0x195: {  	v43 =	vld [tilespmem:s29+$0x3D90];
	v38 =	vperm.xlane v38, v0  }
0x196: {  	v44 =	vld [tilespmem:s29+$0x7D90];
	v45 =	vmul.f32 v27, v37;
	v46 =	vmul.f32 v28, v37  }
0x197: {  	v48 =	vmul.f32 v29, v37;
	v39 =	vmul.f32 v39, v37;
	v47 =	vld [tilespmem:s29+$0x3DA0]  }
0x198: {  	v36 =	vmul.f32 v36, v37;
	v35 =	vmul.f32 v35, v37;
	v29 =	vld [tilespmem:s29+$0x7DD0]  }
0x199: {  	v40 =	vperm.xlane v40, v0;
	v49 =	vmul.f32 v21, v38;
	v27 =	vld [tilespmem:s29+$0xBD90];
	v21 =	vmov v42  }
0x19a: {  	v34 =	vmul.f32 v34, v38;
	v42 =	vmul.f32 v26, v38;
	v28 =	vld [tilespmem:s29+$0xBDB0]  }
0x19b: {  	v33 =	vmul.f32 v33, v38;
	v30 =	vmul.f32 v30, v40;
	v50 =	vld [tilespmem:s0+$0x3DF0]  }
0x19c: {  	v31 =	vmul.f32 v31, v38;
	v32 =	vmul.f32 v32, v40;
	v51 =	vld [tilespmem:s29+$0x3DD0]  }
0x19d: {  	v54 =	vmul.f32 v23, v38;
	v53 =	vmul.f32 v18, v40;
	v18 =	vmovc v41;
	v52 =	vld [tilespmem:s29+$0x3DE0];
	v26 =	vmov v29  }
0x19e: {  	v41 =	vmul.f32 v24, v40;
	v55 =	vadd.f32 v31, v32;
	v29 =	vmul.f32 v19, v40;
	v19 =	vmovc v43;
	v23 =	vld [tilespmem:s29+$0x7DB0]  }
0x19f: {  	v31 =	vadd.f32 v49, v53;
	v32 =	vmul.f32 v17, v38;
	v17 =	vmovc v44;
	v43 =	vadd.f32 v54, v30;
	v49 =	vld [tilespmem:s0+$0xBDD0]  }
0x1a0: {  	v25 =	vmul.f32 v25, v38;
	v24 =	vmovc v47;
	v35 =	vadd.f32 v35, v55;
	v44 =	vld [tilespmem:s29+$0xBDA0];
	v50 =	vmul.f32 v50, v40  }
0x1a1: {  	v32 =	vadd.f32 v32, v29;
	v38 =	vadd.f32 v46, v43;
	v43 =	vmul.f32 v16, v40;
	v30 =	vld [tilespmem:s29+$0x3DB0];
	v16 =	vmovc v51  }
0x1a2: {  	v36 =	vadd.f32 v36, v31;
	v46 =	vmul.f32 v22, v40;
	v29 =	vld [tilespmem:s29+$0xBDE0];
	[tilespmem:s0+$0xFDC0] =	vst v35;
	v35 =	vadd.f32 v25, v50  }
0x1a3: {  	v34 =	vadd.f32 v34, v41;
	v41 =	vmul.f32 v20, v37;
	v40 =	vadd.f32 v45, v32;
	v25 =	vld [tilespmem:s29+$0x7DF0];
	[tilespmem:s0+$0xFDB0] =	vst v38  }
0x1a4: {  	v31 =	vld [tilespmem:s29+$0x7DC0];
	[tilespmem:s0+$0xFD80] =	vst v36;
	v36 =	vadd.f32 v42, v43;
	v37 =	vmul.f32 v49, v37;
	v35 =	vadd.f32 v39, v35  }
0x1a5: {  	v22 =	vmovc v52;
	v38 =	vadd.f32 v41, v34;
	v39 =	vadd.f32 v33, v46;
	v32 =	vld [tilespmem:s29+$0x3DC0];
	[tilespmem:s0+$0xFD90] =	vst v40;
	v20 =	vmov v44  }
0x1a6: {  	v33 =	vld [tilespmem:s29+$0x7DE0];
	v36 =	vadd.f32 v37, v36;
	[tilespmem:s0+$0xFDF0] =	vst v35  }
.Ltmp6:
0x1a7: {  	v37 =	vadd.f32 v48, v39;
	v34 =	vld [tilespmem:s29+$0x7DA0];
	[tilespmem:s0+$0xFDA0] =	vst v38;
	(pc) =	sbr.rel @p0 .LBB2_11-.Ltmp6, $4  }
0x1a8: {  	v35 =	vld [tilespmem:s29+$0xBDC0];
	[tilespmem:s0+$0xFDD0] =	vst v36  }
0x1a9: {  	v36 =	vld [tilespmem:s29+$0xBD80];
	[tilespmem:s0+$0xFDE0] =	vst v37;
	s0 =	smov.u32 s29  }
0x1aa: {  	v37 =	vld [tilespmem:s19+$0x0]  }
0x1ab: {  	v38 =	vld [tilespmem:s21+$0x0]  }
0x1ac: {  	_ = 	snop  }
0x1ad: {  	v39 =	vld [tilespmem:s0+$0xBDF0];
	_ =	sdelay $0x1  }
0x1ae: {  	v40 =	vld [tilespmem:s26+$0x0];
	v37 =	vperm.xlane v37, v0;
	_ =	sdelay $0x1  }
0x1af: {  	v38 =	vperm.xlane v38, v0;
	v27 =	vmul.f32 v27, v37  }
0x1b0: {  	v28 =	vmul.f32 v28, v37;
	v39 =	vmul.f32 v39, v37  }
0x1b1: {  	v36 =	vmul.f32 v36, v37;
	v35 =	vmul.f32 v35, v37  }
0x1b2: {  	v40 =	vperm.xlane v40, v0;
	v20 =	vmul.f32 v20, v37  }
0x1b3: {  	v21 =	vmul.f32 v21, v38;
	v34 =	vmul.f32 v34, v38  }
0x1b4: {  	v41 =	vld [tilespmem:s0+$0x3DF0];
	v26 =	vmul.f32 v26, v38;
	v33 =	vmul.f32 v33, v38  }
0x1b5: {  	v31 =	vmul.f32 v31, v38;
	v32 =	vmul.f32 v32, v40  }
0x1b6: {  	v23 =	vmul.f32 v23, v38;
	v30 =	vmul.f32 v30, v40  }
0x1b7: {  	v17 =	vmul.f32 v17, v38;
	v18 =	vmul.f32 v18, v40;
	v31 =	vadd.f32 v31, v32  }
0x1b8: {  	v54 =	vld [tilespmem:s0+$0xBDD0];
	v25 =	vmul.f32 v25, v38;
	v19 =	vmul.f32 v19, v40;
	v53 =	vadd.f32 v23, v30  }
0x1b9: {  	v56 =	vmul.f32 v41, v40;
	v18 =	vadd.f32 v21, v18;
	v55 =	vadd.f32 v35, v31  }
0x1ba: {  	v24 =	vmul.f32 v24, v40;
	v17 =	vadd.f32 v17, v19;
	v57 =	vadd.f32 v28, v53  }
0x1bb: {  	v16 =	vmul.f32 v16, v40;
	v59 =	vadd.f32 v25, v56;
	v18 =	vadd.f32 v36, v18;
	[tilespmem:s0+$0xFDC0] =	vst v55  }
0x1bc: {  	v58 =	vmul.f32 v22, v40;
	v24 =	vadd.f32 v34, v24;
	v17 =	vadd.f32 v27, v17;
	[tilespmem:s0+$0xFDB0] =	vst v57  }
0x1bd: {  	v60 =	vmul.f32 v54, v37;
	v16 =	vadd.f32 v26, v16;
	v61 =	vadd.f32 v39, v59;
	[tilespmem:s0+$0xFD80] =	vst v18  }
0x1be: {  	v62 =	vmul.f32 v29, v37;
	v63 =	vadd.f32 v33, v58;
	[tilespmem:s0+$0xFD90] =	vst v17;
	v17 =	vadd.f32 v20, v24  }
0x1bf: {  	v16 =	vadd.f32 v60, v16;
	[tilespmem:s0+$0xFDF0] =	vst v61  }
0x1c0: {  	s28 =	sadd.s32 $0x1, s28;
	[tilespmem:s0+$0xFDA0] =	vst v17;
	v17 =	vadd.f32 v62, v63  }
0x1c1: {  	p0 =	sne.s32 s28, s17;
	[tilespmem:s0+$0xFDD0] =	vst v16  }
.Ltmp7:
0x1c2: {  	[tilespmem:s0+$0xFDE0] =	vst v17;
	(pc) =	sbr.rel @p0 .LBB2_1-.Ltmp7, $4  }
0x1c3: {  	[hbm4b:s16+s3] =	stream.linear.scatter [tilespmem:s23], [sflag:$0x2], $0x4000, $0x38;
	[tilespmem:$0x13D80] =	vst v63  }
0x1c4: {  	_ =	swait.ge [sflag:s18], $0x4000  }
0x1c5: {  	[sflag:s18] =	ssyncset.done $0x0  }
0x1c6: {  	[sflag:s18] =	ssyncadd.s32 $0xFFFFC000  }
0x1c7: {  	_ =	sfence.sel $0x180000  }
0x1c8: {  	[bflag:$0x0] =	sbarrier.arrive $0xFFFF  }
0x1c9: {  	_ =	strace $0x9000004A  }
0x1ca: {  	s0 =	stileid.u32;
	[bflag:$0x2] =	sbarrier.arrive $0xFFFF  }
0x1cb: {  	p0 =	sne.s32 s0, $0x0;
	s0 =	rddreg [dreg:$0x6]  }
0x1cc: {  	s0 =	sadd.s32 @!p0 $0x100000, s0  }
0x1cd: {  	[sflag:s0] =	ssyncadd.tile.s32 @!p0 $0x1;
	_ =	shalt  }
.Lfunc_end2:
_tile_overlayer_lowered:
.L_overlay_start_2:
0x1ce: {  	(tag) =	ssettag $0x2  }
0x1cf: {  	s0 =	rddreg [dreg:$0x0];
	s2 =	stileid.u32  }
0x1d0: {  	s1 =	rddreg [dreg:$0x1];
	p0 =	sne.s32 s2, $0x0  }
0x1d1: {  	s3 =	rddreg [dreg:$0x2];
	[bflag:$0x3] =	sbarrier.arrive $0xFFFF;
	s2 =	simm.s32 @!p0 $0x1C02  }
0x1d2: {  	[timem:s3], [sflag:s2] =	dma.local @!p0 [hbm:s0], s1  }
0x1d3: {  	s0 =	simm.s32 @!p0 $0x2  }
0x1d4: {  	_ =	swait.ge @!p0 [sflag:s0], s1  }
0x1d5: {  	s1 =	ssub.s32 @!p0 $0x0, s1;
	[sflag:s0] =	ssyncset.done @!p0 $0x0  }
0x1d6: {  	[sflag:s0] =	ssyncadd.s32 @!p0 s1  }
0x1d7: {  	[bflag:$0x3] =	sbarrier.arrive $0xFFFF  }
0x1d8: {  	_ =	shalt  }

</sc_bundles>
